<compile_context>
chip_gen: v7x
topology: tpu7x:2x2x1
jax: 0.10.2.dev20260603
libtpu: 0.0.44.dev20260713+nightly
codegen_flags: <defaults>
</compile_context>

<pallas_src>
import jax
import jax.numpy as jnp
from jax import lax
from jax.experimental import pallas as pl
from jax.experimental.pallas import tpu as pltpu
from jax.experimental.pallas import tpu_sc as plsc

N_NODES = 10000
N_EDGES = 320000
HALF = N_NODES // 2
APAD = 5120
ARPT = APAD // 16
NTRASH = APAD - HALF
CHUNK = 80
EPT = N_EDGES // 32
NCHUNK = EPT // CHUNK
NCKP = 128


def _make_sc_agg(nrows, passes):
    mesh = plsc.VectorSubcoreMesh(core_axis_name="c", subcore_axis_name="s")
    npass = len(passes)

    def body(z_hbm, src_hbm, dst_hbm, bnd_hbm, zero_hbm, out_hbm,
             srcv, dstv, bndv, buf0, buf1, accum, gsem0, gsem1):
        c = lax.axis_index("c")
        s = lax.axis_index("s")
        w = c * 16 + s
        for pi, (q, f) in enumerate(passes):
            pltpu.sync_copy(src_hbm.at[f * 32 + w], srcv)
            pltpu.sync_copy(dst_hbm.at[q * 32 + w], dstv)
            pltpu.sync_copy(bnd_hbm.at[q * 32 + w], bndv)
            pltpu.sync_copy(zero_hbm, accum.at[pl.ds(s * ARPT, ARPT)])
            plsc.subcore_barrier()
            bv = bndv[...]
            lo = bv[0]
            npair = bv[1]

            @pl.when(npair > 0)
            def _():
                pltpu.async_copy(z_hbm.at[srcv.at[lo]], buf0, gsem0)

            def pair(i, carry):
                jo = lo + 2 * i
                pltpu.make_async_copy(
                    z_hbm.at[srcv.at[jo]], buf0, gsem0).wait()
                pltpu.async_copy(z_hbm.at[srcv.at[jo + 1]], buf1, gsem1)
                pltpu.sync_copy(buf0, accum.at[dstv.at[jo]], add=True)
                pltpu.make_async_copy(
                    z_hbm.at[srcv.at[jo + 1]], buf1, gsem1).wait()

                @pl.when(i + 1 < npair)
                def _():
                    pltpu.async_copy(z_hbm.at[srcv.at[jo + 2]], buf0, gsem0)

                pltpu.sync_copy(buf1, accum.at[dstv.at[jo + 1]], add=True)
                return carry

            lax.fori_loop(0, npair, pair, 0)
            plsc.subcore_barrier()
            pltpu.sync_copy(
                accum.at[pl.ds(s * ARPT, ARPT)],
                out_hbm.at[pl.ds((c * npass + pi) * APAD + s * ARPT, ARPT)])

    return pl.kernel(
        body,
        out_type=jax.ShapeDtypeStruct((2 * npass * APAD, 128), jnp.float32),
        mesh=mesh,
        scratch_types=[
            pltpu.VMEM((NCKP, CHUNK), jnp.int32),
            pltpu.VMEM((NCKP, CHUNK), jnp.int32),
            pltpu.VMEM((16,), jnp.int32),
            pltpu.VMEM((CHUNK, 128), jnp.float32),
            pltpu.VMEM((CHUNK, 128), jnp.float32),
            pltpu.VMEM_SHARED((APAD, 128), jnp.float32),
            pltpu.SemaphoreType.DMA,
            pltpu.SemaphoreType.DMA,
        ],
    )


def _make_mlp_body(npass):
    def body(z_ref, agg_ref, w1_ref, b1_ref, w2_ref, b2_ref, g_ref, bt_ref,
             out_ref):
        def piece(c, q, f):
            base = (c * npass + q * (npass // 2) + f) * APAD
            return agg_ref[base:base + HALF, :]

        halves = []
        for q in (0, 1):
            if npass == 2:
                agg_q = piece(0, q, 0) + piece(1, q, 0)
            else:
                agg_q = jnp.concatenate(
                    [piece(0, q, 0) + piece(1, q, 0),
                     piece(0, q, 1) + piece(1, q, 1)], axis=1)
            halves.append(z_ref[q * HALF:(q + 1) * HALF, :] + agg_q)
        h = jnp.concatenate(halves, axis=0)
        h = jnp.maximum(
            jnp.dot(h, w1_ref[...], preferred_element_type=jnp.float32)
            + b1_ref[...], 0.0)
        h = jnp.maximum(
            jnp.dot(h, w2_ref[...], preferred_element_type=jnp.float32)
            + b2_ref[...], 0.0)
        mu = jnp.mean(h, axis=0, keepdims=True)
        var = jnp.mean(h * h, axis=0, keepdims=True) - mu * mu
        out_ref[...] = ((h - mu) * lax.rsqrt(var + 1e-5) * g_ref[...]
                        + bt_ref[...])
    return body


def _mlp(z, agg, p, npass):
    hid = p['W1'].shape[1]
    return pl.pallas_call(
        _make_mlp_body(npass),
        out_shape=jax.ShapeDtypeStruct((z.shape[0], hid), jnp.float32),
    )(z, agg, p['W1'], p['b1'].reshape(1, -1), p['W2'],
      p['b2'].reshape(1, -1), p['gamma'].reshape(1, -1),
      p['beta'].reshape(1, -1))


def _pad_chunks(a, fill):
    a = a.reshape(32, EPT)
    pad = jnp.full((32, NCKP * CHUNK - EPT), fill, jnp.int32)
    return jnp.concatenate([a, pad], axis=1).reshape(32, NCKP, CHUNK)


def kernel(x, edge_index, edge_weight, params):
    src = edge_index[0].astype(jnp.int32)
    dst = edge_index[1].astype(jnp.int32)

    key = (dst >= HALF).astype(jnp.int32)
    perm = jnp.argsort(key)
    src = src[perm]
    dst = dst[perm]

    trash = HALF + (jnp.arange(N_EDGES, dtype=jnp.int32) % NTRASH)
    live = src != dst
    dst_qs = []
    for q in (0, 1):
        in_half = live & (dst >= q * HALF) & (dst < (q + 1) * HALF)
        dst_qs.append(_pad_chunks(jnp.where(in_half, dst - q * HALF, trash),
                                  HALF))
    dsts = jnp.concatenate(dst_qs, axis=0)

    srcs1 = _pad_chunks(src, 0)
    srcs2 = jnp.concatenate([srcs1, srcs1 + N_NODES], axis=0)

    cut = N_EDGES - jnp.sum(key)
    hi0 = jnp.clip(cut - jnp.arange(32) * EPT, 0, EPT).astype(jnp.int32)
    nhi = (hi0 + CHUNK - 1) // CHUNK
    flo = hi0 // CHUNK
    np0 = (nhi + 1) // 2
    np1 = (NCHUNK - flo + 1) // 2
    bounds = jnp.zeros((64, 16), jnp.int32)
    bounds = bounds.at[:32, 1].set(np0)
    bounds = bounds.at[32:, 0].set(flo)
    bounds = bounds.at[32:, 1].set(np1)

    zeros = jnp.zeros((ARPT, 128), jnp.float32)
    agg2 = _make_sc_agg(N_NODES, [(0, 0), (1, 0)])
    agg4 = _make_sc_agg(2 * N_NODES, [(0, 0), (0, 1), (1, 0), (1, 1)])

    z = x
    outs = []
    for p in params:
        d = z.shape[1]
        if d == 128:
            agg = agg2(z, srcs1, dsts, bounds, zeros)
            z = _mlp(z, agg, p, 2)
        else:
            dh = d // 2
            z_stack = jnp.concatenate([z[:, :dh], z[:, dh:]], axis=0)
            agg = agg4(z_stack, srcs2, dsts, bounds, zeros)
            z = _mlp(z, agg, p, 4)
        outs.append(z)
    return jnp.concatenate(outs, axis=1)

# --- scband reference (transcript-rebuilt; emitter-appended) ---
"""Pipeline reference for scband-gin-15908558865649 (READ-ONLY COPY).

The authoritative reference and input builder live on the scoring server;
editing this copy changes nothing except your own understanding.
"""

import jax, jax.numpy as jnp
import numpy as np

N_NODES = 10000
N_EDGES = 320000
INPUT_DIM = 128
HIDDEN_DIM = 256
NUM_LAYERS = 3


def _make_params(key):
    params = []
    in_dim = INPUT_DIM
    for i in range(NUM_LAYERS):
        k1, k2, key = jax.random.split(key, 3)
        p = {
            'W1': jax.random.normal(k1, (in_dim, HIDDEN_DIM), dtype=jnp.float32) * (1.0 / np.sqrt(in_dim)),
            'b1': jnp.zeros((HIDDEN_DIM,), dtype=jnp.float32),
            'W2': jax.random.normal(k2, (HIDDEN_DIM, HIDDEN_DIM), dtype=jnp.float32) * (1.0 / np.sqrt(HIDDEN_DIM)),
            'b2': jnp.zeros((HIDDEN_DIM,), dtype=jnp.float32),
            'gamma': jnp.ones((HIDDEN_DIM,), dtype=jnp.float32),
            'beta': jnp.zeros((HIDDEN_DIM,), dtype=jnp.float32),
        }
        params.append(p)
        in_dim = HIDDEN_DIM
    return params


def setup_inputs(seed: int = 0) -> dict:
    key = jax.random.key(seed)
    kx, ke, kw, kp = jax.random.split(key, 4)
    x = jax.random.normal(kx, (N_NODES, INPUT_DIM), dtype=jnp.float32)
    edge_index = jax.random.randint(ke, (2, N_EDGES), 0, N_NODES, dtype=jnp.int64)
    edge_weight = jax.random.uniform(kw, (N_EDGES,), dtype=jnp.float32)
    params = _make_params(kp)
    return {'x': x, 'edge_index': edge_index, 'edge_weight': edge_weight, 'params': params}


def reference(x, edge_index, edge_weight, params):
    src = edge_index[0]
    dst = edge_index[1]
    # remove_self_loops: zero out self-loop contributions (equivalent under add aggregation)
    mask = (src != dst).astype(x.dtype)
    eps = 0.0  # initial_eps, train_eps=False
    z = x
    zs = []
    for p in params:
        # propagate: message is x_j, aggr='add' (edge_weight is passed but unused by message)
        msgs = jnp.take(z, src, axis=0) * mask[:, None]
        agg = jax.ops.segment_sum(msgs, dst, num_segments=z.shape[0])
        h = (1.0 + eps) * z + agg
        # nn: Linear -> ReLU -> Linear -> ReLU -> BatchNorm1d (training-mode batch stats)
        h = jnp.maximum(h @ p['W1'] + p['b1'], 0.0)
        h = jnp.maximum(h @ p['W2'] + p['b2'], 0.0)
        mu = jnp.mean(h, axis=0)
        var = jnp.var(h, axis=0)
        h = (h - mu) / jnp.sqrt(var + 1e-5) * p['gamma'] + p['beta']
        z = h
        zs.append(z)
    return jnp.concatenate(zs, axis=1)

if __name__ == "__main__":
    import jax
    _d = setup_inputs()
    print(jax.jit(kernel)(*tuple(_d.values())))

</pallas_src>

<mosaic_0001>
#map = affine_map<(d0, d1) -> (0, 0)>
#map1 = affine_map<(d0, d1) -> (0, 0, 0)>
module attributes {stable_mosaic.version = 14 : i64} {
  func.func @body(%arg0: i32, %arg1: i32, %arg2: memref<10000x128xf32, #tpu.memory_space<hbm>>, %arg3: memref<32x128x80xi32, #tpu.memory_space<hbm>>, %arg4: memref<64x128x80xi32, #tpu.memory_space<hbm>>, %arg5: memref<64x16xi32, #tpu.memory_space<hbm>>, %arg6: memref<320x128xf32, #tpu.memory_space<hbm>>, %arg7: memref<20480x128xf32, #tpu.memory_space<hbm>>, %arg8: memref<128x80xi32, #tpu.memory_space<vmem>>, %arg9: memref<128x80xi32, #tpu.memory_space<vmem>>, %arg10: memref<16xi32, #tpu.memory_space<vmem>>, %arg11: memref<80x128xf32, #tpu.memory_space<vmem>>, %arg12: memref<80x128xf32, #tpu.memory_space<vmem>>, %arg13: memref<5120x128xf32, #tpu.memory_space<vmem_shared>>, %arg14: memref<!tpu.dma_semaphore, #tpu.memory_space<semaphore_mem>>, %arg15: memref<!tpu.dma_semaphore, #tpu.memory_space<semaphore_mem>>) attributes {dimension_semantics = [#tpu.dimension_semantics<core_parallel>, #tpu.dimension_semantics<subcore_parallel>], iteration_bounds = array<i64: 2, 16>, scalar_prefetch = 0 : i64, scratch_operands = 8 : i64, tpu.core_type = #tpu.core_type<sc_vector_subcore>, window_params = [{transform_indices = #map}, {transform_indices = #map1}, {transform_indices = #map1}, {transform_indices = #map}, {transform_indices = #map}, {transform_indices = #map}]} {
    %mul3A = arith.constant 16 : i32
    %mul3A_0 = arith.muli %arg0, %mul3A : i32
    %add3A = arith.addi %mul3A_0, %arg1 : i32
    %add3A_1 = arith.constant 0 : i32
    %add3A_2 = arith.addi %add3A_1, %add3A : i32
    "tpu.region"() ({
      %run_scoped3A = tpu.sem_alloc : memref<!tpu.dma_semaphore, #tpu.memory_space<semaphore_mem>>
      %dma_start3A = arith.constant 0 : i32
      %dma_start3A_79 = arith.constant 0 : i32
      %dma_start3A_80 = tpu.memref_slice %arg3[%add3A_2, %dma_start3A, %dma_start3A_79] : memref<32x128x80xi32, #tpu.memory_space<hbm>> -> memref<1x128x80xi32, #tpu.memory_space<hbm>>
      %dma_start3A_81 = tpu.memref_squeeze %dma_start3A_80 : memref<1x128x80xi32, #tpu.memory_space<hbm>> -> memref<128x80xi32, #tpu.memory_space<hbm>>
      %dma_start3A_82 = arith.constant 0 : i32
      %dma_start3A_83 = arith.constant 0 : i32
      %dma_start3A_84 = tpu.memref_slice %arg3[%add3A_2, %dma_start3A_82, %dma_start3A_83] : memref<32x128x80xi32, #tpu.memory_space<hbm>> -> memref<1x128x80xi32, #tpu.memory_space<hbm>>
      %dma_start3A_85 = tpu.memref_squeeze %dma_start3A_84 : memref<1x128x80xi32, #tpu.memory_space<hbm>> -> memref<128x80xi32, #tpu.memory_space<hbm>>
      tpu.enqueue_dma source(%dma_start3A_85 : memref<128x80xi32, #tpu.memory_space<hbm>>) target(%arg8 : memref<128x80xi32, #tpu.memory_space<vmem>>) target_semaphore(%run_scoped3A : memref<!tpu.dma_semaphore, #tpu.memory_space<semaphore_mem>>)
      %dma_wait3A = arith.constant 0 : i32
      %dma_wait3A_86 = arith.constant 0 : i32
      %dma_wait3A_87 = tpu.memref_slice %arg3[%add3A_2, %dma_wait3A, %dma_wait3A_86] : memref<32x128x80xi32, #tpu.memory_space<hbm>> -> memref<1x128x80xi32, #tpu.memory_space<hbm>>
      %dma_wait3A_88 = tpu.memref_squeeze %dma_wait3A_87 : memref<1x128x80xi32, #tpu.memory_space<hbm>> -> memref<128x80xi32, #tpu.memory_space<hbm>>
      %dma_wait3A_89 = arith.constant 0 : i32
      %dma_wait3A_90 = arith.constant 0 : i32
      %dma_wait3A_91 = tpu.memref_slice %arg3[%add3A_2, %dma_wait3A_89, %dma_wait3A_90] : memref<32x128x80xi32, #tpu.memory_space<hbm>> -> memref<1x128x80xi32, #tpu.memory_space<hbm>>
      %dma_wait3A_92 = tpu.memref_squeeze %dma_wait3A_91 : memref<1x128x80xi32, #tpu.memory_space<hbm>> -> memref<128x80xi32, #tpu.memory_space<hbm>>
      tpu.wait_dma2 semaphore(%run_scoped3A : memref<!tpu.dma_semaphore, #tpu.memory_space<semaphore_mem>>) src(%dma_wait3A_92 : memref<128x80xi32, #tpu.memory_space<hbm>>) dst(%arg8 : memref<128x80xi32, #tpu.memory_space<vmem>>)
      tpu.yield
    }) : () -> ()
    %add3A_3 = arith.constant 0 : i32
    %add3A_4 = arith.addi %add3A_3, %add3A : i32
    "tpu.region"() ({
      %run_scoped3A = tpu.sem_alloc : memref<!tpu.dma_semaphore, #tpu.memory_space<semaphore_mem>>
      %dma_start3A = arith.constant 0 : i32
      %dma_start3A_79 = arith.constant 0 : i32
      %dma_start3A_80 = tpu.memref_slice %arg4[%add3A_4, %dma_start3A, %dma_start3A_79] : memref<64x128x80xi32, #tpu.memory_space<hbm>> -> memref<1x128x80xi32, #tpu.memory_space<hbm>>
      %dma_start3A_81 = tpu.memref_squeeze %dma_start3A_80 : memref<1x128x80xi32, #tpu.memory_space<hbm>> -> memref<128x80xi32, #tpu.memory_space<hbm>>
      %dma_start3A_82 = arith.constant 0 : i32
      %dma_start3A_83 = arith.constant 0 : i32
      %dma_start3A_84 = tpu.memref_slice %arg4[%add3A_4, %dma_start3A_82, %dma_start3A_83] : memref<64x128x80xi32, #tpu.memory_space<hbm>> -> memref<1x128x80xi32, #tpu.memory_space<hbm>>
      %dma_start3A_85 = tpu.memref_squeeze %dma_start3A_84 : memref<1x128x80xi32, #tpu.memory_space<hbm>> -> memref<128x80xi32, #tpu.memory_space<hbm>>
      tpu.enqueue_dma source(%dma_start3A_85 : memref<128x80xi32, #tpu.memory_space<hbm>>) target(%arg9 : memref<128x80xi32, #tpu.memory_space<vmem>>) target_semaphore(%run_scoped3A : memref<!tpu.dma_semaphore, #tpu.memory_space<semaphore_mem>>)
      %dma_wait3A = arith.constant 0 : i32
      %dma_wait3A_86 = arith.constant 0 : i32
      %dma_wait3A_87 = tpu.memref_slice %arg4[%add3A_4, %dma_wait3A, %dma_wait3A_86] : memref<64x128x80xi32, #tpu.memory_space<hbm>> -> memref<1x128x80xi32, #tpu.memory_space<hbm>>
      %dma_wait3A_88 = tpu.memref_squeeze %dma_wait3A_87 : memref<1x128x80xi32, #tpu.memory_space<hbm>> -> memref<128x80xi32, #tpu.memory_space<hbm>>
      %dma_wait3A_89 = arith.constant 0 : i32
      %dma_wait3A_90 = arith.constant 0 : i32
      %dma_wait3A_91 = tpu.memref_slice %arg4[%add3A_4, %dma_wait3A_89, %dma_wait3A_90] : memref<64x128x80xi32, #tpu.memory_space<hbm>> -> memref<1x128x80xi32, #tpu.memory_space<hbm>>
      %dma_wait3A_92 = tpu.memref_squeeze %dma_wait3A_91 : memref<1x128x80xi32, #tpu.memory_space<hbm>> -> memref<128x80xi32, #tpu.memory_space<hbm>>
      tpu.wait_dma2 semaphore(%run_scoped3A : memref<!tpu.dma_semaphore, #tpu.memory_space<semaphore_mem>>) src(%dma_wait3A_92 : memref<128x80xi32, #tpu.memory_space<hbm>>) dst(%arg9 : memref<128x80xi32, #tpu.memory_space<vmem>>)
      tpu.yield
    }) : () -> ()
    %add3A_5 = arith.constant 0 : i32
    %add3A_6 = arith.addi %add3A_5, %add3A : i32
    "tpu.region"() ({
      %run_scoped3A = tpu.sem_alloc : memref<!tpu.dma_semaphore, #tpu.memory_space<semaphore_mem>>
      %dma_start3A = arith.constant 0 : i32
      %dma_start3A_79 = tpu.memref_slice %arg5[%add3A_6, %dma_start3A] : memref<64x16xi32, #tpu.memory_space<hbm>> -> memref<1x16xi32, #tpu.memory_space<hbm>>
      %dma_start3A_80 = tpu.memref_squeeze %dma_start3A_79 : memref<1x16xi32, #tpu.memory_space<hbm>> -> memref<16xi32, #tpu.memory_space<hbm>>
      %dma_start3A_81 = arith.constant 0 : i32
      %dma_start3A_82 = tpu.memref_slice %arg5[%add3A_6, %dma_start3A_81] : memref<64x16xi32, #tpu.memory_space<hbm>> -> memref<1x16xi32, #tpu.memory_space<hbm>>
      %dma_start3A_83 = tpu.memref_squeeze %dma_start3A_82 : memref<1x16xi32, #tpu.memory_space<hbm>> -> memref<16xi32, #tpu.memory_space<hbm>>
      tpu.enqueue_dma source(%dma_start3A_83 : memref<16xi32, #tpu.memory_space<hbm>>) target(%arg10 : memref<16xi32, #tpu.memory_space<vmem>>) target_semaphore(%run_scoped3A : memref<!tpu.dma_semaphore, #tpu.memory_space<semaphore_mem>>)
      %dma_wait3A = arith.constant 0 : i32
      %dma_wait3A_84 = tpu.memref_slice %arg5[%add3A_6, %dma_wait3A] : memref<64x16xi32, #tpu.memory_space<hbm>> -> memref<1x16xi32, #tpu.memory_space<hbm>>
      %dma_wait3A_85 = tpu.memref_squeeze %dma_wait3A_84 : memref<1x16xi32, #tpu.memory_space<hbm>> -> memref<16xi32, #tpu.memory_space<hbm>>
      %dma_wait3A_86 = arith.constant 0 : i32
      %dma_wait3A_87 = tpu.memref_slice %arg5[%add3A_6, %dma_wait3A_86] : memref<64x16xi32, #tpu.memory_space<hbm>> -> memref<1x16xi32, #tpu.memory_space<hbm>>
      %dma_wait3A_88 = tpu.memref_squeeze %dma_wait3A_87 : memref<1x16xi32, #tpu.memory_space<hbm>> -> memref<16xi32, #tpu.memory_space<hbm>>
      tpu.wait_dma2 semaphore(%run_scoped3A : memref<!tpu.dma_semaphore, #tpu.memory_space<semaphore_mem>>) src(%dma_wait3A_88 : memref<16xi32, #tpu.memory_space<hbm>>) dst(%arg10 : memref<16xi32, #tpu.memory_space<vmem>>)
      tpu.yield
    }) : () -> ()
    %mul3A_7 = arith.constant 320 : i32
    %mul3A_8 = arith.muli %arg1, %mul3A_7 : i32
    "tpu.region"() ({
      %run_scoped3A = tpu.sem_alloc : memref<!tpu.dma_semaphore, #tpu.memory_space<semaphore_mem>>
      %dma_start3A = arith.constant 0 : i32
      %dma_start3A_79 = tpu.memref_slice %arg13[%mul3A_8, %dma_start3A] : memref<5120x128xf32, #tpu.memory_space<vmem_shared>> -> memref<320x128xf32, #tpu.memory_space<vmem_shared>>
      tpu.enqueue_dma source(%arg6 : memref<320x128xf32, #tpu.memory_space<hbm>>) target(%dma_start3A_79 : memref<320x128xf32, #tpu.memory_space<vmem_shared>>) target_semaphore(%run_scoped3A : memref<!tpu.dma_semaphore, #tpu.memory_space<semaphore_mem>>)
      %dma_wait3A = arith.constant 0 : i32
      %dma_wait3A_80 = tpu.memref_slice %arg13[%mul3A_8, %dma_wait3A] : memref<5120x128xf32, #tpu.memory_space<vmem_shared>> -> memref<320x128xf32, #tpu.memory_space<vmem_shared>>
      tpu.wait_dma2 semaphore(%run_scoped3A : memref<!tpu.dma_semaphore, #tpu.memory_space<semaphore_mem>>) src(%arg6 : memref<320x128xf32, #tpu.memory_space<hbm>>) dst(%dma_wait3A_80 : memref<320x128xf32, #tpu.memory_space<vmem_shared>>)
      tpu.yield
    }) : () -> ()
    %barrier3A = arith.constant 0 : index
    tpu.barrier barrier_id(%barrier3A)
    %get3A = arith.constant 0 : index
    %get3A_9 = tpu.vector_load %arg10[%get3A] {strides = array<i32>} : memref<16xi32, #tpu.memory_space<vmem>>, vector<16xi32>,
    %get3A_10 = vector.shape_cast %get3A_9 : vector<16xi32> to vector<16xi32>
    %slice3A = vector.extract_strided_slice %get3A_10 {offsets = [0], sizes = [1], strides = [1]} : vector<16xi32> to vector<1xi32>
    %squeeze3A = vector.extract %slice3A[0] : i32 from vector<1xi32>
    %slice3A_11 = vector.extract_strided_slice %get3A_10 {offsets = [1], sizes = [1], strides = [1]} : vector<16xi32> to vector<1xi32>
    %squeeze3A_12 = vector.extract %slice3A_11[0] : i32 from vector<1xi32>
    %gt3A = arith.constant 0 : i32
    %gt3A_13 = arith.cmpi sgt, %squeeze3A_12, %gt3A : i32
    %convert_element_type3A = arith.extui %gt3A_13 : i1 to i32
    %cond3A = arith.constant 0 : i32
    %cond3A_14 = arith.cmpi ne, %convert_element_type3A, %cond3A : i32
    scf.if %cond3A_14 {
      %dma_start3A = arith.constant 0 : i32
      %dma_start3A_79 = tpu.memref_slice %arg8[%squeeze3A, %dma_start3A] : memref<128x80xi32, #tpu.memory_space<vmem>> -> memref<1x80xi32, #tpu.memory_space<vmem>>
      %dma_start3A_80 = tpu.memref_squeeze %dma_start3A_79 : memref<1x80xi32, #tpu.memory_space<vmem>> -> memref<80xi32, #tpu.memory_space<vmem>>
      %dma_start3A_81 = arith.constant 0 : i32
      %dma_start3A_82 = arith.constant 0 : i32
      %dma_start3A_83 = tpu.memref_slice %arg2[%dma_start3A_81, %dma_start3A_82] : memref<10000x128xf32, #tpu.memory_space<hbm>> -> memref<10000x128xf32, #tpu.memory_space<hbm>>
      tpu.enqueue_indirect_dma source(%dma_start3A_83 : memref<10000x128xf32, #tpu.memory_space<hbm>>) target(%arg11 : memref<80x128xf32, #tpu.memory_space<vmem>>) offsets(%dma_start3A_80 : memref<80xi32, #tpu.memory_space<vmem>>) semaphore(%arg14 : memref<!tpu.dma_semaphore, #tpu.memory_space<semaphore_mem>>)
    } else {
    }
    %while3A = arith.constant 0 : i32
    %while3A_15 = arith.constant 0 : i32
    %while3A_16 = arith.subi %squeeze3A_12, %while3A_15 : i32
    %while3A_17 = arith.addi %while3A_15, %while3A_16 : i32
    %while3A_18 = arith.constant 1 : i32
    %while3A_19 = arith.divsi %while3A_16, %while3A_18 : i32
    %while3A_20 = arith.muli %while3A_19, %while3A_18 : i32
    %while3A_21 = arith.addi %while3A_15, %while3A_20 : i32
    %while3A_22 = arith.constant 1 : i32
    scf.for %while3A_79 = %while3A_15 to %while3A_21 step %while3A_22  : i32 {
      %mul3A_80 = arith.constant 2 : i32
      %mul3A_81 = arith.muli %mul3A_80, %while3A_79 : i32
      %add3A_82 = arith.addi %squeeze3A, %mul3A_81 : i32
      %dma_wait3A = arith.constant 0 : i32
      %dma_wait3A_83 = tpu.memref_slice %arg8[%add3A_82, %dma_wait3A] : memref<128x80xi32, #tpu.memory_space<vmem>> -> memref<1x80xi32, #tpu.memory_space<vmem>>
      %dma_wait3A_84 = tpu.memref_squeeze %dma_wait3A_83 : memref<1x80xi32, #tpu.memory_space<vmem>> -> memref<80xi32, #tpu.memory_space<vmem>>
      %dma_wait3A_85 = arith.constant 0 : i32
      %dma_wait3A_86 = arith.constant 0 : i32
      %dma_wait3A_87 = tpu.memref_slice %arg2[%dma_wait3A_85, %dma_wait3A_86] : memref<10000x128xf32, #tpu.memory_space<hbm>> -> memref<10000x128xf32, #tpu.memory_space<hbm>>
      tpu.wait_indirect_dma semaphore(%arg14 : memref<!tpu.dma_semaphore, #tpu.memory_space<semaphore_mem>>) src(%dma_wait3A_87 : memref<10000x128xf32, #tpu.memory_space<hbm>>) dst(%arg11 : memref<80x128xf32, #tpu.memory_space<vmem>>)
      %add3A_88 = arith.constant 1 : i32
      %add3A_89 = arith.addi %add3A_82, %add3A_88 : i32
      %dma_start3A = arith.constant 0 : i32
      %dma_start3A_90 = tpu.memref_slice %arg8[%add3A_89, %dma_start3A] : memref<128x80xi32, #tpu.memory_space<vmem>> -> memref<1x80xi32, #tpu.memory_space<vmem>>
      %dma_start3A_91 = tpu.memref_squeeze %dma_start3A_90 : memref<1x80xi32, #tpu.memory_space<vmem>> -> memref<80xi32, #tpu.memory_space<vmem>>
      %dma_start3A_92 = arith.constant 0 : i32
      %dma_start3A_93 = arith.constant 0 : i32
      %dma_start3A_94 = tpu.memref_slice %arg2[%dma_start3A_92, %dma_start3A_93] : memref<10000x128xf32, #tpu.memory_space<hbm>> -> memref<10000x128xf32, #tpu.memory_space<hbm>>
      tpu.enqueue_indirect_dma source(%dma_start3A_94 : memref<10000x128xf32, #tpu.memory_space<hbm>>) target(%arg12 : memref<80x128xf32, #tpu.memory_space<vmem>>) offsets(%dma_start3A_91 : memref<80xi32, #tpu.memory_space<vmem>>) semaphore(%arg15 : memref<!tpu.dma_semaphore, #tpu.memory_space<semaphore_mem>>)
      "tpu.region"() ({
        %run_scoped3A = tpu.sem_alloc : memref<!tpu.dma_semaphore, #tpu.memory_space<semaphore_mem>>
        %dma_start3A_110 = arith.constant 0 : i32
        %dma_start3A_111 = tpu.memref_slice %arg9[%add3A_82, %dma_start3A_110] : memref<128x80xi32, #tpu.memory_space<vmem>> -> memref<1x80xi32, #tpu.memory_space<vmem>>
        %dma_start3A_112 = tpu.memref_squeeze %dma_start3A_111 : memref<1x80xi32, #tpu.memory_space<vmem>> -> memref<80xi32, #tpu.memory_space<vmem>>
        %dma_start3A_113 = arith.constant 0 : i32
        %dma_start3A_114 = arith.constant 0 : i32
        %dma_start3A_115 = tpu.memref_slice %arg13[%dma_start3A_113, %dma_start3A_114] : memref<5120x128xf32, #tpu.memory_space<vmem_shared>> -> memref<5120x128xf32, #tpu.memory_space<vmem_shared>>
        tpu.enqueue_indirect_dma source(%arg11 : memref<80x128xf32, #tpu.memory_space<vmem>>) target(%dma_start3A_115 : memref<5120x128xf32, #tpu.memory_space<vmem_shared>>) offsets(%dma_start3A_112 : memref<80xi32, #tpu.memory_space<vmem>>) semaphore(%run_scoped3A : memref<!tpu.dma_semaphore, #tpu.memory_space<semaphore_mem>>) {add = true}
        %dma_wait3A_116 = arith.constant 0 : i32
        %dma_wait3A_117 = tpu.memref_slice %arg9[%add3A_82, %dma_wait3A_116] : memref<128x80xi32, #tpu.memory_space<vmem>> -> memref<1x80xi32, #tpu.memory_space<vmem>>
        %dma_wait3A_118 = tpu.memref_squeeze %dma_wait3A_117 : memref<1x80xi32, #tpu.memory_space<vmem>> -> memref<80xi32, #tpu.memory_space<vmem>>
        %dma_wait3A_119 = arith.constant 0 : i32
        %dma_wait3A_120 = arith.constant 0 : i32
        %dma_wait3A_121 = tpu.memref_slice %arg13[%dma_wait3A_119, %dma_wait3A_120] : memref<5120x128xf32, #tpu.memory_space<vmem_shared>> -> memref<5120x128xf32, #tpu.memory_space<vmem_shared>>
        tpu.wait_indirect_dma semaphore(%run_scoped3A : memref<!tpu.dma_semaphore, #tpu.memory_space<semaphore_mem>>) src(%arg11 : memref<80x128xf32, #tpu.memory_space<vmem>>) dst(%dma_wait3A_121 : memref<5120x128xf32, #tpu.memory_space<vmem_shared>>)
        tpu.yield
      }) : () -> ()
      %add3A_95 = arith.constant 1 : i32
      %add3A_96 = arith.addi %add3A_82, %add3A_95 : i32
      %dma_wait3A_97 = arith.constant 0 : i32
      %dma_wait3A_98 = tpu.memref_slice %arg8[%add3A_96, %dma_wait3A_97] : memref<128x80xi32, #tpu.memory_space<vmem>> -> memref<1x80xi32, #tpu.memory_space<vmem>>
      %dma_wait3A_99 = tpu.memref_squeeze %dma_wait3A_98 : memref<1x80xi32, #tpu.memory_space<vmem>> -> memref<80xi32, #tpu.memory_space<vmem>>
      %dma_wait3A_100 = arith.constant 0 : i32
      %dma_wait3A_101 = arith.constant 0 : i32
      %dma_wait3A_102 = tpu.memref_slice %arg2[%dma_wait3A_100, %dma_wait3A_101] : memref<10000x128xf32, #tpu.memory_space<hbm>> -> memref<10000x128xf32, #tpu.memory_space<hbm>>
      tpu.wait_indirect_dma semaphore(%arg15 : memref<!tpu.dma_semaphore, #tpu.memory_space<semaphore_mem>>) src(%dma_wait3A_102 : memref<10000x128xf32, #tpu.memory_space<hbm>>) dst(%arg12 : memref<80x128xf32, #tpu.memory_space<vmem>>)
      %add3A_103 = arith.constant 1 : i32
      %add3A_104 = arith.addi %while3A_79, %add3A_103 : i32
      %lt3A = arith.cmpi slt, %add3A_104, %squeeze3A_12 : i32
      %convert_element_type3A_105 = arith.extui %lt3A : i1 to i32
      %cond3A_106 = arith.constant 0 : i32
      %cond3A_107 = arith.cmpi ne, %convert_element_type3A_105, %cond3A_106 : i32
      scf.if %cond3A_107 {
        %add3A_110 = arith.constant 2 : i32
        %add3A_111 = arith.addi %add3A_82, %add3A_110 : i32
        %dma_start3A_112 = arith.constant 0 : i32
        %dma_start3A_113 = tpu.memref_slice %arg8[%add3A_111, %dma_start3A_112] : memref<128x80xi32, #tpu.memory_space<vmem>> -> memref<1x80xi32, #tpu.memory_space<vmem>>
        %dma_start3A_114 = tpu.memref_squeeze %dma_start3A_113 : memref<1x80xi32, #tpu.memory_space<vmem>> -> memref<80xi32, #tpu.memory_space<vmem>>
        %dma_start3A_115 = arith.constant 0 : i32
        %dma_start3A_116 = arith.constant 0 : i32
        %dma_start3A_117 = tpu.memref_slice %arg2[%dma_start3A_115, %dma_start3A_116] : memref<10000x128xf32, #tpu.memory_space<hbm>> -> memref<10000x128xf32, #tpu.memory_space<hbm>>
        tpu.enqueue_indirect_dma source(%dma_start3A_117 : memref<10000x128xf32, #tpu.memory_space<hbm>>) target(%arg11 : memref<80x128xf32, #tpu.memory_space<vmem>>) offsets(%dma_start3A_114 : memref<80xi32, #tpu.memory_space<vmem>>) semaphore(%arg14 : memref<!tpu.dma_semaphore, #tpu.memory_space<semaphore_mem>>)
      } else {
      }
      %add3A_108 = arith.constant 1 : i32
      %add3A_109 = arith.addi %add3A_82, %add3A_108 : i32
      "tpu.region"() ({
        %run_scoped3A = tpu.sem_alloc : memref<!tpu.dma_semaphore, #tpu.memory_space<semaphore_mem>>
        %dma_start3A_110 = arith.constant 0 : i32
        %dma_start3A_111 = tpu.memref_slice %arg9[%add3A_109, %dma_start3A_110] : memref<128x80xi32, #tpu.memory_space<vmem>> -> memref<1x80xi32, #tpu.memory_space<vmem>>
        %dma_start3A_112 = tpu.memref_squeeze %dma_start3A_111 : memref<1x80xi32, #tpu.memory_space<vmem>> -> memref<80xi32, #tpu.memory_space<vmem>>
        %dma_start3A_113 = arith.constant 0 : i32
        %dma_start3A_114 = arith.constant 0 : i32
        %dma_start3A_115 = tpu.memref_slice %arg13[%dma_start3A_113, %dma_start3A_114] : memref<5120x128xf32, #tpu.memory_space<vmem_shared>> -> memref<5120x128xf32, #tpu.memory_space<vmem_shared>>
        tpu.enqueue_indirect_dma source(%arg12 : memref<80x128xf32, #tpu.memory_space<vmem>>) target(%dma_start3A_115 : memref<5120x128xf32, #tpu.memory_space<vmem_shared>>) offsets(%dma_start3A_112 : memref<80xi32, #tpu.memory_space<vmem>>) semaphore(%run_scoped3A : memref<!tpu.dma_semaphore, #tpu.memory_space<semaphore_mem>>) {add = true}
        %dma_wait3A_116 = arith.constant 0 : i32
        %dma_wait3A_117 = tpu.memref_slice %arg9[%add3A_109, %dma_wait3A_116] : memref<128x80xi32, #tpu.memory_space<vmem>> -> memref<1x80xi32, #tpu.memory_space<vmem>>
        %dma_wait3A_118 = tpu.memref_squeeze %dma_wait3A_117 : memref<1x80xi32, #tpu.memory_space<vmem>> -> memref<80xi32, #tpu.memory_space<vmem>>
        %dma_wait3A_119 = arith.constant 0 : i32
        %dma_wait3A_120 = arith.constant 0 : i32
        %dma_wait3A_121 = tpu.memref_slice %arg13[%dma_wait3A_119, %dma_wait3A_120] : memref<5120x128xf32, #tpu.memory_space<vmem_shared>> -> memref<5120x128xf32, #tpu.memory_space<vmem_shared>>
        tpu.wait_indirect_dma semaphore(%run_scoped3A : memref<!tpu.dma_semaphore, #tpu.memory_space<semaphore_mem>>) src(%arg12 : memref<80x128xf32, #tpu.memory_space<vmem>>) dst(%dma_wait3A_121 : memref<5120x128xf32, #tpu.memory_space<vmem_shared>>)
        tpu.yield
      }) : () -> ()
    }
    %while3A_23 = arith.constant 1 : i32
    scf.for %while3A_79 = %while3A_21 to %while3A_17 step %while3A_23  : i32 {
      %mul3A_80 = arith.constant 2 : i32
      %mul3A_81 = arith.muli %mul3A_80, %while3A_79 : i32
      %add3A_82 = arith.addi %squeeze3A, %mul3A_81 : i32
      %dma_wait3A = arith.constant 0 : i32
      %dma_wait3A_83 = tpu.memref_slice %arg8[%add3A_82, %dma_wait3A] : memref<128x80xi32, #tpu.memory_space<vmem>> -> memref<1x80xi32, #tpu.memory_space<vmem>>
      %dma_wait3A_84 = tpu.memref_squeeze %dma_wait3A_83 : memref<1x80xi32, #tpu.memory_space<vmem>> -> memref<80xi32, #tpu.memory_space<vmem>>
      %dma_wait3A_85 = arith.constant 0 : i32
      %dma_wait3A_86 = arith.constant 0 : i32
      %dma_wait3A_87 = tpu.memref_slice %arg2[%dma_wait3A_85, %dma_wait3A_86] : memref<10000x128xf32, #tpu.memory_space<hbm>> -> memref<10000x128xf32, #tpu.memory_space<hbm>>
      tpu.wait_indirect_dma semaphore(%arg14 : memref<!tpu.dma_semaphore, #tpu.memory_space<semaphore_mem>>) src(%dma_wait3A_87 : memref<10000x128xf32, #tpu.memory_space<hbm>>) dst(%arg11 : memref<80x128xf32, #tpu.memory_space<vmem>>)
      %add3A_88 = arith.constant 1 : i32
      %add3A_89 = arith.addi %add3A_82, %add3A_88 : i32
      %dma_start3A = arith.constant 0 : i32
      %dma_start3A_90 = tpu.memref_slice %arg8[%add3A_89, %dma_start3A] : memref<128x80xi32, #tpu.memory_space<vmem>> -> memref<1x80xi32, #tpu.memory_space<vmem>>
      %dma_start3A_91 = tpu.memref_squeeze %dma_start3A_90 : memref<1x80xi32, #tpu.memory_space<vmem>> -> memref<80xi32, #tpu.memory_space<vmem>>
      %dma_start3A_92 = arith.constant 0 : i32
      %dma_start3A_93 = arith.constant 0 : i32
      %dma_start3A_94 = tpu.memref_slice %arg2[%dma_start3A_92, %dma_start3A_93] : memref<10000x128xf32, #tpu.memory_space<hbm>> -> memref<10000x128xf32, #tpu.memory_space<hbm>>
      tpu.enqueue_indirect_dma source(%dma_start3A_94 : memref<10000x128xf32, #tpu.memory_space<hbm>>) target(%arg12 : memref<80x128xf32, #tpu.memory_space<vmem>>) offsets(%dma_start3A_91 : memref<80xi32, #tpu.memory_space<vmem>>) semaphore(%arg15 : memref<!tpu.dma_semaphore, #tpu.memory_space<semaphore_mem>>)
      "tpu.region"() ({
        %run_scoped3A = tpu.sem_alloc : memref<!tpu.dma_semaphore, #tpu.memory_space<semaphore_mem>>
        %dma_start3A_110 = arith.constant 0 : i32
        %dma_start3A_111 = tpu.memref_slice %arg9[%add3A_82, %dma_start3A_110] : memref<128x80xi32, #tpu.memory_space<vmem>> -> memref<1x80xi32, #tpu.memory_space<vmem>>
        %dma_start3A_112 = tpu.memref_squeeze %dma_start3A_111 : memref<1x80xi32, #tpu.memory_space<vmem>> -> memref<80xi32, #tpu.memory_space<vmem>>
        %dma_start3A_113 = arith.constant 0 : i32
        %dma_start3A_114 = arith.constant 0 : i32
        %dma_start3A_115 = tpu.memref_slice %arg13[%dma_start3A_113, %dma_start3A_114] : memref<5120x128xf32, #tpu.memory_space<vmem_shared>> -> memref<5120x128xf32, #tpu.memory_space<vmem_shared>>
        tpu.enqueue_indirect_dma source(%arg11 : memref<80x128xf32, #tpu.memory_space<vmem>>) target(%dma_start3A_115 : memref<5120x128xf32, #tpu.memory_space<vmem_shared>>) offsets(%dma_start3A_112 : memref<80xi32, #tpu.memory_space<vmem>>) semaphore(%run_scoped3A : memref<!tpu.dma_semaphore, #tpu.memory_space<semaphore_mem>>) {add = true}
        %dma_wait3A_116 = arith.constant 0 : i32
        %dma_wait3A_117 = tpu.memref_slice %arg9[%add3A_82, %dma_wait3A_116] : memref<128x80xi32, #tpu.memory_space<vmem>> -> memref<1x80xi32, #tpu.memory_space<vmem>>
        %dma_wait3A_118 = tpu.memref_squeeze %dma_wait3A_117 : memref<1x80xi32, #tpu.memory_space<vmem>> -> memref<80xi32, #tpu.memory_space<vmem>>
        %dma_wait3A_119 = arith.constant 0 : i32
        %dma_wait3A_120 = arith.constant 0 : i32
        %dma_wait3A_121 = tpu.memref_slice %arg13[%dma_wait3A_119, %dma_wait3A_120] : memref<5120x128xf32, #tpu.memory_space<vmem_shared>> -> memref<5120x128xf32, #tpu.memory_space<vmem_shared>>
        tpu.wait_indirect_dma semaphore(%run_scoped3A : memref<!tpu.dma_semaphore, #tpu.memory_space<semaphore_mem>>) src(%arg11 : memref<80x128xf32, #tpu.memory_space<vmem>>) dst(%dma_wait3A_121 : memref<5120x128xf32, #tpu.memory_space<vmem_shared>>)
        tpu.yield
      }) : () -> ()
      %add3A_95 = arith.constant 1 : i32
      %add3A_96 = arith.addi %add3A_82, %add3A_95 : i32
      %dma_wait3A_97 = arith.constant 0 : i32
      %dma_wait3A_98 = tpu.memref_slice %arg8[%add3A_96, %dma_wait3A_97] : memref<128x80xi32, #tpu.memory_space<vmem>> -> memref<1x80xi32, #tpu.memory_space<vmem>>
      %dma_wait3A_99 = tpu.memref_squeeze %dma_wait3A_98 : memref<1x80xi32, #tpu.memory_space<vmem>> -> memref<80xi32, #tpu.memory_space<vmem>>
      %dma_wait3A_100 = arith.constant 0 : i32
      %dma_wait3A_101 = arith.constant 0 : i32
      %dma_wait3A_102 = tpu.memref_slice %arg2[%dma_wait3A_100, %dma_wait3A_101] : memref<10000x128xf32, #tpu.memory_space<hbm>> -> memref<10000x128xf32, #tpu.memory_space<hbm>>
      tpu.wait_indirect_dma semaphore(%arg15 : memref<!tpu.dma_semaphore, #tpu.memory_space<semaphore_mem>>) src(%dma_wait3A_102 : memref<10000x128xf32, #tpu.memory_space<hbm>>) dst(%arg12 : memref<80x128xf32, #tpu.memory_space<vmem>>)
      %add3A_103 = arith.constant 1 : i32
      %add3A_104 = arith.addi %while3A_79, %add3A_103 : i32
      %lt3A = arith.cmpi slt, %add3A_104, %squeeze3A_12 : i32
      %convert_element_type3A_105 = arith.extui %lt3A : i1 to i32
      %cond3A_106 = arith.constant 0 : i32
      %cond3A_107 = arith.cmpi ne, %convert_element_type3A_105, %cond3A_106 : i32
      scf.if %cond3A_107 {
        %add3A_110 = arith.constant 2 : i32
        %add3A_111 = arith.addi %add3A_82, %add3A_110 : i32
        %dma_start3A_112 = arith.constant 0 : i32
        %dma_start3A_113 = tpu.memref_slice %arg8[%add3A_111, %dma_start3A_112] : memref<128x80xi32, #tpu.memory_space<vmem>> -> memref<1x80xi32, #tpu.memory_space<vmem>>
        %dma_start3A_114 = tpu.memref_squeeze %dma_start3A_113 : memref<1x80xi32, #tpu.memory_space<vmem>> -> memref<80xi32, #tpu.memory_space<vmem>>
        %dma_start3A_115 = arith.constant 0 : i32
        %dma_start3A_116 = arith.constant 0 : i32
        %dma_start3A_117 = tpu.memref_slice %arg2[%dma_start3A_115, %dma_start3A_116] : memref<10000x128xf32, #tpu.memory_space<hbm>> -> memref<10000x128xf32, #tpu.memory_space<hbm>>
        tpu.enqueue_indirect_dma source(%dma_start3A_117 : memref<10000x128xf32, #tpu.memory_space<hbm>>) target(%arg11 : memref<80x128xf32, #tpu.memory_space<vmem>>) offsets(%dma_start3A_114 : memref<80xi32, #tpu.memory_space<vmem>>) semaphore(%arg14 : memref<!tpu.dma_semaphore, #tpu.memory_space<semaphore_mem>>)
      } else {
      }
      %add3A_108 = arith.constant 1 : i32
      %add3A_109 = arith.addi %add3A_82, %add3A_108 : i32
      "tpu.region"() ({
        %run_scoped3A = tpu.sem_alloc : memref<!tpu.dma_semaphore, #tpu.memory_space<semaphore_mem>>
        %dma_start3A_110 = arith.constant 0 : i32
        %dma_start3A_111 = tpu.memref_slice %arg9[%add3A_109, %dma_start3A_110] : memref<128x80xi32, #tpu.memory_space<vmem>> -> memref<1x80xi32, #tpu.memory_space<vmem>>
        %dma_start3A_112 = tpu.memref_squeeze %dma_start3A_111 : memref<1x80xi32, #tpu.memory_space<vmem>> -> memref<80xi32, #tpu.memory_space<vmem>>
        %dma_start3A_113 = arith.constant 0 : i32
        %dma_start3A_114 = arith.constant 0 : i32
        %dma_start3A_115 = tpu.memref_slice %arg13[%dma_start3A_113, %dma_start3A_114] : memref<5120x128xf32, #tpu.memory_space<vmem_shared>> -> memref<5120x128xf32, #tpu.memory_space<vmem_shared>>
        tpu.enqueue_indirect_dma source(%arg12 : memref<80x128xf32, #tpu.memory_space<vmem>>) target(%dma_start3A_115 : memref<5120x128xf32, #tpu.memory_space<vmem_shared>>) offsets(%dma_start3A_112 : memref<80xi32, #tpu.memory_space<vmem>>) semaphore(%run_scoped3A : memref<!tpu.dma_semaphore, #tpu.memory_space<semaphore_mem>>) {add = true}
        %dma_wait3A_116 = arith.constant 0 : i32
        %dma_wait3A_117 = tpu.memref_slice %arg9[%add3A_109, %dma_wait3A_116] : memref<128x80xi32, #tpu.memory_space<vmem>> -> memref<1x80xi32, #tpu.memory_space<vmem>>
        %dma_wait3A_118 = tpu.memref_squeeze %dma_wait3A_117 : memref<1x80xi32, #tpu.memory_space<vmem>> -> memref<80xi32, #tpu.memory_space<vmem>>
        %dma_wait3A_119 = arith.constant 0 : i32
        %dma_wait3A_120 = arith.constant 0 : i32
        %dma_wait3A_121 = tpu.memref_slice %arg13[%dma_wait3A_119, %dma_wait3A_120] : memref<5120x128xf32, #tpu.memory_space<vmem_shared>> -> memref<5120x128xf32, #tpu.memory_space<vmem_shared>>
        tpu.wait_indirect_dma semaphore(%run_scoped3A : memref<!tpu.dma_semaphore, #tpu.memory_space<semaphore_mem>>) src(%arg12 : memref<80x128xf32, #tpu.memory_space<vmem>>) dst(%dma_wait3A_121 : memref<5120x128xf32, #tpu.memory_space<vmem_shared>>)
        tpu.yield
      }) : () -> ()
    }
    %barrier3A_24 = arith.constant 0 : index
    tpu.barrier barrier_id(%barrier3A_24)
    %mul3A_25 = arith.constant 320 : i32
    %mul3A_26 = arith.muli %arg1, %mul3A_25 : i32
    %mul3A_27 = arith.constant 2 : i32
    %mul3A_28 = arith.muli %arg0, %mul3A_27 : i32
    %add3A_29 = arith.constant 0 : i32
    %add3A_30 = arith.addi %mul3A_28, %add3A_29 : i32
    %mul3A_31 = arith.constant 5120 : i32
    %mul3A_32 = arith.muli %add3A_30, %mul3A_31 : i32
    %mul3A_33 = arith.constant 320 : i32
    %mul3A_34 = arith.muli %arg1, %mul3A_33 : i32
    %add3A_35 = arith.addi %mul3A_32, %mul3A_34 : i32
    "tpu.region"() ({
      %run_scoped3A = tpu.sem_alloc : memref<!tpu.dma_semaphore, #tpu.memory_space<semaphore_mem>>
      %dma_start3A = arith.constant 0 : i32
      %dma_start3A_79 = tpu.memref_slice %arg7[%add3A_35, %dma_start3A] : memref<20480x128xf32, #tpu.memory_space<hbm>> -> memref<320x128xf32, #tpu.memory_space<hbm>>
      %dma_start3A_80 = arith.constant 0 : i32
      %dma_start3A_81 = tpu.memref_slice %arg13[%mul3A_26, %dma_start3A_80] : memref<5120x128xf32, #tpu.memory_space<vmem_shared>> -> memref<320x128xf32, #tpu.memory_space<vmem_shared>>
      tpu.enqueue_dma source(%dma_start3A_81 : memref<320x128xf32, #tpu.memory_space<vmem_shared>>) target(%dma_start3A_79 : memref<320x128xf32, #tpu.memory_space<hbm>>) target_semaphore(%run_scoped3A : memref<!tpu.dma_semaphore, #tpu.memory_space<semaphore_mem>>)
      %dma_wait3A = arith.constant 0 : i32
      %dma_wait3A_82 = tpu.memref_slice %arg7[%add3A_35, %dma_wait3A] : memref<20480x128xf32, #tpu.memory_space<hbm>> -> memref<320x128xf32, #tpu.memory_space<hbm>>
      %dma_wait3A_83 = arith.constant 0 : i32
      %dma_wait3A_84 = tpu.memref_slice %arg13[%mul3A_26, %dma_wait3A_83] : memref<5120x128xf32, #tpu.memory_space<vmem_shared>> -> memref<320x128xf32, #tpu.memory_space<vmem_shared>>
      tpu.wait_dma2 semaphore(%run_scoped3A : memref<!tpu.dma_semaphore, #tpu.memory_space<semaphore_mem>>) src(%dma_wait3A_84 : memref<320x128xf32, #tpu.memory_space<vmem_shared>>) dst(%dma_wait3A_82 : memref<320x128xf32, #tpu.memory_space<hbm>>)
      tpu.yield
    }) : () -> ()
    %add3A_36 = arith.constant 0 : i32
    %add3A_37 = arith.addi %add3A_36, %add3A : i32
    "tpu.region"() ({
      %run_scoped3A = tpu.sem_alloc : memref<!tpu.dma_semaphore, #tpu.memory_space<semaphore_mem>>
      %dma_start3A = arith.constant 0 : i32
      %dma_start3A_79 = arith.constant 0 : i32
      %dma_start3A_80 = tpu.memref_slice %arg3[%add3A_37, %dma_start3A, %dma_start3A_79] : memref<32x128x80xi32, #tpu.memory_space<hbm>> -> memref<1x128x80xi32, #tpu.memory_space<hbm>>
      %dma_start3A_81 = tpu.memref_squeeze %dma_start3A_80 : memref<1x128x80xi32, #tpu.memory_space<hbm>> -> memref<128x80xi32, #tpu.memory_space<hbm>>
      %dma_start3A_82 = arith.constant 0 : i32
      %dma_start3A_83 = arith.constant 0 : i32
      %dma_start3A_84 = tpu.memref_slice %arg3[%add3A_37, %dma_start3A_82, %dma_start3A_83] : memref<32x128x80xi32, #tpu.memory_space<hbm>> -> memref<1x128x80xi32, #tpu.memory_space<hbm>>
      %dma_start3A_85 = tpu.memref_squeeze %dma_start3A_84 : memref<1x128x80xi32, #tpu.memory_space<hbm>> -> memref<128x80xi32, #tpu.memory_space<hbm>>
      tpu.enqueue_dma source(%dma_start3A_85 : memref<128x80xi32, #tpu.memory_space<hbm>>) target(%arg8 : memref<128x80xi32, #tpu.memory_space<vmem>>) target_semaphore(%run_scoped3A : memref<!tpu.dma_semaphore, #tpu.memory_space<semaphore_mem>>)
      %dma_wait3A = arith.constant 0 : i32
      %dma_wait3A_86 = arith.constant 0 : i32
      %dma_wait3A_87 = tpu.memref_slice %arg3[%add3A_37, %dma_wait3A, %dma_wait3A_86] : memref<32x128x80xi32, #tpu.memory_space<hbm>> -> memref<1x128x80xi32, #tpu.memory_space<hbm>>
      %dma_wait3A_88 = tpu.memref_squeeze %dma_wait3A_87 : memref<1x128x80xi32, #tpu.memory_space<hbm>> -> memref<128x80xi32, #tpu.memory_space<hbm>>
      %dma_wait3A_89 = arith.constant 0 : i32
      %dma_wait3A_90 = arith.constant 0 : i32
      %dma_wait3A_91 = tpu.memref_slice %arg3[%add3A_37, %dma_wait3A_89, %dma_wait3A_90] : memref<32x128x80xi32, #tpu.memory_space<hbm>> -> memref<1x128x80xi32, #tpu.memory_space<hbm>>
      %dma_wait3A_92 = tpu.memref_squeeze %dma_wait3A_91 : memref<1x128x80xi32, #tpu.memory_space<hbm>> -> memref<128x80xi32, #tpu.memory_space<hbm>>
      tpu.wait_dma2 semaphore(%run_scoped3A : memref<!tpu.dma_semaphore, #tpu.memory_space<semaphore_mem>>) src(%dma_wait3A_92 : memref<128x80xi32, #tpu.memory_space<hbm>>) dst(%arg8 : memref<128x80xi32, #tpu.memory_space<vmem>>)
      tpu.yield
    }) : () -> ()
    %add3A_38 = arith.constant 32 : i32
    %add3A_39 = arith.addi %add3A_38, %add3A : i32
    "tpu.region"() ({
      %run_scoped3A = tpu.sem_alloc : memref<!tpu.dma_semaphore, #tpu.memory_space<semaphore_mem>>
      %dma_start3A = arith.constant 0 : i32
      %dma_start3A_79 = arith.constant 0 : i32
      %dma_start3A_80 = tpu.memref_slice %arg4[%add3A_39, %dma_start3A, %dma_start3A_79] : memref<64x128x80xi32, #tpu.memory_space<hbm>> -> memref<1x128x80xi32, #tpu.memory_space<hbm>>
      %dma_start3A_81 = tpu.memref_squeeze %dma_start3A_80 : memref<1x128x80xi32, #tpu.memory_space<hbm>> -> memref<128x80xi32, #tpu.memory_space<hbm>>
      %dma_start3A_82 = arith.constant 0 : i32
      %dma_start3A_83 = arith.constant 0 : i32
      %dma_start3A_84 = tpu.memref_slice %arg4[%add3A_39, %dma_start3A_82, %dma_start3A_83] : memref<64x128x80xi32, #tpu.memory_space<hbm>> -> memref<1x128x80xi32, #tpu.memory_space<hbm>>
      %dma_start3A_85 = tpu.memref_squeeze %dma_start3A_84 : memref<1x128x80xi32, #tpu.memory_space<hbm>> -> memref<128x80xi32, #tpu.memory_space<hbm>>
      tpu.enqueue_dma source(%dma_start3A_85 : memref<128x80xi32, #tpu.memory_space<hbm>>) target(%arg9 : memref<128x80xi32, #tpu.memory_space<vmem>>) target_semaphore(%run_scoped3A : memref<!tpu.dma_semaphore, #tpu.memory_space<semaphore_mem>>)
      %dma_wait3A = arith.constant 0 : i32
      %dma_wait3A_86 = arith.constant 0 : i32
      %dma_wait3A_87 = tpu.memref_slice %arg4[%add3A_39, %dma_wait3A, %dma_wait3A_86] : memref<64x128x80xi32, #tpu.memory_space<hbm>> -> memref<1x128x80xi32, #tpu.memory_space<hbm>>
      %dma_wait3A_88 = tpu.memref_squeeze %dma_wait3A_87 : memref<1x128x80xi32, #tpu.memory_space<hbm>> -> memref<128x80xi32, #tpu.memory_space<hbm>>
      %dma_wait3A_89 = arith.constant 0 : i32
      %dma_wait3A_90 = arith.constant 0 : i32
      %dma_wait3A_91 = tpu.memref_slice %arg4[%add3A_39, %dma_wait3A_89, %dma_wait3A_90] : memref<64x128x80xi32, #tpu.memory_space<hbm>> -> memref<1x128x80xi32, #tpu.memory_space<hbm>>
      %dma_wait3A_92 = tpu.memref_squeeze %dma_wait3A_91 : memref<1x128x80xi32, #tpu.memory_space<hbm>> -> memref<128x80xi32, #tpu.memory_space<hbm>>
      tpu.wait_dma2 semaphore(%run_scoped3A : memref<!tpu.dma_semaphore, #tpu.memory_space<semaphore_mem>>) src(%dma_wait3A_92 : memref<128x80xi32, #tpu.memory_space<hbm>>) dst(%arg9 : memref<128x80xi32, #tpu.memory_space<vmem>>)
      tpu.yield
    }) : () -> ()
    %add3A_40 = arith.constant 32 : i32
    %add3A_41 = arith.addi %add3A_40, %add3A : i32
    "tpu.region"() ({
      %run_scoped3A = tpu.sem_alloc : memref<!tpu.dma_semaphore, #tpu.memory_space<semaphore_mem>>
      %dma_start3A = arith.constant 0 : i32
      %dma_start3A_79 = tpu.memref_slice %arg5[%add3A_41, %dma_start3A] : memref<64x16xi32, #tpu.memory_space<hbm>> -> memref<1x16xi32, #tpu.memory_space<hbm>>
      %dma_start3A_80 = tpu.memref_squeeze %dma_start3A_79 : memref<1x16xi32, #tpu.memory_space<hbm>> -> memref<16xi32, #tpu.memory_space<hbm>>
      %dma_start3A_81 = arith.constant 0 : i32
      %dma_start3A_82 = tpu.memref_slice %arg5[%add3A_41, %dma_start3A_81] : memref<64x16xi32, #tpu.memory_space<hbm>> -> memref<1x16xi32, #tpu.memory_space<hbm>>
      %dma_start3A_83 = tpu.memref_squeeze %dma_start3A_82 : memref<1x16xi32, #tpu.memory_space<hbm>> -> memref<16xi32, #tpu.memory_space<hbm>>
      tpu.enqueue_dma source(%dma_start3A_83 : memref<16xi32, #tpu.memory_space<hbm>>) target(%arg10 : memref<16xi32, #tpu.memory_space<vmem>>) target_semaphore(%run_scoped3A : memref<!tpu.dma_semaphore, #tpu.memory_space<semaphore_mem>>)
      %dma_wait3A = arith.constant 0 : i32
      %dma_wait3A_84 = tpu.memref_slice %arg5[%add3A_41, %dma_wait3A] : memref<64x16xi32, #tpu.memory_space<hbm>> -> memref<1x16xi32, #tpu.memory_space<hbm>>
      %dma_wait3A_85 = tpu.memref_squeeze %dma_wait3A_84 : memref<1x16xi32, #tpu.memory_space<hbm>> -> memref<16xi32, #tpu.memory_space<hbm>>
      %dma_wait3A_86 = arith.constant 0 : i32
      %dma_wait3A_87 = tpu.memref_slice %arg5[%add3A_41, %dma_wait3A_86] : memref<64x16xi32, #tpu.memory_space<hbm>> -> memref<1x16xi32, #tpu.memory_space<hbm>>
      %dma_wait3A_88 = tpu.memref_squeeze %dma_wait3A_87 : memref<1x16xi32, #tpu.memory_space<hbm>> -> memref<16xi32, #tpu.memory_space<hbm>>
      tpu.wait_dma2 semaphore(%run_scoped3A : memref<!tpu.dma_semaphore, #tpu.memory_space<semaphore_mem>>) src(%dma_wait3A_88 : memref<16xi32, #tpu.memory_space<hbm>>) dst(%arg10 : memref<16xi32, #tpu.memory_space<vmem>>)
      tpu.yield
    }) : () -> ()
    %mul3A_42 = arith.constant 320 : i32
    %mul3A_43 = arith.muli %arg1, %mul3A_42 : i32
    "tpu.region"() ({
      %run_scoped3A = tpu.sem_alloc : memref<!tpu.dma_semaphore, #tpu.memory_space<semaphore_mem>>
      %dma_start3A = arith.constant 0 : i32
      %dma_start3A_79 = tpu.memref_slice %arg13[%mul3A_43, %dma_start3A] : memref<5120x128xf32, #tpu.memory_space<vmem_shared>> -> memref<320x128xf32, #tpu.memory_space<vmem_shared>>
      tpu.enqueue_dma source(%arg6 : memref<320x128xf32, #tpu.memory_space<hbm>>) target(%dma_start3A_79 : memref<320x128xf32, #tpu.memory_space<vmem_shared>>) target_semaphore(%run_scoped3A : memref<!tpu.dma_semaphore, #tpu.memory_space<semaphore_mem>>)
      %dma_wait3A = arith.constant 0 : i32
      %dma_wait3A_80 = tpu.memref_slice %arg13[%mul3A_43, %dma_wait3A] : memref<5120x128xf32, #tpu.memory_space<vmem_shared>> -> memref<320x128xf32, #tpu.memory_space<vmem_shared>>
      tpu.wait_dma2 semaphore(%run_scoped3A : memref<!tpu.dma_semaphore, #tpu.memory_space<semaphore_mem>>) src(%arg6 : memref<320x128xf32, #tpu.memory_space<hbm>>) dst(%dma_wait3A_80 : memref<320x128xf32, #tpu.memory_space<vmem_shared>>)
      tpu.yield
    }) : () -> ()
    %barrier3A_44 = arith.constant 0 : index
    tpu.barrier barrier_id(%barrier3A_44)
    %get3A_45 = arith.constant 0 : index
    %get3A_46 = tpu.vector_load %arg10[%get3A_45] {strides = array<i32>} : memref<16xi32, #tpu.memory_space<vmem>>, vector<16xi32>,
    %get3A_47 = vector.shape_cast %get3A_46 : vector<16xi32> to vector<16xi32>
    %slice3A_48 = vector.extract_strided_slice %get3A_47 {offsets = [0], sizes = [1], strides = [1]} : vector<16xi32> to vector<1xi32>
    %squeeze3A_49 = vector.extract %slice3A_48[0] : i32 from vector<1xi32>
    %slice3A_50 = vector.extract_strided_slice %get3A_47 {offsets = [1], sizes = [1], strides = [1]} : vector<16xi32> to vector<1xi32>
    %squeeze3A_51 = vector.extract %slice3A_50[0] : i32 from vector<1xi32>
    %gt3A_52 = arith.constant 0 : i32
    %gt3A_53 = arith.cmpi sgt, %squeeze3A_51, %gt3A_52 : i32
    %convert_element_type3A_54 = arith.extui %gt3A_53 : i1 to i32
    %cond3A_55 = arith.constant 0 : i32
    %cond3A_56 = arith.cmpi ne, %convert_element_type3A_54, %cond3A_55 : i32
    scf.if %cond3A_56 {
      %dma_start3A = arith.constant 0 : i32
      %dma_start3A_79 = tpu.memref_slice %arg8[%squeeze3A_49, %dma_start3A] : memref<128x80xi32, #tpu.memory_space<vmem>> -> memref<1x80xi32, #tpu.memory_space<vmem>>
      %dma_start3A_80 = tpu.memref_squeeze %dma_start3A_79 : memref<1x80xi32, #tpu.memory_space<vmem>> -> memref<80xi32, #tpu.memory_space<vmem>>
      %dma_start3A_81 = arith.constant 0 : i32
      %dma_start3A_82 = arith.constant 0 : i32
      %dma_start3A_83 = tpu.memref_slice %arg2[%dma_start3A_81, %dma_start3A_82] : memref<10000x128xf32, #tpu.memory_space<hbm>> -> memref<10000x128xf32, #tpu.memory_space<hbm>>
      tpu.enqueue_indirect_dma source(%dma_start3A_83 : memref<10000x128xf32, #tpu.memory_space<hbm>>) target(%arg11 : memref<80x128xf32, #tpu.memory_space<vmem>>) offsets(%dma_start3A_80 : memref<80xi32, #tpu.memory_space<vmem>>) semaphore(%arg14 : memref<!tpu.dma_semaphore, #tpu.memory_space<semaphore_mem>>)
    } else {
    }
    %while3A_57 = arith.constant 0 : i32
    %while3A_58 = arith.constant 0 : i32
    %while3A_59 = arith.subi %squeeze3A_51, %while3A_58 : i32
    %while3A_60 = arith.addi %while3A_58, %while3A_59 : i32
    %while3A_61 = arith.constant 1 : i32
    %while3A_62 = arith.divsi %while3A_59, %while3A_61 : i32
    %while3A_63 = arith.muli %while3A_62, %while3A_61 : i32
    %while3A_64 = arith.addi %while3A_58, %while3A_63 : i32
    %while3A_65 = arith.constant 1 : i32
    scf.for %while3A_79 = %while3A_58 to %while3A_64 step %while3A_65  : i32 {
      %mul3A_80 = arith.constant 2 : i32
      %mul3A_81 = arith.muli %mul3A_80, %while3A_79 : i32
      %add3A_82 = arith.addi %squeeze3A_49, %mul3A_81 : i32
      %dma_wait3A = arith.constant 0 : i32
      %dma_wait3A_83 = tpu.memref_slice %arg8[%add3A_82, %dma_wait3A] : memref<128x80xi32, #tpu.memory_space<vmem>> -> memref<1x80xi32, #tpu.memory_space<vmem>>
      %dma_wait3A_84 = tpu.memref_squeeze %dma_wait3A_83 : memref<1x80xi32, #tpu.memory_space<vmem>> -> memref<80xi32, #tpu.memory_space<vmem>>
      %dma_wait3A_85 = arith.constant 0 : i32
      %dma_wait3A_86 = arith.constant 0 : i32
      %dma_wait3A_87 = tpu.memref_slice %arg2[%dma_wait3A_85, %dma_wait3A_86] : memref<10000x128xf32, #tpu.memory_space<hbm>> -> memref<10000x128xf32, #tpu.memory_space<hbm>>
      tpu.wait_indirect_dma semaphore(%arg14 : memref<!tpu.dma_semaphore, #tpu.memory_space<semaphore_mem>>) src(%dma_wait3A_87 : memref<10000x128xf32, #tpu.memory_space<hbm>>) dst(%arg11 : memref<80x128xf32, #tpu.memory_space<vmem>>)
      %add3A_88 = arith.constant 1 : i32
      %add3A_89 = arith.addi %add3A_82, %add3A_88 : i32
      %dma_start3A = arith.constant 0 : i32
      %dma_start3A_90 = tpu.memref_slice %arg8[%add3A_89, %dma_start3A] : memref<128x80xi32, #tpu.memory_space<vmem>> -> memref<1x80xi32, #tpu.memory_space<vmem>>
      %dma_start3A_91 = tpu.memref_squeeze %dma_start3A_90 : memref<1x80xi32, #tpu.memory_space<vmem>> -> memref<80xi32, #tpu.memory_space<vmem>>
      %dma_start3A_92 = arith.constant 0 : i32
      %dma_start3A_93 = arith.constant 0 : i32
      %dma_start3A_94 = tpu.memref_slice %arg2[%dma_start3A_92, %dma_start3A_93] : memref<10000x128xf32, #tpu.memory_space<hbm>> -> memref<10000x128xf32, #tpu.memory_space<hbm>>
      tpu.enqueue_indirect_dma source(%dma_start3A_94 : memref<10000x128xf32, #tpu.memory_space<hbm>>) target(%arg12 : memref<80x128xf32, #tpu.memory_space<vmem>>) offsets(%dma_start3A_91 : memref<80xi32, #tpu.memory_space<vmem>>) semaphore(%arg15 : memref<!tpu.dma_semaphore, #tpu.memory_space<semaphore_mem>>)
      "tpu.region"() ({
        %run_scoped3A = tpu.sem_alloc : memref<!tpu.dma_semaphore, #tpu.memory_space<semaphore_mem>>
        %dma_start3A_110 = arith.constant 0 : i32
        %dma_start3A_111 = tpu.memref_slice %arg9[%add3A_82, %dma_start3A_110] : memref<128x80xi32, #tpu.memory_space<vmem>> -> memref<1x80xi32, #tpu.memory_space<vmem>>
        %dma_start3A_112 = tpu.memref_squeeze %dma_start3A_111 : memref<1x80xi32, #tpu.memory_space<vmem>> -> memref<80xi32, #tpu.memory_space<vmem>>
        %dma_start3A_113 = arith.constant 0 : i32
        %dma_start3A_114 = arith.constant 0 : i32
        %dma_start3A_115 = tpu.memref_slice %arg13[%dma_start3A_113, %dma_start3A_114] : memref<5120x128xf32, #tpu.memory_space<vmem_shared>> -> memref<5120x128xf32, #tpu.memory_space<vmem_shared>>
        tpu.enqueue_indirect_dma source(%arg11 : memref<80x128xf32, #tpu.memory_space<vmem>>) target(%dma_start3A_115 : memref<5120x128xf32, #tpu.memory_space<vmem_shared>>) offsets(%dma_start3A_112 : memref<80xi32, #tpu.memory_space<vmem>>) semaphore(%run_scoped3A : memref<!tpu.dma_semaphore, #tpu.memory_space<semaphore_mem>>) {add = true}
        %dma_wait3A_116 = arith.constant 0 : i32
        %dma_wait3A_117 = tpu.memref_slice %arg9[%add3A_82, %dma_wait3A_116] : memref<128x80xi32, #tpu.memory_space<vmem>> -> memref<1x80xi32, #tpu.memory_space<vmem>>
        %dma_wait3A_118 = tpu.memref_squeeze %dma_wait3A_117 : memref<1x80xi32, #tpu.memory_space<vmem>> -> memref<80xi32, #tpu.memory_space<vmem>>
        %dma_wait3A_119 = arith.constant 0 : i32
        %dma_wait3A_120 = arith.constant 0 : i32
        %dma_wait3A_121 = tpu.memref_slice %arg13[%dma_wait3A_119, %dma_wait3A_120] : memref<5120x128xf32, #tpu.memory_space<vmem_shared>> -> memref<5120x128xf32, #tpu.memory_space<vmem_shared>>
        tpu.wait_indirect_dma semaphore(%run_scoped3A : memref<!tpu.dma_semaphore, #tpu.memory_space<semaphore_mem>>) src(%arg11 : memref<80x128xf32, #tpu.memory_space<vmem>>) dst(%dma_wait3A_121 : memref<5120x128xf32, #tpu.memory_space<vmem_shared>>)
        tpu.yield
      }) : () -> ()
      %add3A_95 = arith.constant 1 : i32
      %add3A_96 = arith.addi %add3A_82, %add3A_95 : i32
      %dma_wait3A_97 = arith.constant 0 : i32
      %dma_wait3A_98 = tpu.memref_slice %arg8[%add3A_96, %dma_wait3A_97] : memref<128x80xi32, #tpu.memory_space<vmem>> -> memref<1x80xi32, #tpu.memory_space<vmem>>
      %dma_wait3A_99 = tpu.memref_squeeze %dma_wait3A_98 : memref<1x80xi32, #tpu.memory_space<vmem>> -> memref<80xi32, #tpu.memory_space<vmem>>
      %dma_wait3A_100 = arith.constant 0 : i32
      %dma_wait3A_101 = arith.constant 0 : i32
      %dma_wait3A_102 = tpu.memref_slice %arg2[%dma_wait3A_100, %dma_wait3A_101] : memref<10000x128xf32, #tpu.memory_space<hbm>> -> memref<10000x128xf32, #tpu.memory_space<hbm>>
      tpu.wait_indirect_dma semaphore(%arg15 : memref<!tpu.dma_semaphore, #tpu.memory_space<semaphore_mem>>) src(%dma_wait3A_102 : memref<10000x128xf32, #tpu.memory_space<hbm>>) dst(%arg12 : memref<80x128xf32, #tpu.memory_space<vmem>>)
      %add3A_103 = arith.constant 1 : i32
      %add3A_104 = arith.addi %while3A_79, %add3A_103 : i32
      %lt3A = arith.cmpi slt, %add3A_104, %squeeze3A_51 : i32
      %convert_element_type3A_105 = arith.extui %lt3A : i1 to i32
      %cond3A_106 = arith.constant 0 : i32
      %cond3A_107 = arith.cmpi ne, %convert_element_type3A_105, %cond3A_106 : i32
      scf.if %cond3A_107 {
        %add3A_110 = arith.constant 2 : i32
        %add3A_111 = arith.addi %add3A_82, %add3A_110 : i32
        %dma_start3A_112 = arith.constant 0 : i32
        %dma_start3A_113 = tpu.memref_slice %arg8[%add3A_111, %dma_start3A_112] : memref<128x80xi32, #tpu.memory_space<vmem>> -> memref<1x80xi32, #tpu.memory_space<vmem>>
        %dma_start3A_114 = tpu.memref_squeeze %dma_start3A_113 : memref<1x80xi32, #tpu.memory_space<vmem>> -> memref<80xi32, #tpu.memory_space<vmem>>
        %dma_start3A_115 = arith.constant 0 : i32
        %dma_start3A_116 = arith.constant 0 : i32
        %dma_start3A_117 = tpu.memref_slice %arg2[%dma_start3A_115, %dma_start3A_116] : memref<10000x128xf32, #tpu.memory_space<hbm>> -> memref<10000x128xf32, #tpu.memory_space<hbm>>
        tpu.enqueue_indirect_dma source(%dma_start3A_117 : memref<10000x128xf32, #tpu.memory_space<hbm>>) target(%arg11 : memref<80x128xf32, #tpu.memory_space<vmem>>) offsets(%dma_start3A_114 : memref<80xi32, #tpu.memory_space<vmem>>) semaphore(%arg14 : memref<!tpu.dma_semaphore, #tpu.memory_space<semaphore_mem>>)
      } else {
      }
      %add3A_108 = arith.constant 1 : i32
      %add3A_109 = arith.addi %add3A_82, %add3A_108 : i32
      "tpu.region"() ({
        %run_scoped3A = tpu.sem_alloc : memref<!tpu.dma_semaphore, #tpu.memory_space<semaphore_mem>>
        %dma_start3A_110 = arith.constant 0 : i32
        %dma_start3A_111 = tpu.memref_slice %arg9[%add3A_109, %dma_start3A_110] : memref<128x80xi32, #tpu.memory_space<vmem>> -> memref<1x80xi32, #tpu.memory_space<vmem>>
        %dma_start3A_112 = tpu.memref_squeeze %dma_start3A_111 : memref<1x80xi32, #tpu.memory_space<vmem>> -> memref<80xi32, #tpu.memory_space<vmem>>
        %dma_start3A_113 = arith.constant 0 : i32
        %dma_start3A_114 = arith.constant 0 : i32
        %dma_start3A_115 = tpu.memref_slice %arg13[%dma_start3A_113, %dma_start3A_114] : memref<5120x128xf32, #tpu.memory_space<vmem_shared>> -> memref<5120x128xf32, #tpu.memory_space<vmem_shared>>
        tpu.enqueue_indirect_dma source(%arg12 : memref<80x128xf32, #tpu.memory_space<vmem>>) target(%dma_start3A_115 : memref<5120x128xf32, #tpu.memory_space<vmem_shared>>) offsets(%dma_start3A_112 : memref<80xi32, #tpu.memory_space<vmem>>) semaphore(%run_scoped3A : memref<!tpu.dma_semaphore, #tpu.memory_space<semaphore_mem>>) {add = true}
        %dma_wait3A_116 = arith.constant 0 : i32
        %dma_wait3A_117 = tpu.memref_slice %arg9[%add3A_109, %dma_wait3A_116] : memref<128x80xi32, #tpu.memory_space<vmem>> -> memref<1x80xi32, #tpu.memory_space<vmem>>
        %dma_wait3A_118 = tpu.memref_squeeze %dma_wait3A_117 : memref<1x80xi32, #tpu.memory_space<vmem>> -> memref<80xi32, #tpu.memory_space<vmem>>
        %dma_wait3A_119 = arith.constant 0 : i32
        %dma_wait3A_120 = arith.constant 0 : i32
        %dma_wait3A_121 = tpu.memref_slice %arg13[%dma_wait3A_119, %dma_wait3A_120] : memref<5120x128xf32, #tpu.memory_space<vmem_shared>> -> memref<5120x128xf32, #tpu.memory_space<vmem_shared>>
        tpu.wait_indirect_dma semaphore(%run_scoped3A : memref<!tpu.dma_semaphore, #tpu.memory_space<semaphore_mem>>) src(%arg12 : memref<80x128xf32, #tpu.memory_space<vmem>>) dst(%dma_wait3A_121 : memref<5120x128xf32, #tpu.memory_space<vmem_shared>>)
        tpu.yield
      }) : () -> ()
    }
    %while3A_66 = arith.constant 1 : i32
    scf.for %while3A_79 = %while3A_64 to %while3A_60 step %while3A_66  : i32 {
      %mul3A_80 = arith.constant 2 : i32
      %mul3A_81 = arith.muli %mul3A_80, %while3A_79 : i32
      %add3A_82 = arith.addi %squeeze3A_49, %mul3A_81 : i32
      %dma_wait3A = arith.constant 0 : i32
      %dma_wait3A_83 = tpu.memref_slice %arg8[%add3A_82, %dma_wait3A] : memref<128x80xi32, #tpu.memory_space<vmem>> -> memref<1x80xi32, #tpu.memory_space<vmem>>
      %dma_wait3A_84 = tpu.memref_squeeze %dma_wait3A_83 : memref<1x80xi32, #tpu.memory_space<vmem>> -> memref<80xi32, #tpu.memory_space<vmem>>
      %dma_wait3A_85 = arith.constant 0 : i32
      %dma_wait3A_86 = arith.constant 0 : i32
      %dma_wait3A_87 = tpu.memref_slice %arg2[%dma_wait3A_85, %dma_wait3A_86] : memref<10000x128xf32, #tpu.memory_space<hbm>> -> memref<10000x128xf32, #tpu.memory_space<hbm>>
      tpu.wait_indirect_dma semaphore(%arg14 : memref<!tpu.dma_semaphore, #tpu.memory_space<semaphore_mem>>) src(%dma_wait3A_87 : memref<10000x128xf32, #tpu.memory_space<hbm>>) dst(%arg11 : memref<80x128xf32, #tpu.memory_space<vmem>>)
      %add3A_88 = arith.constant 1 : i32
      %add3A_89 = arith.addi %add3A_82, %add3A_88 : i32
      %dma_start3A = arith.constant 0 : i32
      %dma_start3A_90 = tpu.memref_slice %arg8[%add3A_89, %dma_start3A] : memref<128x80xi32, #tpu.memory_space<vmem>> -> memref<1x80xi32, #tpu.memory_space<vmem>>
      %dma_start3A_91 = tpu.memref_squeeze %dma_start3A_90 : memref<1x80xi32, #tpu.memory_space<vmem>> -> memref<80xi32, #tpu.memory_space<vmem>>
      %dma_start3A_92 = arith.constant 0 : i32
      %dma_start3A_93 = arith.constant 0 : i32
      %dma_start3A_94 = tpu.memref_slice %arg2[%dma_start3A_92, %dma_start3A_93] : memref<10000x128xf32, #tpu.memory_space<hbm>> -> memref<10000x128xf32, #tpu.memory_space<hbm>>
      tpu.enqueue_indirect_dma source(%dma_start3A_94 : memref<10000x128xf32, #tpu.memory_space<hbm>>) target(%arg12 : memref<80x128xf32, #tpu.memory_space<vmem>>) offsets(%dma_start3A_91 : memref<80xi32, #tpu.memory_space<vmem>>) semaphore(%arg15 : memref<!tpu.dma_semaphore, #tpu.memory_space<semaphore_mem>>)
      "tpu.region"() ({
        %run_scoped3A = tpu.sem_alloc : memref<!tpu.dma_semaphore, #tpu.memory_space<semaphore_mem>>
        %dma_start3A_110 = arith.constant 0 : i32
        %dma_start3A_111 = tpu.memref_slice %arg9[%add3A_82, %dma_start3A_110] : memref<128x80xi32, #tpu.memory_space<vmem>> -> memref<1x80xi32, #tpu.memory_space<vmem>>
        %dma_start3A_112 = tpu.memref_squeeze %dma_start3A_111 : memref<1x80xi32, #tpu.memory_space<vmem>> -> memref<80xi32, #tpu.memory_space<vmem>>
        %dma_start3A_113 = arith.constant 0 : i32
        %dma_start3A_114 = arith.constant 0 : i32
        %dma_start3A_115 = tpu.memref_slice %arg13[%dma_start3A_113, %dma_start3A_114] : memref<5120x128xf32, #tpu.memory_space<vmem_shared>> -> memref<5120x128xf32, #tpu.memory_space<vmem_shared>>
        tpu.enqueue_indirect_dma source(%arg11 : memref<80x128xf32, #tpu.memory_space<vmem>>) target(%dma_start3A_115 : memref<5120x128xf32, #tpu.memory_space<vmem_shared>>) offsets(%dma_start3A_112 : memref<80xi32, #tpu.memory_space<vmem>>) semaphore(%run_scoped3A : memref<!tpu.dma_semaphore, #tpu.memory_space<semaphore_mem>>) {add = true}
        %dma_wait3A_116 = arith.constant 0 : i32
        %dma_wait3A_117 = tpu.memref_slice %arg9[%add3A_82, %dma_wait3A_116] : memref<128x80xi32, #tpu.memory_space<vmem>> -> memref<1x80xi32, #tpu.memory_space<vmem>>
        %dma_wait3A_118 = tpu.memref_squeeze %dma_wait3A_117 : memref<1x80xi32, #tpu.memory_space<vmem>> -> memref<80xi32, #tpu.memory_space<vmem>>
        %dma_wait3A_119 = arith.constant 0 : i32
        %dma_wait3A_120 = arith.constant 0 : i32
        %dma_wait3A_121 = tpu.memref_slice %arg13[%dma_wait3A_119, %dma_wait3A_120] : memref<5120x128xf32, #tpu.memory_space<vmem_shared>> -> memref<5120x128xf32, #tpu.memory_space<vmem_shared>>
        tpu.wait_indirect_dma semaphore(%run_scoped3A : memref<!tpu.dma_semaphore, #tpu.memory_space<semaphore_mem>>) src(%arg11 : memref<80x128xf32, #tpu.memory_space<vmem>>) dst(%dma_wait3A_121 : memref<5120x128xf32, #tpu.memory_space<vmem_shared>>)
        tpu.yield
      }) : () -> ()
      %add3A_95 = arith.constant 1 : i32
      %add3A_96 = arith.addi %add3A_82, %add3A_95 : i32
      %dma_wait3A_97 = arith.constant 0 : i32
      %dma_wait3A_98 = tpu.memref_slice %arg8[%add3A_96, %dma_wait3A_97] : memref<128x80xi32, #tpu.memory_space<vmem>> -> memref<1x80xi32, #tpu.memory_space<vmem>>
      %dma_wait3A_99 = tpu.memref_squeeze %dma_wait3A_98 : memref<1x80xi32, #tpu.memory_space<vmem>> -> memref<80xi32, #tpu.memory_space<vmem>>
      %dma_wait3A_100 = arith.constant 0 : i32
      %dma_wait3A_101 = arith.constant 0 : i32
      %dma_wait3A_102 = tpu.memref_slice %arg2[%dma_wait3A_100, %dma_wait3A_101] : memref<10000x128xf32, #tpu.memory_space<hbm>> -> memref<10000x128xf32, #tpu.memory_space<hbm>>
      tpu.wait_indirect_dma semaphore(%arg15 : memref<!tpu.dma_semaphore, #tpu.memory_space<semaphore_mem>>) src(%dma_wait3A_102 : memref<10000x128xf32, #tpu.memory_space<hbm>>) dst(%arg12 : memref<80x128xf32, #tpu.memory_space<vmem>>)
      %add3A_103 = arith.constant 1 : i32
      %add3A_104 = arith.addi %while3A_79, %add3A_103 : i32
      %lt3A = arith.cmpi slt, %add3A_104, %squeeze3A_51 : i32
      %convert_element_type3A_105 = arith.extui %lt3A : i1 to i32
      %cond3A_106 = arith.constant 0 : i32
      %cond3A_107 = arith.cmpi ne, %convert_element_type3A_105, %cond3A_106 : i32
      scf.if %cond3A_107 {
        %add3A_110 = arith.constant 2 : i32
        %add3A_111 = arith.addi %add3A_82, %add3A_110 : i32
        %dma_start3A_112 = arith.constant 0 : i32
        %dma_start3A_113 = tpu.memref_slice %arg8[%add3A_111, %dma_start3A_112] : memref<128x80xi32, #tpu.memory_space<vmem>> -> memref<1x80xi32, #tpu.memory_space<vmem>>
        %dma_start3A_114 = tpu.memref_squeeze %dma_start3A_113 : memref<1x80xi32, #tpu.memory_space<vmem>> -> memref<80xi32, #tpu.memory_space<vmem>>
        %dma_start3A_115 = arith.constant 0 : i32
        %dma_start3A_116 = arith.constant 0 : i32
        %dma_start3A_117 = tpu.memref_slice %arg2[%dma_start3A_115, %dma_start3A_116] : memref<10000x128xf32, #tpu.memory_space<hbm>> -> memref<10000x128xf32, #tpu.memory_space<hbm>>
        tpu.enqueue_indirect_dma source(%dma_start3A_117 : memref<10000x128xf32, #tpu.memory_space<hbm>>) target(%arg11 : memref<80x128xf32, #tpu.memory_space<vmem>>) offsets(%dma_start3A_114 : memref<80xi32, #tpu.memory_space<vmem>>) semaphore(%arg14 : memref<!tpu.dma_semaphore, #tpu.memory_space<semaphore_mem>>)
      } else {
      }
      %add3A_108 = arith.constant 1 : i32
      %add3A_109 = arith.addi %add3A_82, %add3A_108 : i32
      "tpu.region"() ({
        %run_scoped3A = tpu.sem_alloc : memref<!tpu.dma_semaphore, #tpu.memory_space<semaphore_mem>>
        %dma_start3A_110 = arith.constant 0 : i32
        %dma_start3A_111 = tpu.memref_slice %arg9[%add3A_109, %dma_start3A_110] : memref<128x80xi32, #tpu.memory_space<vmem>> -> memref<1x80xi32, #tpu.memory_space<vmem>>
        %dma_start3A_112 = tpu.memref_squeeze %dma_start3A_111 : memref<1x80xi32, #tpu.memory_space<vmem>> -> memref<80xi32, #tpu.memory_space<vmem>>
        %dma_start3A_113 = arith.constant 0 : i32
        %dma_start3A_114 = arith.constant 0 : i32
        %dma_start3A_115 = tpu.memref_slice %arg13[%dma_start3A_113, %dma_start3A_114] : memref<5120x128xf32, #tpu.memory_space<vmem_shared>> -> memref<5120x128xf32, #tpu.memory_space<vmem_shared>>
        tpu.enqueue_indirect_dma source(%arg12 : memref<80x128xf32, #tpu.memory_space<vmem>>) target(%dma_start3A_115 : memref<5120x128xf32, #tpu.memory_space<vmem_shared>>) offsets(%dma_start3A_112 : memref<80xi32, #tpu.memory_space<vmem>>) semaphore(%run_scoped3A : memref<!tpu.dma_semaphore, #tpu.memory_space<semaphore_mem>>) {add = true}
        %dma_wait3A_116 = arith.constant 0 : i32
        %dma_wait3A_117 = tpu.memref_slice %arg9[%add3A_109, %dma_wait3A_116] : memref<128x80xi32, #tpu.memory_space<vmem>> -> memref<1x80xi32, #tpu.memory_space<vmem>>
        %dma_wait3A_118 = tpu.memref_squeeze %dma_wait3A_117 : memref<1x80xi32, #tpu.memory_space<vmem>> -> memref<80xi32, #tpu.memory_space<vmem>>
        %dma_wait3A_119 = arith.constant 0 : i32
        %dma_wait3A_120 = arith.constant 0 : i32
        %dma_wait3A_121 = tpu.memref_slice %arg13[%dma_wait3A_119, %dma_wait3A_120] : memref<5120x128xf32, #tpu.memory_space<vmem_shared>> -> memref<5120x128xf32, #tpu.memory_space<vmem_shared>>
        tpu.wait_indirect_dma semaphore(%run_scoped3A : memref<!tpu.dma_semaphore, #tpu.memory_space<semaphore_mem>>) src(%arg12 : memref<80x128xf32, #tpu.memory_space<vmem>>) dst(%dma_wait3A_121 : memref<5120x128xf32, #tpu.memory_space<vmem_shared>>)
        tpu.yield
      }) : () -> ()
    }
    %barrier3A_67 = arith.constant 0 : index
    tpu.barrier barrier_id(%barrier3A_67)
    %mul3A_68 = arith.constant 320 : i32
    %mul3A_69 = arith.muli %arg1, %mul3A_68 : i32
    %mul3A_70 = arith.constant 2 : i32
    %mul3A_71 = arith.muli %arg0, %mul3A_70 : i32
    %add3A_72 = arith.constant 1 : i32
    %add3A_73 = arith.addi %mul3A_71, %add3A_72 : i32
    %mul3A_74 = arith.constant 5120 : i32
    %mul3A_75 = arith.muli %add3A_73, %mul3A_74 : i32
    %mul3A_76 = arith.constant 320 : i32
    %mul3A_77 = arith.muli %arg1, %mul3A_76 : i32
    %add3A_78 = arith.addi %mul3A_75, %mul3A_77 : i32
    "tpu.region"() ({
      %run_scoped3A = tpu.sem_alloc : memref<!tpu.dma_semaphore, #tpu.memory_space<semaphore_mem>>
      %dma_start3A = arith.constant 0 : i32
      %dma_start3A_79 = tpu.memref_slice %arg7[%add3A_78, %dma_start3A] : memref<20480x128xf32, #tpu.memory_space<hbm>> -> memref<320x128xf32, #tpu.memory_space<hbm>>
      %dma_start3A_80 = arith.constant 0 : i32
      %dma_start3A_81 = tpu.memref_slice %arg13[%mul3A_69, %dma_start3A_80] : memref<5120x128xf32, #tpu.memory_space<vmem_shared>> -> memref<320x128xf32, #tpu.memory_space<vmem_shared>>
      tpu.enqueue_dma source(%dma_start3A_81 : memref<320x128xf32, #tpu.memory_space<vmem_shared>>) target(%dma_start3A_79 : memref<320x128xf32, #tpu.memory_space<hbm>>) target_semaphore(%run_scoped3A : memref<!tpu.dma_semaphore, #tpu.memory_space<semaphore_mem>>)
      %dma_wait3A = arith.constant 0 : i32
      %dma_wait3A_82 = tpu.memref_slice %arg7[%add3A_78, %dma_wait3A] : memref<20480x128xf32, #tpu.memory_space<hbm>> -> memref<320x128xf32, #tpu.memory_space<hbm>>
      %dma_wait3A_83 = arith.constant 0 : i32
      %dma_wait3A_84 = tpu.memref_slice %arg13[%mul3A_69, %dma_wait3A_83] : memref<5120x128xf32, #tpu.memory_space<vmem_shared>> -> memref<320x128xf32, #tpu.memory_space<vmem_shared>>
      tpu.wait_dma2 semaphore(%run_scoped3A : memref<!tpu.dma_semaphore, #tpu.memory_space<semaphore_mem>>) src(%dma_wait3A_84 : memref<320x128xf32, #tpu.memory_space<vmem_shared>>) dst(%dma_wait3A_82 : memref<320x128xf32, #tpu.memory_space<hbm>>)
      tpu.yield
    }) : () -> ()
    return
  }
}

#map = affine_map<(d0, d1) -> (0, 0)>
#map1 = affine_map<(d0, d1) -> (0, 0, 0)>
module attributes {stable_mosaic.version = 14 : i64} {
  func.func @body(%arg0: i32, %arg1: i32, %arg2: memref<20000x128xf32, #tpu.memory_space<hbm>>, %arg3: memref<64x128x80xi32, #tpu.memory_space<hbm>>, %arg4: memref<64x128x80xi32, #tpu.memory_space<hbm>>, %arg5: memref<64x16xi32, #tpu.memory_space<hbm>>, %arg6: memref<320x128xf32, #tpu.memory_space<hbm>>, %arg7: memref<40960x128xf32, #tpu.memory_space<hbm>>, %arg8: memref<128x80xi32, #tpu.memory_space<vmem>>, %arg9: memref<128x80xi32, #tpu.memory_space<vmem>>, %arg10: memref<16xi32, #tpu.memory_space<vmem>>, %arg11: memref<80x128xf32, #tpu.memory_space<vmem>>, %arg12: memref<80x128xf32, #tpu.memory_space<vmem>>, %arg13: memref<5120x128xf32, #tpu.memory_space<vmem_shared>>, %arg14: memref<!tpu.dma_semaphore, #tpu.memory_space<semaphore_mem>>, %arg15: memref<!tpu.dma_semaphore, #tpu.memory_space<semaphore_mem>>) attributes {dimension_semantics = [#tpu.dimension_semantics<core_parallel>, #tpu.dimension_semantics<subcore_parallel>], iteration_bounds = array<i64: 2, 16>, scalar_prefetch = 0 : i64, scratch_operands = 8 : i64, tpu.core_type = #tpu.core_type<sc_vector_subcore>, window_params = [{transform_indices = #map}, {transform_indices = #map1}, {transform_indices = #map1}, {transform_indices = #map}, {transform_indices = #map}, {transform_indices = #map}]} {
    %mul3A = arith.constant 16 : i32
    %mul3A_0 = arith.muli %arg0, %mul3A : i32
    %add3A = arith.addi %mul3A_0, %arg1 : i32
    %add3A_1 = arith.constant 0 : i32
    %add3A_2 = arith.addi %add3A_1, %add3A : i32
    "tpu.region"() ({
      %run_scoped3A = tpu.sem_alloc : memref<!tpu.dma_semaphore, #tpu.memory_space<semaphore_mem>>
      %dma_start3A = arith.constant 0 : i32
      %dma_start3A_165 = arith.constant 0 : i32
      %dma_start3A_166 = tpu.memref_slice %arg3[%add3A_2, %dma_start3A, %dma_start3A_165] : memref<64x128x80xi32, #tpu.memory_space<hbm>> -> memref<1x128x80xi32, #tpu.memory_space<hbm>>
      %dma_start3A_167 = tpu.memref_squeeze %dma_start3A_166 : memref<1x128x80xi32, #tpu.memory_space<hbm>> -> memref<128x80xi32, #tpu.memory_space<hbm>>
      %dma_start3A_168 = arith.constant 0 : i32
      %dma_start3A_169 = arith.constant 0 : i32
      %dma_start3A_170 = tpu.memref_slice %arg3[%add3A_2, %dma_start3A_168, %dma_start3A_169] : memref<64x128x80xi32, #tpu.memory_space<hbm>> -> memref<1x128x80xi32, #tpu.memory_space<hbm>>
      %dma_start3A_171 = tpu.memref_squeeze %dma_start3A_170 : memref<1x128x80xi32, #tpu.memory_space<hbm>> -> memref<128x80xi32, #tpu.memory_space<hbm>>
      tpu.enqueue_dma source(%dma_start3A_171 : memref<128x80xi32, #tpu.memory_space<hbm>>) target(%arg8 : memref<128x80xi32, #tpu.memory_space<vmem>>) target_semaphore(%run_scoped3A : memref<!tpu.dma_semaphore, #tpu.memory_space<semaphore_mem>>)
      %dma_wait3A = arith.constant 0 : i32
      %dma_wait3A_172 = arith.constant 0 : i32
      %dma_wait3A_173 = tpu.memref_slice %arg3[%add3A_2, %dma_wait3A, %dma_wait3A_172] : memref<64x128x80xi32, #tpu.memory_space<hbm>> -> memref<1x128x80xi32, #tpu.memory_space<hbm>>
      %dma_wait3A_174 = tpu.memref_squeeze %dma_wait3A_173 : memref<1x128x80xi32, #tpu.memory_space<hbm>> -> memref<128x80xi32, #tpu.memory_space<hbm>>
      %dma_wait3A_175 = arith.constant 0 : i32
      %dma_wait3A_176 = arith.constant 0 : i32
      %dma_wait3A_177 = tpu.memref_slice %arg3[%add3A_2, %dma_wait3A_175, %dma_wait3A_176] : memref<64x128x80xi32, #tpu.memory_space<hbm>> -> memref<1x128x80xi32, #tpu.memory_space<hbm>>
      %dma_wait3A_178 = tpu.memref_squeeze %dma_wait3A_177 : memref<1x128x80xi32, #tpu.memory_space<hbm>> -> memref<128x80xi32, #tpu.memory_space<hbm>>
      tpu.wait_dma2 semaphore(%run_scoped3A : memref<!tpu.dma_semaphore, #tpu.memory_space<semaphore_mem>>) src(%dma_wait3A_178 : memref<128x80xi32, #tpu.memory_space<hbm>>) dst(%arg8 : memref<128x80xi32, #tpu.memory_space<vmem>>)
      tpu.yield
    }) : () -> ()
    %add3A_3 = arith.constant 0 : i32
    %add3A_4 = arith.addi %add3A_3, %add3A : i32
    "tpu.region"() ({
      %run_scoped3A = tpu.sem_alloc : memref<!tpu.dma_semaphore, #tpu.memory_space<semaphore_mem>>
      %dma_start3A = arith.constant 0 : i32
      %dma_start3A_165 = arith.constant 0 : i32
      %dma_start3A_166 = tpu.memref_slice %arg4[%add3A_4, %dma_start3A, %dma_start3A_165] : memref<64x128x80xi32, #tpu.memory_space<hbm>> -> memref<1x128x80xi32, #tpu.memory_space<hbm>>
      %dma_start3A_167 = tpu.memref_squeeze %dma_start3A_166 : memref<1x128x80xi32, #tpu.memory_space<hbm>> -> memref<128x80xi32, #tpu.memory_space<hbm>>
      %dma_start3A_168 = arith.constant 0 : i32
      %dma_start3A_169 = arith.constant 0 : i32
      %dma_start3A_170 = tpu.memref_slice %arg4[%add3A_4, %dma_start3A_168, %dma_start3A_169] : memref<64x128x80xi32, #tpu.memory_space<hbm>> -> memref<1x128x80xi32, #tpu.memory_space<hbm>>
      %dma_start3A_171 = tpu.memref_squeeze %dma_start3A_170 : memref<1x128x80xi32, #tpu.memory_space<hbm>> -> memref<128x80xi32, #tpu.memory_space<hbm>>
      tpu.enqueue_dma source(%dma_start3A_171 : memref<128x80xi32, #tpu.memory_space<hbm>>) target(%arg9 : memref<128x80xi32, #tpu.memory_space<vmem>>) target_semaphore(%run_scoped3A : memref<!tpu.dma_semaphore, #tpu.memory_space<semaphore_mem>>)
      %dma_wait3A = arith.constant 0 : i32
      %dma_wait3A_172 = arith.constant 0 : i32
      %dma_wait3A_173 = tpu.memref_slice %arg4[%add3A_4, %dma_wait3A, %dma_wait3A_172] : memref<64x128x80xi32, #tpu.memory_space<hbm>> -> memref<1x128x80xi32, #tpu.memory_space<hbm>>
      %dma_wait3A_174 = tpu.memref_squeeze %dma_wait3A_173 : memref<1x128x80xi32, #tpu.memory_space<hbm>> -> memref<128x80xi32, #tpu.memory_space<hbm>>
      %dma_wait3A_175 = arith.constant 0 : i32
      %dma_wait3A_176 = arith.constant 0 : i32
      %dma_wait3A_177 = tpu.memref_slice %arg4[%add3A_4, %dma_wait3A_175, %dma_wait3A_176] : memref<64x128x80xi32, #tpu.memory_space<hbm>> -> memref<1x128x80xi32, #tpu.memory_space<hbm>>
      %dma_wait3A_178 = tpu.memref_squeeze %dma_wait3A_177 : memref<1x128x80xi32, #tpu.memory_space<hbm>> -> memref<128x80xi32, #tpu.memory_space<hbm>>
      tpu.wait_dma2 semaphore(%run_scoped3A : memref<!tpu.dma_semaphore, #tpu.memory_space<semaphore_mem>>) src(%dma_wait3A_178 : memref<128x80xi32, #tpu.memory_space<hbm>>) dst(%arg9 : memref<128x80xi32, #tpu.memory_space<vmem>>)
      tpu.yield
    }) : () -> ()
    %add3A_5 = arith.constant 0 : i32
    %add3A_6 = arith.addi %add3A_5, %add3A : i32
    "tpu.region"() ({
      %run_scoped3A = tpu.sem_alloc : memref<!tpu.dma_semaphore, #tpu.memory_space<semaphore_mem>>
      %dma_start3A = arith.constant 0 : i32
      %dma_start3A_165 = tpu.memref_slice %arg5[%add3A_6, %dma_start3A] : memref<64x16xi32, #tpu.memory_space<hbm>> -> memref<1x16xi32, #tpu.memory_space<hbm>>
      %dma_start3A_166 = tpu.memref_squeeze %dma_start3A_165 : memref<1x16xi32, #tpu.memory_space<hbm>> -> memref<16xi32, #tpu.memory_space<hbm>>
      %dma_start3A_167 = arith.constant 0 : i32
      %dma_start3A_168 = tpu.memref_slice %arg5[%add3A_6, %dma_start3A_167] : memref<64x16xi32, #tpu.memory_space<hbm>> -> memref<1x16xi32, #tpu.memory_space<hbm>>
      %dma_start3A_169 = tpu.memref_squeeze %dma_start3A_168 : memref<1x16xi32, #tpu.memory_space<hbm>> -> memref<16xi32, #tpu.memory_space<hbm>>
      tpu.enqueue_dma source(%dma_start3A_169 : memref<16xi32, #tpu.memory_space<hbm>>) target(%arg10 : memref<16xi32, #tpu.memory_space<vmem>>) target_semaphore(%run_scoped3A : memref<!tpu.dma_semaphore, #tpu.memory_space<semaphore_mem>>)
      %dma_wait3A = arith.constant 0 : i32
      %dma_wait3A_170 = tpu.memref_slice %arg5[%add3A_6, %dma_wait3A] : memref<64x16xi32, #tpu.memory_space<hbm>> -> memref<1x16xi32, #tpu.memory_space<hbm>>
      %dma_wait3A_171 = tpu.memref_squeeze %dma_wait3A_170 : memref<1x16xi32, #tpu.memory_space<hbm>> -> memref<16xi32, #tpu.memory_space<hbm>>
      %dma_wait3A_172 = arith.constant 0 : i32
      %dma_wait3A_173 = tpu.memref_slice %arg5[%add3A_6, %dma_wait3A_172] : memref<64x16xi32, #tpu.memory_space<hbm>> -> memref<1x16xi32, #tpu.memory_space<hbm>>
      %dma_wait3A_174 = tpu.memref_squeeze %dma_wait3A_173 : memref<1x16xi32, #tpu.memory_space<hbm>> -> memref<16xi32, #tpu.memory_space<hbm>>
      tpu.wait_dma2 semaphore(%run_scoped3A : memref<!tpu.dma_semaphore, #tpu.memory_space<semaphore_mem>>) src(%dma_wait3A_174 : memref<16xi32, #tpu.memory_space<hbm>>) dst(%arg10 : memref<16xi32, #tpu.memory_space<vmem>>)
      tpu.yield
    }) : () -> ()
    %mul3A_7 = arith.constant 320 : i32
    %mul3A_8 = arith.muli %arg1, %mul3A_7 : i32
    "tpu.region"() ({
      %run_scoped3A = tpu.sem_alloc : memref<!tpu.dma_semaphore, #tpu.memory_space<semaphore_mem>>
      %dma_start3A = arith.constant 0 : i32
      %dma_start3A_165 = tpu.memref_slice %arg13[%mul3A_8, %dma_start3A] : memref<5120x128xf32, #tpu.memory_space<vmem_shared>> -> memref<320x128xf32, #tpu.memory_space<vmem_shared>>
      tpu.enqueue_dma source(%arg6 : memref<320x128xf32, #tpu.memory_space<hbm>>) target(%dma_start3A_165 : memref<320x128xf32, #tpu.memory_space<vmem_shared>>) target_semaphore(%run_scoped3A : memref<!tpu.dma_semaphore, #tpu.memory_space<semaphore_mem>>)
      %dma_wait3A = arith.constant 0 : i32
      %dma_wait3A_166 = tpu.memref_slice %arg13[%mul3A_8, %dma_wait3A] : memref<5120x128xf32, #tpu.memory_space<vmem_shared>> -> memref<320x128xf32, #tpu.memory_space<vmem_shared>>
      tpu.wait_dma2 semaphore(%run_scoped3A : memref<!tpu.dma_semaphore, #tpu.memory_space<semaphore_mem>>) src(%arg6 : memref<320x128xf32, #tpu.memory_space<hbm>>) dst(%dma_wait3A_166 : memref<320x128xf32, #tpu.memory_space<vmem_shared>>)
      tpu.yield
    }) : () -> ()
    %barrier3A = arith.constant 0 : index
    tpu.barrier barrier_id(%barrier3A)
    %get3A = arith.constant 0 : index
    %get3A_9 = tpu.vector_load %arg10[%get3A] {strides = array<i32>} : memref<16xi32, #tpu.memory_space<vmem>>, vector<16xi32>,
    %get3A_10 = vector.shape_cast %get3A_9 : vector<16xi32> to vector<16xi32>
    %slice3A = vector.extract_strided_slice %get3A_10 {offsets = [0], sizes = [1], strides = [1]} : vector<16xi32> to vector<1xi32>
    %squeeze3A = vector.extract %slice3A[0] : i32 from vector<1xi32>
    %slice3A_11 = vector.extract_strided_slice %get3A_10 {offsets = [1], sizes = [1], strides = [1]} : vector<16xi32> to vector<1xi32>
    %squeeze3A_12 = vector.extract %slice3A_11[0] : i32 from vector<1xi32>
    %gt3A = arith.constant 0 : i32
    %gt3A_13 = arith.cmpi sgt, %squeeze3A_12, %gt3A : i32
    %convert_element_type3A = arith.extui %gt3A_13 : i1 to i32
    %cond3A = arith.constant 0 : i32
    %cond3A_14 = arith.cmpi ne, %convert_element_type3A, %cond3A : i32
    scf.if %cond3A_14 {
      %dma_start3A = arith.constant 0 : i32
      %dma_start3A_165 = tpu.memref_slice %arg8[%squeeze3A, %dma_start3A] : memref<128x80xi32, #tpu.memory_space<vmem>> -> memref<1x80xi32, #tpu.memory_space<vmem>>
      %dma_start3A_166 = tpu.memref_squeeze %dma_start3A_165 : memref<1x80xi32, #tpu.memory_space<vmem>> -> memref<80xi32, #tpu.memory_space<vmem>>
      %dma_start3A_167 = arith.constant 0 : i32
      %dma_start3A_168 = arith.constant 0 : i32
      %dma_start3A_169 = tpu.memref_slice %arg2[%dma_start3A_167, %dma_start3A_168] : memref<20000x128xf32, #tpu.memory_space<hbm>> -> memref<20000x128xf32, #tpu.memory_space<hbm>>
      tpu.enqueue_indirect_dma source(%dma_start3A_169 : memref<20000x128xf32, #tpu.memory_space<hbm>>) target(%arg11 : memref<80x128xf32, #tpu.memory_space<vmem>>) offsets(%dma_start3A_166 : memref<80xi32, #tpu.memory_space<vmem>>) semaphore(%arg14 : memref<!tpu.dma_semaphore, #tpu.memory_space<semaphore_mem>>)
    } else {
    }
    %while3A = arith.constant 0 : i32
    %while3A_15 = arith.constant 0 : i32
    %while3A_16 = arith.subi %squeeze3A_12, %while3A_15 : i32
    %while3A_17 = arith.addi %while3A_15, %while3A_16 : i32
    %while3A_18 = arith.constant 1 : i32
    %while3A_19 = arith.divsi %while3A_16, %while3A_18 : i32
    %while3A_20 = arith.muli %while3A_19, %while3A_18 : i32
    %while3A_21 = arith.addi %while3A_15, %while3A_20 : i32
    %while3A_22 = arith.constant 1 : i32
    scf.for %while3A_165 = %while3A_15 to %while3A_21 step %while3A_22  : i32 {
      %mul3A_166 = arith.constant 2 : i32
      %mul3A_167 = arith.muli %mul3A_166, %while3A_165 : i32
      %add3A_168 = arith.addi %squeeze3A, %mul3A_167 : i32
      %dma_wait3A = arith.constant 0 : i32
      %dma_wait3A_169 = tpu.memref_slice %arg8[%add3A_168, %dma_wait3A] : memref<128x80xi32, #tpu.memory_space<vmem>> -> memref<1x80xi32, #tpu.memory_space<vmem>>
      %dma_wait3A_170 = tpu.memref_squeeze %dma_wait3A_169 : memref<1x80xi32, #tpu.memory_space<vmem>> -> memref<80xi32, #tpu.memory_space<vmem>>
      %dma_wait3A_171 = arith.constant 0 : i32
      %dma_wait3A_172 = arith.constant 0 : i32
      %dma_wait3A_173 = tpu.memref_slice %arg2[%dma_wait3A_171, %dma_wait3A_172] : memref<20000x128xf32, #tpu.memory_space<hbm>> -> memref<20000x128xf32, #tpu.memory_space<hbm>>
      tpu.wait_indirect_dma semaphore(%arg14 : memref<!tpu.dma_semaphore, #tpu.memory_space<semaphore_mem>>) src(%dma_wait3A_173 : memref<20000x128xf32, #tpu.memory_space<hbm>>) dst(%arg11 : memref<80x128xf32, #tpu.memory_space<vmem>>)
      %add3A_174 = arith.constant 1 : i32
      %add3A_175 = arith.addi %add3A_168, %add3A_174 : i32
      %dma_start3A = arith.constant 0 : i32
      %dma_start3A_176 = tpu.memref_slice %arg8[%add3A_175, %dma_start3A] : memref<128x80xi32, #tpu.memory_space<vmem>> -> memref<1x80xi32, #tpu.memory_space<vmem>>
      %dma_start3A_177 = tpu.memref_squeeze %dma_start3A_176 : memref<1x80xi32, #tpu.memory_space<vmem>> -> memref<80xi32, #tpu.memory_space<vmem>>
      %dma_start3A_178 = arith.constant 0 : i32
      %dma_start3A_179 = arith.constant 0 : i32
      %dma_start3A_180 = tpu.memref_slice %arg2[%dma_start3A_178, %dma_start3A_179] : memref<20000x128xf32, #tpu.memory_space<hbm>> -> memref<20000x128xf32, #tpu.memory_space<hbm>>
      tpu.enqueue_indirect_dma source(%dma_start3A_180 : memref<20000x128xf32, #tpu.memory_space<hbm>>) target(%arg12 : memref<80x128xf32, #tpu.memory_space<vmem>>) offsets(%dma_start3A_177 : memref<80xi32, #tpu.memory_space<vmem>>) semaphore(%arg15 : memref<!tpu.dma_semaphore, #tpu.memory_space<semaphore_mem>>)
      "tpu.region"() ({
        %run_scoped3A = tpu.sem_alloc : memref<!tpu.dma_semaphore, #tpu.memory_space<semaphore_mem>>
        %dma_start3A_196 = arith.constant 0 : i32
        %dma_start3A_197 = tpu.memref_slice %arg9[%add3A_168, %dma_start3A_196] : memref<128x80xi32, #tpu.memory_space<vmem>> -> memref<1x80xi32, #tpu.memory_space<vmem>>
        %dma_start3A_198 = tpu.memref_squeeze %dma_start3A_197 : memref<1x80xi32, #tpu.memory_space<vmem>> -> memref<80xi32, #tpu.memory_space<vmem>>
        %dma_start3A_199 = arith.constant 0 : i32
        %dma_start3A_200 = arith.constant 0 : i32
        %dma_start3A_201 = tpu.memref_slice %arg13[%dma_start3A_199, %dma_start3A_200] : memref<5120x128xf32, #tpu.memory_space<vmem_shared>> -> memref<5120x128xf32, #tpu.memory_space<vmem_shared>>
        tpu.enqueue_indirect_dma source(%arg11 : memref<80x128xf32, #tpu.memory_space<vmem>>) target(%dma_start3A_201 : memref<5120x128xf32, #tpu.memory_space<vmem_shared>>) offsets(%dma_start3A_198 : memref<80xi32, #tpu.memory_space<vmem>>) semaphore(%run_scoped3A : memref<!tpu.dma_semaphore, #tpu.memory_space<semaphore_mem>>) {add = true}
        %dma_wait3A_202 = arith.constant 0 : i32
        %dma_wait3A_203 = tpu.memref_slice %arg9[%add3A_168, %dma_wait3A_202] : memref<128x80xi32, #tpu.memory_space<vmem>> -> memref<1x80xi32, #tpu.memory_space<vmem>>
        %dma_wait3A_204 = tpu.memref_squeeze %dma_wait3A_203 : memref<1x80xi32, #tpu.memory_space<vmem>> -> memref<80xi32, #tpu.memory_space<vmem>>
        %dma_wait3A_205 = arith.constant 0 : i32
        %dma_wait3A_206 = arith.constant 0 : i32
        %dma_wait3A_207 = tpu.memref_slice %arg13[%dma_wait3A_205, %dma_wait3A_206] : memref<5120x128xf32, #tpu.memory_space<vmem_shared>> -> memref<5120x128xf32, #tpu.memory_space<vmem_shared>>
        tpu.wait_indirect_dma semaphore(%run_scoped3A : memref<!tpu.dma_semaphore, #tpu.memory_space<semaphore_mem>>) src(%arg11 : memref<80x128xf32, #tpu.memory_space<vmem>>) dst(%dma_wait3A_207 : memref<5120x128xf32, #tpu.memory_space<vmem_shared>>)
        tpu.yield
      }) : () -> ()
      %add3A_181 = arith.constant 1 : i32
      %add3A_182 = arith.addi %add3A_168, %add3A_181 : i32
      %dma_wait3A_183 = arith.constant 0 : i32
      %dma_wait3A_184 = tpu.memref_slice %arg8[%add3A_182, %dma_wait3A_183] : memref<128x80xi32, #tpu.memory_space<vmem>> -> memref<1x80xi32, #tpu.memory_space<vmem>>
      %dma_wait3A_185 = tpu.memref_squeeze %dma_wait3A_184 : memref<1x80xi32, #tpu.memory_space<vmem>> -> memref<80xi32, #tpu.memory_space<vmem>>
      %dma_wait3A_186 = arith.constant 0 : i32
      %dma_wait3A_187 = arith.constant 0 : i32
      %dma_wait3A_188 = tpu.memref_slice %arg2[%dma_wait3A_186, %dma_wait3A_187] : memref<20000x128xf32, #tpu.memory_space<hbm>> -> memref<20000x128xf32, #tpu.memory_space<hbm>>
      tpu.wait_indirect_dma semaphore(%arg15 : memref<!tpu.dma_semaphore, #tpu.memory_space<semaphore_mem>>) src(%dma_wait3A_188 : memref<20000x128xf32, #tpu.memory_space<hbm>>) dst(%arg12 : memref<80x128xf32, #tpu.memory_space<vmem>>)
      %add3A_189 = arith.constant 1 : i32
      %add3A_190 = arith.addi %while3A_165, %add3A_189 : i32
      %lt3A = arith.cmpi slt, %add3A_190, %squeeze3A_12 : i32
      %convert_element_type3A_191 = arith.extui %lt3A : i1 to i32
      %cond3A_192 = arith.constant 0 : i32
      %cond3A_193 = arith.cmpi ne, %convert_element_type3A_191, %cond3A_192 : i32
      scf.if %cond3A_193 {
        %add3A_196 = arith.constant 2 : i32
        %add3A_197 = arith.addi %add3A_168, %add3A_196 : i32
        %dma_start3A_198 = arith.constant 0 : i32
        %dma_start3A_199 = tpu.memref_slice %arg8[%add3A_197, %dma_start3A_198] : memref<128x80xi32, #tpu.memory_space<vmem>> -> memref<1x80xi32, #tpu.memory_space<vmem>>
        %dma_start3A_200 = tpu.memref_squeeze %dma_start3A_199 : memref<1x80xi32, #tpu.memory_space<vmem>> -> memref<80xi32, #tpu.memory_space<vmem>>
        %dma_start3A_201 = arith.constant 0 : i32
        %dma_start3A_202 = arith.constant 0 : i32
        %dma_start3A_203 = tpu.memref_slice %arg2[%dma_start3A_201, %dma_start3A_202] : memref<20000x128xf32, #tpu.memory_space<hbm>> -> memref<20000x128xf32, #tpu.memory_space<hbm>>
        tpu.enqueue_indirect_dma source(%dma_start3A_203 : memref<20000x128xf32, #tpu.memory_space<hbm>>) target(%arg11 : memref<80x128xf32, #tpu.memory_space<vmem>>) offsets(%dma_start3A_200 : memref<80xi32, #tpu.memory_space<vmem>>) semaphore(%arg14 : memref<!tpu.dma_semaphore, #tpu.memory_space<semaphore_mem>>)
      } else {
      }
      %add3A_194 = arith.constant 1 : i32
      %add3A_195 = arith.addi %add3A_168, %add3A_194 : i32
      "tpu.region"() ({
        %run_scoped3A = tpu.sem_alloc : memref<!tpu.dma_semaphore, #tpu.memory_space<semaphore_mem>>
        %dma_start3A_196 = arith.constant 0 : i32
        %dma_start3A_197 = tpu.memref_slice %arg9[%add3A_195, %dma_start3A_196] : memref<128x80xi32, #tpu.memory_space<vmem>> -> memref<1x80xi32, #tpu.memory_space<vmem>>
        %dma_start3A_198 = tpu.memref_squeeze %dma_start3A_197 : memref<1x80xi32, #tpu.memory_space<vmem>> -> memref<80xi32, #tpu.memory_space<vmem>>
        %dma_start3A_199 = arith.constant 0 : i32
        %dma_start3A_200 = arith.constant 0 : i32
        %dma_start3A_201 = tpu.memref_slice %arg13[%dma_start3A_199, %dma_start3A_200] : memref<5120x128xf32, #tpu.memory_space<vmem_shared>> -> memref<5120x128xf32, #tpu.memory_space<vmem_shared>>
        tpu.enqueue_indirect_dma source(%arg12 : memref<80x128xf32, #tpu.memory_space<vmem>>) target(%dma_start3A_201 : memref<5120x128xf32, #tpu.memory_space<vmem_shared>>) offsets(%dma_start3A_198 : memref<80xi32, #tpu.memory_space<vmem>>) semaphore(%run_scoped3A : memref<!tpu.dma_semaphore, #tpu.memory_space<semaphore_mem>>) {add = true}
        %dma_wait3A_202 = arith.constant 0 : i32
        %dma_wait3A_203 = tpu.memref_slice %arg9[%add3A_195, %dma_wait3A_202] : memref<128x80xi32, #tpu.memory_space<vmem>> -> memref<1x80xi32, #tpu.memory_space<vmem>>
        %dma_wait3A_204 = tpu.memref_squeeze %dma_wait3A_203 : memref<1x80xi32, #tpu.memory_space<vmem>> -> memref<80xi32, #tpu.memory_space<vmem>>
        %dma_wait3A_205 = arith.constant 0 : i32
        %dma_wait3A_206 = arith.constant 0 : i32
        %dma_wait3A_207 = tpu.memref_slice %arg13[%dma_wait3A_205, %dma_wait3A_206] : memref<5120x128xf32, #tpu.memory_space<vmem_shared>> -> memref<5120x128xf32, #tpu.memory_space<vmem_shared>>
        tpu.wait_indirect_dma semaphore(%run_scoped3A : memref<!tpu.dma_semaphore, #tpu.memory_space<semaphore_mem>>) src(%arg12 : memref<80x128xf32, #tpu.memory_space<vmem>>) dst(%dma_wait3A_207 : memref<5120x128xf32, #tpu.memory_space<vmem_shared>>)
        tpu.yield
      }) : () -> ()
    }
    %while3A_23 = arith.constant 1 : i32
    scf.for %while3A_165 = %while3A_21 to %while3A_17 step %while3A_23  : i32 {
      %mul3A_166 = arith.constant 2 : i32
      %mul3A_167 = arith.muli %mul3A_166, %while3A_165 : i32
      %add3A_168 = arith.addi %squeeze3A, %mul3A_167 : i32
      %dma_wait3A = arith.constant 0 : i32
      %dma_wait3A_169 = tpu.memref_slice %arg8[%add3A_168, %dma_wait3A] : memref<128x80xi32, #tpu.memory_space<vmem>> -> memref<1x80xi32, #tpu.memory_space<vmem>>
      %dma_wait3A_170 = tpu.memref_squeeze %dma_wait3A_169 : memref<1x80xi32, #tpu.memory_space<vmem>> -> memref<80xi32, #tpu.memory_space<vmem>>
      %dma_wait3A_171 = arith.constant 0 : i32
      %dma_wait3A_172 = arith.constant 0 : i32
      %dma_wait3A_173 = tpu.memref_slice %arg2[%dma_wait3A_171, %dma_wait3A_172] : memref<20000x128xf32, #tpu.memory_space<hbm>> -> memref<20000x128xf32, #tpu.memory_space<hbm>>
      tpu.wait_indirect_dma semaphore(%arg14 : memref<!tpu.dma_semaphore, #tpu.memory_space<semaphore_mem>>) src(%dma_wait3A_173 : memref<20000x128xf32, #tpu.memory_space<hbm>>) dst(%arg11 : memref<80x128xf32, #tpu.memory_space<vmem>>)
      %add3A_174 = arith.constant 1 : i32
      %add3A_175 = arith.addi %add3A_168, %add3A_174 : i32
      %dma_start3A = arith.constant 0 : i32
      %dma_start3A_176 = tpu.memref_slice %arg8[%add3A_175, %dma_start3A] : memref<128x80xi32, #tpu.memory_space<vmem>> -> memref<1x80xi32, #tpu.memory_space<vmem>>
      %dma_start3A_177 = tpu.memref_squeeze %dma_start3A_176 : memref<1x80xi32, #tpu.memory_space<vmem>> -> memref<80xi32, #tpu.memory_space<vmem>>
      %dma_start3A_178 = arith.constant 0 : i32
      %dma_start3A_179 = arith.constant 0 : i32
      %dma_start3A_180 = tpu.memref_slice %arg2[%dma_start3A_178, %dma_start3A_179] : memref<20000x128xf32, #tpu.memory_space<hbm>> -> memref<20000x128xf32, #tpu.memory_space<hbm>>
      tpu.enqueue_indirect_dma source(%dma_start3A_180 : memref<20000x128xf32, #tpu.memory_space<hbm>>) target(%arg12 : memref<80x128xf32, #tpu.memory_space<vmem>>) offsets(%dma_start3A_177 : memref<80xi32, #tpu.memory_space<vmem>>) semaphore(%arg15 : memref<!tpu.dma_semaphore, #tpu.memory_space<semaphore_mem>>)
      "tpu.region"() ({
        %run_scoped3A = tpu.sem_alloc : memref<!tpu.dma_semaphore, #tpu.memory_space<semaphore_mem>>
        %dma_start3A_196 = arith.constant 0 : i32
        %dma_start3A_197 = tpu.memref_slice %arg9[%add3A_168, %dma_start3A_196] : memref<128x80xi32, #tpu.memory_space<vmem>> -> memref<1x80xi32, #tpu.memory_space<vmem>>
        %dma_start3A_198 = tpu.memref_squeeze %dma_start3A_197 : memref<1x80xi32, #tpu.memory_space<vmem>> -> memref<80xi32, #tpu.memory_space<vmem>>
        %dma_start3A_199 = arith.constant 0 : i32
        %dma_start3A_200 = arith.constant 0 : i32
        %dma_start3A_201 = tpu.memref_slice %arg13[%dma_start3A_199, %dma_start3A_200] : memref<5120x128xf32, #tpu.memory_space<vmem_shared>> -> memref<5120x128xf32, #tpu.memory_space<vmem_shared>>
        tpu.enqueue_indirect_dma source(%arg11 : memref<80x128xf32, #tpu.memory_space<vmem>>) target(%dma_start3A_201 : memref<5120x128xf32, #tpu.memory_space<vmem_shared>>) offsets(%dma_start3A_198 : memref<80xi32, #tpu.memory_space<vmem>>) semaphore(%run_scoped3A : memref<!tpu.dma_semaphore, #tpu.memory_space<semaphore_mem>>) {add = true}
        %dma_wait3A_202 = arith.constant 0 : i32
        %dma_wait3A_203 = tpu.memref_slice %arg9[%add3A_168, %dma_wait3A_202] : memref<128x80xi32, #tpu.memory_space<vmem>> -> memref<1x80xi32, #tpu.memory_space<vmem>>
        %dma_wait3A_204 = tpu.memref_squeeze %dma_wait3A_203 : memref<1x80xi32, #tpu.memory_space<vmem>> -> memref<80xi32, #tpu.memory_space<vmem>>
        %dma_wait3A_205 = arith.constant 0 : i32
        %dma_wait3A_206 = arith.constant 0 : i32
        %dma_wait3A_207 = tpu.memref_slice %arg13[%dma_wait3A_205, %dma_wait3A_206] : memref<5120x128xf32, #tpu.memory_space<vmem_shared>> -> memref<5120x128xf32, #tpu.memory_space<vmem_shared>>
        tpu.wait_indirect_dma semaphore(%run_scoped3A : memref<!tpu.dma_semaphore, #tpu.memory_space<semaphore_mem>>) src(%arg11 : memref<80x128xf32, #tpu.memory_space<vmem>>) dst(%dma_wait3A_207 : memref<5120x128xf32, #tpu.memory_space<vmem_shared>>)
        tpu.yield
      }) : () -> ()
      %add3A_181 = arith.constant 1 : i32
      %add3A_182 = arith.addi %add3A_168, %add3A_181 : i32
      %dma_wait3A_183 = arith.constant 0 : i32
      %dma_wait3A_184 = tpu.memref_slice %arg8[%add3A_182, %dma_wait3A_183] : memref<128x80xi32, #tpu.memory_space<vmem>> -> memref<1x80xi32, #tpu.memory_space<vmem>>
      %dma_wait3A_185 = tpu.memref_squeeze %dma_wait3A_184 : memref<1x80xi32, #tpu.memory_space<vmem>> -> memref<80xi32, #tpu.memory_space<vmem>>
      %dma_wait3A_186 = arith.constant 0 : i32
      %dma_wait3A_187 = arith.constant 0 : i32
      %dma_wait3A_188 = tpu.memref_slice %arg2[%dma_wait3A_186, %dma_wait3A_187] : memref<20000x128xf32, #tpu.memory_space<hbm>> -> memref<20000x128xf32, #tpu.memory_space<hbm>>
      tpu.wait_indirect_dma semaphore(%arg15 : memref<!tpu.dma_semaphore, #tpu.memory_space<semaphore_mem>>) src(%dma_wait3A_188 : memref<20000x128xf32, #tpu.memory_space<hbm>>) dst(%arg12 : memref<80x128xf32, #tpu.memory_space<vmem>>)
      %add3A_189 = arith.constant 1 : i32
      %add3A_190 = arith.addi %while3A_165, %add3A_189 : i32
      %lt3A = arith.cmpi slt, %add3A_190, %squeeze3A_12 : i32
      %convert_element_type3A_191 = arith.extui %lt3A : i1 to i32
      %cond3A_192 = arith.constant 0 : i32
      %cond3A_193 = arith.cmpi ne, %convert_element_type3A_191, %cond3A_192 : i32
      scf.if %cond3A_193 {
        %add3A_196 = arith.constant 2 : i32
        %add3A_197 = arith.addi %add3A_168, %add3A_196 : i32
        %dma_start3A_198 = arith.constant 0 : i32
        %dma_start3A_199 = tpu.memref_slice %arg8[%add3A_197, %dma_start3A_198] : memref<128x80xi32, #tpu.memory_space<vmem>> -> memref<1x80xi32, #tpu.memory_space<vmem>>
        %dma_start3A_200 = tpu.memref_squeeze %dma_start3A_199 : memref<1x80xi32, #tpu.memory_space<vmem>> -> memref<80xi32, #tpu.memory_space<vmem>>
        %dma_start3A_201 = arith.constant 0 : i32
        %dma_start3A_202 = arith.constant 0 : i32
        %dma_start3A_203 = tpu.memref_slice %arg2[%dma_start3A_201, %dma_start3A_202] : memref<20000x128xf32, #tpu.memory_space<hbm>> -> memref<20000x128xf32, #tpu.memory_space<hbm>>
        tpu.enqueue_indirect_dma source(%dma_start3A_203 : memref<20000x128xf32, #tpu.memory_space<hbm>>) target(%arg11 : memref<80x128xf32, #tpu.memory_space<vmem>>) offsets(%dma_start3A_200 : memref<80xi32, #tpu.memory_space<vmem>>) semaphore(%arg14 : memref<!tpu.dma_semaphore, #tpu.memory_space<semaphore_mem>>)
      } else {
      }
      %add3A_194 = arith.constant 1 : i32
      %add3A_195 = arith.addi %add3A_168, %add3A_194 : i32
      "tpu.region"() ({
        %run_scoped3A = tpu.sem_alloc : memref<!tpu.dma_semaphore, #tpu.memory_space<semaphore_mem>>
        %dma_start3A_196 = arith.constant 0 : i32
        %dma_start3A_197 = tpu.memref_slice %arg9[%add3A_195, %dma_start3A_196] : memref<128x80xi32, #tpu.memory_space<vmem>> -> memref<1x80xi32, #tpu.memory_space<vmem>>
        %dma_start3A_198 = tpu.memref_squeeze %dma_start3A_197 : memref<1x80xi32, #tpu.memory_space<vmem>> -> memref<80xi32, #tpu.memory_space<vmem>>
        %dma_start3A_199 = arith.constant 0 : i32
        %dma_start3A_200 = arith.constant 0 : i32
        %dma_start3A_201 = tpu.memref_slice %arg13[%dma_start3A_199, %dma_start3A_200] : memref<5120x128xf32, #tpu.memory_space<vmem_shared>> -> memref<5120x128xf32, #tpu.memory_space<vmem_shared>>
        tpu.enqueue_indirect_dma source(%arg12 : memref<80x128xf32, #tpu.memory_space<vmem>>) target(%dma_start3A_201 : memref<5120x128xf32, #tpu.memory_space<vmem_shared>>) offsets(%dma_start3A_198 : memref<80xi32, #tpu.memory_space<vmem>>) semaphore(%run_scoped3A : memref<!tpu.dma_semaphore, #tpu.memory_space<semaphore_mem>>) {add = true}
        %dma_wait3A_202 = arith.constant 0 : i32
        %dma_wait3A_203 = tpu.memref_slice %arg9[%add3A_195, %dma_wait3A_202] : memref<128x80xi32, #tpu.memory_space<vmem>> -> memref<1x80xi32, #tpu.memory_space<vmem>>
        %dma_wait3A_204 = tpu.memref_squeeze %dma_wait3A_203 : memref<1x80xi32, #tpu.memory_space<vmem>> -> memref<80xi32, #tpu.memory_space<vmem>>
        %dma_wait3A_205 = arith.constant 0 : i32
        %dma_wait3A_206 = arith.constant 0 : i32
        %dma_wait3A_207 = tpu.memref_slice %arg13[%dma_wait3A_205, %dma_wait3A_206] : memref<5120x128xf32, #tpu.memory_space<vmem_shared>> -> memref<5120x128xf32, #tpu.memory_space<vmem_shared>>
        tpu.wait_indirect_dma semaphore(%run_scoped3A : memref<!tpu.dma_semaphore, #tpu.memory_space<semaphore_mem>>) src(%arg12 : memref<80x128xf32, #tpu.memory_space<vmem>>) dst(%dma_wait3A_207 : memref<5120x128xf32, #tpu.memory_space<vmem_shared>>)
        tpu.yield
      }) : () -> ()
    }
    %barrier3A_24 = arith.constant 0 : index
    tpu.barrier barrier_id(%barrier3A_24)
    %mul3A_25 = arith.constant 320 : i32
    %mul3A_26 = arith.muli %arg1, %mul3A_25 : i32
    %mul3A_27 = arith.constant 4 : i32
    %mul3A_28 = arith.muli %arg0, %mul3A_27 : i32
    %add3A_29 = arith.constant 0 : i32
    %add3A_30 = arith.addi %mul3A_28, %add3A_29 : i32
    %mul3A_31 = arith.constant 5120 : i32
    %mul3A_32 = arith.muli %add3A_30, %mul3A_31 : i32
    %mul3A_33 = arith.constant 320 : i32
    %mul3A_34 = arith.muli %arg1, %mul3A_33 : i32
    %add3A_35 = arith.addi %mul3A_32, %mul3A_34 : i32
    "tpu.region"() ({
      %run_scoped3A = tpu.sem_alloc : memref<!tpu.dma_semaphore, #tpu.memory_space<semaphore_mem>>
      %dma_start3A = arith.constant 0 : i32
      %dma_start3A_165 = tpu.memref_slice %arg7[%add3A_35, %dma_start3A] : memref<40960x128xf32, #tpu.memory_space<hbm>> -> memref<320x128xf32, #tpu.memory_space<hbm>>
      %dma_start3A_166 = arith.constant 0 : i32
      %dma_start3A_167 = tpu.memref_slice %arg13[%mul3A_26, %dma_start3A_166] : memref<5120x128xf32, #tpu.memory_space<vmem_shared>> -> memref<320x128xf32, #tpu.memory_space<vmem_shared>>
      tpu.enqueue_dma source(%dma_start3A_167 : memref<320x128xf32, #tpu.memory_space<vmem_shared>>) target(%dma_start3A_165 : memref<320x128xf32, #tpu.memory_space<hbm>>) target_semaphore(%run_scoped3A : memref<!tpu.dma_semaphore, #tpu.memory_space<semaphore_mem>>)
      %dma_wait3A = arith.constant 0 : i32
      %dma_wait3A_168 = tpu.memref_slice %arg7[%add3A_35, %dma_wait3A] : memref<40960x128xf32, #tpu.memory_space<hbm>> -> memref<320x128xf32, #tpu.memory_space<hbm>>
      %dma_wait3A_169 = arith.constant 0 : i32
      %dma_wait3A_170 = tpu.memref_slice %arg13[%mul3A_26, %dma_wait3A_169] : memref<5120x128xf32, #tpu.memory_space<vmem_shared>> -> memref<320x128xf32, #tpu.memory_space<vmem_shared>>
      tpu.wait_dma2 semaphore(%run_scoped3A : memref<!tpu.dma_semaphore, #tpu.memory_space<semaphore_mem>>) src(%dma_wait3A_170 : memref<320x128xf32, #tpu.memory_space<vmem_shared>>) dst(%dma_wait3A_168 : memref<320x128xf32, #tpu.memory_space<hbm>>)
      tpu.yield
    }) : () -> ()
    %add3A_36 = arith.constant 32 : i32
    %add3A_37 = arith.addi %add3A_36, %add3A : i32
    "tpu.region"() ({
      %run_scoped3A = tpu.sem_alloc : memref<!tpu.dma_semaphore, #tpu.memory_space<semaphore_mem>>
      %dma_start3A = arith.constant 0 : i32
      %dma_start3A_165 = arith.constant 0 : i32
      %dma_start3A_166 = tpu.memref_slice %arg3[%add3A_37, %dma_start3A, %dma_start3A_165] : memref<64x128x80xi32, #tpu.memory_space<hbm>> -> memref<1x128x80xi32, #tpu.memory_space<hbm>>
      %dma_start3A_167 = tpu.memref_squeeze %dma_start3A_166 : memref<1x128x80xi32, #tpu.memory_space<hbm>> -> memref<128x80xi32, #tpu.memory_space<hbm>>
      %dma_start3A_168 = arith.constant 0 : i32
      %dma_start3A_169 = arith.constant 0 : i32
      %dma_start3A_170 = tpu.memref_slice %arg3[%add3A_37, %dma_start3A_168, %dma_start3A_169] : memref<64x128x80xi32, #tpu.memory_space<hbm>> -> memref<1x128x80xi32, #tpu.memory_space<hbm>>
      %dma_start3A_171 = tpu.memref_squeeze %dma_start3A_170 : memref<1x128x80xi32, #tpu.memory_space<hbm>> -> memref<128x80xi32, #tpu.memory_space<hbm>>
      tpu.enqueue_dma source(%dma_start3A_171 : memref<128x80xi32, #tpu.memory_space<hbm>>) target(%arg8 : memref<128x80xi32, #tpu.memory_space<vmem>>) target_semaphore(%run_scoped3A : memref<!tpu.dma_semaphore, #tpu.memory_space<semaphore_mem>>)
      %dma_wait3A = arith.constant 0 : i32
      %dma_wait3A_172 = arith.constant 0 : i32
      %dma_wait3A_173 = tpu.memref_slice %arg3[%add3A_37, %dma_wait3A, %dma_wait3A_172] : memref<64x128x80xi32, #tpu.memory_space<hbm>> -> memref<1x128x80xi32, #tpu.memory_space<hbm>>
      %dma_wait3A_174 = tpu.memref_squeeze %dma_wait3A_173 : memref<1x128x80xi32, #tpu.memory_space<hbm>> -> memref<128x80xi32, #tpu.memory_space<hbm>>
      %dma_wait3A_175 = arith.constant 0 : i32
      %dma_wait3A_176 = arith.constant 0 : i32
      %dma_wait3A_177 = tpu.memref_slice %arg3[%add3A_37, %dma_wait3A_175, %dma_wait3A_176] : memref<64x128x80xi32, #tpu.memory_space<hbm>> -> memref<1x128x80xi32, #tpu.memory_space<hbm>>
      %dma_wait3A_178 = tpu.memref_squeeze %dma_wait3A_177 : memref<1x128x80xi32, #tpu.memory_space<hbm>> -> memref<128x80xi32, #tpu.memory_space<hbm>>
      tpu.wait_dma2 semaphore(%run_scoped3A : memref<!tpu.dma_semaphore, #tpu.memory_space<semaphore_mem>>) src(%dma_wait3A_178 : memref<128x80xi32, #tpu.memory_space<hbm>>) dst(%arg8 : memref<128x80xi32, #tpu.memory_space<vmem>>)
      tpu.yield
    }) : () -> ()
    %add3A_38 = arith.constant 0 : i32
    %add3A_39 = arith.addi %add3A_38, %add3A : i32
    "tpu.region"() ({
      %run_scoped3A = tpu.sem_alloc : memref<!tpu.dma_semaphore, #tpu.memory_space<semaphore_mem>>
      %dma_start3A = arith.constant 0 : i32
      %dma_start3A_165 = arith.constant 0 : i32
      %dma_start3A_166 = tpu.memref_slice %arg4[%add3A_39, %dma_start3A, %dma_start3A_165] : memref<64x128x80xi32, #tpu.memory_space<hbm>> -> memref<1x128x80xi32, #tpu.memory_space<hbm>>
      %dma_start3A_167 = tpu.memref_squeeze %dma_start3A_166 : memref<1x128x80xi32, #tpu.memory_space<hbm>> -> memref<128x80xi32, #tpu.memory_space<hbm>>
      %dma_start3A_168 = arith.constant 0 : i32
      %dma_start3A_169 = arith.constant 0 : i32
      %dma_start3A_170 = tpu.memref_slice %arg4[%add3A_39, %dma_start3A_168, %dma_start3A_169] : memref<64x128x80xi32, #tpu.memory_space<hbm>> -> memref<1x128x80xi32, #tpu.memory_space<hbm>>
      %dma_start3A_171 = tpu.memref_squeeze %dma_start3A_170 : memref<1x128x80xi32, #tpu.memory_space<hbm>> -> memref<128x80xi32, #tpu.memory_space<hbm>>
      tpu.enqueue_dma source(%dma_start3A_171 : memref<128x80xi32, #tpu.memory_space<hbm>>) target(%arg9 : memref<128x80xi32, #tpu.memory_space<vmem>>) target_semaphore(%run_scoped3A : memref<!tpu.dma_semaphore, #tpu.memory_space<semaphore_mem>>)
      %dma_wait3A = arith.constant 0 : i32
      %dma_wait3A_172 = arith.constant 0 : i32
      %dma_wait3A_173 = tpu.memref_slice %arg4[%add3A_39, %dma_wait3A, %dma_wait3A_172] : memref<64x128x80xi32, #tpu.memory_space<hbm>> -> memref<1x128x80xi32, #tpu.memory_space<hbm>>
      %dma_wait3A_174 = tpu.memref_squeeze %dma_wait3A_173 : memref<1x128x80xi32, #tpu.memory_space<hbm>> -> memref<128x80xi32, #tpu.memory_space<hbm>>
      %dma_wait3A_175 = arith.constant 0 : i32
      %dma_wait3A_176 = arith.constant 0 : i32
      %dma_wait3A_177 = tpu.memref_slice %arg4[%add3A_39, %dma_wait3A_175, %dma_wait3A_176] : memref<64x128x80xi32, #tpu.memory_space<hbm>> -> memref<1x128x80xi32, #tpu.memory_space<hbm>>
      %dma_wait3A_178 = tpu.memref_squeeze %dma_wait3A_177 : memref<1x128x80xi32, #tpu.memory_space<hbm>> -> memref<128x80xi32, #tpu.memory_space<hbm>>
      tpu.wait_dma2 semaphore(%run_scoped3A : memref<!tpu.dma_semaphore, #tpu.memory_space<semaphore_mem>>) src(%dma_wait3A_178 : memref<128x80xi32, #tpu.memory_space<hbm>>) dst(%arg9 : memref<128x80xi32, #tpu.memory_space<vmem>>)
      tpu.yield
    }) : () -> ()
    %add3A_40 = arith.constant 0 : i32
    %add3A_41 = arith.addi %add3A_40, %add3A : i32
    "tpu.region"() ({
      %run_scoped3A = tpu.sem_alloc : memref<!tpu.dma_semaphore, #tpu.memory_space<semaphore_mem>>
      %dma_start3A = arith.constant 0 : i32
      %dma_start3A_165 = tpu.memref_slice %arg5[%add3A_41, %dma_start3A] : memref<64x16xi32, #tpu.memory_space<hbm>> -> memref<1x16xi32, #tpu.memory_space<hbm>>
      %dma_start3A_166 = tpu.memref_squeeze %dma_start3A_165 : memref<1x16xi32, #tpu.memory_space<hbm>> -> memref<16xi32, #tpu.memory_space<hbm>>
      %dma_start3A_167 = arith.constant 0 : i32
      %dma_start3A_168 = tpu.memref_slice %arg5[%add3A_41, %dma_start3A_167] : memref<64x16xi32, #tpu.memory_space<hbm>> -> memref<1x16xi32, #tpu.memory_space<hbm>>
      %dma_start3A_169 = tpu.memref_squeeze %dma_start3A_168 : memref<1x16xi32, #tpu.memory_space<hbm>> -> memref<16xi32, #tpu.memory_space<hbm>>
      tpu.enqueue_dma source(%dma_start3A_169 : memref<16xi32, #tpu.memory_space<hbm>>) target(%arg10 : memref<16xi32, #tpu.memory_space<vmem>>) target_semaphore(%run_scoped3A : memref<!tpu.dma_semaphore, #tpu.memory_space<semaphore_mem>>)
      %dma_wait3A = arith.constant 0 : i32
      %dma_wait3A_170 = tpu.memref_slice %arg5[%add3A_41, %dma_wait3A] : memref<64x16xi32, #tpu.memory_space<hbm>> -> memref<1x16xi32, #tpu.memory_space<hbm>>
      %dma_wait3A_171 = tpu.memref_squeeze %dma_wait3A_170 : memref<1x16xi32, #tpu.memory_space<hbm>> -> memref<16xi32, #tpu.memory_space<hbm>>
      %dma_wait3A_172 = arith.constant 0 : i32
      %dma_wait3A_173 = tpu.memref_slice %arg5[%add3A_41, %dma_wait3A_172] : memref<64x16xi32, #tpu.memory_space<hbm>> -> memref<1x16xi32, #tpu.memory_space<hbm>>
      %dma_wait3A_174 = tpu.memref_squeeze %dma_wait3A_173 : memref<1x16xi32, #tpu.memory_space<hbm>> -> memref<16xi32, #tpu.memory_space<hbm>>
      tpu.wait_dma2 semaphore(%run_scoped3A : memref<!tpu.dma_semaphore, #tpu.memory_space<semaphore_mem>>) src(%dma_wait3A_174 : memref<16xi32, #tpu.memory_space<hbm>>) dst(%arg10 : memref<16xi32, #tpu.memory_space<vmem>>)
      tpu.yield
    }) : () -> ()
    %mul3A_42 = arith.constant 320 : i32
    %mul3A_43 = arith.muli %arg1, %mul3A_42 : i32
    "tpu.region"() ({
      %run_scoped3A = tpu.sem_alloc : memref<!tpu.dma_semaphore, #tpu.memory_space<semaphore_mem>>
      %dma_start3A = arith.constant 0 : i32
      %dma_start3A_165 = tpu.memref_slice %arg13[%mul3A_43, %dma_start3A] : memref<5120x128xf32, #tpu.memory_space<vmem_shared>> -> memref<320x128xf32, #tpu.memory_space<vmem_shared>>
      tpu.enqueue_dma source(%arg6 : memref<320x128xf32, #tpu.memory_space<hbm>>) target(%dma_start3A_165 : memref<320x128xf32, #tpu.memory_space<vmem_shared>>) target_semaphore(%run_scoped3A : memref<!tpu.dma_semaphore, #tpu.memory_space<semaphore_mem>>)
      %dma_wait3A = arith.constant 0 : i32
      %dma_wait3A_166 = tpu.memref_slice %arg13[%mul3A_43, %dma_wait3A] : memref<5120x128xf32, #tpu.memory_space<vmem_shared>> -> memref<320x128xf32, #tpu.memory_space<vmem_shared>>
      tpu.wait_dma2 semaphore(%run_scoped3A : memref<!tpu.dma_semaphore, #tpu.memory_space<semaphore_mem>>) src(%arg6 : memref<320x128xf32, #tpu.memory_space<hbm>>) dst(%dma_wait3A_166 : memref<320x128xf32, #tpu.memory_space<vmem_shared>>)
      tpu.yield
    }) : () -> ()
    %barrier3A_44 = arith.constant 0 : index
    tpu.barrier barrier_id(%barrier3A_44)
    %get3A_45 = arith.constant 0 : index
    %get3A_46 = tpu.vector_load %arg10[%get3A_45] {strides = array<i32>} : memref<16xi32, #tpu.memory_space<vmem>>, vector<16xi32>,
    %get3A_47 = vector.shape_cast %get3A_46 : vector<16xi32> to vector<16xi32>
    %slice3A_48 = vector.extract_strided_slice %get3A_47 {offsets = [0], sizes = [1], strides = [1]} : vector<16xi32> to vector<1xi32>
    %squeeze3A_49 = vector.extract %slice3A_48[0] : i32 from vector<1xi32>
    %slice3A_50 = vector.extract_strided_slice %get3A_47 {offsets = [1], sizes = [1], strides = [1]} : vector<16xi32> to vector<1xi32>
    %squeeze3A_51 = vector.extract %slice3A_50[0] : i32 from vector<1xi32>
    %gt3A_52 = arith.constant 0 : i32
    %gt3A_53 = arith.cmpi sgt, %squeeze3A_51, %gt3A_52 : i32
    %convert_element_type3A_54 = arith.extui %gt3A_53 : i1 to i32
    %cond3A_55 = arith.constant 0 : i32
    %cond3A_56 = arith.cmpi ne, %convert_element_type3A_54, %cond3A_55 : i32
    scf.if %cond3A_56 {
      %dma_start3A = arith.constant 0 : i32
      %dma_start3A_165 = tpu.memref_slice %arg8[%squeeze3A_49, %dma_start3A] : memref<128x80xi32, #tpu.memory_space<vmem>> -> memref<1x80xi32, #tpu.memory_space<vmem>>
      %dma_start3A_166 = tpu.memref_squeeze %dma_start3A_165 : memref<1x80xi32, #tpu.memory_space<vmem>> -> memref<80xi32, #tpu.memory_space<vmem>>
      %dma_start3A_167 = arith.constant 0 : i32
      %dma_start3A_168 = arith.constant 0 : i32
      %dma_start3A_169 = tpu.memref_slice %arg2[%dma_start3A_167, %dma_start3A_168] : memref<20000x128xf32, #tpu.memory_space<hbm>> -> memref<20000x128xf32, #tpu.memory_space<hbm>>
      tpu.enqueue_indirect_dma source(%dma_start3A_169 : memref<20000x128xf32, #tpu.memory_space<hbm>>) target(%arg11 : memref<80x128xf32, #tpu.memory_space<vmem>>) offsets(%dma_start3A_166 : memref<80xi32, #tpu.memory_space<vmem>>) semaphore(%arg14 : memref<!tpu.dma_semaphore, #tpu.memory_space<semaphore_mem>>)
    } else {
    }
    %while3A_57 = arith.constant 0 : i32
    %while3A_58 = arith.constant 0 : i32
    %while3A_59 = arith.subi %squeeze3A_51, %while3A_58 : i32
    %while3A_60 = arith.addi %while3A_58, %while3A_59 : i32
    %while3A_61 = arith.constant 1 : i32
    %while3A_62 = arith.divsi %while3A_59, %while3A_61 : i32
    %while3A_63 = arith.muli %while3A_62, %while3A_61 : i32
    %while3A_64 = arith.addi %while3A_58, %while3A_63 : i32
    %while3A_65 = arith.constant 1 : i32
    scf.for %while3A_165 = %while3A_58 to %while3A_64 step %while3A_65  : i32 {
      %mul3A_166 = arith.constant 2 : i32
      %mul3A_167 = arith.muli %mul3A_166, %while3A_165 : i32
      %add3A_168 = arith.addi %squeeze3A_49, %mul3A_167 : i32
      %dma_wait3A = arith.constant 0 : i32
      %dma_wait3A_169 = tpu.memref_slice %arg8[%add3A_168, %dma_wait3A] : memref<128x80xi32, #tpu.memory_space<vmem>> -> memref<1x80xi32, #tpu.memory_space<vmem>>
      %dma_wait3A_170 = tpu.memref_squeeze %dma_wait3A_169 : memref<1x80xi32, #tpu.memory_space<vmem>> -> memref<80xi32, #tpu.memory_space<vmem>>
      %dma_wait3A_171 = arith.constant 0 : i32
      %dma_wait3A_172 = arith.constant 0 : i32
      %dma_wait3A_173 = tpu.memref_slice %arg2[%dma_wait3A_171, %dma_wait3A_172] : memref<20000x128xf32, #tpu.memory_space<hbm>> -> memref<20000x128xf32, #tpu.memory_space<hbm>>
      tpu.wait_indirect_dma semaphore(%arg14 : memref<!tpu.dma_semaphore, #tpu.memory_space<semaphore_mem>>) src(%dma_wait3A_173 : memref<20000x128xf32, #tpu.memory_space<hbm>>) dst(%arg11 : memref<80x128xf32, #tpu.memory_space<vmem>>)
      %add3A_174 = arith.constant 1 : i32
      %add3A_175 = arith.addi %add3A_168, %add3A_174 : i32
      %dma_start3A = arith.constant 0 : i32
      %dma_start3A_176 = tpu.memref_slice %arg8[%add3A_175, %dma_start3A] : memref<128x80xi32, #tpu.memory_space<vmem>> -> memref<1x80xi32, #tpu.memory_space<vmem>>
      %dma_start3A_177 = tpu.memref_squeeze %dma_start3A_176 : memref<1x80xi32, #tpu.memory_space<vmem>> -> memref<80xi32, #tpu.memory_space<vmem>>
      %dma_start3A_178 = arith.constant 0 : i32
      %dma_start3A_179 = arith.constant 0 : i32
      %dma_start3A_180 = tpu.memref_slice %arg2[%dma_start3A_178, %dma_start3A_179] : memref<20000x128xf32, #tpu.memory_space<hbm>> -> memref<20000x128xf32, #tpu.memory_space<hbm>>
      tpu.enqueue_indirect_dma source(%dma_start3A_180 : memref<20000x128xf32, #tpu.memory_space<hbm>>) target(%arg12 : memref<80x128xf32, #tpu.memory_space<vmem>>) offsets(%dma_start3A_177 : memref<80xi32, #tpu.memory_space<vmem>>) semaphore(%arg15 : memref<!tpu.dma_semaphore, #tpu.memory_space<semaphore_mem>>)
      "tpu.region"() ({
        %run_scoped3A = tpu.sem_alloc : memref<!tpu.dma_semaphore, #tpu.memory_space<semaphore_mem>>
        %dma_start3A_196 = arith.constant 0 : i32
        %dma_start3A_197 = tpu.memref_slice %arg9[%add3A_168, %dma_start3A_196] : memref<128x80xi32, #tpu.memory_space<vmem>> -> memref<1x80xi32, #tpu.memory_space<vmem>>
        %dma_start3A_198 = tpu.memref_squeeze %dma_start3A_197 : memref<1x80xi32, #tpu.memory_space<vmem>> -> memref<80xi32, #tpu.memory_space<vmem>>
        %dma_start3A_199 = arith.constant 0 : i32
        %dma_start3A_200 = arith.constant 0 : i32
        %dma_start3A_201 = tpu.memref_slice %arg13[%dma_start3A_199, %dma_start3A_200] : memref<5120x128xf32, #tpu.memory_space<vmem_shared>> -> memref<5120x128xf32, #tpu.memory_space<vmem_shared>>
        tpu.enqueue_indirect_dma source(%arg11 : memref<80x128xf32, #tpu.memory_space<vmem>>) target(%dma_start3A_201 : memref<5120x128xf32, #tpu.memory_space<vmem_shared>>) offsets(%dma_start3A_198 : memref<80xi32, #tpu.memory_space<vmem>>) semaphore(%run_scoped3A : memref<!tpu.dma_semaphore, #tpu.memory_space<semaphore_mem>>) {add = true}
        %dma_wait3A_202 = arith.constant 0 : i32
        %dma_wait3A_203 = tpu.memref_slice %arg9[%add3A_168, %dma_wait3A_202] : memref<128x80xi32, #tpu.memory_space<vmem>> -> memref<1x80xi32, #tpu.memory_space<vmem>>
        %dma_wait3A_204 = tpu.memref_squeeze %dma_wait3A_203 : memref<1x80xi32, #tpu.memory_space<vmem>> -> memref<80xi32, #tpu.memory_space<vmem>>
        %dma_wait3A_205 = arith.constant 0 : i32
        %dma_wait3A_206 = arith.constant 0 : i32
        %dma_wait3A_207 = tpu.memref_slice %arg13[%dma_wait3A_205, %dma_wait3A_206] : memref<5120x128xf32, #tpu.memory_space<vmem_shared>> -> memref<5120x128xf32, #tpu.memory_space<vmem_shared>>
        tpu.wait_indirect_dma semaphore(%run_scoped3A : memref<!tpu.dma_semaphore, #tpu.memory_space<semaphore_mem>>) src(%arg11 : memref<80x128xf32, #tpu.memory_space<vmem>>) dst(%dma_wait3A_207 : memref<5120x128xf32, #tpu.memory_space<vmem_shared>>)
        tpu.yield
      }) : () -> ()
      %add3A_181 = arith.constant 1 : i32
      %add3A_182 = arith.addi %add3A_168, %add3A_181 : i32
      %dma_wait3A_183 = arith.constant 0 : i32
      %dma_wait3A_184 = tpu.memref_slice %arg8[%add3A_182, %dma_wait3A_183] : memref<128x80xi32, #tpu.memory_space<vmem>> -> memref<1x80xi32, #tpu.memory_space<vmem>>
      %dma_wait3A_185 = tpu.memref_squeeze %dma_wait3A_184 : memref<1x80xi32, #tpu.memory_space<vmem>> -> memref<80xi32, #tpu.memory_space<vmem>>
      %dma_wait3A_186 = arith.constant 0 : i32
      %dma_wait3A_187 = arith.constant 0 : i32
      %dma_wait3A_188 = tpu.memref_slice %arg2[%dma_wait3A_186, %dma_wait3A_187] : memref<20000x128xf32, #tpu.memory_space<hbm>> -> memref<20000x128xf32, #tpu.memory_space<hbm>>
      tpu.wait_indirect_dma semaphore(%arg15 : memref<!tpu.dma_semaphore, #tpu.memory_space<semaphore_mem>>) src(%dma_wait3A_188 : memref<20000x128xf32, #tpu.memory_space<hbm>>) dst(%arg12 : memref<80x128xf32, #tpu.memory_space<vmem>>)
      %add3A_189 = arith.constant 1 : i32
      %add3A_190 = arith.addi %while3A_165, %add3A_189 : i32
      %lt3A = arith.cmpi slt, %add3A_190, %squeeze3A_51 : i32
      %convert_element_type3A_191 = arith.extui %lt3A : i1 to i32
      %cond3A_192 = arith.constant 0 : i32
      %cond3A_193 = arith.cmpi ne, %convert_element_type3A_191, %cond3A_192 : i32
      scf.if %cond3A_193 {
        %add3A_196 = arith.constant 2 : i32
        %add3A_197 = arith.addi %add3A_168, %add3A_196 : i32
        %dma_start3A_198 = arith.constant 0 : i32
        %dma_start3A_199 = tpu.memref_slice %arg8[%add3A_197, %dma_start3A_198] : memref<128x80xi32, #tpu.memory_space<vmem>> -> memref<1x80xi32, #tpu.memory_space<vmem>>
        %dma_start3A_200 = tpu.memref_squeeze %dma_start3A_199 : memref<1x80xi32, #tpu.memory_space<vmem>> -> memref<80xi32, #tpu.memory_space<vmem>>
        %dma_start3A_201 = arith.constant 0 : i32
        %dma_start3A_202 = arith.constant 0 : i32
        %dma_start3A_203 = tpu.memref_slice %arg2[%dma_start3A_201, %dma_start3A_202] : memref<20000x128xf32, #tpu.memory_space<hbm>> -> memref<20000x128xf32, #tpu.memory_space<hbm>>
        tpu.enqueue_indirect_dma source(%dma_start3A_203 : memref<20000x128xf32, #tpu.memory_space<hbm>>) target(%arg11 : memref<80x128xf32, #tpu.memory_space<vmem>>) offsets(%dma_start3A_200 : memref<80xi32, #tpu.memory_space<vmem>>) semaphore(%arg14 : memref<!tpu.dma_semaphore, #tpu.memory_space<semaphore_mem>>)
      } else {
      }
      %add3A_194 = arith.constant 1 : i32
      %add3A_195 = arith.addi %add3A_168, %add3A_194 : i32
      "tpu.region"() ({
        %run_scoped3A = tpu.sem_alloc : memref<!tpu.dma_semaphore, #tpu.memory_space<semaphore_mem>>
        %dma_start3A_196 = arith.constant 0 : i32
        %dma_start3A_197 = tpu.memref_slice %arg9[%add3A_195, %dma_start3A_196] : memref<128x80xi32, #tpu.memory_space<vmem>> -> memref<1x80xi32, #tpu.memory_space<vmem>>
        %dma_start3A_198 = tpu.memref_squeeze %dma_start3A_197 : memref<1x80xi32, #tpu.memory_space<vmem>> -> memref<80xi32, #tpu.memory_space<vmem>>
        %dma_start3A_199 = arith.constant 0 : i32
        %dma_start3A_200 = arith.constant 0 : i32
        %dma_start3A_201 = tpu.memref_slice %arg13[%dma_start3A_199, %dma_start3A_200] : memref<5120x128xf32, #tpu.memory_space<vmem_shared>> -> memref<5120x128xf32, #tpu.memory_space<vmem_shared>>
        tpu.enqueue_indirect_dma source(%arg12 : memref<80x128xf32, #tpu.memory_space<vmem>>) target(%dma_start3A_201 : memref<5120x128xf32, #tpu.memory_space<vmem_shared>>) offsets(%dma_start3A_198 : memref<80xi32, #tpu.memory_space<vmem>>) semaphore(%run_scoped3A : memref<!tpu.dma_semaphore, #tpu.memory_space<semaphore_mem>>) {add = true}
        %dma_wait3A_202 = arith.constant 0 : i32
        %dma_wait3A_203 = tpu.memref_slice %arg9[%add3A_195, %dma_wait3A_202] : memref<128x80xi32, #tpu.memory_space<vmem>> -> memref<1x80xi32, #tpu.memory_space<vmem>>
        %dma_wait3A_204 = tpu.memref_squeeze %dma_wait3A_203 : memref<1x80xi32, #tpu.memory_space<vmem>> -> memref<80xi32, #tpu.memory_space<vmem>>
        %dma_wait3A_205 = arith.constant 0 : i32
        %dma_wait3A_206 = arith.constant 0 : i32
        %dma_wait3A_207 = tpu.memref_slice %arg13[%dma_wait3A_205, %dma_wait3A_206] : memref<5120x128xf32, #tpu.memory_space<vmem_shared>> -> memref<5120x128xf32, #tpu.memory_space<vmem_shared>>
        tpu.wait_indirect_dma semaphore(%run_scoped3A : memref<!tpu.dma_semaphore, #tpu.memory_space<semaphore_mem>>) src(%arg12 : memref<80x128xf32, #tpu.memory_space<vmem>>) dst(%dma_wait3A_207 : memref<5120x128xf32, #tpu.memory_space<vmem_shared>>)
        tpu.yield
      }) : () -> ()
    }
    %while3A_66 = arith.constant 1 : i32
    scf.for %while3A_165 = %while3A_64 to %while3A_60 step %while3A_66  : i32 {
      %mul3A_166 = arith.constant 2 : i32
      %mul3A_167 = arith.muli %mul3A_166, %while3A_165 : i32
      %add3A_168 = arith.addi %squeeze3A_49, %mul3A_167 : i32
      %dma_wait3A = arith.constant 0 : i32
      %dma_wait3A_169 = tpu.memref_slice %arg8[%add3A_168, %dma_wait3A] : memref<128x80xi32, #tpu.memory_space<vmem>> -> memref<1x80xi32, #tpu.memory_space<vmem>>
      %dma_wait3A_170 = tpu.memref_squeeze %dma_wait3A_169 : memref<1x80xi32, #tpu.memory_space<vmem>> -> memref<80xi32, #tpu.memory_space<vmem>>
      %dma_wait3A_171 = arith.constant 0 : i32
      %dma_wait3A_172 = arith.constant 0 : i32
      %dma_wait3A_173 = tpu.memref_slice %arg2[%dma_wait3A_171, %dma_wait3A_172] : memref<20000x128xf32, #tpu.memory_space<hbm>> -> memref<20000x128xf32, #tpu.memory_space<hbm>>
      tpu.wait_indirect_dma semaphore(%arg14 : memref<!tpu.dma_semaphore, #tpu.memory_space<semaphore_mem>>) src(%dma_wait3A_173 : memref<20000x128xf32, #tpu.memory_space<hbm>>) dst(%arg11 : memref<80x128xf32, #tpu.memory_space<vmem>>)
      %add3A_174 = arith.constant 1 : i32
      %add3A_175 = arith.addi %add3A_168, %add3A_174 : i32
      %dma_start3A = arith.constant 0 : i32
      %dma_start3A_176 = tpu.memref_slice %arg8[%add3A_175, %dma_start3A] : memref<128x80xi32, #tpu.memory_space<vmem>> -> memref<1x80xi32, #tpu.memory_space<vmem>>
      %dma_start3A_177 = tpu.memref_squeeze %dma_start3A_176 : memref<1x80xi32, #tpu.memory_space<vmem>> -> memref<80xi32, #tpu.memory_space<vmem>>
      %dma_start3A_178 = arith.constant 0 : i32
      %dma_start3A_179 = arith.constant 0 : i32
      %dma_start3A_180 = tpu.memref_slice %arg2[%dma_start3A_178, %dma_start3A_179] : memref<20000x128xf32, #tpu.memory_space<hbm>> -> memref<20000x128xf32, #tpu.memory_space<hbm>>
      tpu.enqueue_indirect_dma source(%dma_start3A_180 : memref<20000x128xf32, #tpu.memory_space<hbm>>) target(%arg12 : memref<80x128xf32, #tpu.memory_space<vmem>>) offsets(%dma_start3A_177 : memref<80xi32, #tpu.memory_space<vmem>>) semaphore(%arg15 : memref<!tpu.dma_semaphore, #tpu.memory_space<semaphore_mem>>)
      "tpu.region"() ({
        %run_scoped3A = tpu.sem_alloc : memref<!tpu.dma_semaphore, #tpu.memory_space<semaphore_mem>>
        %dma_start3A_196 = arith.constant 0 : i32
        %dma_start3A_197 = tpu.memref_slice %arg9[%add3A_168, %dma_start3A_196] : memref<128x80xi32, #tpu.memory_space<vmem>> -> memref<1x80xi32, #tpu.memory_space<vmem>>
        %dma_start3A_198 = tpu.memref_squeeze %dma_start3A_197 : memref<1x80xi32, #tpu.memory_space<vmem>> -> memref<80xi32, #tpu.memory_space<vmem>>
        %dma_start3A_199 = arith.constant 0 : i32
        %dma_start3A_200 = arith.constant 0 : i32
        %dma_start3A_201 = tpu.memref_slice %arg13[%dma_start3A_199, %dma_start3A_200] : memref<5120x128xf32, #tpu.memory_space<vmem_shared>> -> memref<5120x128xf32, #tpu.memory_space<vmem_shared>>
        tpu.enqueue_indirect_dma source(%arg11 : memref<80x128xf32, #tpu.memory_space<vmem>>) target(%dma_start3A_201 : memref<5120x128xf32, #tpu.memory_space<vmem_shared>>) offsets(%dma_start3A_198 : memref<80xi32, #tpu.memory_space<vmem>>) semaphore(%run_scoped3A : memref<!tpu.dma_semaphore, #tpu.memory_space<semaphore_mem>>) {add = true}
        %dma_wait3A_202 = arith.constant 0 : i32
        %dma_wait3A_203 = tpu.memref_slice %arg9[%add3A_168, %dma_wait3A_202] : memref<128x80xi32, #tpu.memory_space<vmem>> -> memref<1x80xi32, #tpu.memory_space<vmem>>
        %dma_wait3A_204 = tpu.memref_squeeze %dma_wait3A_203 : memref<1x80xi32, #tpu.memory_space<vmem>> -> memref<80xi32, #tpu.memory_space<vmem>>
        %dma_wait3A_205 = arith.constant 0 : i32
        %dma_wait3A_206 = arith.constant 0 : i32
        %dma_wait3A_207 = tpu.memref_slice %arg13[%dma_wait3A_205, %dma_wait3A_206] : memref<5120x128xf32, #tpu.memory_space<vmem_shared>> -> memref<5120x128xf32, #tpu.memory_space<vmem_shared>>
        tpu.wait_indirect_dma semaphore(%run_scoped3A : memref<!tpu.dma_semaphore, #tpu.memory_space<semaphore_mem>>) src(%arg11 : memref<80x128xf32, #tpu.memory_space<vmem>>) dst(%dma_wait3A_207 : memref<5120x128xf32, #tpu.memory_space<vmem_shared>>)
        tpu.yield
      }) : () -> ()
      %add3A_181 = arith.constant 1 : i32
      %add3A_182 = arith.addi %add3A_168, %add3A_181 : i32
      %dma_wait3A_183 = arith.constant 0 : i32
      %dma_wait3A_184 = tpu.memref_slice %arg8[%add3A_182, %dma_wait3A_183] : memref<128x80xi32, #tpu.memory_space<vmem>> -> memref<1x80xi32, #tpu.memory_space<vmem>>
      %dma_wait3A_185 = tpu.memref_squeeze %dma_wait3A_184 : memref<1x80xi32, #tpu.memory_space<vmem>> -> memref<80xi32, #tpu.memory_space<vmem>>
      %dma_wait3A_186 = arith.constant 0 : i32
      %dma_wait3A_187 = arith.constant 0 : i32
      %dma_wait3A_188 = tpu.memref_slice %arg2[%dma_wait3A_186, %dma_wait3A_187] : memref<20000x128xf32, #tpu.memory_space<hbm>> -> memref<20000x128xf32, #tpu.memory_space<hbm>>
      tpu.wait_indirect_dma semaphore(%arg15 : memref<!tpu.dma_semaphore, #tpu.memory_space<semaphore_mem>>) src(%dma_wait3A_188 : memref<20000x128xf32, #tpu.memory_space<hbm>>) dst(%arg12 : memref<80x128xf32, #tpu.memory_space<vmem>>)
      %add3A_189 = arith.constant 1 : i32
      %add3A_190 = arith.addi %while3A_165, %add3A_189 : i32
      %lt3A = arith.cmpi slt, %add3A_190, %squeeze3A_51 : i32
      %convert_element_type3A_191 = arith.extui %lt3A : i1 to i32
      %cond3A_192 = arith.constant 0 : i32
      %cond3A_193 = arith.cmpi ne, %convert_element_type3A_191, %cond3A_192 : i32
      scf.if %cond3A_193 {
        %add3A_196 = arith.constant 2 : i32
        %add3A_197 = arith.addi %add3A_168, %add3A_196 : i32
        %dma_start3A_198 = arith.constant 0 : i32
        %dma_start3A_199 = tpu.memref_slice %arg8[%add3A_197, %dma_start3A_198] : memref<128x80xi32, #tpu.memory_space<vmem>> -> memref<1x80xi32, #tpu.memory_space<vmem>>
        %dma_start3A_200 = tpu.memref_squeeze %dma_start3A_199 : memref<1x80xi32, #tpu.memory_space<vmem>> -> memref<80xi32, #tpu.memory_space<vmem>>
        %dma_start3A_201 = arith.constant 0 : i32
        %dma_start3A_202 = arith.constant 0 : i32
        %dma_start3A_203 = tpu.memref_slice %arg2[%dma_start3A_201, %dma_start3A_202] : memref<20000x128xf32, #tpu.memory_space<hbm>> -> memref<20000x128xf32, #tpu.memory_space<hbm>>
        tpu.enqueue_indirect_dma source(%dma_start3A_203 : memref<20000x128xf32, #tpu.memory_space<hbm>>) target(%arg11 : memref<80x128xf32, #tpu.memory_space<vmem>>) offsets(%dma_start3A_200 : memref<80xi32, #tpu.memory_space<vmem>>) semaphore(%arg14 : memref<!tpu.dma_semaphore, #tpu.memory_space<semaphore_mem>>)
      } else {
      }
      %add3A_194 = arith.constant 1 : i32
      %add3A_195 = arith.addi %add3A_168, %add3A_194 : i32
      "tpu.region"() ({
        %run_scoped3A = tpu.sem_alloc : memref<!tpu.dma_semaphore, #tpu.memory_space<semaphore_mem>>
        %dma_start3A_196 = arith.constant 0 : i32
        %dma_start3A_197 = tpu.memref_slice %arg9[%add3A_195, %dma_start3A_196] : memref<128x80xi32, #tpu.memory_space<vmem>> -> memref<1x80xi32, #tpu.memory_space<vmem>>
        %dma_start3A_198 = tpu.memref_squeeze %dma_start3A_197 : memref<1x80xi32, #tpu.memory_space<vmem>> -> memref<80xi32, #tpu.memory_space<vmem>>
        %dma_start3A_199 = arith.constant 0 : i32
        %dma_start3A_200 = arith.constant 0 : i32
        %dma_start3A_201 = tpu.memref_slice %arg13[%dma_start3A_199, %dma_start3A_200] : memref<5120x128xf32, #tpu.memory_space<vmem_shared>> -> memref<5120x128xf32, #tpu.memory_space<vmem_shared>>
        tpu.enqueue_indirect_dma source(%arg12 : memref<80x128xf32, #tpu.memory_space<vmem>>) target(%dma_start3A_201 : memref<5120x128xf32, #tpu.memory_space<vmem_shared>>) offsets(%dma_start3A_198 : memref<80xi32, #tpu.memory_space<vmem>>) semaphore(%run_scoped3A : memref<!tpu.dma_semaphore, #tpu.memory_space<semaphore_mem>>) {add = true}
        %dma_wait3A_202 = arith.constant 0 : i32
        %dma_wait3A_203 = tpu.memref_slice %arg9[%add3A_195, %dma_wait3A_202] : memref<128x80xi32, #tpu.memory_space<vmem>> -> memref<1x80xi32, #tpu.memory_space<vmem>>
        %dma_wait3A_204 = tpu.memref_squeeze %dma_wait3A_203 : memref<1x80xi32, #tpu.memory_space<vmem>> -> memref<80xi32, #tpu.memory_space<vmem>>
        %dma_wait3A_205 = arith.constant 0 : i32
        %dma_wait3A_206 = arith.constant 0 : i32
        %dma_wait3A_207 = tpu.memref_slice %arg13[%dma_wait3A_205, %dma_wait3A_206] : memref<5120x128xf32, #tpu.memory_space<vmem_shared>> -> memref<5120x128xf32, #tpu.memory_space<vmem_shared>>
        tpu.wait_indirect_dma semaphore(%run_scoped3A : memref<!tpu.dma_semaphore, #tpu.memory_space<semaphore_mem>>) src(%arg12 : memref<80x128xf32, #tpu.memory_space<vmem>>) dst(%dma_wait3A_207 : memref<5120x128xf32, #tpu.memory_space<vmem_shared>>)
        tpu.yield
      }) : () -> ()
    }
    %barrier3A_67 = arith.constant 0 : index
    tpu.barrier barrier_id(%barrier3A_67)
    %mul3A_68 = arith.constant 320 : i32
    %mul3A_69 = arith.muli %arg1, %mul3A_68 : i32
    %mul3A_70 = arith.constant 4 : i32
    %mul3A_71 = arith.muli %arg0, %mul3A_70 : i32
    %add3A_72 = arith.constant 1 : i32
    %add3A_73 = arith.addi %mul3A_71, %add3A_72 : i32
    %mul3A_74 = arith.constant 5120 : i32
    %mul3A_75 = arith.muli %add3A_73, %mul3A_74 : i32
    %mul3A_76 = arith.constant 320 : i32
    %mul3A_77 = arith.muli %arg1, %mul3A_76 : i32
    %add3A_78 = arith.addi %mul3A_75, %mul3A_77 : i32
    "tpu.region"() ({
      %run_scoped3A = tpu.sem_alloc : memref<!tpu.dma_semaphore, #tpu.memory_space<semaphore_mem>>
      %dma_start3A = arith.constant 0 : i32
      %dma_start3A_165 = tpu.memref_slice %arg7[%add3A_78, %dma_start3A] : memref<40960x128xf32, #tpu.memory_space<hbm>> -> memref<320x128xf32, #tpu.memory_space<hbm>>
      %dma_start3A_166 = arith.constant 0 : i32
      %dma_start3A_167 = tpu.memref_slice %arg13[%mul3A_69, %dma_start3A_166] : memref<5120x128xf32, #tpu.memory_space<vmem_shared>> -> memref<320x128xf32, #tpu.memory_space<vmem_shared>>
      tpu.enqueue_dma source(%dma_start3A_167 : memref<320x128xf32, #tpu.memory_space<vmem_shared>>) target(%dma_start3A_165 : memref<320x128xf32, #tpu.memory_space<hbm>>) target_semaphore(%run_scoped3A : memref<!tpu.dma_semaphore, #tpu.memory_space<semaphore_mem>>)
      %dma_wait3A = arith.constant 0 : i32
      %dma_wait3A_168 = tpu.memref_slice %arg7[%add3A_78, %dma_wait3A] : memref<40960x128xf32, #tpu.memory_space<hbm>> -> memref<320x128xf32, #tpu.memory_space<hbm>>
      %dma_wait3A_169 = arith.constant 0 : i32
      %dma_wait3A_170 = tpu.memref_slice %arg13[%mul3A_69, %dma_wait3A_169] : memref<5120x128xf32, #tpu.memory_space<vmem_shared>> -> memref<320x128xf32, #tpu.memory_space<vmem_shared>>
      tpu.wait_dma2 semaphore(%run_scoped3A : memref<!tpu.dma_semaphore, #tpu.memory_space<semaphore_mem>>) src(%dma_wait3A_170 : memref<320x128xf32, #tpu.memory_space<vmem_shared>>) dst(%dma_wait3A_168 : memref<320x128xf32, #tpu.memory_space<hbm>>)
      tpu.yield
    }) : () -> ()
    %add3A_79 = arith.constant 0 : i32
    %add3A_80 = arith.addi %add3A_79, %add3A : i32
    "tpu.region"() ({
      %run_scoped3A = tpu.sem_alloc : memref<!tpu.dma_semaphore, #tpu.memory_space<semaphore_mem>>
      %dma_start3A = arith.constant 0 : i32
      %dma_start3A_165 = arith.constant 0 : i32
      %dma_start3A_166 = tpu.memref_slice %arg3[%add3A_80, %dma_start3A, %dma_start3A_165] : memref<64x128x80xi32, #tpu.memory_space<hbm>> -> memref<1x128x80xi32, #tpu.memory_space<hbm>>
      %dma_start3A_167 = tpu.memref_squeeze %dma_start3A_166 : memref<1x128x80xi32, #tpu.memory_space<hbm>> -> memref<128x80xi32, #tpu.memory_space<hbm>>
      %dma_start3A_168 = arith.constant 0 : i32
      %dma_start3A_169 = arith.constant 0 : i32
      %dma_start3A_170 = tpu.memref_slice %arg3[%add3A_80, %dma_start3A_168, %dma_start3A_169] : memref<64x128x80xi32, #tpu.memory_space<hbm>> -> memref<1x128x80xi32, #tpu.memory_space<hbm>>
      %dma_start3A_171 = tpu.memref_squeeze %dma_start3A_170 : memref<1x128x80xi32, #tpu.memory_space<hbm>> -> memref<128x80xi32, #tpu.memory_space<hbm>>
      tpu.enqueue_dma source(%dma_start3A_171 : memref<128x80xi32, #tpu.memory_space<hbm>>) target(%arg8 : memref<128x80xi32, #tpu.memory_space<vmem>>) target_semaphore(%run_scoped3A : memref<!tpu.dma_semaphore, #tpu.memory_space<semaphore_mem>>)
      %dma_wait3A = arith.constant 0 : i32
      %dma_wait3A_172 = arith.constant 0 : i32
      %dma_wait3A_173 = tpu.memref_slice %arg3[%add3A_80, %dma_wait3A, %dma_wait3A_172] : memref<64x128x80xi32, #tpu.memory_space<hbm>> -> memref<1x128x80xi32, #tpu.memory_space<hbm>>
      %dma_wait3A_174 = tpu.memref_squeeze %dma_wait3A_173 : memref<1x128x80xi32, #tpu.memory_space<hbm>> -> memref<128x80xi32, #tpu.memory_space<hbm>>
      %dma_wait3A_175 = arith.constant 0 : i32
      %dma_wait3A_176 = arith.constant 0 : i32
      %dma_wait3A_177 = tpu.memref_slice %arg3[%add3A_80, %dma_wait3A_175, %dma_wait3A_176] : memref<64x128x80xi32, #tpu.memory_space<hbm>> -> memref<1x128x80xi32, #tpu.memory_space<hbm>>
      %dma_wait3A_178 = tpu.memref_squeeze %dma_wait3A_177 : memref<1x128x80xi32, #tpu.memory_space<hbm>> -> memref<128x80xi32, #tpu.memory_space<hbm>>
      tpu.wait_dma2 semaphore(%run_scoped3A : memref<!tpu.dma_semaphore, #tpu.memory_space<semaphore_mem>>) src(%dma_wait3A_178 : memref<128x80xi32, #tpu.memory_space<hbm>>) dst(%arg8 : memref<128x80xi32, #tpu.memory_space<vmem>>)
      tpu.yield
    }) : () -> ()
    %add3A_81 = arith.constant 32 : i32
    %add3A_82 = arith.addi %add3A_81, %add3A : i32
    "tpu.region"() ({
      %run_scoped3A = tpu.sem_alloc : memref<!tpu.dma_semaphore, #tpu.memory_space<semaphore_mem>>
      %dma_start3A = arith.constant 0 : i32
      %dma_start3A_165 = arith.constant 0 : i32
      %dma_start3A_166 = tpu.memref_slice %arg4[%add3A_82, %dma_start3A, %dma_start3A_165] : memref<64x128x80xi32, #tpu.memory_space<hbm>> -> memref<1x128x80xi32, #tpu.memory_space<hbm>>
      %dma_start3A_167 = tpu.memref_squeeze %dma_start3A_166 : memref<1x128x80xi32, #tpu.memory_space<hbm>> -> memref<128x80xi32, #tpu.memory_space<hbm>>
      %dma_start3A_168 = arith.constant 0 : i32
      %dma_start3A_169 = arith.constant 0 : i32
      %dma_start3A_170 = tpu.memref_slice %arg4[%add3A_82, %dma_start3A_168, %dma_start3A_169] : memref<64x128x80xi32, #tpu.memory_space<hbm>> -> memref<1x128x80xi32, #tpu.memory_space<hbm>>
      %dma_start3A_171 = tpu.memref_squeeze %dma_start3A_170 : memref<1x128x80xi32, #tpu.memory_space<hbm>> -> memref<128x80xi32, #tpu.memory_space<hbm>>
      tpu.enqueue_dma source(%dma_start3A_171 : memref<128x80xi32, #tpu.memory_space<hbm>>) target(%arg9 : memref<128x80xi32, #tpu.memory_space<vmem>>) target_semaphore(%run_scoped3A : memref<!tpu.dma_semaphore, #tpu.memory_space<semaphore_mem>>)
      %dma_wait3A = arith.constant 0 : i32
      %dma_wait3A_172 = arith.constant 0 : i32
      %dma_wait3A_173 = tpu.memref_slice %arg4[%add3A_82, %dma_wait3A, %dma_wait3A_172] : memref<64x128x80xi32, #tpu.memory_space<hbm>> -> memref<1x128x80xi32, #tpu.memory_space<hbm>>
      %dma_wait3A_174 = tpu.memref_squeeze %dma_wait3A_173 : memref<1x128x80xi32, #tpu.memory_space<hbm>> -> memref<128x80xi32, #tpu.memory_space<hbm>>
      %dma_wait3A_175 = arith.constant 0 : i32
      %dma_wait3A_176 = arith.constant 0 : i32
      %dma_wait3A_177 = tpu.memref_slice %arg4[%add3A_82, %dma_wait3A_175, %dma_wait3A_176] : memref<64x128x80xi32, #tpu.memory_space<hbm>> -> memref<1x128x80xi32, #tpu.memory_space<hbm>>
      %dma_wait3A_178 = tpu.memref_squeeze %dma_wait3A_177 : memref<1x128x80xi32, #tpu.memory_space<hbm>> -> memref<128x80xi32, #tpu.memory_space<hbm>>
      tpu.wait_dma2 semaphore(%run_scoped3A : memref<!tpu.dma_semaphore, #tpu.memory_space<semaphore_mem>>) src(%dma_wait3A_178 : memref<128x80xi32, #tpu.memory_space<hbm>>) dst(%arg9 : memref<128x80xi32, #tpu.memory_space<vmem>>)
      tpu.yield
    }) : () -> ()
    %add3A_83 = arith.constant 32 : i32
    %add3A_84 = arith.addi %add3A_83, %add3A : i32
    "tpu.region"() ({
      %run_scoped3A = tpu.sem_alloc : memref<!tpu.dma_semaphore, #tpu.memory_space<semaphore_mem>>
      %dma_start3A = arith.constant 0 : i32
      %dma_start3A_165 = tpu.memref_slice %arg5[%add3A_84, %dma_start3A] : memref<64x16xi32, #tpu.memory_space<hbm>> -> memref<1x16xi32, #tpu.memory_space<hbm>>
      %dma_start3A_166 = tpu.memref_squeeze %dma_start3A_165 : memref<1x16xi32, #tpu.memory_space<hbm>> -> memref<16xi32, #tpu.memory_space<hbm>>
      %dma_start3A_167 = arith.constant 0 : i32
      %dma_start3A_168 = tpu.memref_slice %arg5[%add3A_84, %dma_start3A_167] : memref<64x16xi32, #tpu.memory_space<hbm>> -> memref<1x16xi32, #tpu.memory_space<hbm>>
      %dma_start3A_169 = tpu.memref_squeeze %dma_start3A_168 : memref<1x16xi32, #tpu.memory_space<hbm>> -> memref<16xi32, #tpu.memory_space<hbm>>
      tpu.enqueue_dma source(%dma_start3A_169 : memref<16xi32, #tpu.memory_space<hbm>>) target(%arg10 : memref<16xi32, #tpu.memory_space<vmem>>) target_semaphore(%run_scoped3A : memref<!tpu.dma_semaphore, #tpu.memory_space<semaphore_mem>>)
      %dma_wait3A = arith.constant 0 : i32
      %dma_wait3A_170 = tpu.memref_slice %arg5[%add3A_84, %dma_wait3A] : memref<64x16xi32, #tpu.memory_space<hbm>> -> memref<1x16xi32, #tpu.memory_space<hbm>>
      %dma_wait3A_171 = tpu.memref_squeeze %dma_wait3A_170 : memref<1x16xi32, #tpu.memory_space<hbm>> -> memref<16xi32, #tpu.memory_space<hbm>>
      %dma_wait3A_172 = arith.constant 0 : i32
      %dma_wait3A_173 = tpu.memref_slice %arg5[%add3A_84, %dma_wait3A_172] : memref<64x16xi32, #tpu.memory_space<hbm>> -> memref<1x16xi32, #tpu.memory_space<hbm>>
      %dma_wait3A_174 = tpu.memref_squeeze %dma_wait3A_173 : memref<1x16xi32, #tpu.memory_space<hbm>> -> memref<16xi32, #tpu.memory_space<hbm>>
      tpu.wait_dma2 semaphore(%run_scoped3A : memref<!tpu.dma_semaphore, #tpu.memory_space<semaphore_mem>>) src(%dma_wait3A_174 : memref<16xi32, #tpu.memory_space<hbm>>) dst(%arg10 : memref<16xi32, #tpu.memory_space<vmem>>)
      tpu.yield
    }) : () -> ()
    %mul3A_85 = arith.constant 320 : i32
    %mul3A_86 = arith.muli %arg1, %mul3A_85 : i32
    "tpu.region"() ({
      %run_scoped3A = tpu.sem_alloc : memref<!tpu.dma_semaphore, #tpu.memory_space<semaphore_mem>>
      %dma_start3A = arith.constant 0 : i32
      %dma_start3A_165 = tpu.memref_slice %arg13[%mul3A_86, %dma_start3A] : memref<5120x128xf32, #tpu.memory_space<vmem_shared>> -> memref<320x128xf32, #tpu.memory_space<vmem_shared>>
      tpu.enqueue_dma source(%arg6 : memref<320x128xf32, #tpu.memory_space<hbm>>) target(%dma_start3A_165 : memref<320x128xf32, #tpu.memory_space<vmem_shared>>) target_semaphore(%run_scoped3A : memref<!tpu.dma_semaphore, #tpu.memory_space<semaphore_mem>>)
      %dma_wait3A = arith.constant 0 : i32
      %dma_wait3A_166 = tpu.memref_slice %arg13[%mul3A_86, %dma_wait3A] : memref<5120x128xf32, #tpu.memory_space<vmem_shared>> -> memref<320x128xf32, #tpu.memory_space<vmem_shared>>
      tpu.wait_dma2 semaphore(%run_scoped3A : memref<!tpu.dma_semaphore, #tpu.memory_space<semaphore_mem>>) src(%arg6 : memref<320x128xf32, #tpu.memory_space<hbm>>) dst(%dma_wait3A_166 : memref<320x128xf32, #tpu.memory_space<vmem_shared>>)
      tpu.yield
    }) : () -> ()
    %barrier3A_87 = arith.constant 0 : index
    tpu.barrier barrier_id(%barrier3A_87)
    %get3A_88 = arith.constant 0 : index
    %get3A_89 = tpu.vector_load %arg10[%get3A_88] {strides = array<i32>} : memref<16xi32, #tpu.memory_space<vmem>>, vector<16xi32>,
    %get3A_90 = vector.shape_cast %get3A_89 : vector<16xi32> to vector<16xi32>
    %slice3A_91 = vector.extract_strided_slice %get3A_90 {offsets = [0], sizes = [1], strides = [1]} : vector<16xi32> to vector<1xi32>
    %squeeze3A_92 = vector.extract %slice3A_91[0] : i32 from vector<1xi32>
    %slice3A_93 = vector.extract_strided_slice %get3A_90 {offsets = [1], sizes = [1], strides = [1]} : vector<16xi32> to vector<1xi32>
    %squeeze3A_94 = vector.extract %slice3A_93[0] : i32 from vector<1xi32>
    %gt3A_95 = arith.constant 0 : i32
    %gt3A_96 = arith.cmpi sgt, %squeeze3A_94, %gt3A_95 : i32
    %convert_element_type3A_97 = arith.extui %gt3A_96 : i1 to i32
    %cond3A_98 = arith.constant 0 : i32
    %cond3A_99 = arith.cmpi ne, %convert_element_type3A_97, %cond3A_98 : i32
    scf.if %cond3A_99 {
      %dma_start3A = arith.constant 0 : i32
      %dma_start3A_165 = tpu.memref_slice %arg8[%squeeze3A_92, %dma_start3A] : memref<128x80xi32, #tpu.memory_space<vmem>> -> memref<1x80xi32, #tpu.memory_space<vmem>>
      %dma_start3A_166 = tpu.memref_squeeze %dma_start3A_165 : memref<1x80xi32, #tpu.memory_space<vmem>> -> memref<80xi32, #tpu.memory_space<vmem>>
      %dma_start3A_167 = arith.constant 0 : i32
      %dma_start3A_168 = arith.constant 0 : i32
      %dma_start3A_169 = tpu.memref_slice %arg2[%dma_start3A_167, %dma_start3A_168] : memref<20000x128xf32, #tpu.memory_space<hbm>> -> memref<20000x128xf32, #tpu.memory_space<hbm>>
      tpu.enqueue_indirect_dma source(%dma_start3A_169 : memref<20000x128xf32, #tpu.memory_space<hbm>>) target(%arg11 : memref<80x128xf32, #tpu.memory_space<vmem>>) offsets(%dma_start3A_166 : memref<80xi32, #tpu.memory_space<vmem>>) semaphore(%arg14 : memref<!tpu.dma_semaphore, #tpu.memory_space<semaphore_mem>>)
    } else {
    }
    %while3A_100 = arith.constant 0 : i32
    %while3A_101 = arith.constant 0 : i32
    %while3A_102 = arith.subi %squeeze3A_94, %while3A_101 : i32
    %while3A_103 = arith.addi %while3A_101, %while3A_102 : i32
    %while3A_104 = arith.constant 1 : i32
    %while3A_105 = arith.divsi %while3A_102, %while3A_104 : i32
    %while3A_106 = arith.muli %while3A_105, %while3A_104 : i32
    %while3A_107 = arith.addi %while3A_101, %while3A_106 : i32
    %while3A_108 = arith.constant 1 : i32
    scf.for %while3A_165 = %while3A_101 to %while3A_107 step %while3A_108  : i32 {
      %mul3A_166 = arith.constant 2 : i32
      %mul3A_167 = arith.muli %mul3A_166, %while3A_165 : i32
      %add3A_168 = arith.addi %squeeze3A_92, %mul3A_167 : i32
      %dma_wait3A = arith.constant 0 : i32
      %dma_wait3A_169 = tpu.memref_slice %arg8[%add3A_168, %dma_wait3A] : memref<128x80xi32, #tpu.memory_space<vmem>> -> memref<1x80xi32, #tpu.memory_space<vmem>>
      %dma_wait3A_170 = tpu.memref_squeeze %dma_wait3A_169 : memref<1x80xi32, #tpu.memory_space<vmem>> -> memref<80xi32, #tpu.memory_space<vmem>>
      %dma_wait3A_171 = arith.constant 0 : i32
      %dma_wait3A_172 = arith.constant 0 : i32
      %dma_wait3A_173 = tpu.memref_slice %arg2[%dma_wait3A_171, %dma_wait3A_172] : memref<20000x128xf32, #tpu.memory_space<hbm>> -> memref<20000x128xf32, #tpu.memory_space<hbm>>
      tpu.wait_indirect_dma semaphore(%arg14 : memref<!tpu.dma_semaphore, #tpu.memory_space<semaphore_mem>>) src(%dma_wait3A_173 : memref<20000x128xf32, #tpu.memory_space<hbm>>) dst(%arg11 : memref<80x128xf32, #tpu.memory_space<vmem>>)
      %add3A_174 = arith.constant 1 : i32
      %add3A_175 = arith.addi %add3A_168, %add3A_174 : i32
      %dma_start3A = arith.constant 0 : i32
      %dma_start3A_176 = tpu.memref_slice %arg8[%add3A_175, %dma_start3A] : memref<128x80xi32, #tpu.memory_space<vmem>> -> memref<1x80xi32, #tpu.memory_space<vmem>>
      %dma_start3A_177 = tpu.memref_squeeze %dma_start3A_176 : memref<1x80xi32, #tpu.memory_space<vmem>> -> memref<80xi32, #tpu.memory_space<vmem>>
      %dma_start3A_178 = arith.constant 0 : i32
      %dma_start3A_179 = arith.constant 0 : i32
      %dma_start3A_180 = tpu.memref_slice %arg2[%dma_start3A_178, %dma_start3A_179] : memref<20000x128xf32, #tpu.memory_space<hbm>> -> memref<20000x128xf32, #tpu.memory_space<hbm>>
      tpu.enqueue_indirect_dma source(%dma_start3A_180 : memref<20000x128xf32, #tpu.memory_space<hbm>>) target(%arg12 : memref<80x128xf32, #tpu.memory_space<vmem>>) offsets(%dma_start3A_177 : memref<80xi32, #tpu.memory_space<vmem>>) semaphore(%arg15 : memref<!tpu.dma_semaphore, #tpu.memory_space<semaphore_mem>>)
      "tpu.region"() ({
        %run_scoped3A = tpu.sem_alloc : memref<!tpu.dma_semaphore, #tpu.memory_space<semaphore_mem>>
        %dma_start3A_196 = arith.constant 0 : i32
        %dma_start3A_197 = tpu.memref_slice %arg9[%add3A_168, %dma_start3A_196] : memref<128x80xi32, #tpu.memory_space<vmem>> -> memref<1x80xi32, #tpu.memory_space<vmem>>
        %dma_start3A_198 = tpu.memref_squeeze %dma_start3A_197 : memref<1x80xi32, #tpu.memory_space<vmem>> -> memref<80xi32, #tpu.memory_space<vmem>>
        %dma_start3A_199 = arith.constant 0 : i32
        %dma_start3A_200 = arith.constant 0 : i32
        %dma_start3A_201 = tpu.memref_slice %arg13[%dma_start3A_199, %dma_start3A_200] : memref<5120x128xf32, #tpu.memory_space<vmem_shared>> -> memref<5120x128xf32, #tpu.memory_space<vmem_shared>>
        tpu.enqueue_indirect_dma source(%arg11 : memref<80x128xf32, #tpu.memory_space<vmem>>) target(%dma_start3A_201 : memref<5120x128xf32, #tpu.memory_space<vmem_shared>>) offsets(%dma_start3A_198 : memref<80xi32, #tpu.memory_space<vmem>>) semaphore(%run_scoped3A : memref<!tpu.dma_semaphore, #tpu.memory_space<semaphore_mem>>) {add = true}
        %dma_wait3A_202 = arith.constant 0 : i32
        %dma_wait3A_203 = tpu.memref_slice %arg9[%add3A_168, %dma_wait3A_202] : memref<128x80xi32, #tpu.memory_space<vmem>> -> memref<1x80xi32, #tpu.memory_space<vmem>>
        %dma_wait3A_204 = tpu.memref_squeeze %dma_wait3A_203 : memref<1x80xi32, #tpu.memory_space<vmem>> -> memref<80xi32, #tpu.memory_space<vmem>>
        %dma_wait3A_205 = arith.constant 0 : i32
        %dma_wait3A_206 = arith.constant 0 : i32
        %dma_wait3A_207 = tpu.memref_slice %arg13[%dma_wait3A_205, %dma_wait3A_206] : memref<5120x128xf32, #tpu.memory_space<vmem_shared>> -> memref<5120x128xf32, #tpu.memory_space<vmem_shared>>
        tpu.wait_indirect_dma semaphore(%run_scoped3A : memref<!tpu.dma_semaphore, #tpu.memory_space<semaphore_mem>>) src(%arg11 : memref<80x128xf32, #tpu.memory_space<vmem>>) dst(%dma_wait3A_207 : memref<5120x128xf32, #tpu.memory_space<vmem_shared>>)
        tpu.yield
      }) : () -> ()
      %add3A_181 = arith.constant 1 : i32
      %add3A_182 = arith.addi %add3A_168, %add3A_181 : i32
      %dma_wait3A_183 = arith.constant 0 : i32
      %dma_wait3A_184 = tpu.memref_slice %arg8[%add3A_182, %dma_wait3A_183] : memref<128x80xi32, #tpu.memory_space<vmem>> -> memref<1x80xi32, #tpu.memory_space<vmem>>
      %dma_wait3A_185 = tpu.memref_squeeze %dma_wait3A_184 : memref<1x80xi32, #tpu.memory_space<vmem>> -> memref<80xi32, #tpu.memory_space<vmem>>
      %dma_wait3A_186 = arith.constant 0 : i32
      %dma_wait3A_187 = arith.constant 0 : i32
      %dma_wait3A_188 = tpu.memref_slice %arg2[%dma_wait3A_186, %dma_wait3A_187] : memref<20000x128xf32, #tpu.memory_space<hbm>> -> memref<20000x128xf32, #tpu.memory_space<hbm>>
      tpu.wait_indirect_dma semaphore(%arg15 : memref<!tpu.dma_semaphore, #tpu.memory_space<semaphore_mem>>) src(%dma_wait3A_188 : memref<20000x128xf32, #tpu.memory_space<hbm>>) dst(%arg12 : memref<80x128xf32, #tpu.memory_space<vmem>>)
      %add3A_189 = arith.constant 1 : i32
      %add3A_190 = arith.addi %while3A_165, %add3A_189 : i32
      %lt3A = arith.cmpi slt, %add3A_190, %squeeze3A_94 : i32
      %convert_element_type3A_191 = arith.extui %lt3A : i1 to i32
      %cond3A_192 = arith.constant 0 : i32
      %cond3A_193 = arith.cmpi ne, %convert_element_type3A_191, %cond3A_192 : i32
      scf.if %cond3A_193 {
        %add3A_196 = arith.constant 2 : i32
        %add3A_197 = arith.addi %add3A_168, %add3A_196 : i32
        %dma_start3A_198 = arith.constant 0 : i32
        %dma_start3A_199 = tpu.memref_slice %arg8[%add3A_197, %dma_start3A_198] : memref<128x80xi32, #tpu.memory_space<vmem>> -> memref<1x80xi32, #tpu.memory_space<vmem>>
        %dma_start3A_200 = tpu.memref_squeeze %dma_start3A_199 : memref<1x80xi32, #tpu.memory_space<vmem>> -> memref<80xi32, #tpu.memory_space<vmem>>
        %dma_start3A_201 = arith.constant 0 : i32
        %dma_start3A_202 = arith.constant 0 : i32
        %dma_start3A_203 = tpu.memref_slice %arg2[%dma_start3A_201, %dma_start3A_202] : memref<20000x128xf32, #tpu.memory_space<hbm>> -> memref<20000x128xf32, #tpu.memory_space<hbm>>
        tpu.enqueue_indirect_dma source(%dma_start3A_203 : memref<20000x128xf32, #tpu.memory_space<hbm>>) target(%arg11 : memref<80x128xf32, #tpu.memory_space<vmem>>) offsets(%dma_start3A_200 : memref<80xi32, #tpu.memory_space<vmem>>) semaphore(%arg14 : memref<!tpu.dma_semaphore, #tpu.memory_space<semaphore_mem>>)
      } else {
      }
      %add3A_194 = arith.constant 1 : i32
      %add3A_195 = arith.addi %add3A_168, %add3A_194 : i32
      "tpu.region"() ({
        %run_scoped3A = tpu.sem_alloc : memref<!tpu.dma_semaphore, #tpu.memory_space<semaphore_mem>>
        %dma_start3A_196 = arith.constant 0 : i32
        %dma_start3A_197 = tpu.memref_slice %arg9[%add3A_195, %dma_start3A_196] : memref<128x80xi32, #tpu.memory_space<vmem>> -> memref<1x80xi32, #tpu.memory_space<vmem>>
        %dma_start3A_198 = tpu.memref_squeeze %dma_start3A_197 : memref<1x80xi32, #tpu.memory_space<vmem>> -> memref<80xi32, #tpu.memory_space<vmem>>
        %dma_start3A_199 = arith.constant 0 : i32
        %dma_start3A_200 = arith.constant 0 : i32
        %dma_start3A_201 = tpu.memref_slice %arg13[%dma_start3A_199, %dma_start3A_200] : memref<5120x128xf32, #tpu.memory_space<vmem_shared>> -> memref<5120x128xf32, #tpu.memory_space<vmem_shared>>
        tpu.enqueue_indirect_dma source(%arg12 : memref<80x128xf32, #tpu.memory_space<vmem>>) target(%dma_start3A_201 : memref<5120x128xf32, #tpu.memory_space<vmem_shared>>) offsets(%dma_start3A_198 : memref<80xi32, #tpu.memory_space<vmem>>) semaphore(%run_scoped3A : memref<!tpu.dma_semaphore, #tpu.memory_space<semaphore_mem>>) {add = true}
        %dma_wait3A_202 = arith.constant 0 : i32
        %dma_wait3A_203 = tpu.memref_slice %arg9[%add3A_195, %dma_wait3A_202] : memref<128x80xi32, #tpu.memory_space<vmem>> -> memref<1x80xi32, #tpu.memory_space<vmem>>
        %dma_wait3A_204 = tpu.memref_squeeze %dma_wait3A_203 : memref<1x80xi32, #tpu.memory_space<vmem>> -> memref<80xi32, #tpu.memory_space<vmem>>
        %dma_wait3A_205 = arith.constant 0 : i32
        %dma_wait3A_206 = arith.constant 0 : i32
        %dma_wait3A_207 = tpu.memref_slice %arg13[%dma_wait3A_205, %dma_wait3A_206] : memref<5120x128xf32, #tpu.memory_space<vmem_shared>> -> memref<5120x128xf32, #tpu.memory_space<vmem_shared>>
        tpu.wait_indirect_dma semaphore(%run_scoped3A : memref<!tpu.dma_semaphore, #tpu.memory_space<semaphore_mem>>) src(%arg12 : memref<80x128xf32, #tpu.memory_space<vmem>>) dst(%dma_wait3A_207 : memref<5120x128xf32, #tpu.memory_space<vmem_shared>>)
        tpu.yield
      }) : () -> ()
    }
    %while3A_109 = arith.constant 1 : i32
    scf.for %while3A_165 = %while3A_107 to %while3A_103 step %while3A_109  : i32 {
      %mul3A_166 = arith.constant 2 : i32
      %mul3A_167 = arith.muli %mul3A_166, %while3A_165 : i32
      %add3A_168 = arith.addi %squeeze3A_92, %mul3A_167 : i32
      %dma_wait3A = arith.constant 0 : i32
      %dma_wait3A_169 = tpu.memref_slice %arg8[%add3A_168, %dma_wait3A] : memref<128x80xi32, #tpu.memory_space<vmem>> -> memref<1x80xi32, #tpu.memory_space<vmem>>
      %dma_wait3A_170 = tpu.memref_squeeze %dma_wait3A_169 : memref<1x80xi32, #tpu.memory_space<vmem>> -> memref<80xi32, #tpu.memory_space<vmem>>
      %dma_wait3A_171 = arith.constant 0 : i32
      %dma_wait3A_172 = arith.constant 0 : i32
      %dma_wait3A_173 = tpu.memref_slice %arg2[%dma_wait3A_171, %dma_wait3A_172] : memref<20000x128xf32, #tpu.memory_space<hbm>> -> memref<20000x128xf32, #tpu.memory_space<hbm>>
      tpu.wait_indirect_dma semaphore(%arg14 : memref<!tpu.dma_semaphore, #tpu.memory_space<semaphore_mem>>) src(%dma_wait3A_173 : memref<20000x128xf32, #tpu.memory_space<hbm>>) dst(%arg11 : memref<80x128xf32, #tpu.memory_space<vmem>>)
      %add3A_174 = arith.constant 1 : i32
      %add3A_175 = arith.addi %add3A_168, %add3A_174 : i32
      %dma_start3A = arith.constant 0 : i32
      %dma_start3A_176 = tpu.memref_slice %arg8[%add3A_175, %dma_start3A] : memref<128x80xi32, #tpu.memory_space<vmem>> -> memref<1x80xi32, #tpu.memory_space<vmem>>
      %dma_start3A_177 = tpu.memref_squeeze %dma_start3A_176 : memref<1x80xi32, #tpu.memory_space<vmem>> -> memref<80xi32, #tpu.memory_space<vmem>>
      %dma_start3A_178 = arith.constant 0 : i32
      %dma_start3A_179 = arith.constant 0 : i32
      %dma_start3A_180 = tpu.memref_slice %arg2[%dma_start3A_178, %dma_start3A_179] : memref<20000x128xf32, #tpu.memory_space<hbm>> -> memref<20000x128xf32, #tpu.memory_space<hbm>>
      tpu.enqueue_indirect_dma source(%dma_start3A_180 : memref<20000x128xf32, #tpu.memory_space<hbm>>) target(%arg12 : memref<80x128xf32, #tpu.memory_space<vmem>>) offsets(%dma_start3A_177 : memref<80xi32, #tpu.memory_space<vmem>>) semaphore(%arg15 : memref<!tpu.dma_semaphore, #tpu.memory_space<semaphore_mem>>)
      "tpu.region"() ({
        %run_scoped3A = tpu.sem_alloc : memref<!tpu.dma_semaphore, #tpu.memory_space<semaphore_mem>>
        %dma_start3A_196 = arith.constant 0 : i32
        %dma_start3A_197 = tpu.memref_slice %arg9[%add3A_168, %dma_start3A_196] : memref<128x80xi32, #tpu.memory_space<vmem>> -> memref<1x80xi32, #tpu.memory_space<vmem>>
        %dma_start3A_198 = tpu.memref_squeeze %dma_start3A_197 : memref<1x80xi32, #tpu.memory_space<vmem>> -> memref<80xi32, #tpu.memory_space<vmem>>
        %dma_start3A_199 = arith.constant 0 : i32
        %dma_start3A_200 = arith.constant 0 : i32
        %dma_start3A_201 = tpu.memref_slice %arg13[%dma_start3A_199, %dma_start3A_200] : memref<5120x128xf32, #tpu.memory_space<vmem_shared>> -> memref<5120x128xf32, #tpu.memory_space<vmem_shared>>
        tpu.enqueue_indirect_dma source(%arg11 : memref<80x128xf32, #tpu.memory_space<vmem>>) target(%dma_start3A_201 : memref<5120x128xf32, #tpu.memory_space<vmem_shared>>) offsets(%dma_start3A_198 : memref<80xi32, #tpu.memory_space<vmem>>) semaphore(%run_scoped3A : memref<!tpu.dma_semaphore, #tpu.memory_space<semaphore_mem>>) {add = true}
        %dma_wait3A_202 = arith.constant 0 : i32
        %dma_wait3A_203 = tpu.memref_slice %arg9[%add3A_168, %dma_wait3A_202] : memref<128x80xi32, #tpu.memory_space<vmem>> -> memref<1x80xi32, #tpu.memory_space<vmem>>
        %dma_wait3A_204 = tpu.memref_squeeze %dma_wait3A_203 : memref<1x80xi32, #tpu.memory_space<vmem>> -> memref<80xi32, #tpu.memory_space<vmem>>
        %dma_wait3A_205 = arith.constant 0 : i32
        %dma_wait3A_206 = arith.constant 0 : i32
        %dma_wait3A_207 = tpu.memref_slice %arg13[%dma_wait3A_205, %dma_wait3A_206] : memref<5120x128xf32, #tpu.memory_space<vmem_shared>> -> memref<5120x128xf32, #tpu.memory_space<vmem_shared>>
        tpu.wait_indirect_dma semaphore(%run_scoped3A : memref<!tpu.dma_semaphore, #tpu.memory_space<semaphore_mem>>) src(%arg11 : memref<80x128xf32, #tpu.memory_space<vmem>>) dst(%dma_wait3A_207 : memref<5120x128xf32, #tpu.memory_space<vmem_shared>>)
        tpu.yield
      }) : () -> ()
      %add3A_181 = arith.constant 1 : i32
      %add3A_182 = arith.addi %add3A_168, %add3A_181 : i32
      %dma_wait3A_183 = arith.constant 0 : i32
      %dma_wait3A_184 = tpu.memref_slice %arg8[%add3A_182, %dma_wait3A_183] : memref<128x80xi32, #tpu.memory_space<vmem>> -> memref<1x80xi32, #tpu.memory_space<vmem>>
      %dma_wait3A_185 = tpu.memref_squeeze %dma_wait3A_184 : memref<1x80xi32, #tpu.memory_space<vmem>> -> memref<80xi32, #tpu.memory_space<vmem>>
      %dma_wait3A_186 = arith.constant 0 : i32
      %dma_wait3A_187 = arith.constant 0 : i32
      %dma_wait3A_188 = tpu.memref_slice %arg2[%dma_wait3A_186, %dma_wait3A_187] : memref<20000x128xf32, #tpu.memory_space<hbm>> -> memref<20000x128xf32, #tpu.memory_space<hbm>>
      tpu.wait_indirect_dma semaphore(%arg15 : memref<!tpu.dma_semaphore, #tpu.memory_space<semaphore_mem>>) src(%dma_wait3A_188 : memref<20000x128xf32, #tpu.memory_space<hbm>>) dst(%arg12 : memref<80x128xf32, #tpu.memory_space<vmem>>)
      %add3A_189 = arith.constant 1 : i32
      %add3A_190 = arith.addi %while3A_165, %add3A_189 : i32
      %lt3A = arith.cmpi slt, %add3A_190, %squeeze3A_94 : i32
      %convert_element_type3A_191 = arith.extui %lt3A : i1 to i32
      %cond3A_192 = arith.constant 0 : i32
      %cond3A_193 = arith.cmpi ne, %convert_element_type3A_191, %cond3A_192 : i32
      scf.if %cond3A_193 {
        %add3A_196 = arith.constant 2 : i32
        %add3A_197 = arith.addi %add3A_168, %add3A_196 : i32
        %dma_start3A_198 = arith.constant 0 : i32
        %dma_start3A_199 = tpu.memref_slice %arg8[%add3A_197, %dma_start3A_198] : memref<128x80xi32, #tpu.memory_space<vmem>> -> memref<1x80xi32, #tpu.memory_space<vmem>>
        %dma_start3A_200 = tpu.memref_squeeze %dma_start3A_199 : memref<1x80xi32, #tpu.memory_space<vmem>> -> memref<80xi32, #tpu.memory_space<vmem>>
        %dma_start3A_201 = arith.constant 0 : i32
        %dma_start3A_202 = arith.constant 0 : i32
        %dma_start3A_203 = tpu.memref_slice %arg2[%dma_start3A_201, %dma_start3A_202] : memref<20000x128xf32, #tpu.memory_space<hbm>> -> memref<20000x128xf32, #tpu.memory_space<hbm>>
        tpu.enqueue_indirect_dma source(%dma_start3A_203 : memref<20000x128xf32, #tpu.memory_space<hbm>>) target(%arg11 : memref<80x128xf32, #tpu.memory_space<vmem>>) offsets(%dma_start3A_200 : memref<80xi32, #tpu.memory_space<vmem>>) semaphore(%arg14 : memref<!tpu.dma_semaphore, #tpu.memory_space<semaphore_mem>>)
      } else {
      }
      %add3A_194 = arith.constant 1 : i32
      %add3A_195 = arith.addi %add3A_168, %add3A_194 : i32
      "tpu.region"() ({
        %run_scoped3A = tpu.sem_alloc : memref<!tpu.dma_semaphore, #tpu.memory_space<semaphore_mem>>
        %dma_start3A_196 = arith.constant 0 : i32
        %dma_start3A_197 = tpu.memref_slice %arg9[%add3A_195, %dma_start3A_196] : memref<128x80xi32, #tpu.memory_space<vmem>> -> memref<1x80xi32, #tpu.memory_space<vmem>>
        %dma_start3A_198 = tpu.memref_squeeze %dma_start3A_197 : memref<1x80xi32, #tpu.memory_space<vmem>> -> memref<80xi32, #tpu.memory_space<vmem>>
        %dma_start3A_199 = arith.constant 0 : i32
        %dma_start3A_200 = arith.constant 0 : i32
        %dma_start3A_201 = tpu.memref_slice %arg13[%dma_start3A_199, %dma_start3A_200] : memref<5120x128xf32, #tpu.memory_space<vmem_shared>> -> memref<5120x128xf32, #tpu.memory_space<vmem_shared>>
        tpu.enqueue_indirect_dma source(%arg12 : memref<80x128xf32, #tpu.memory_space<vmem>>) target(%dma_start3A_201 : memref<5120x128xf32, #tpu.memory_space<vmem_shared>>) offsets(%dma_start3A_198 : memref<80xi32, #tpu.memory_space<vmem>>) semaphore(%run_scoped3A : memref<!tpu.dma_semaphore, #tpu.memory_space<semaphore_mem>>) {add = true}
        %dma_wait3A_202 = arith.constant 0 : i32
        %dma_wait3A_203 = tpu.memref_slice %arg9[%add3A_195, %dma_wait3A_202] : memref<128x80xi32, #tpu.memory_space<vmem>> -> memref<1x80xi32, #tpu.memory_space<vmem>>
        %dma_wait3A_204 = tpu.memref_squeeze %dma_wait3A_203 : memref<1x80xi32, #tpu.memory_space<vmem>> -> memref<80xi32, #tpu.memory_space<vmem>>
        %dma_wait3A_205 = arith.constant 0 : i32
        %dma_wait3A_206 = arith.constant 0 : i32
        %dma_wait3A_207 = tpu.memref_slice %arg13[%dma_wait3A_205, %dma_wait3A_206] : memref<5120x128xf32, #tpu.memory_space<vmem_shared>> -> memref<5120x128xf32, #tpu.memory_space<vmem_shared>>
        tpu.wait_indirect_dma semaphore(%run_scoped3A : memref<!tpu.dma_semaphore, #tpu.memory_space<semaphore_mem>>) src(%arg12 : memref<80x128xf32, #tpu.memory_space<vmem>>) dst(%dma_wait3A_207 : memref<5120x128xf32, #tpu.memory_space<vmem_shared>>)
        tpu.yield
      }) : () -> ()
    }
    %barrier3A_110 = arith.constant 0 : index
    tpu.barrier barrier_id(%barrier3A_110)
    %mul3A_111 = arith.constant 320 : i32
    %mul3A_112 = arith.muli %arg1, %mul3A_111 : i32
    %mul3A_113 = arith.constant 4 : i32
    %mul3A_114 = arith.muli %arg0, %mul3A_113 : i32
    %add3A_115 = arith.constant 2 : i32
    %add3A_116 = arith.addi %mul3A_114, %add3A_115 : i32
    %mul3A_117 = arith.constant 5120 : i32
    %mul3A_118 = arith.muli %add3A_116, %mul3A_117 : i32
    %mul3A_119 = arith.constant 320 : i32
    %mul3A_120 = arith.muli %arg1, %mul3A_119 : i32
    %add3A_121 = arith.addi %mul3A_118, %mul3A_120 : i32
    "tpu.region"() ({
      %run_scoped3A = tpu.sem_alloc : memref<!tpu.dma_semaphore, #tpu.memory_space<semaphore_mem>>
      %dma_start3A = arith.constant 0 : i32
      %dma_start3A_165 = tpu.memref_slice %arg7[%add3A_121, %dma_start3A] : memref<40960x128xf32, #tpu.memory_space<hbm>> -> memref<320x128xf32, #tpu.memory_space<hbm>>
      %dma_start3A_166 = arith.constant 0 : i32
      %dma_start3A_167 = tpu.memref_slice %arg13[%mul3A_112, %dma_start3A_166] : memref<5120x128xf32, #tpu.memory_space<vmem_shared>> -> memref<320x128xf32, #tpu.memory_space<vmem_shared>>
      tpu.enqueue_dma source(%dma_start3A_167 : memref<320x128xf32, #tpu.memory_space<vmem_shared>>) target(%dma_start3A_165 : memref<320x128xf32, #tpu.memory_space<hbm>>) target_semaphore(%run_scoped3A : memref<!tpu.dma_semaphore, #tpu.memory_space<semaphore_mem>>)
      %dma_wait3A = arith.constant 0 : i32
      %dma_wait3A_168 = tpu.memref_slice %arg7[%add3A_121, %dma_wait3A] : memref<40960x128xf32, #tpu.memory_space<hbm>> -> memref<320x128xf32, #tpu.memory_space<hbm>>
      %dma_wait3A_169 = arith.constant 0 : i32
      %dma_wait3A_170 = tpu.memref_slice %arg13[%mul3A_112, %dma_wait3A_169] : memref<5120x128xf32, #tpu.memory_space<vmem_shared>> -> memref<320x128xf32, #tpu.memory_space<vmem_shared>>
      tpu.wait_dma2 semaphore(%run_scoped3A : memref<!tpu.dma_semaphore, #tpu.memory_space<semaphore_mem>>) src(%dma_wait3A_170 : memref<320x128xf32, #tpu.memory_space<vmem_shared>>) dst(%dma_wait3A_168 : memref<320x128xf32, #tpu.memory_space<hbm>>)
      tpu.yield
    }) : () -> ()
    %add3A_122 = arith.constant 32 : i32
    %add3A_123 = arith.addi %add3A_122, %add3A : i32
    "tpu.region"() ({
      %run_scoped3A = tpu.sem_alloc : memref<!tpu.dma_semaphore, #tpu.memory_space<semaphore_mem>>
      %dma_start3A = arith.constant 0 : i32
      %dma_start3A_165 = arith.constant 0 : i32
      %dma_start3A_166 = tpu.memref_slice %arg3[%add3A_123, %dma_start3A, %dma_start3A_165] : memref<64x128x80xi32, #tpu.memory_space<hbm>> -> memref<1x128x80xi32, #tpu.memory_space<hbm>>
      %dma_start3A_167 = tpu.memref_squeeze %dma_start3A_166 : memref<1x128x80xi32, #tpu.memory_space<hbm>> -> memref<128x80xi32, #tpu.memory_space<hbm>>
      %dma_start3A_168 = arith.constant 0 : i32
      %dma_start3A_169 = arith.constant 0 : i32
      %dma_start3A_170 = tpu.memref_slice %arg3[%add3A_123, %dma_start3A_168, %dma_start3A_169] : memref<64x128x80xi32, #tpu.memory_space<hbm>> -> memref<1x128x80xi32, #tpu.memory_space<hbm>>
      %dma_start3A_171 = tpu.memref_squeeze %dma_start3A_170 : memref<1x128x80xi32, #tpu.memory_space<hbm>> -> memref<128x80xi32, #tpu.memory_space<hbm>>
      tpu.enqueue_dma source(%dma_start3A_171 : memref<128x80xi32, #tpu.memory_space<hbm>>) target(%arg8 : memref<128x80xi32, #tpu.memory_space<vmem>>) target_semaphore(%run_scoped3A : memref<!tpu.dma_semaphore, #tpu.memory_space<semaphore_mem>>)
      %dma_wait3A = arith.constant 0 : i32
      %dma_wait3A_172 = arith.constant 0 : i32
      %dma_wait3A_173 = tpu.memref_slice %arg3[%add3A_123, %dma_wait3A, %dma_wait3A_172] : memref<64x128x80xi32, #tpu.memory_space<hbm>> -> memref<1x128x80xi32, #tpu.memory_space<hbm>>
      %dma_wait3A_174 = tpu.memref_squeeze %dma_wait3A_173 : memref<1x128x80xi32, #tpu.memory_space<hbm>> -> memref<128x80xi32, #tpu.memory_space<hbm>>
      %dma_wait3A_175 = arith.constant 0 : i32
      %dma_wait3A_176 = arith.constant 0 : i32
      %dma_wait3A_177 = tpu.memref_slice %arg3[%add3A_123, %dma_wait3A_175, %dma_wait3A_176] : memref<64x128x80xi32, #tpu.memory_space<hbm>> -> memref<1x128x80xi32, #tpu.memory_space<hbm>>
      %dma_wait3A_178 = tpu.memref_squeeze %dma_wait3A_177 : memref<1x128x80xi32, #tpu.memory_space<hbm>> -> memref<128x80xi32, #tpu.memory_space<hbm>>
      tpu.wait_dma2 semaphore(%run_scoped3A : memref<!tpu.dma_semaphore, #tpu.memory_space<semaphore_mem>>) src(%dma_wait3A_178 : memref<128x80xi32, #tpu.memory_space<hbm>>) dst(%arg8 : memref<128x80xi32, #tpu.memory_space<vmem>>)
      tpu.yield
    }) : () -> ()
    %add3A_124 = arith.constant 32 : i32
    %add3A_125 = arith.addi %add3A_124, %add3A : i32
    "tpu.region"() ({
      %run_scoped3A = tpu.sem_alloc : memref<!tpu.dma_semaphore, #tpu.memory_space<semaphore_mem>>
      %dma_start3A = arith.constant 0 : i32
      %dma_start3A_165 = arith.constant 0 : i32
      %dma_start3A_166 = tpu.memref_slice %arg4[%add3A_125, %dma_start3A, %dma_start3A_165] : memref<64x128x80xi32, #tpu.memory_space<hbm>> -> memref<1x128x80xi32, #tpu.memory_space<hbm>>
      %dma_start3A_167 = tpu.memref_squeeze %dma_start3A_166 : memref<1x128x80xi32, #tpu.memory_space<hbm>> -> memref<128x80xi32, #tpu.memory_space<hbm>>
      %dma_start3A_168 = arith.constant 0 : i32
      %dma_start3A_169 = arith.constant 0 : i32
      %dma_start3A_170 = tpu.memref_slice %arg4[%add3A_125, %dma_start3A_168, %dma_start3A_169] : memref<64x128x80xi32, #tpu.memory_space<hbm>> -> memref<1x128x80xi32, #tpu.memory_space<hbm>>
      %dma_start3A_171 = tpu.memref_squeeze %dma_start3A_170 : memref<1x128x80xi32, #tpu.memory_space<hbm>> -> memref<128x80xi32, #tpu.memory_space<hbm>>
      tpu.enqueue_dma source(%dma_start3A_171 : memref<128x80xi32, #tpu.memory_space<hbm>>) target(%arg9 : memref<128x80xi32, #tpu.memory_space<vmem>>) target_semaphore(%run_scoped3A : memref<!tpu.dma_semaphore, #tpu.memory_space<semaphore_mem>>)
      %dma_wait3A = arith.constant 0 : i32
      %dma_wait3A_172 = arith.constant 0 : i32
      %dma_wait3A_173 = tpu.memref_slice %arg4[%add3A_125, %dma_wait3A, %dma_wait3A_172] : memref<64x128x80xi32, #tpu.memory_space<hbm>> -> memref<1x128x80xi32, #tpu.memory_space<hbm>>
      %dma_wait3A_174 = tpu.memref_squeeze %dma_wait3A_173 : memref<1x128x80xi32, #tpu.memory_space<hbm>> -> memref<128x80xi32, #tpu.memory_space<hbm>>
      %dma_wait3A_175 = arith.constant 0 : i32
      %dma_wait3A_176 = arith.constant 0 : i32
      %dma_wait3A_177 = tpu.memref_slice %arg4[%add3A_125, %dma_wait3A_175, %dma_wait3A_176] : memref<64x128x80xi32, #tpu.memory_space<hbm>> -> memref<1x128x80xi32, #tpu.memory_space<hbm>>
      %dma_wait3A_178 = tpu.memref_squeeze %dma_wait3A_177 : memref<1x128x80xi32, #tpu.memory_space<hbm>> -> memref<128x80xi32, #tpu.memory_space<hbm>>
      tpu.wait_dma2 semaphore(%run_scoped3A : memref<!tpu.dma_semaphore, #tpu.memory_space<semaphore_mem>>) src(%dma_wait3A_178 : memref<128x80xi32, #tpu.memory_space<hbm>>) dst(%arg9 : memref<128x80xi32, #tpu.memory_space<vmem>>)
      tpu.yield
    }) : () -> ()
    %add3A_126 = arith.constant 32 : i32
    %add3A_127 = arith.addi %add3A_126, %add3A : i32
    "tpu.region"() ({
      %run_scoped3A = tpu.sem_alloc : memref<!tpu.dma_semaphore, #tpu.memory_space<semaphore_mem>>
      %dma_start3A = arith.constant 0 : i32
      %dma_start3A_165 = tpu.memref_slice %arg5[%add3A_127, %dma_start3A] : memref<64x16xi32, #tpu.memory_space<hbm>> -> memref<1x16xi32, #tpu.memory_space<hbm>>
      %dma_start3A_166 = tpu.memref_squeeze %dma_start3A_165 : memref<1x16xi32, #tpu.memory_space<hbm>> -> memref<16xi32, #tpu.memory_space<hbm>>
      %dma_start3A_167 = arith.constant 0 : i32
      %dma_start3A_168 = tpu.memref_slice %arg5[%add3A_127, %dma_start3A_167] : memref<64x16xi32, #tpu.memory_space<hbm>> -> memref<1x16xi32, #tpu.memory_space<hbm>>
      %dma_start3A_169 = tpu.memref_squeeze %dma_start3A_168 : memref<1x16xi32, #tpu.memory_space<hbm>> -> memref<16xi32, #tpu.memory_space<hbm>>
      tpu.enqueue_dma source(%dma_start3A_169 : memref<16xi32, #tpu.memory_space<hbm>>) target(%arg10 : memref<16xi32, #tpu.memory_space<vmem>>) target_semaphore(%run_scoped3A : memref<!tpu.dma_semaphore, #tpu.memory_space<semaphore_mem>>)
      %dma_wait3A = arith.constant 0 : i32
      %dma_wait3A_170 = tpu.memref_slice %arg5[%add3A_127, %dma_wait3A] : memref<64x16xi32, #tpu.memory_space<hbm>> -> memref<1x16xi32, #tpu.memory_space<hbm>>
      %dma_wait3A_171 = tpu.memref_squeeze %dma_wait3A_170 : memref<1x16xi32, #tpu.memory_space<hbm>> -> memref<16xi32, #tpu.memory_space<hbm>>
      %dma_wait3A_172 = arith.constant 0 : i32
      %dma_wait3A_173 = tpu.memref_slice %arg5[%add3A_127, %dma_wait3A_172] : memref<64x16xi32, #tpu.memory_space<hbm>> -> memref<1x16xi32, #tpu.memory_space<hbm>>
      %dma_wait3A_174 = tpu.memref_squeeze %dma_wait3A_173 : memref<1x16xi32, #tpu.memory_space<hbm>> -> memref<16xi32, #tpu.memory_space<hbm>>
      tpu.wait_dma2 semaphore(%run_scoped3A : memref<!tpu.dma_semaphore, #tpu.memory_space<semaphore_mem>>) src(%dma_wait3A_174 : memref<16xi32, #tpu.memory_space<hbm>>) dst(%arg10 : memref<16xi32, #tpu.memory_space<vmem>>)
      tpu.yield
    }) : () -> ()
    %mul3A_128 = arith.constant 320 : i32
    %mul3A_129 = arith.muli %arg1, %mul3A_128 : i32
    "tpu.region"() ({
      %run_scoped3A = tpu.sem_alloc : memref<!tpu.dma_semaphore, #tpu.memory_space<semaphore_mem>>
      %dma_start3A = arith.constant 0 : i32
      %dma_start3A_165 = tpu.memref_slice %arg13[%mul3A_129, %dma_start3A] : memref<5120x128xf32, #tpu.memory_space<vmem_shared>> -> memref<320x128xf32, #tpu.memory_space<vmem_shared>>
      tpu.enqueue_dma source(%arg6 : memref<320x128xf32, #tpu.memory_space<hbm>>) target(%dma_start3A_165 : memref<320x128xf32, #tpu.memory_space<vmem_shared>>) target_semaphore(%run_scoped3A : memref<!tpu.dma_semaphore, #tpu.memory_space<semaphore_mem>>)
      %dma_wait3A = arith.constant 0 : i32
      %dma_wait3A_166 = tpu.memref_slice %arg13[%mul3A_129, %dma_wait3A] : memref<5120x128xf32, #tpu.memory_space<vmem_shared>> -> memref<320x128xf32, #tpu.memory_space<vmem_shared>>
      tpu.wait_dma2 semaphore(%run_scoped3A : memref<!tpu.dma_semaphore, #tpu.memory_space<semaphore_mem>>) src(%arg6 : memref<320x128xf32, #tpu.memory_space<hbm>>) dst(%dma_wait3A_166 : memref<320x128xf32, #tpu.memory_space<vmem_shared>>)
      tpu.yield
    }) : () -> ()
    %barrier3A_130 = arith.constant 0 : index
    tpu.barrier barrier_id(%barrier3A_130)
    %get3A_131 = arith.constant 0 : index
    %get3A_132 = tpu.vector_load %arg10[%get3A_131] {strides = array<i32>} : memref<16xi32, #tpu.memory_space<vmem>>, vector<16xi32>,
    %get3A_133 = vector.shape_cast %get3A_132 : vector<16xi32> to vector<16xi32>
    %slice3A_134 = vector.extract_strided_slice %get3A_133 {offsets = [0], sizes = [1], strides = [1]} : vector<16xi32> to vector<1xi32>
    %squeeze3A_135 = vector.extract %slice3A_134[0] : i32 from vector<1xi32>
    %slice3A_136 = vector.extract_strided_slice %get3A_133 {offsets = [1], sizes = [1], strides = [1]} : vector<16xi32> to vector<1xi32>
    %squeeze3A_137 = vector.extract %slice3A_136[0] : i32 from vector<1xi32>
    %gt3A_138 = arith.constant 0 : i32
    %gt3A_139 = arith.cmpi sgt, %squeeze3A_137, %gt3A_138 : i32
    %convert_element_type3A_140 = arith.extui %gt3A_139 : i1 to i32
    %cond3A_141 = arith.constant 0 : i32
    %cond3A_142 = arith.cmpi ne, %convert_element_type3A_140, %cond3A_141 : i32
    scf.if %cond3A_142 {
      %dma_start3A = arith.constant 0 : i32
      %dma_start3A_165 = tpu.memref_slice %arg8[%squeeze3A_135, %dma_start3A] : memref<128x80xi32, #tpu.memory_space<vmem>> -> memref<1x80xi32, #tpu.memory_space<vmem>>
      %dma_start3A_166 = tpu.memref_squeeze %dma_start3A_165 : memref<1x80xi32, #tpu.memory_space<vmem>> -> memref<80xi32, #tpu.memory_space<vmem>>
      %dma_start3A_167 = arith.constant 0 : i32
      %dma_start3A_168 = arith.constant 0 : i32
      %dma_start3A_169 = tpu.memref_slice %arg2[%dma_start3A_167, %dma_start3A_168] : memref<20000x128xf32, #tpu.memory_space<hbm>> -> memref<20000x128xf32, #tpu.memory_space<hbm>>
      tpu.enqueue_indirect_dma source(%dma_start3A_169 : memref<20000x128xf32, #tpu.memory_space<hbm>>) target(%arg11 : memref<80x128xf32, #tpu.memory_space<vmem>>) offsets(%dma_start3A_166 : memref<80xi32, #tpu.memory_space<vmem>>) semaphore(%arg14 : memref<!tpu.dma_semaphore, #tpu.memory_space<semaphore_mem>>)
    } else {
    }
    %while3A_143 = arith.constant 0 : i32
    %while3A_144 = arith.constant 0 : i32
    %while3A_145 = arith.subi %squeeze3A_137, %while3A_144 : i32
    %while3A_146 = arith.addi %while3A_144, %while3A_145 : i32
    %while3A_147 = arith.constant 1 : i32
    %while3A_148 = arith.divsi %while3A_145, %while3A_147 : i32
    %while3A_149 = arith.muli %while3A_148, %while3A_147 : i32
    %while3A_150 = arith.addi %while3A_144, %while3A_149 : i32
    %while3A_151 = arith.constant 1 : i32
    scf.for %while3A_165 = %while3A_144 to %while3A_150 step %while3A_151  : i32 {
      %mul3A_166 = arith.constant 2 : i32
      %mul3A_167 = arith.muli %mul3A_166, %while3A_165 : i32
      %add3A_168 = arith.addi %squeeze3A_135, %mul3A_167 : i32
      %dma_wait3A = arith.constant 0 : i32
      %dma_wait3A_169 = tpu.memref_slice %arg8[%add3A_168, %dma_wait3A] : memref<128x80xi32, #tpu.memory_space<vmem>> -> memref<1x80xi32, #tpu.memory_space<vmem>>
      %dma_wait3A_170 = tpu.memref_squeeze %dma_wait3A_169 : memref<1x80xi32, #tpu.memory_space<vmem>> -> memref<80xi32, #tpu.memory_space<vmem>>
      %dma_wait3A_171 = arith.constant 0 : i32
      %dma_wait3A_172 = arith.constant 0 : i32
      %dma_wait3A_173 = tpu.memref_slice %arg2[%dma_wait3A_171, %dma_wait3A_172] : memref<20000x128xf32, #tpu.memory_space<hbm>> -> memref<20000x128xf32, #tpu.memory_space<hbm>>
      tpu.wait_indirect_dma semaphore(%arg14 : memref<!tpu.dma_semaphore, #tpu.memory_space<semaphore_mem>>) src(%dma_wait3A_173 : memref<20000x128xf32, #tpu.memory_space<hbm>>) dst(%arg11 : memref<80x128xf32, #tpu.memory_space<vmem>>)
      %add3A_174 = arith.constant 1 : i32
      %add3A_175 = arith.addi %add3A_168, %add3A_174 : i32
      %dma_start3A = arith.constant 0 : i32
      %dma_start3A_176 = tpu.memref_slice %arg8[%add3A_175, %dma_start3A] : memref<128x80xi32, #tpu.memory_space<vmem>> -> memref<1x80xi32, #tpu.memory_space<vmem>>
      %dma_start3A_177 = tpu.memref_squeeze %dma_start3A_176 : memref<1x80xi32, #tpu.memory_space<vmem>> -> memref<80xi32, #tpu.memory_space<vmem>>
      %dma_start3A_178 = arith.constant 0 : i32
      %dma_start3A_179 = arith.constant 0 : i32
      %dma_start3A_180 = tpu.memref_slice %arg2[%dma_start3A_178, %dma_start3A_179] : memref<20000x128xf32, #tpu.memory_space<hbm>> -> memref<20000x128xf32, #tpu.memory_space<hbm>>
      tpu.enqueue_indirect_dma source(%dma_start3A_180 : memref<20000x128xf32, #tpu.memory_space<hbm>>) target(%arg12 : memref<80x128xf32, #tpu.memory_space<vmem>>) offsets(%dma_start3A_177 : memref<80xi32, #tpu.memory_space<vmem>>) semaphore(%arg15 : memref<!tpu.dma_semaphore, #tpu.memory_space<semaphore_mem>>)
      "tpu.region"() ({
        %run_scoped3A = tpu.sem_alloc : memref<!tpu.dma_semaphore, #tpu.memory_space<semaphore_mem>>
        %dma_start3A_196 = arith.constant 0 : i32
        %dma_start3A_197 = tpu.memref_slice %arg9[%add3A_168, %dma_start3A_196] : memref<128x80xi32, #tpu.memory_space<vmem>> -> memref<1x80xi32, #tpu.memory_space<vmem>>
        %dma_start3A_198 = tpu.memref_squeeze %dma_start3A_197 : memref<1x80xi32, #tpu.memory_space<vmem>> -> memref<80xi32, #tpu.memory_space<vmem>>
        %dma_start3A_199 = arith.constant 0 : i32
        %dma_start3A_200 = arith.constant 0 : i32
        %dma_start3A_201 = tpu.memref_slice %arg13[%dma_start3A_199, %dma_start3A_200] : memref<5120x128xf32, #tpu.memory_space<vmem_shared>> -> memref<5120x128xf32, #tpu.memory_space<vmem_shared>>
        tpu.enqueue_indirect_dma source(%arg11 : memref<80x128xf32, #tpu.memory_space<vmem>>) target(%dma_start3A_201 : memref<5120x128xf32, #tpu.memory_space<vmem_shared>>) offsets(%dma_start3A_198 : memref<80xi32, #tpu.memory_space<vmem>>) semaphore(%run_scoped3A : memref<!tpu.dma_semaphore, #tpu.memory_space<semaphore_mem>>) {add = true}
        %dma_wait3A_202 = arith.constant 0 : i32
        %dma_wait3A_203 = tpu.memref_slice %arg9[%add3A_168, %dma_wait3A_202] : memref<128x80xi32, #tpu.memory_space<vmem>> -> memref<1x80xi32, #tpu.memory_space<vmem>>
        %dma_wait3A_204 = tpu.memref_squeeze %dma_wait3A_203 : memref<1x80xi32, #tpu.memory_space<vmem>> -> memref<80xi32, #tpu.memory_space<vmem>>
        %dma_wait3A_205 = arith.constant 0 : i32
        %dma_wait3A_206 = arith.constant 0 : i32
        %dma_wait3A_207 = tpu.memref_slice %arg13[%dma_wait3A_205, %dma_wait3A_206] : memref<5120x128xf32, #tpu.memory_space<vmem_shared>> -> memref<5120x128xf32, #tpu.memory_space<vmem_shared>>
        tpu.wait_indirect_dma semaphore(%run_scoped3A : memref<!tpu.dma_semaphore, #tpu.memory_space<semaphore_mem>>) src(%arg11 : memref<80x128xf32, #tpu.memory_space<vmem>>) dst(%dma_wait3A_207 : memref<5120x128xf32, #tpu.memory_space<vmem_shared>>)
        tpu.yield
      }) : () -> ()
      %add3A_181 = arith.constant 1 : i32
      %add3A_182 = arith.addi %add3A_168, %add3A_181 : i32
      %dma_wait3A_183 = arith.constant 0 : i32
      %dma_wait3A_184 = tpu.memref_slice %arg8[%add3A_182, %dma_wait3A_183] : memref<128x80xi32, #tpu.memory_space<vmem>> -> memref<1x80xi32, #tpu.memory_space<vmem>>
      %dma_wait3A_185 = tpu.memref_squeeze %dma_wait3A_184 : memref<1x80xi32, #tpu.memory_space<vmem>> -> memref<80xi32, #tpu.memory_space<vmem>>
      %dma_wait3A_186 = arith.constant 0 : i32
      %dma_wait3A_187 = arith.constant 0 : i32
      %dma_wait3A_188 = tpu.memref_slice %arg2[%dma_wait3A_186, %dma_wait3A_187] : memref<20000x128xf32, #tpu.memory_space<hbm>> -> memref<20000x128xf32, #tpu.memory_space<hbm>>
      tpu.wait_indirect_dma semaphore(%arg15 : memref<!tpu.dma_semaphore, #tpu.memory_space<semaphore_mem>>) src(%dma_wait3A_188 : memref<20000x128xf32, #tpu.memory_space<hbm>>) dst(%arg12 : memref<80x128xf32, #tpu.memory_space<vmem>>)
      %add3A_189 = arith.constant 1 : i32
      %add3A_190 = arith.addi %while3A_165, %add3A_189 : i32
      %lt3A = arith.cmpi slt, %add3A_190, %squeeze3A_137 : i32
      %convert_element_type3A_191 = arith.extui %lt3A : i1 to i32
      %cond3A_192 = arith.constant 0 : i32
      %cond3A_193 = arith.cmpi ne, %convert_element_type3A_191, %cond3A_192 : i32
      scf.if %cond3A_193 {
        %add3A_196 = arith.constant 2 : i32
        %add3A_197 = arith.addi %add3A_168, %add3A_196 : i32
        %dma_start3A_198 = arith.constant 0 : i32
        %dma_start3A_199 = tpu.memref_slice %arg8[%add3A_197, %dma_start3A_198] : memref<128x80xi32, #tpu.memory_space<vmem>> -> memref<1x80xi32, #tpu.memory_space<vmem>>
        %dma_start3A_200 = tpu.memref_squeeze %dma_start3A_199 : memref<1x80xi32, #tpu.memory_space<vmem>> -> memref<80xi32, #tpu.memory_space<vmem>>
        %dma_start3A_201 = arith.constant 0 : i32
        %dma_start3A_202 = arith.constant 0 : i32
        %dma_start3A_203 = tpu.memref_slice %arg2[%dma_start3A_201, %dma_start3A_202] : memref<20000x128xf32, #tpu.memory_space<hbm>> -> memref<20000x128xf32, #tpu.memory_space<hbm>>
        tpu.enqueue_indirect_dma source(%dma_start3A_203 : memref<20000x128xf32, #tpu.memory_space<hbm>>) target(%arg11 : memref<80x128xf32, #tpu.memory_space<vmem>>) offsets(%dma_start3A_200 : memref<80xi32, #tpu.memory_space<vmem>>) semaphore(%arg14 : memref<!tpu.dma_semaphore, #tpu.memory_space<semaphore_mem>>)
      } else {
      }
      %add3A_194 = arith.constant 1 : i32
      %add3A_195 = arith.addi %add3A_168, %add3A_194 : i32
      "tpu.region"() ({
        %run_scoped3A = tpu.sem_alloc : memref<!tpu.dma_semaphore, #tpu.memory_space<semaphore_mem>>
        %dma_start3A_196 = arith.constant 0 : i32
        %dma_start3A_197 = tpu.memref_slice %arg9[%add3A_195, %dma_start3A_196] : memref<128x80xi32, #tpu.memory_space<vmem>> -> memref<1x80xi32, #tpu.memory_space<vmem>>
        %dma_start3A_198 = tpu.memref_squeeze %dma_start3A_197 : memref<1x80xi32, #tpu.memory_space<vmem>> -> memref<80xi32, #tpu.memory_space<vmem>>
        %dma_start3A_199 = arith.constant 0 : i32
        %dma_start3A_200 = arith.constant 0 : i32
        %dma_start3A_201 = tpu.memref_slice %arg13[%dma_start3A_199, %dma_start3A_200] : memref<5120x128xf32, #tpu.memory_space<vmem_shared>> -> memref<5120x128xf32, #tpu.memory_space<vmem_shared>>
        tpu.enqueue_indirect_dma source(%arg12 : memref<80x128xf32, #tpu.memory_space<vmem>>) target(%dma_start3A_201 : memref<5120x128xf32, #tpu.memory_space<vmem_shared>>) offsets(%dma_start3A_198 : memref<80xi32, #tpu.memory_space<vmem>>) semaphore(%run_scoped3A : memref<!tpu.dma_semaphore, #tpu.memory_space<semaphore_mem>>) {add = true}
        %dma_wait3A_202 = arith.constant 0 : i32
        %dma_wait3A_203 = tpu.memref_slice %arg9[%add3A_195, %dma_wait3A_202] : memref<128x80xi32, #tpu.memory_space<vmem>> -> memref<1x80xi32, #tpu.memory_space<vmem>>
        %dma_wait3A_204 = tpu.memref_squeeze %dma_wait3A_203 : memref<1x80xi32, #tpu.memory_space<vmem>> -> memref<80xi32, #tpu.memory_space<vmem>>
        %dma_wait3A_205 = arith.constant 0 : i32
        %dma_wait3A_206 = arith.constant 0 : i32
        %dma_wait3A_207 = tpu.memref_slice %arg13[%dma_wait3A_205, %dma_wait3A_206] : memref<5120x128xf32, #tpu.memory_space<vmem_shared>> -> memref<5120x128xf32, #tpu.memory_space<vmem_shared>>
        tpu.wait_indirect_dma semaphore(%run_scoped3A : memref<!tpu.dma_semaphore, #tpu.memory_space<semaphore_mem>>) src(%arg12 : memref<80x128xf32, #tpu.memory_space<vmem>>) dst(%dma_wait3A_207 : memref<5120x128xf32, #tpu.memory_space<vmem_shared>>)
        tpu.yield
      }) : () -> ()
    }
    %while3A_152 = arith.constant 1 : i32
    scf.for %while3A_165 = %while3A_150 to %while3A_146 step %while3A_152  : i32 {
      %mul3A_166 = arith.constant 2 : i32
      %mul3A_167 = arith.muli %mul3A_166, %while3A_165 : i32
      %add3A_168 = arith.addi %squeeze3A_135, %mul3A_167 : i32
      %dma_wait3A = arith.constant 0 : i32
      %dma_wait3A_169 = tpu.memref_slice %arg8[%add3A_168, %dma_wait3A] : memref<128x80xi32, #tpu.memory_space<vmem>> -> memref<1x80xi32, #tpu.memory_space<vmem>>
      %dma_wait3A_170 = tpu.memref_squeeze %dma_wait3A_169 : memref<1x80xi32, #tpu.memory_space<vmem>> -> memref<80xi32, #tpu.memory_space<vmem>>
      %dma_wait3A_171 = arith.constant 0 : i32
      %dma_wait3A_172 = arith.constant 0 : i32
      %dma_wait3A_173 = tpu.memref_slice %arg2[%dma_wait3A_171, %dma_wait3A_172] : memref<20000x128xf32, #tpu.memory_space<hbm>> -> memref<20000x128xf32, #tpu.memory_space<hbm>>
      tpu.wait_indirect_dma semaphore(%arg14 : memref<!tpu.dma_semaphore, #tpu.memory_space<semaphore_mem>>) src(%dma_wait3A_173 : memref<20000x128xf32, #tpu.memory_space<hbm>>) dst(%arg11 : memref<80x128xf32, #tpu.memory_space<vmem>>)
      %add3A_174 = arith.constant 1 : i32
      %add3A_175 = arith.addi %add3A_168, %add3A_174 : i32
      %dma_start3A = arith.constant 0 : i32
      %dma_start3A_176 = tpu.memref_slice %arg8[%add3A_175, %dma_start3A] : memref<128x80xi32, #tpu.memory_space<vmem>> -> memref<1x80xi32, #tpu.memory_space<vmem>>
      %dma_start3A_177 = tpu.memref_squeeze %dma_start3A_176 : memref<1x80xi32, #tpu.memory_space<vmem>> -> memref<80xi32, #tpu.memory_space<vmem>>
      %dma_start3A_178 = arith.constant 0 : i32
      %dma_start3A_179 = arith.constant 0 : i32
      %dma_start3A_180 = tpu.memref_slice %arg2[%dma_start3A_178, %dma_start3A_179] : memref<20000x128xf32, #tpu.memory_space<hbm>> -> memref<20000x128xf32, #tpu.memory_space<hbm>>
      tpu.enqueue_indirect_dma source(%dma_start3A_180 : memref<20000x128xf32, #tpu.memory_space<hbm>>) target(%arg12 : memref<80x128xf32, #tpu.memory_space<vmem>>) offsets(%dma_start3A_177 : memref<80xi32, #tpu.memory_space<vmem>>) semaphore(%arg15 : memref<!tpu.dma_semaphore, #tpu.memory_space<semaphore_mem>>)
      "tpu.region"() ({
        %run_scoped3A = tpu.sem_alloc : memref<!tpu.dma_semaphore, #tpu.memory_space<semaphore_mem>>
        %dma_start3A_196 = arith.constant 0 : i32
        %dma_start3A_197 = tpu.memref_slice %arg9[%add3A_168, %dma_start3A_196] : memref<128x80xi32, #tpu.memory_space<vmem>> -> memref<1x80xi32, #tpu.memory_space<vmem>>
        %dma_start3A_198 = tpu.memref_squeeze %dma_start3A_197 : memref<1x80xi32, #tpu.memory_space<vmem>> -> memref<80xi32, #tpu.memory_space<vmem>>
        %dma_start3A_199 = arith.constant 0 : i32
        %dma_start3A_200 = arith.constant 0 : i32
        %dma_start3A_201 = tpu.memref_slice %arg13[%dma_start3A_199, %dma_start3A_200] : memref<5120x128xf32, #tpu.memory_space<vmem_shared>> -> memref<5120x128xf32, #tpu.memory_space<vmem_shared>>
        tpu.enqueue_indirect_dma source(%arg11 : memref<80x128xf32, #tpu.memory_space<vmem>>) target(%dma_start3A_201 : memref<5120x128xf32, #tpu.memory_space<vmem_shared>>) offsets(%dma_start3A_198 : memref<80xi32, #tpu.memory_space<vmem>>) semaphore(%run_scoped3A : memref<!tpu.dma_semaphore, #tpu.memory_space<semaphore_mem>>) {add = true}
        %dma_wait3A_202 = arith.constant 0 : i32
        %dma_wait3A_203 = tpu.memref_slice %arg9[%add3A_168, %dma_wait3A_202] : memref<128x80xi32, #tpu.memory_space<vmem>> -> memref<1x80xi32, #tpu.memory_space<vmem>>
        %dma_wait3A_204 = tpu.memref_squeeze %dma_wait3A_203 : memref<1x80xi32, #tpu.memory_space<vmem>> -> memref<80xi32, #tpu.memory_space<vmem>>
        %dma_wait3A_205 = arith.constant 0 : i32
        %dma_wait3A_206 = arith.constant 0 : i32
        %dma_wait3A_207 = tpu.memref_slice %arg13[%dma_wait3A_205, %dma_wait3A_206] : memref<5120x128xf32, #tpu.memory_space<vmem_shared>> -> memref<5120x128xf32, #tpu.memory_space<vmem_shared>>
        tpu.wait_indirect_dma semaphore(%run_scoped3A : memref<!tpu.dma_semaphore, #tpu.memory_space<semaphore_mem>>) src(%arg11 : memref<80x128xf32, #tpu.memory_space<vmem>>) dst(%dma_wait3A_207 : memref<5120x128xf32, #tpu.memory_space<vmem_shared>>)
        tpu.yield
      }) : () -> ()
      %add3A_181 = arith.constant 1 : i32
      %add3A_182 = arith.addi %add3A_168, %add3A_181 : i32
      %dma_wait3A_183 = arith.constant 0 : i32
      %dma_wait3A_184 = tpu.memref_slice %arg8[%add3A_182, %dma_wait3A_183] : memref<128x80xi32, #tpu.memory_space<vmem>> -> memref<1x80xi32, #tpu.memory_space<vmem>>
      %dma_wait3A_185 = tpu.memref_squeeze %dma_wait3A_184 : memref<1x80xi32, #tpu.memory_space<vmem>> -> memref<80xi32, #tpu.memory_space<vmem>>
      %dma_wait3A_186 = arith.constant 0 : i32
      %dma_wait3A_187 = arith.constant 0 : i32
      %dma_wait3A_188 = tpu.memref_slice %arg2[%dma_wait3A_186, %dma_wait3A_187] : memref<20000x128xf32, #tpu.memory_space<hbm>> -> memref<20000x128xf32, #tpu.memory_space<hbm>>
      tpu.wait_indirect_dma semaphore(%arg15 : memref<!tpu.dma_semaphore, #tpu.memory_space<semaphore_mem>>) src(%dma_wait3A_188 : memref<20000x128xf32, #tpu.memory_space<hbm>>) dst(%arg12 : memref<80x128xf32, #tpu.memory_space<vmem>>)
      %add3A_189 = arith.constant 1 : i32
      %add3A_190 = arith.addi %while3A_165, %add3A_189 : i32
      %lt3A = arith.cmpi slt, %add3A_190, %squeeze3A_137 : i32
      %convert_element_type3A_191 = arith.extui %lt3A : i1 to i32
      %cond3A_192 = arith.constant 0 : i32
      %cond3A_193 = arith.cmpi ne, %convert_element_type3A_191, %cond3A_192 : i32
      scf.if %cond3A_193 {
        %add3A_196 = arith.constant 2 : i32
        %add3A_197 = arith.addi %add3A_168, %add3A_196 : i32
        %dma_start3A_198 = arith.constant 0 : i32
        %dma_start3A_199 = tpu.memref_slice %arg8[%add3A_197, %dma_start3A_198] : memref<128x80xi32, #tpu.memory_space<vmem>> -> memref<1x80xi32, #tpu.memory_space<vmem>>
        %dma_start3A_200 = tpu.memref_squeeze %dma_start3A_199 : memref<1x80xi32, #tpu.memory_space<vmem>> -> memref<80xi32, #tpu.memory_space<vmem>>
        %dma_start3A_201 = arith.constant 0 : i32
        %dma_start3A_202 = arith.constant 0 : i32
        %dma_start3A_203 = tpu.memref_slice %arg2[%dma_start3A_201, %dma_start3A_202] : memref<20000x128xf32, #tpu.memory_space<hbm>> -> memref<20000x128xf32, #tpu.memory_space<hbm>>
        tpu.enqueue_indirect_dma source(%dma_start3A_203 : memref<20000x128xf32, #tpu.memory_space<hbm>>) target(%arg11 : memref<80x128xf32, #tpu.memory_space<vmem>>) offsets(%dma_start3A_200 : memref<80xi32, #tpu.memory_space<vmem>>) semaphore(%arg14 : memref<!tpu.dma_semaphore, #tpu.memory_space<semaphore_mem>>)
      } else {
      }
      %add3A_194 = arith.constant 1 : i32
      %add3A_195 = arith.addi %add3A_168, %add3A_194 : i32
      "tpu.region"() ({
        %run_scoped3A = tpu.sem_alloc : memref<!tpu.dma_semaphore, #tpu.memory_space<semaphore_mem>>
        %dma_start3A_196 = arith.constant 0 : i32
        %dma_start3A_197 = tpu.memref_slice %arg9[%add3A_195, %dma_start3A_196] : memref<128x80xi32, #tpu.memory_space<vmem>> -> memref<1x80xi32, #tpu.memory_space<vmem>>
        %dma_start3A_198 = tpu.memref_squeeze %dma_start3A_197 : memref<1x80xi32, #tpu.memory_space<vmem>> -> memref<80xi32, #tpu.memory_space<vmem>>
        %dma_start3A_199 = arith.constant 0 : i32
        %dma_start3A_200 = arith.constant 0 : i32
        %dma_start3A_201 = tpu.memref_slice %arg13[%dma_start3A_199, %dma_start3A_200] : memref<5120x128xf32, #tpu.memory_space<vmem_shared>> -> memref<5120x128xf32, #tpu.memory_space<vmem_shared>>
        tpu.enqueue_indirect_dma source(%arg12 : memref<80x128xf32, #tpu.memory_space<vmem>>) target(%dma_start3A_201 : memref<5120x128xf32, #tpu.memory_space<vmem_shared>>) offsets(%dma_start3A_198 : memref<80xi32, #tpu.memory_space<vmem>>) semaphore(%run_scoped3A : memref<!tpu.dma_semaphore, #tpu.memory_space<semaphore_mem>>) {add = true}
        %dma_wait3A_202 = arith.constant 0 : i32
        %dma_wait3A_203 = tpu.memref_slice %arg9[%add3A_195, %dma_wait3A_202] : memref<128x80xi32, #tpu.memory_space<vmem>> -> memref<1x80xi32, #tpu.memory_space<vmem>>
        %dma_wait3A_204 = tpu.memref_squeeze %dma_wait3A_203 : memref<1x80xi32, #tpu.memory_space<vmem>> -> memref<80xi32, #tpu.memory_space<vmem>>
        %dma_wait3A_205 = arith.constant 0 : i32
        %dma_wait3A_206 = arith.constant 0 : i32
        %dma_wait3A_207 = tpu.memref_slice %arg13[%dma_wait3A_205, %dma_wait3A_206] : memref<5120x128xf32, #tpu.memory_space<vmem_shared>> -> memref<5120x128xf32, #tpu.memory_space<vmem_shared>>
        tpu.wait_indirect_dma semaphore(%run_scoped3A : memref<!tpu.dma_semaphore, #tpu.memory_space<semaphore_mem>>) src(%arg12 : memref<80x128xf32, #tpu.memory_space<vmem>>) dst(%dma_wait3A_207 : memref<5120x128xf32, #tpu.memory_space<vmem_shared>>)
        tpu.yield
      }) : () -> ()
    }
    %barrier3A_153 = arith.constant 0 : index
    tpu.barrier barrier_id(%barrier3A_153)
    %mul3A_154 = arith.constant 320 : i32
    %mul3A_155 = arith.muli %arg1, %mul3A_154 : i32
    %mul3A_156 = arith.constant 4 : i32
    %mul3A_157 = arith.muli %arg0, %mul3A_156 : i32
    %add3A_158 = arith.constant 3 : i32
    %add3A_159 = arith.addi %mul3A_157, %add3A_158 : i32
    %mul3A_160 = arith.constant 5120 : i32
    %mul3A_161 = arith.muli %add3A_159, %mul3A_160 : i32
    %mul3A_162 = arith.constant 320 : i32
    %mul3A_163 = arith.muli %arg1, %mul3A_162 : i32
    %add3A_164 = arith.addi %mul3A_161, %mul3A_163 : i32
    "tpu.region"() ({
      %run_scoped3A = tpu.sem_alloc : memref<!tpu.dma_semaphore, #tpu.memory_space<semaphore_mem>>
      %dma_start3A = arith.constant 0 : i32
      %dma_start3A_165 = tpu.memref_slice %arg7[%add3A_164, %dma_start3A] : memref<40960x128xf32, #tpu.memory_space<hbm>> -> memref<320x128xf32, #tpu.memory_space<hbm>>
      %dma_start3A_166 = arith.constant 0 : i32
      %dma_start3A_167 = tpu.memref_slice %arg13[%mul3A_155, %dma_start3A_166] : memref<5120x128xf32, #tpu.memory_space<vmem_shared>> -> memref<320x128xf32, #tpu.memory_space<vmem_shared>>
      tpu.enqueue_dma source(%dma_start3A_167 : memref<320x128xf32, #tpu.memory_space<vmem_shared>>) target(%dma_start3A_165 : memref<320x128xf32, #tpu.memory_space<hbm>>) target_semaphore(%run_scoped3A : memref<!tpu.dma_semaphore, #tpu.memory_space<semaphore_mem>>)
      %dma_wait3A = arith.constant 0 : i32
      %dma_wait3A_168 = tpu.memref_slice %arg7[%add3A_164, %dma_wait3A] : memref<40960x128xf32, #tpu.memory_space<hbm>> -> memref<320x128xf32, #tpu.memory_space<hbm>>
      %dma_wait3A_169 = arith.constant 0 : i32
      %dma_wait3A_170 = tpu.memref_slice %arg13[%mul3A_155, %dma_wait3A_169] : memref<5120x128xf32, #tpu.memory_space<vmem_shared>> -> memref<320x128xf32, #tpu.memory_space<vmem_shared>>
      tpu.wait_dma2 semaphore(%run_scoped3A : memref<!tpu.dma_semaphore, #tpu.memory_space<semaphore_mem>>) src(%dma_wait3A_170 : memref<320x128xf32, #tpu.memory_space<vmem_shared>>) dst(%dma_wait3A_168 : memref<320x128xf32, #tpu.memory_space<hbm>>)
      tpu.yield
    }) : () -> ()
    return
  }
}

#map = affine_map<(d0, d1) -> (0, 0)>
#map1 = affine_map<(d0, d1) -> (0, 0, 0)>
module attributes {stable_mosaic.version = 14 : i64} {
  func.func @body(%arg0: i32, %arg1: i32, %arg2: memref<20000x128xf32, #tpu.memory_space<hbm>>, %arg3: memref<64x128x80xi32, #tpu.memory_space<hbm>>, %arg4: memref<64x128x80xi32, #tpu.memory_space<hbm>>, %arg5: memref<64x16xi32, #tpu.memory_space<hbm>>, %arg6: memref<320x128xf32, #tpu.memory_space<hbm>>, %arg7: memref<40960x128xf32, #tpu.memory_space<hbm>>, %arg8: memref<128x80xi32, #tpu.memory_space<vmem>>, %arg9: memref<128x80xi32, #tpu.memory_space<vmem>>, %arg10: memref<16xi32, #tpu.memory_space<vmem>>, %arg11: memref<80x128xf32, #tpu.memory_space<vmem>>, %arg12: memref<80x128xf32, #tpu.memory_space<vmem>>, %arg13: memref<5120x128xf32, #tpu.memory_space<vmem_shared>>, %arg14: memref<!tpu.dma_semaphore, #tpu.memory_space<semaphore_mem>>, %arg15: memref<!tpu.dma_semaphore, #tpu.memory_space<semaphore_mem>>) attributes {dimension_semantics = [#tpu.dimension_semantics<core_parallel>, #tpu.dimension_semantics<subcore_parallel>], iteration_bounds = array<i64: 2, 16>, scalar_prefetch = 0 : i64, scratch_operands = 8 : i64, tpu.core_type = #tpu.core_type<sc_vector_subcore>, window_params = [{transform_indices = #map}, {transform_indices = #map1}, {transform_indices = #map1}, {transform_indices = #map}, {transform_indices = #map}, {transform_indices = #map}]} {
    %mul3A = arith.constant 16 : i32
    %mul3A_0 = arith.muli %arg0, %mul3A : i32
    %add3A = arith.addi %mul3A_0, %arg1 : i32
    %add3A_1 = arith.constant 0 : i32
    %add3A_2 = arith.addi %add3A_1, %add3A : i32
    "tpu.region"() ({
      %run_scoped3A = tpu.sem_alloc : memref<!tpu.dma_semaphore, #tpu.memory_space<semaphore_mem>>
      %dma_start3A = arith.constant 0 : i32
      %dma_start3A_165 = arith.constant 0 : i32
      %dma_start3A_166 = tpu.memref_slice %arg3[%add3A_2, %dma_start3A, %dma_start3A_165] : memref<64x128x80xi32, #tpu.memory_space<hbm>> -> memref<1x128x80xi32, #tpu.memory_space<hbm>>
      %dma_start3A_167 = tpu.memref_squeeze %dma_start3A_166 : memref<1x128x80xi32, #tpu.memory_space<hbm>> -> memref<128x80xi32, #tpu.memory_space<hbm>>
      %dma_start3A_168 = arith.constant 0 : i32
      %dma_start3A_169 = arith.constant 0 : i32
      %dma_start3A_170 = tpu.memref_slice %arg3[%add3A_2, %dma_start3A_168, %dma_start3A_169] : memref<64x128x80xi32, #tpu.memory_space<hbm>> -> memref<1x128x80xi32, #tpu.memory_space<hbm>>
      %dma_start3A_171 = tpu.memref_squeeze %dma_start3A_170 : memref<1x128x80xi32, #tpu.memory_space<hbm>> -> memref<128x80xi32, #tpu.memory_space<hbm>>
      tpu.enqueue_dma source(%dma_start3A_171 : memref<128x80xi32, #tpu.memory_space<hbm>>) target(%arg8 : memref<128x80xi32, #tpu.memory_space<vmem>>) target_semaphore(%run_scoped3A : memref<!tpu.dma_semaphore, #tpu.memory_space<semaphore_mem>>)
      %dma_wait3A = arith.constant 0 : i32
      %dma_wait3A_172 = arith.constant 0 : i32
      %dma_wait3A_173 = tpu.memref_slice %arg3[%add3A_2, %dma_wait3A, %dma_wait3A_172] : memref<64x128x80xi32, #tpu.memory_space<hbm>> -> memref<1x128x80xi32, #tpu.memory_space<hbm>>
      %dma_wait3A_174 = tpu.memref_squeeze %dma_wait3A_173 : memref<1x128x80xi32, #tpu.memory_space<hbm>> -> memref<128x80xi32, #tpu.memory_space<hbm>>
      %dma_wait3A_175 = arith.constant 0 : i32
      %dma_wait3A_176 = arith.constant 0 : i32
      %dma_wait3A_177 = tpu.memref_slice %arg3[%add3A_2, %dma_wait3A_175, %dma_wait3A_176] : memref<64x128x80xi32, #tpu.memory_space<hbm>> -> memref<1x128x80xi32, #tpu.memory_space<hbm>>
      %dma_wait3A_178 = tpu.memref_squeeze %dma_wait3A_177 : memref<1x128x80xi32, #tpu.memory_space<hbm>> -> memref<128x80xi32, #tpu.memory_space<hbm>>
      tpu.wait_dma2 semaphore(%run_scoped3A : memref<!tpu.dma_semaphore, #tpu.memory_space<semaphore_mem>>) src(%dma_wait3A_178 : memref<128x80xi32, #tpu.memory_space<hbm>>) dst(%arg8 : memref<128x80xi32, #tpu.memory_space<vmem>>)
      tpu.yield
    }) : () -> ()
    %add3A_3 = arith.constant 0 : i32
    %add3A_4 = arith.addi %add3A_3, %add3A : i32
    "tpu.region"() ({
      %run_scoped3A = tpu.sem_alloc : memref<!tpu.dma_semaphore, #tpu.memory_space<semaphore_mem>>
      %dma_start3A = arith.constant 0 : i32
      %dma_start3A_165 = arith.constant 0 : i32
      %dma_start3A_166 = tpu.memref_slice %arg4[%add3A_4, %dma_start3A, %dma_start3A_165] : memref<64x128x80xi32, #tpu.memory_space<hbm>> -> memref<1x128x80xi32, #tpu.memory_space<hbm>>
      %dma_start3A_167 = tpu.memref_squeeze %dma_start3A_166 : memref<1x128x80xi32, #tpu.memory_space<hbm>> -> memref<128x80xi32, #tpu.memory_space<hbm>>
      %dma_start3A_168 = arith.constant 0 : i32
      %dma_start3A_169 = arith.constant 0 : i32
      %dma_start3A_170 = tpu.memref_slice %arg4[%add3A_4, %dma_start3A_168, %dma_start3A_169] : memref<64x128x80xi32, #tpu.memory_space<hbm>> -> memref<1x128x80xi32, #tpu.memory_space<hbm>>
      %dma_start3A_171 = tpu.memref_squeeze %dma_start3A_170 : memref<1x128x80xi32, #tpu.memory_space<hbm>> -> memref<128x80xi32, #tpu.memory_space<hbm>>
      tpu.enqueue_dma source(%dma_start3A_171 : memref<128x80xi32, #tpu.memory_space<hbm>>) target(%arg9 : memref<128x80xi32, #tpu.memory_space<vmem>>) target_semaphore(%run_scoped3A : memref<!tpu.dma_semaphore, #tpu.memory_space<semaphore_mem>>)
      %dma_wait3A = arith.constant 0 : i32
      %dma_wait3A_172 = arith.constant 0 : i32
      %dma_wait3A_173 = tpu.memref_slice %arg4[%add3A_4, %dma_wait3A, %dma_wait3A_172] : memref<64x128x80xi32, #tpu.memory_space<hbm>> -> memref<1x128x80xi32, #tpu.memory_space<hbm>>
      %dma_wait3A_174 = tpu.memref_squeeze %dma_wait3A_173 : memref<1x128x80xi32, #tpu.memory_space<hbm>> -> memref<128x80xi32, #tpu.memory_space<hbm>>
      %dma_wait3A_175 = arith.constant 0 : i32
      %dma_wait3A_176 = arith.constant 0 : i32
      %dma_wait3A_177 = tpu.memref_slice %arg4[%add3A_4, %dma_wait3A_175, %dma_wait3A_176] : memref<64x128x80xi32, #tpu.memory_space<hbm>> -> memref<1x128x80xi32, #tpu.memory_space<hbm>>
      %dma_wait3A_178 = tpu.memref_squeeze %dma_wait3A_177 : memref<1x128x80xi32, #tpu.memory_space<hbm>> -> memref<128x80xi32, #tpu.memory_space<hbm>>
      tpu.wait_dma2 semaphore(%run_scoped3A : memref<!tpu.dma_semaphore, #tpu.memory_space<semaphore_mem>>) src(%dma_wait3A_178 : memref<128x80xi32, #tpu.memory_space<hbm>>) dst(%arg9 : memref<128x80xi32, #tpu.memory_space<vmem>>)
      tpu.yield
    }) : () -> ()
    %add3A_5 = arith.constant 0 : i32
    %add3A_6 = arith.addi %add3A_5, %add3A : i32
    "tpu.region"() ({
      %run_scoped3A = tpu.sem_alloc : memref<!tpu.dma_semaphore, #tpu.memory_space<semaphore_mem>>
      %dma_start3A = arith.constant 0 : i32
      %dma_start3A_165 = tpu.memref_slice %arg5[%add3A_6, %dma_start3A] : memref<64x16xi32, #tpu.memory_space<hbm>> -> memref<1x16xi32, #tpu.memory_space<hbm>>
      %dma_start3A_166 = tpu.memref_squeeze %dma_start3A_165 : memref<1x16xi32, #tpu.memory_space<hbm>> -> memref<16xi32, #tpu.memory_space<hbm>>
      %dma_start3A_167 = arith.constant 0 : i32
      %dma_start3A_168 = tpu.memref_slice %arg5[%add3A_6, %dma_start3A_167] : memref<64x16xi32, #tpu.memory_space<hbm>> -> memref<1x16xi32, #tpu.memory_space<hbm>>
      %dma_start3A_169 = tpu.memref_squeeze %dma_start3A_168 : memref<1x16xi32, #tpu.memory_space<hbm>> -> memref<16xi32, #tpu.memory_space<hbm>>
      tpu.enqueue_dma source(%dma_start3A_169 : memref<16xi32, #tpu.memory_space<hbm>>) target(%arg10 : memref<16xi32, #tpu.memory_space<vmem>>) target_semaphore(%run_scoped3A : memref<!tpu.dma_semaphore, #tpu.memory_space<semaphore_mem>>)
      %dma_wait3A = arith.constant 0 : i32
      %dma_wait3A_170 = tpu.memref_slice %arg5[%add3A_6, %dma_wait3A] : memref<64x16xi32, #tpu.memory_space<hbm>> -> memref<1x16xi32, #tpu.memory_space<hbm>>
      %dma_wait3A_171 = tpu.memref_squeeze %dma_wait3A_170 : memref<1x16xi32, #tpu.memory_space<hbm>> -> memref<16xi32, #tpu.memory_space<hbm>>
      %dma_wait3A_172 = arith.constant 0 : i32
      %dma_wait3A_173 = tpu.memref_slice %arg5[%add3A_6, %dma_wait3A_172] : memref<64x16xi32, #tpu.memory_space<hbm>> -> memref<1x16xi32, #tpu.memory_space<hbm>>
      %dma_wait3A_174 = tpu.memref_squeeze %dma_wait3A_173 : memref<1x16xi32, #tpu.memory_space<hbm>> -> memref<16xi32, #tpu.memory_space<hbm>>
      tpu.wait_dma2 semaphore(%run_scoped3A : memref<!tpu.dma_semaphore, #tpu.memory_space<semaphore_mem>>) src(%dma_wait3A_174 : memref<16xi32, #tpu.memory_space<hbm>>) dst(%arg10 : memref<16xi32, #tpu.memory_space<vmem>>)
      tpu.yield
    }) : () -> ()
    %mul3A_7 = arith.constant 320 : i32
    %mul3A_8 = arith.muli %arg1, %mul3A_7 : i32
    "tpu.region"() ({
      %run_scoped3A = tpu.sem_alloc : memref<!tpu.dma_semaphore, #tpu.memory_space<semaphore_mem>>
      %dma_start3A = arith.constant 0 : i32
      %dma_start3A_165 = tpu.memref_slice %arg13[%mul3A_8, %dma_start3A] : memref<5120x128xf32, #tpu.memory_space<vmem_shared>> -> memref<320x128xf32, #tpu.memory_space<vmem_shared>>
      tpu.enqueue_dma source(%arg6 : memref<320x128xf32, #tpu.memory_space<hbm>>) target(%dma_start3A_165 : memref<320x128xf32, #tpu.memory_space<vmem_shared>>) target_semaphore(%run_scoped3A : memref<!tpu.dma_semaphore, #tpu.memory_space<semaphore_mem>>)
      %dma_wait3A = arith.constant 0 : i32
      %dma_wait3A_166 = tpu.memref_slice %arg13[%mul3A_8, %dma_wait3A] : memref<5120x128xf32, #tpu.memory_space<vmem_shared>> -> memref<320x128xf32, #tpu.memory_space<vmem_shared>>
      tpu.wait_dma2 semaphore(%run_scoped3A : memref<!tpu.dma_semaphore, #tpu.memory_space<semaphore_mem>>) src(%arg6 : memref<320x128xf32, #tpu.memory_space<hbm>>) dst(%dma_wait3A_166 : memref<320x128xf32, #tpu.memory_space<vmem_shared>>)
      tpu.yield
    }) : () -> ()
    %barrier3A = arith.constant 0 : index
    tpu.barrier barrier_id(%barrier3A)
    %get3A = arith.constant 0 : index
    %get3A_9 = tpu.vector_load %arg10[%get3A] {strides = array<i32>} : memref<16xi32, #tpu.memory_space<vmem>>, vector<16xi32>,
    %get3A_10 = vector.shape_cast %get3A_9 : vector<16xi32> to vector<16xi32>
    %slice3A = vector.extract_strided_slice %get3A_10 {offsets = [0], sizes = [1], strides = [1]} : vector<16xi32> to vector<1xi32>
    %squeeze3A = vector.extract %slice3A[0] : i32 from vector<1xi32>
    %slice3A_11 = vector.extract_strided_slice %get3A_10 {offsets = [1], sizes = [1], strides = [1]} : vector<16xi32> to vector<1xi32>
    %squeeze3A_12 = vector.extract %slice3A_11[0] : i32 from vector<1xi32>
    %gt3A = arith.constant 0 : i32
    %gt3A_13 = arith.cmpi sgt, %squeeze3A_12, %gt3A : i32
    %convert_element_type3A = arith.extui %gt3A_13 : i1 to i32
    %cond3A = arith.constant 0 : i32
    %cond3A_14 = arith.cmpi ne, %convert_element_type3A, %cond3A : i32
    scf.if %cond3A_14 {
      %dma_start3A = arith.constant 0 : i32
      %dma_start3A_165 = tpu.memref_slice %arg8[%squeeze3A, %dma_start3A] : memref<128x80xi32, #tpu.memory_space<vmem>> -> memref<1x80xi32, #tpu.memory_space<vmem>>
      %dma_start3A_166 = tpu.memref_squeeze %dma_start3A_165 : memref<1x80xi32, #tpu.memory_space<vmem>> -> memref<80xi32, #tpu.memory_space<vmem>>
      %dma_start3A_167 = arith.constant 0 : i32
      %dma_start3A_168 = arith.constant 0 : i32
      %dma_start3A_169 = tpu.memref_slice %arg2[%dma_start3A_167, %dma_start3A_168] : memref<20000x128xf32, #tpu.memory_space<hbm>> -> memref<20000x128xf32, #tpu.memory_space<hbm>>
      tpu.enqueue_indirect_dma source(%dma_start3A_169 : memref<20000x128xf32, #tpu.memory_space<hbm>>) target(%arg11 : memref<80x128xf32, #tpu.memory_space<vmem>>) offsets(%dma_start3A_166 : memref<80xi32, #tpu.memory_space<vmem>>) semaphore(%arg14 : memref<!tpu.dma_semaphore, #tpu.memory_space<semaphore_mem>>)
    } else {
    }
    %while3A = arith.constant 0 : i32
    %while3A_15 = arith.constant 0 : i32
    %while3A_16 = arith.subi %squeeze3A_12, %while3A_15 : i32
    %while3A_17 = arith.addi %while3A_15, %while3A_16 : i32
    %while3A_18 = arith.constant 1 : i32
    %while3A_19 = arith.divsi %while3A_16, %while3A_18 : i32
    %while3A_20 = arith.muli %while3A_19, %while3A_18 : i32
    %while3A_21 = arith.addi %while3A_15, %while3A_20 : i32
    %while3A_22 = arith.constant 1 : i32
    scf.for %while3A_165 = %while3A_15 to %while3A_21 step %while3A_22  : i32 {
      %mul3A_166 = arith.constant 2 : i32
      %mul3A_167 = arith.muli %mul3A_166, %while3A_165 : i32
      %add3A_168 = arith.addi %squeeze3A, %mul3A_167 : i32
      %dma_wait3A = arith.constant 0 : i32
      %dma_wait3A_169 = tpu.memref_slice %arg8[%add3A_168, %dma_wait3A] : memref<128x80xi32, #tpu.memory_space<vmem>> -> memref<1x80xi32, #tpu.memory_space<vmem>>
      %dma_wait3A_170 = tpu.memref_squeeze %dma_wait3A_169 : memref<1x80xi32, #tpu.memory_space<vmem>> -> memref<80xi32, #tpu.memory_space<vmem>>
      %dma_wait3A_171 = arith.constant 0 : i32
      %dma_wait3A_172 = arith.constant 0 : i32
      %dma_wait3A_173 = tpu.memref_slice %arg2[%dma_wait3A_171, %dma_wait3A_172] : memref<20000x128xf32, #tpu.memory_space<hbm>> -> memref<20000x128xf32, #tpu.memory_space<hbm>>
      tpu.wait_indirect_dma semaphore(%arg14 : memref<!tpu.dma_semaphore, #tpu.memory_space<semaphore_mem>>) src(%dma_wait3A_173 : memref<20000x128xf32, #tpu.memory_space<hbm>>) dst(%arg11 : memref<80x128xf32, #tpu.memory_space<vmem>>)
      %add3A_174 = arith.constant 1 : i32
      %add3A_175 = arith.addi %add3A_168, %add3A_174 : i32
      %dma_start3A = arith.constant 0 : i32
      %dma_start3A_176 = tpu.memref_slice %arg8[%add3A_175, %dma_start3A] : memref<128x80xi32, #tpu.memory_space<vmem>> -> memref<1x80xi32, #tpu.memory_space<vmem>>
      %dma_start3A_177 = tpu.memref_squeeze %dma_start3A_176 : memref<1x80xi32, #tpu.memory_space<vmem>> -> memref<80xi32, #tpu.memory_space<vmem>>
      %dma_start3A_178 = arith.constant 0 : i32
      %dma_start3A_179 = arith.constant 0 : i32
      %dma_start3A_180 = tpu.memref_slice %arg2[%dma_start3A_178, %dma_start3A_179] : memref<20000x128xf32, #tpu.memory_space<hbm>> -> memref<20000x128xf32, #tpu.memory_space<hbm>>
      tpu.enqueue_indirect_dma source(%dma_start3A_180 : memref<20000x128xf32, #tpu.memory_space<hbm>>) target(%arg12 : memref<80x128xf32, #tpu.memory_space<vmem>>) offsets(%dma_start3A_177 : memref<80xi32, #tpu.memory_space<vmem>>) semaphore(%arg15 : memref<!tpu.dma_semaphore, #tpu.memory_space<semaphore_mem>>)
      "tpu.region"() ({
        %run_scoped3A = tpu.sem_alloc : memref<!tpu.dma_semaphore, #tpu.memory_space<semaphore_mem>>
        %dma_start3A_196 = arith.constant 0 : i32
        %dma_start3A_197 = tpu.memref_slice %arg9[%add3A_168, %dma_start3A_196] : memref<128x80xi32, #tpu.memory_space<vmem>> -> memref<1x80xi32, #tpu.memory_space<vmem>>
        %dma_start3A_198 = tpu.memref_squeeze %dma_start3A_197 : memref<1x80xi32, #tpu.memory_space<vmem>> -> memref<80xi32, #tpu.memory_space<vmem>>
        %dma_start3A_199 = arith.constant 0 : i32
        %dma_start3A_200 = arith.constant 0 : i32
        %dma_start3A_201 = tpu.memref_slice %arg13[%dma_start3A_199, %dma_start3A_200] : memref<5120x128xf32, #tpu.memory_space<vmem_shared>> -> memref<5120x128xf32, #tpu.memory_space<vmem_shared>>
        tpu.enqueue_indirect_dma source(%arg11 : memref<80x128xf32, #tpu.memory_space<vmem>>) target(%dma_start3A_201 : memref<5120x128xf32, #tpu.memory_space<vmem_shared>>) offsets(%dma_start3A_198 : memref<80xi32, #tpu.memory_space<vmem>>) semaphore(%run_scoped3A : memref<!tpu.dma_semaphore, #tpu.memory_space<semaphore_mem>>) {add = true}
        %dma_wait3A_202 = arith.constant 0 : i32
        %dma_wait3A_203 = tpu.memref_slice %arg9[%add3A_168, %dma_wait3A_202] : memref<128x80xi32, #tpu.memory_space<vmem>> -> memref<1x80xi32, #tpu.memory_space<vmem>>
        %dma_wait3A_204 = tpu.memref_squeeze %dma_wait3A_203 : memref<1x80xi32, #tpu.memory_space<vmem>> -> memref<80xi32, #tpu.memory_space<vmem>>
        %dma_wait3A_205 = arith.constant 0 : i32
        %dma_wait3A_206 = arith.constant 0 : i32
        %dma_wait3A_207 = tpu.memref_slice %arg13[%dma_wait3A_205, %dma_wait3A_206] : memref<5120x128xf32, #tpu.memory_space<vmem_shared>> -> memref<5120x128xf32, #tpu.memory_space<vmem_shared>>
        tpu.wait_indirect_dma semaphore(%run_scoped3A : memref<!tpu.dma_semaphore, #tpu.memory_space<semaphore_mem>>) src(%arg11 : memref<80x128xf32, #tpu.memory_space<vmem>>) dst(%dma_wait3A_207 : memref<5120x128xf32, #tpu.memory_space<vmem_shared>>)
        tpu.yield
      }) : () -> ()
      %add3A_181 = arith.constant 1 : i32
      %add3A_182 = arith.addi %add3A_168, %add3A_181 : i32
      %dma_wait3A_183 = arith.constant 0 : i32
      %dma_wait3A_184 = tpu.memref_slice %arg8[%add3A_182, %dma_wait3A_183] : memref<128x80xi32, #tpu.memory_space<vmem>> -> memref<1x80xi32, #tpu.memory_space<vmem>>
      %dma_wait3A_185 = tpu.memref_squeeze %dma_wait3A_184 : memref<1x80xi32, #tpu.memory_space<vmem>> -> memref<80xi32, #tpu.memory_space<vmem>>
      %dma_wait3A_186 = arith.constant 0 : i32
      %dma_wait3A_187 = arith.constant 0 : i32
      %dma_wait3A_188 = tpu.memref_slice %arg2[%dma_wait3A_186, %dma_wait3A_187] : memref<20000x128xf32, #tpu.memory_space<hbm>> -> memref<20000x128xf32, #tpu.memory_space<hbm>>
      tpu.wait_indirect_dma semaphore(%arg15 : memref<!tpu.dma_semaphore, #tpu.memory_space<semaphore_mem>>) src(%dma_wait3A_188 : memref<20000x128xf32, #tpu.memory_space<hbm>>) dst(%arg12 : memref<80x128xf32, #tpu.memory_space<vmem>>)
      %add3A_189 = arith.constant 1 : i32
      %add3A_190 = arith.addi %while3A_165, %add3A_189 : i32
      %lt3A = arith.cmpi slt, %add3A_190, %squeeze3A_12 : i32
      %convert_element_type3A_191 = arith.extui %lt3A : i1 to i32
      %cond3A_192 = arith.constant 0 : i32
      %cond3A_193 = arith.cmpi ne, %convert_element_type3A_191, %cond3A_192 : i32
      scf.if %cond3A_193 {
        %add3A_196 = arith.constant 2 : i32
        %add3A_197 = arith.addi %add3A_168, %add3A_196 : i32
        %dma_start3A_198 = arith.constant 0 : i32
        %dma_start3A_199 = tpu.memref_slice %arg8[%add3A_197, %dma_start3A_198] : memref<128x80xi32, #tpu.memory_space<vmem>> -> memref<1x80xi32, #tpu.memory_space<vmem>>
        %dma_start3A_200 = tpu.memref_squeeze %dma_start3A_199 : memref<1x80xi32, #tpu.memory_space<vmem>> -> memref<80xi32, #tpu.memory_space<vmem>>
        %dma_start3A_201 = arith.constant 0 : i32
        %dma_start3A_202 = arith.constant 0 : i32
        %dma_start3A_203 = tpu.memref_slice %arg2[%dma_start3A_201, %dma_start3A_202] : memref<20000x128xf32, #tpu.memory_space<hbm>> -> memref<20000x128xf32, #tpu.memory_space<hbm>>
        tpu.enqueue_indirect_dma source(%dma_start3A_203 : memref<20000x128xf32, #tpu.memory_space<hbm>>) target(%arg11 : memref<80x128xf32, #tpu.memory_space<vmem>>) offsets(%dma_start3A_200 : memref<80xi32, #tpu.memory_space<vmem>>) semaphore(%arg14 : memref<!tpu.dma_semaphore, #tpu.memory_space<semaphore_mem>>)
      } else {
      }
      %add3A_194 = arith.constant 1 : i32
      %add3A_195 = arith.addi %add3A_168, %add3A_194 : i32
      "tpu.region"() ({
        %run_scoped3A = tpu.sem_alloc : memref<!tpu.dma_semaphore, #tpu.memory_space<semaphore_mem>>
        %dma_start3A_196 = arith.constant 0 : i32
        %dma_start3A_197 = tpu.memref_slice %arg9[%add3A_195, %dma_start3A_196] : memref<128x80xi32, #tpu.memory_space<vmem>> -> memref<1x80xi32, #tpu.memory_space<vmem>>
        %dma_start3A_198 = tpu.memref_squeeze %dma_start3A_197 : memref<1x80xi32, #tpu.memory_space<vmem>> -> memref<80xi32, #tpu.memory_space<vmem>>
        %dma_start3A_199 = arith.constant 0 : i32
        %dma_start3A_200 = arith.constant 0 : i32
        %dma_start3A_201 = tpu.memref_slice %arg13[%dma_start3A_199, %dma_start3A_200] : memref<5120x128xf32, #tpu.memory_space<vmem_shared>> -> memref<5120x128xf32, #tpu.memory_space<vmem_shared>>
        tpu.enqueue_indirect_dma source(%arg12 : memref<80x128xf32, #tpu.memory_space<vmem>>) target(%dma_start3A_201 : memref<5120x128xf32, #tpu.memory_space<vmem_shared>>) offsets(%dma_start3A_198 : memref<80xi32, #tpu.memory_space<vmem>>) semaphore(%run_scoped3A : memref<!tpu.dma_semaphore, #tpu.memory_space<semaphore_mem>>) {add = true}
        %dma_wait3A_202 = arith.constant 0 : i32
        %dma_wait3A_203 = tpu.memref_slice %arg9[%add3A_195, %dma_wait3A_202] : memref<128x80xi32, #tpu.memory_space<vmem>> -> memref<1x80xi32, #tpu.memory_space<vmem>>
        %dma_wait3A_204 = tpu.memref_squeeze %dma_wait3A_203 : memref<1x80xi32, #tpu.memory_space<vmem>> -> memref<80xi32, #tpu.memory_space<vmem>>
        %dma_wait3A_205 = arith.constant 0 : i32
        %dma_wait3A_206 = arith.constant 0 : i32
        %dma_wait3A_207 = tpu.memref_slice %arg13[%dma_wait3A_205, %dma_wait3A_206] : memref<5120x128xf32, #tpu.memory_space<vmem_shared>> -> memref<5120x128xf32, #tpu.memory_space<vmem_shared>>
        tpu.wait_indirect_dma semaphore(%run_scoped3A : memref<!tpu.dma_semaphore, #tpu.memory_space<semaphore_mem>>) src(%arg12 : memref<80x128xf32, #tpu.memory_space<vmem>>) dst(%dma_wait3A_207 : memref<5120x128xf32, #tpu.memory_space<vmem_shared>>)
        tpu.yield
      }) : () -> ()
    }
    %while3A_23 = arith.constant 1 : i32
    scf.for %while3A_165 = %while3A_21 to %while3A_17 step %while3A_23  : i32 {
      %mul3A_166 = arith.constant 2 : i32
      %mul3A_167 = arith.muli %mul3A_166, %while3A_165 : i32
      %add3A_168 = arith.addi %squeeze3A, %mul3A_167 : i32
      %dma_wait3A = arith.constant 0 : i32
      %dma_wait3A_169 = tpu.memref_slice %arg8[%add3A_168, %dma_wait3A] : memref<128x80xi32, #tpu.memory_space<vmem>> -> memref<1x80xi32, #tpu.memory_space<vmem>>
      %dma_wait3A_170 = tpu.memref_squeeze %dma_wait3A_169 : memref<1x80xi32, #tpu.memory_space<vmem>> -> memref<80xi32, #tpu.memory_space<vmem>>
      %dma_wait3A_171 = arith.constant 0 : i32
      %dma_wait3A_172 = arith.constant 0 : i32
      %dma_wait3A_173 = tpu.memref_slice %arg2[%dma_wait3A_171, %dma_wait3A_172] : memref<20000x128xf32, #tpu.memory_space<hbm>> -> memref<20000x128xf32, #tpu.memory_space<hbm>>
      tpu.wait_indirect_dma semaphore(%arg14 : memref<!tpu.dma_semaphore, #tpu.memory_space<semaphore_mem>>) src(%dma_wait3A_173 : memref<20000x128xf32, #tpu.memory_space<hbm>>) dst(%arg11 : memref<80x128xf32, #tpu.memory_space<vmem>>)
      %add3A_174 = arith.constant 1 : i32
      %add3A_175 = arith.addi %add3A_168, %add3A_174 : i32
      %dma_start3A = arith.constant 0 : i32
      %dma_start3A_176 = tpu.memref_slice %arg8[%add3A_175, %dma_start3A] : memref<128x80xi32, #tpu.memory_space<vmem>> -> memref<1x80xi32, #tpu.memory_space<vmem>>
      %dma_start3A_177 = tpu.memref_squeeze %dma_start3A_176 : memref<1x80xi32, #tpu.memory_space<vmem>> -> memref<80xi32, #tpu.memory_space<vmem>>
      %dma_start3A_178 = arith.constant 0 : i32
      %dma_start3A_179 = arith.constant 0 : i32
      %dma_start3A_180 = tpu.memref_slice %arg2[%dma_start3A_178, %dma_start3A_179] : memref<20000x128xf32, #tpu.memory_space<hbm>> -> memref<20000x128xf32, #tpu.memory_space<hbm>>
      tpu.enqueue_indirect_dma source(%dma_start3A_180 : memref<20000x128xf32, #tpu.memory_space<hbm>>) target(%arg12 : memref<80x128xf32, #tpu.memory_space<vmem>>) offsets(%dma_start3A_177 : memref<80xi32, #tpu.memory_space<vmem>>) semaphore(%arg15 : memref<!tpu.dma_semaphore, #tpu.memory_space<semaphore_mem>>)
      "tpu.region"() ({
        %run_scoped3A = tpu.sem_alloc : memref<!tpu.dma_semaphore, #tpu.memory_space<semaphore_mem>>
        %dma_start3A_196 = arith.constant 0 : i32
        %dma_start3A_197 = tpu.memref_slice %arg9[%add3A_168, %dma_start3A_196] : memref<128x80xi32, #tpu.memory_space<vmem>> -> memref<1x80xi32, #tpu.memory_space<vmem>>
        %dma_start3A_198 = tpu.memref_squeeze %dma_start3A_197 : memref<1x80xi32, #tpu.memory_space<vmem>> -> memref<80xi32, #tpu.memory_space<vmem>>
        %dma_start3A_199 = arith.constant 0 : i32
        %dma_start3A_200 = arith.constant 0 : i32
        %dma_start3A_201 = tpu.memref_slice %arg13[%dma_start3A_199, %dma_start3A_200] : memref<5120x128xf32, #tpu.memory_space<vmem_shared>> -> memref<5120x128xf32, #tpu.memory_space<vmem_shared>>
        tpu.enqueue_indirect_dma source(%arg11 : memref<80x128xf32, #tpu.memory_space<vmem>>) target(%dma_start3A_201 : memref<5120x128xf32, #tpu.memory_space<vmem_shared>>) offsets(%dma_start3A_198 : memref<80xi32, #tpu.memory_space<vmem>>) semaphore(%run_scoped3A : memref<!tpu.dma_semaphore, #tpu.memory_space<semaphore_mem>>) {add = true}
        %dma_wait3A_202 = arith.constant 0 : i32
        %dma_wait3A_203 = tpu.memref_slice %arg9[%add3A_168, %dma_wait3A_202] : memref<128x80xi32, #tpu.memory_space<vmem>> -> memref<1x80xi32, #tpu.memory_space<vmem>>
        %dma_wait3A_204 = tpu.memref_squeeze %dma_wait3A_203 : memref<1x80xi32, #tpu.memory_space<vmem>> -> memref<80xi32, #tpu.memory_space<vmem>>
        %dma_wait3A_205 = arith.constant 0 : i32
        %dma_wait3A_206 = arith.constant 0 : i32
        %dma_wait3A_207 = tpu.memref_slice %arg13[%dma_wait3A_205, %dma_wait3A_206] : memref<5120x128xf32, #tpu.memory_space<vmem_shared>> -> memref<5120x128xf32, #tpu.memory_space<vmem_shared>>
        tpu.wait_indirect_dma semaphore(%run_scoped3A : memref<!tpu.dma_semaphore, #tpu.memory_space<semaphore_mem>>) src(%arg11 : memref<80x128xf32, #tpu.memory_space<vmem>>) dst(%dma_wait3A_207 : memref<5120x128xf32, #tpu.memory_space<vmem_shared>>)
        tpu.yield
      }) : () -> ()
      %add3A_181 = arith.constant 1 : i32
      %add3A_182 = arith.addi %add3A_168, %add3A_181 : i32
      %dma_wait3A_183 = arith.constant 0 : i32
      %dma_wait3A_184 = tpu.memref_slice %arg8[%add3A_182, %dma_wait3A_183] : memref<128x80xi32, #tpu.memory_space<vmem>> -> memref<1x80xi32, #tpu.memory_space<vmem>>
      %dma_wait3A_185 = tpu.memref_squeeze %dma_wait3A_184 : memref<1x80xi32, #tpu.memory_space<vmem>> -> memref<80xi32, #tpu.memory_space<vmem>>
      %dma_wait3A_186 = arith.constant 0 : i32
      %dma_wait3A_187 = arith.constant 0 : i32
      %dma_wait3A_188 = tpu.memref_slice %arg2[%dma_wait3A_186, %dma_wait3A_187] : memref<20000x128xf32, #tpu.memory_space<hbm>> -> memref<20000x128xf32, #tpu.memory_space<hbm>>
      tpu.wait_indirect_dma semaphore(%arg15 : memref<!tpu.dma_semaphore, #tpu.memory_space<semaphore_mem>>) src(%dma_wait3A_188 : memref<20000x128xf32, #tpu.memory_space<hbm>>) dst(%arg12 : memref<80x128xf32, #tpu.memory_space<vmem>>)
      %add3A_189 = arith.constant 1 : i32
      %add3A_190 = arith.addi %while3A_165, %add3A_189 : i32
      %lt3A = arith.cmpi slt, %add3A_190, %squeeze3A_12 : i32
      %convert_element_type3A_191 = arith.extui %lt3A : i1 to i32
      %cond3A_192 = arith.constant 0 : i32
      %cond3A_193 = arith.cmpi ne, %convert_element_type3A_191, %cond3A_192 : i32
      scf.if %cond3A_193 {
        %add3A_196 = arith.constant 2 : i32
        %add3A_197 = arith.addi %add3A_168, %add3A_196 : i32
        %dma_start3A_198 = arith.constant 0 : i32
        %dma_start3A_199 = tpu.memref_slice %arg8[%add3A_197, %dma_start3A_198] : memref<128x80xi32, #tpu.memory_space<vmem>> -> memref<1x80xi32, #tpu.memory_space<vmem>>
        %dma_start3A_200 = tpu.memref_squeeze %dma_start3A_199 : memref<1x80xi32, #tpu.memory_space<vmem>> -> memref<80xi32, #tpu.memory_space<vmem>>
        %dma_start3A_201 = arith.constant 0 : i32
        %dma_start3A_202 = arith.constant 0 : i32
        %dma_start3A_203 = tpu.memref_slice %arg2[%dma_start3A_201, %dma_start3A_202] : memref<20000x128xf32, #tpu.memory_space<hbm>> -> memref<20000x128xf32, #tpu.memory_space<hbm>>
        tpu.enqueue_indirect_dma source(%dma_start3A_203 : memref<20000x128xf32, #tpu.memory_space<hbm>>) target(%arg11 : memref<80x128xf32, #tpu.memory_space<vmem>>) offsets(%dma_start3A_200 : memref<80xi32, #tpu.memory_space<vmem>>) semaphore(%arg14 : memref<!tpu.dma_semaphore, #tpu.memory_space<semaphore_mem>>)
      } else {
      }
      %add3A_194 = arith.constant 1 : i32
      %add3A_195 = arith.addi %add3A_168, %add3A_194 : i32
      "tpu.region"() ({
        %run_scoped3A = tpu.sem_alloc : memref<!tpu.dma_semaphore, #tpu.memory_space<semaphore_mem>>
        %dma_start3A_196 = arith.constant 0 : i32
        %dma_start3A_197 = tpu.memref_slice %arg9[%add3A_195, %dma_start3A_196] : memref<128x80xi32, #tpu.memory_space<vmem>> -> memref<1x80xi32, #tpu.memory_space<vmem>>
        %dma_start3A_198 = tpu.memref_squeeze %dma_start3A_197 : memref<1x80xi32, #tpu.memory_space<vmem>> -> memref<80xi32, #tpu.memory_space<vmem>>
        %dma_start3A_199 = arith.constant 0 : i32
        %dma_start3A_200 = arith.constant 0 : i32
        %dma_start3A_201 = tpu.memref_slice %arg13[%dma_start3A_199, %dma_start3A_200] : memref<5120x128xf32, #tpu.memory_space<vmem_shared>> -> memref<5120x128xf32, #tpu.memory_space<vmem_shared>>
        tpu.enqueue_indirect_dma source(%arg12 : memref<80x128xf32, #tpu.memory_space<vmem>>) target(%dma_start3A_201 : memref<5120x128xf32, #tpu.memory_space<vmem_shared>>) offsets(%dma_start3A_198 : memref<80xi32, #tpu.memory_space<vmem>>) semaphore(%run_scoped3A : memref<!tpu.dma_semaphore, #tpu.memory_space<semaphore_mem>>) {add = true}
        %dma_wait3A_202 = arith.constant 0 : i32
        %dma_wait3A_203 = tpu.memref_slice %arg9[%add3A_195, %dma_wait3A_202] : memref<128x80xi32, #tpu.memory_space<vmem>> -> memref<1x80xi32, #tpu.memory_space<vmem>>
        %dma_wait3A_204 = tpu.memref_squeeze %dma_wait3A_203 : memref<1x80xi32, #tpu.memory_space<vmem>> -> memref<80xi32, #tpu.memory_space<vmem>>
        %dma_wait3A_205 = arith.constant 0 : i32
        %dma_wait3A_206 = arith.constant 0 : i32
        %dma_wait3A_207 = tpu.memref_slice %arg13[%dma_wait3A_205, %dma_wait3A_206] : memref<5120x128xf32, #tpu.memory_space<vmem_shared>> -> memref<5120x128xf32, #tpu.memory_space<vmem_shared>>
        tpu.wait_indirect_dma semaphore(%run_scoped3A : memref<!tpu.dma_semaphore, #tpu.memory_space<semaphore_mem>>) src(%arg12 : memref<80x128xf32, #tpu.memory_space<vmem>>) dst(%dma_wait3A_207 : memref<5120x128xf32, #tpu.memory_space<vmem_shared>>)
        tpu.yield
      }) : () -> ()
    }
    %barrier3A_24 = arith.constant 0 : index
    tpu.barrier barrier_id(%barrier3A_24)
    %mul3A_25 = arith.constant 320 : i32
    %mul3A_26 = arith.muli %arg1, %mul3A_25 : i32
    %mul3A_27 = arith.constant 4 : i32
    %mul3A_28 = arith.muli %arg0, %mul3A_27 : i32
    %add3A_29 = arith.constant 0 : i32
    %add3A_30 = arith.addi %mul3A_28, %add3A_29 : i32
    %mul3A_31 = arith.constant 5120 : i32
    %mul3A_32 = arith.muli %add3A_30, %mul3A_31 : i32
    %mul3A_33 = arith.constant 320 : i32
    %mul3A_34 = arith.muli %arg1, %mul3A_33 : i32
    %add3A_35 = arith.addi %mul3A_32, %mul3A_34 : i32
    "tpu.region"() ({
      %run_scoped3A = tpu.sem_alloc : memref<!tpu.dma_semaphore, #tpu.memory_space<semaphore_mem>>
      %dma_start3A = arith.constant 0 : i32
      %dma_start3A_165 = tpu.memref_slice %arg7[%add3A_35, %dma_start3A] : memref<40960x128xf32, #tpu.memory_space<hbm>> -> memref<320x128xf32, #tpu.memory_space<hbm>>
      %dma_start3A_166 = arith.constant 0 : i32
      %dma_start3A_167 = tpu.memref_slice %arg13[%mul3A_26, %dma_start3A_166] : memref<5120x128xf32, #tpu.memory_space<vmem_shared>> -> memref<320x128xf32, #tpu.memory_space<vmem_shared>>
      tpu.enqueue_dma source(%dma_start3A_167 : memref<320x128xf32, #tpu.memory_space<vmem_shared>>) target(%dma_start3A_165 : memref<320x128xf32, #tpu.memory_space<hbm>>) target_semaphore(%run_scoped3A : memref<!tpu.dma_semaphore, #tpu.memory_space<semaphore_mem>>)
      %dma_wait3A = arith.constant 0 : i32
      %dma_wait3A_168 = tpu.memref_slice %arg7[%add3A_35, %dma_wait3A] : memref<40960x128xf32, #tpu.memory_space<hbm>> -> memref<320x128xf32, #tpu.memory_space<hbm>>
      %dma_wait3A_169 = arith.constant 0 : i32
      %dma_wait3A_170 = tpu.memref_slice %arg13[%mul3A_26, %dma_wait3A_169] : memref<5120x128xf32, #tpu.memory_space<vmem_shared>> -> memref<320x128xf32, #tpu.memory_space<vmem_shared>>
      tpu.wait_dma2 semaphore(%run_scoped3A : memref<!tpu.dma_semaphore, #tpu.memory_space<semaphore_mem>>) src(%dma_wait3A_170 : memref<320x128xf32, #tpu.memory_space<vmem_shared>>) dst(%dma_wait3A_168 : memref<320x128xf32, #tpu.memory_space<hbm>>)
      tpu.yield
    }) : () -> ()
    %add3A_36 = arith.constant 32 : i32
    %add3A_37 = arith.addi %add3A_36, %add3A : i32
    "tpu.region"() ({
      %run_scoped3A = tpu.sem_alloc : memref<!tpu.dma_semaphore, #tpu.memory_space<semaphore_mem>>
      %dma_start3A = arith.constant 0 : i32
      %dma_start3A_165 = arith.constant 0 : i32
      %dma_start3A_166 = tpu.memref_slice %arg3[%add3A_37, %dma_start3A, %dma_start3A_165] : memref<64x128x80xi32, #tpu.memory_space<hbm>> -> memref<1x128x80xi32, #tpu.memory_space<hbm>>
      %dma_start3A_167 = tpu.memref_squeeze %dma_start3A_166 : memref<1x128x80xi32, #tpu.memory_space<hbm>> -> memref<128x80xi32, #tpu.memory_space<hbm>>
      %dma_start3A_168 = arith.constant 0 : i32
      %dma_start3A_169 = arith.constant 0 : i32
      %dma_start3A_170 = tpu.memref_slice %arg3[%add3A_37, %dma_start3A_168, %dma_start3A_169] : memref<64x128x80xi32, #tpu.memory_space<hbm>> -> memref<1x128x80xi32, #tpu.memory_space<hbm>>
      %dma_start3A_171 = tpu.memref_squeeze %dma_start3A_170 : memref<1x128x80xi32, #tpu.memory_space<hbm>> -> memref<128x80xi32, #tpu.memory_space<hbm>>
      tpu.enqueue_dma source(%dma_start3A_171 : memref<128x80xi32, #tpu.memory_space<hbm>>) target(%arg8 : memref<128x80xi32, #tpu.memory_space<vmem>>) target_semaphore(%run_scoped3A : memref<!tpu.dma_semaphore, #tpu.memory_space<semaphore_mem>>)
      %dma_wait3A = arith.constant 0 : i32
      %dma_wait3A_172 = arith.constant 0 : i32
      %dma_wait3A_173 = tpu.memref_slice %arg3[%add3A_37, %dma_wait3A, %dma_wait3A_172] : memref<64x128x80xi32, #tpu.memory_space<hbm>> -> memref<1x128x80xi32, #tpu.memory_space<hbm>>
      %dma_wait3A_174 = tpu.memref_squeeze %dma_wait3A_173 : memref<1x128x80xi32, #tpu.memory_space<hbm>> -> memref<128x80xi32, #tpu.memory_space<hbm>>
      %dma_wait3A_175 = arith.constant 0 : i32
      %dma_wait3A_176 = arith.constant 0 : i32
      %dma_wait3A_177 = tpu.memref_slice %arg3[%add3A_37, %dma_wait3A_175, %dma_wait3A_176] : memref<64x128x80xi32, #tpu.memory_space<hbm>> -> memref<1x128x80xi32, #tpu.memory_space<hbm>>
      %dma_wait3A_178 = tpu.memref_squeeze %dma_wait3A_177 : memref<1x128x80xi32, #tpu.memory_space<hbm>> -> memref<128x80xi32, #tpu.memory_space<hbm>>
      tpu.wait_dma2 semaphore(%run_scoped3A : memref<!tpu.dma_semaphore, #tpu.memory_space<semaphore_mem>>) src(%dma_wait3A_178 : memref<128x80xi32, #tpu.memory_space<hbm>>) dst(%arg8 : memref<128x80xi32, #tpu.memory_space<vmem>>)
      tpu.yield
    }) : () -> ()
    %add3A_38 = arith.constant 0 : i32
    %add3A_39 = arith.addi %add3A_38, %add3A : i32
    "tpu.region"() ({
      %run_scoped3A = tpu.sem_alloc : memref<!tpu.dma_semaphore, #tpu.memory_space<semaphore_mem>>
      %dma_start3A = arith.constant 0 : i32
      %dma_start3A_165 = arith.constant 0 : i32
      %dma_start3A_166 = tpu.memref_slice %arg4[%add3A_39, %dma_start3A, %dma_start3A_165] : memref<64x128x80xi32, #tpu.memory_space<hbm>> -> memref<1x128x80xi32, #tpu.memory_space<hbm>>
      %dma_start3A_167 = tpu.memref_squeeze %dma_start3A_166 : memref<1x128x80xi32, #tpu.memory_space<hbm>> -> memref<128x80xi32, #tpu.memory_space<hbm>>
      %dma_start3A_168 = arith.constant 0 : i32
      %dma_start3A_169 = arith.constant 0 : i32
      %dma_start3A_170 = tpu.memref_slice %arg4[%add3A_39, %dma_start3A_168, %dma_start3A_169] : memref<64x128x80xi32, #tpu.memory_space<hbm>> -> memref<1x128x80xi32, #tpu.memory_space<hbm>>
      %dma_start3A_171 = tpu.memref_squeeze %dma_start3A_170 : memref<1x128x80xi32, #tpu.memory_space<hbm>> -> memref<128x80xi32, #tpu.memory_space<hbm>>
      tpu.enqueue_dma source(%dma_start3A_171 : memref<128x80xi32, #tpu.memory_space<hbm>>) target(%arg9 : memref<128x80xi32, #tpu.memory_space<vmem>>) target_semaphore(%run_scoped3A : memref<!tpu.dma_semaphore, #tpu.memory_space<semaphore_mem>>)
      %dma_wait3A = arith.constant 0 : i32
      %dma_wait3A_172 = arith.constant 0 : i32
      %dma_wait3A_173 = tpu.memref_slice %arg4[%add3A_39, %dma_wait3A, %dma_wait3A_172] : memref<64x128x80xi32, #tpu.memory_space<hbm>> -> memref<1x128x80xi32, #tpu.memory_space<hbm>>
      %dma_wait3A_174 = tpu.memref_squeeze %dma_wait3A_173 : memref<1x128x80xi32, #tpu.memory_space<hbm>> -> memref<128x80xi32, #tpu.memory_space<hbm>>
      %dma_wait3A_175 = arith.constant 0 : i32
      %dma_wait3A_176 = arith.constant 0 : i32
      %dma_wait3A_177 = tpu.memref_slice %arg4[%add3A_39, %dma_wait3A_175, %dma_wait3A_176] : memref<64x128x80xi32, #tpu.memory_space<hbm>> -> memref<1x128x80xi32, #tpu.memory_space<hbm>>
      %dma_wait3A_178 = tpu.memref_squeeze %dma_wait3A_177 : memref<1x128x80xi32, #tpu.memory_space<hbm>> -> memref<128x80xi32, #tpu.memory_space<hbm>>
      tpu.wait_dma2 semaphore(%run_scoped3A : memref<!tpu.dma_semaphore, #tpu.memory_space<semaphore_mem>>) src(%dma_wait3A_178 : memref<128x80xi32, #tpu.memory_space<hbm>>) dst(%arg9 : memref<128x80xi32, #tpu.memory_space<vmem>>)
      tpu.yield
    }) : () -> ()
    %add3A_40 = arith.constant 0 : i32
    %add3A_41 = arith.addi %add3A_40, %add3A : i32
    "tpu.region"() ({
      %run_scoped3A = tpu.sem_alloc : memref<!tpu.dma_semaphore, #tpu.memory_space<semaphore_mem>>
      %dma_start3A = arith.constant 0 : i32
      %dma_start3A_165 = tpu.memref_slice %arg5[%add3A_41, %dma_start3A] : memref<64x16xi32, #tpu.memory_space<hbm>> -> memref<1x16xi32, #tpu.memory_space<hbm>>
      %dma_start3A_166 = tpu.memref_squeeze %dma_start3A_165 : memref<1x16xi32, #tpu.memory_space<hbm>> -> memref<16xi32, #tpu.memory_space<hbm>>
      %dma_start3A_167 = arith.constant 0 : i32
      %dma_start3A_168 = tpu.memref_slice %arg5[%add3A_41, %dma_start3A_167] : memref<64x16xi32, #tpu.memory_space<hbm>> -> memref<1x16xi32, #tpu.memory_space<hbm>>
      %dma_start3A_169 = tpu.memref_squeeze %dma_start3A_168 : memref<1x16xi32, #tpu.memory_space<hbm>> -> memref<16xi32, #tpu.memory_space<hbm>>
      tpu.enqueue_dma source(%dma_start3A_169 : memref<16xi32, #tpu.memory_space<hbm>>) target(%arg10 : memref<16xi32, #tpu.memory_space<vmem>>) target_semaphore(%run_scoped3A : memref<!tpu.dma_semaphore, #tpu.memory_space<semaphore_mem>>)
      %dma_wait3A = arith.constant 0 : i32
      %dma_wait3A_170 = tpu.memref_slice %arg5[%add3A_41, %dma_wait3A] : memref<64x16xi32, #tpu.memory_space<hbm>> -> memref<1x16xi32, #tpu.memory_space<hbm>>
      %dma_wait3A_171 = tpu.memref_squeeze %dma_wait3A_170 : memref<1x16xi32, #tpu.memory_space<hbm>> -> memref<16xi32, #tpu.memory_space<hbm>>
      %dma_wait3A_172 = arith.constant 0 : i32
      %dma_wait3A_173 = tpu.memref_slice %arg5[%add3A_41, %dma_wait3A_172] : memref<64x16xi32, #tpu.memory_space<hbm>> -> memref<1x16xi32, #tpu.memory_space<hbm>>
      %dma_wait3A_174 = tpu.memref_squeeze %dma_wait3A_173 : memref<1x16xi32, #tpu.memory_space<hbm>> -> memref<16xi32, #tpu.memory_space<hbm>>
      tpu.wait_dma2 semaphore(%run_scoped3A : memref<!tpu.dma_semaphore, #tpu.memory_space<semaphore_mem>>) src(%dma_wait3A_174 : memref<16xi32, #tpu.memory_space<hbm>>) dst(%arg10 : memref<16xi32, #tpu.memory_space<vmem>>)
      tpu.yield
    }) : () -> ()
    %mul3A_42 = arith.constant 320 : i32
    %mul3A_43 = arith.muli %arg1, %mul3A_42 : i32
    "tpu.region"() ({
      %run_scoped3A = tpu.sem_alloc : memref<!tpu.dma_semaphore, #tpu.memory_space<semaphore_mem>>
      %dma_start3A = arith.constant 0 : i32
      %dma_start3A_165 = tpu.memref_slice %arg13[%mul3A_43, %dma_start3A] : memref<5120x128xf32, #tpu.memory_space<vmem_shared>> -> memref<320x128xf32, #tpu.memory_space<vmem_shared>>
      tpu.enqueue_dma source(%arg6 : memref<320x128xf32, #tpu.memory_space<hbm>>) target(%dma_start3A_165 : memref<320x128xf32, #tpu.memory_space<vmem_shared>>) target_semaphore(%run_scoped3A : memref<!tpu.dma_semaphore, #tpu.memory_space<semaphore_mem>>)
      %dma_wait3A = arith.constant 0 : i32
      %dma_wait3A_166 = tpu.memref_slice %arg13[%mul3A_43, %dma_wait3A] : memref<5120x128xf32, #tpu.memory_space<vmem_shared>> -> memref<320x128xf32, #tpu.memory_space<vmem_shared>>
      tpu.wait_dma2 semaphore(%run_scoped3A : memref<!tpu.dma_semaphore, #tpu.memory_space<semaphore_mem>>) src(%arg6 : memref<320x128xf32, #tpu.memory_space<hbm>>) dst(%dma_wait3A_166 : memref<320x128xf32, #tpu.memory_space<vmem_shared>>)
      tpu.yield
    }) : () -> ()
    %barrier3A_44 = arith.constant 0 : index
    tpu.barrier barrier_id(%barrier3A_44)
    %get3A_45 = arith.constant 0 : index
    %get3A_46 = tpu.vector_load %arg10[%get3A_45] {strides = array<i32>} : memref<16xi32, #tpu.memory_space<vmem>>, vector<16xi32>,
    %get3A_47 = vector.shape_cast %get3A_46 : vector<16xi32> to vector<16xi32>
    %slice3A_48 = vector.extract_strided_slice %get3A_47 {offsets = [0], sizes = [1], strides = [1]} : vector<16xi32> to vector<1xi32>
    %squeeze3A_49 = vector.extract %slice3A_48[0] : i32 from vector<1xi32>
    %slice3A_50 = vector.extract_strided_slice %get3A_47 {offsets = [1], sizes = [1], strides = [1]} : vector<16xi32> to vector<1xi32>
    %squeeze3A_51 = vector.extract %slice3A_50[0] : i32 from vector<1xi32>
    %gt3A_52 = arith.constant 0 : i32
    %gt3A_53 = arith.cmpi sgt, %squeeze3A_51, %gt3A_52 : i32
    %convert_element_type3A_54 = arith.extui %gt3A_53 : i1 to i32
    %cond3A_55 = arith.constant 0 : i32
    %cond3A_56 = arith.cmpi ne, %convert_element_type3A_54, %cond3A_55 : i32
    scf.if %cond3A_56 {
      %dma_start3A = arith.constant 0 : i32
      %dma_start3A_165 = tpu.memref_slice %arg8[%squeeze3A_49, %dma_start3A] : memref<128x80xi32, #tpu.memory_space<vmem>> -> memref<1x80xi32, #tpu.memory_space<vmem>>
      %dma_start3A_166 = tpu.memref_squeeze %dma_start3A_165 : memref<1x80xi32, #tpu.memory_space<vmem>> -> memref<80xi32, #tpu.memory_space<vmem>>
      %dma_start3A_167 = arith.constant 0 : i32
      %dma_start3A_168 = arith.constant 0 : i32
      %dma_start3A_169 = tpu.memref_slice %arg2[%dma_start3A_167, %dma_start3A_168] : memref<20000x128xf32, #tpu.memory_space<hbm>> -> memref<20000x128xf32, #tpu.memory_space<hbm>>
      tpu.enqueue_indirect_dma source(%dma_start3A_169 : memref<20000x128xf32, #tpu.memory_space<hbm>>) target(%arg11 : memref<80x128xf32, #tpu.memory_space<vmem>>) offsets(%dma_start3A_166 : memref<80xi32, #tpu.memory_space<vmem>>) semaphore(%arg14 : memref<!tpu.dma_semaphore, #tpu.memory_space<semaphore_mem>>)
    } else {
    }
    %while3A_57 = arith.constant 0 : i32
    %while3A_58 = arith.constant 0 : i32
    %while3A_59 = arith.subi %squeeze3A_51, %while3A_58 : i32
    %while3A_60 = arith.addi %while3A_58, %while3A_59 : i32
    %while3A_61 = arith.constant 1 : i32
    %while3A_62 = arith.divsi %while3A_59, %while3A_61 : i32
    %while3A_63 = arith.muli %while3A_62, %while3A_61 : i32
    %while3A_64 = arith.addi %while3A_58, %while3A_63 : i32
    %while3A_65 = arith.constant 1 : i32
    scf.for %while3A_165 = %while3A_58 to %while3A_64 step %while3A_65  : i32 {
      %mul3A_166 = arith.constant 2 : i32
      %mul3A_167 = arith.muli %mul3A_166, %while3A_165 : i32
      %add3A_168 = arith.addi %squeeze3A_49, %mul3A_167 : i32
      %dma_wait3A = arith.constant 0 : i32
      %dma_wait3A_169 = tpu.memref_slice %arg8[%add3A_168, %dma_wait3A] : memref<128x80xi32, #tpu.memory_space<vmem>> -> memref<1x80xi32, #tpu.memory_space<vmem>>
      %dma_wait3A_170 = tpu.memref_squeeze %dma_wait3A_169 : memref<1x80xi32, #tpu.memory_space<vmem>> -> memref<80xi32, #tpu.memory_space<vmem>>
      %dma_wait3A_171 = arith.constant 0 : i32
      %dma_wait3A_172 = arith.constant 0 : i32
      %dma_wait3A_173 = tpu.memref_slice %arg2[%dma_wait3A_171, %dma_wait3A_172] : memref<20000x128xf32, #tpu.memory_space<hbm>> -> memref<20000x128xf32, #tpu.memory_space<hbm>>
      tpu.wait_indirect_dma semaphore(%arg14 : memref<!tpu.dma_semaphore, #tpu.memory_space<semaphore_mem>>) src(%dma_wait3A_173 : memref<20000x128xf32, #tpu.memory_space<hbm>>) dst(%arg11 : memref<80x128xf32, #tpu.memory_space<vmem>>)
      %add3A_174 = arith.constant 1 : i32
      %add3A_175 = arith.addi %add3A_168, %add3A_174 : i32
      %dma_start3A = arith.constant 0 : i32
      %dma_start3A_176 = tpu.memref_slice %arg8[%add3A_175, %dma_start3A] : memref<128x80xi32, #tpu.memory_space<vmem>> -> memref<1x80xi32, #tpu.memory_space<vmem>>
      %dma_start3A_177 = tpu.memref_squeeze %dma_start3A_176 : memref<1x80xi32, #tpu.memory_space<vmem>> -> memref<80xi32, #tpu.memory_space<vmem>>
      %dma_start3A_178 = arith.constant 0 : i32
      %dma_start3A_179 = arith.constant 0 : i32
      %dma_start3A_180 = tpu.memref_slice %arg2[%dma_start3A_178, %dma_start3A_179] : memref<20000x128xf32, #tpu.memory_space<hbm>> -> memref<20000x128xf32, #tpu.memory_space<hbm>>
      tpu.enqueue_indirect_dma source(%dma_start3A_180 : memref<20000x128xf32, #tpu.memory_space<hbm>>) target(%arg12 : memref<80x128xf32, #tpu.memory_space<vmem>>) offsets(%dma_start3A_177 : memref<80xi32, #tpu.memory_space<vmem>>) semaphore(%arg15 : memref<!tpu.dma_semaphore, #tpu.memory_space<semaphore_mem>>)
      "tpu.region"() ({
        %run_scoped3A = tpu.sem_alloc : memref<!tpu.dma_semaphore, #tpu.memory_space<semaphore_mem>>
        %dma_start3A_196 = arith.constant 0 : i32
        %dma_start3A_197 = tpu.memref_slice %arg9[%add3A_168, %dma_start3A_196] : memref<128x80xi32, #tpu.memory_space<vmem>> -> memref<1x80xi32, #tpu.memory_space<vmem>>
        %dma_start3A_198 = tpu.memref_squeeze %dma_start3A_197 : memref<1x80xi32, #tpu.memory_space<vmem>> -> memref<80xi32, #tpu.memory_space<vmem>>
        %dma_start3A_199 = arith.constant 0 : i32
        %dma_start3A_200 = arith.constant 0 : i32
        %dma_start3A_201 = tpu.memref_slice %arg13[%dma_start3A_199, %dma_start3A_200] : memref<5120x128xf32, #tpu.memory_space<vmem_shared>> -> memref<5120x128xf32, #tpu.memory_space<vmem_shared>>
        tpu.enqueue_indirect_dma source(%arg11 : memref<80x128xf32, #tpu.memory_space<vmem>>) target(%dma_start3A_201 : memref<5120x128xf32, #tpu.memory_space<vmem_shared>>) offsets(%dma_start3A_198 : memref<80xi32, #tpu.memory_space<vmem>>) semaphore(%run_scoped3A : memref<!tpu.dma_semaphore, #tpu.memory_space<semaphore_mem>>) {add = true}
        %dma_wait3A_202 = arith.constant 0 : i32
        %dma_wait3A_203 = tpu.memref_slice %arg9[%add3A_168, %dma_wait3A_202] : memref<128x80xi32, #tpu.memory_space<vmem>> -> memref<1x80xi32, #tpu.memory_space<vmem>>
        %dma_wait3A_204 = tpu.memref_squeeze %dma_wait3A_203 : memref<1x80xi32, #tpu.memory_space<vmem>> -> memref<80xi32, #tpu.memory_space<vmem>>
        %dma_wait3A_205 = arith.constant 0 : i32
        %dma_wait3A_206 = arith.constant 0 : i32
        %dma_wait3A_207 = tpu.memref_slice %arg13[%dma_wait3A_205, %dma_wait3A_206] : memref<5120x128xf32, #tpu.memory_space<vmem_shared>> -> memref<5120x128xf32, #tpu.memory_space<vmem_shared>>
        tpu.wait_indirect_dma semaphore(%run_scoped3A : memref<!tpu.dma_semaphore, #tpu.memory_space<semaphore_mem>>) src(%arg11 : memref<80x128xf32, #tpu.memory_space<vmem>>) dst(%dma_wait3A_207 : memref<5120x128xf32, #tpu.memory_space<vmem_shared>>)
        tpu.yield
      }) : () -> ()
      %add3A_181 = arith.constant 1 : i32
      %add3A_182 = arith.addi %add3A_168, %add3A_181 : i32
      %dma_wait3A_183 = arith.constant 0 : i32
      %dma_wait3A_184 = tpu.memref_slice %arg8[%add3A_182, %dma_wait3A_183] : memref<128x80xi32, #tpu.memory_space<vmem>> -> memref<1x80xi32, #tpu.memory_space<vmem>>
      %dma_wait3A_185 = tpu.memref_squeeze %dma_wait3A_184 : memref<1x80xi32, #tpu.memory_space<vmem>> -> memref<80xi32, #tpu.memory_space<vmem>>
      %dma_wait3A_186 = arith.constant 0 : i32
      %dma_wait3A_187 = arith.constant 0 : i32
      %dma_wait3A_188 = tpu.memref_slice %arg2[%dma_wait3A_186, %dma_wait3A_187] : memref<20000x128xf32, #tpu.memory_space<hbm>> -> memref<20000x128xf32, #tpu.memory_space<hbm>>
      tpu.wait_indirect_dma semaphore(%arg15 : memref<!tpu.dma_semaphore, #tpu.memory_space<semaphore_mem>>) src(%dma_wait3A_188 : memref<20000x128xf32, #tpu.memory_space<hbm>>) dst(%arg12 : memref<80x128xf32, #tpu.memory_space<vmem>>)
      %add3A_189 = arith.constant 1 : i32
      %add3A_190 = arith.addi %while3A_165, %add3A_189 : i32
      %lt3A = arith.cmpi slt, %add3A_190, %squeeze3A_51 : i32
      %convert_element_type3A_191 = arith.extui %lt3A : i1 to i32
      %cond3A_192 = arith.constant 0 : i32
      %cond3A_193 = arith.cmpi ne, %convert_element_type3A_191, %cond3A_192 : i32
      scf.if %cond3A_193 {
        %add3A_196 = arith.constant 2 : i32
        %add3A_197 = arith.addi %add3A_168, %add3A_196 : i32
        %dma_start3A_198 = arith.constant 0 : i32
        %dma_start3A_199 = tpu.memref_slice %arg8[%add3A_197, %dma_start3A_198] : memref<128x80xi32, #tpu.memory_space<vmem>> -> memref<1x80xi32, #tpu.memory_space<vmem>>
        %dma_start3A_200 = tpu.memref_squeeze %dma_start3A_199 : memref<1x80xi32, #tpu.memory_space<vmem>> -> memref<80xi32, #tpu.memory_space<vmem>>
        %dma_start3A_201 = arith.constant 0 : i32
        %dma_start3A_202 = arith.constant 0 : i32
        %dma_start3A_203 = tpu.memref_slice %arg2[%dma_start3A_201, %dma_start3A_202] : memref<20000x128xf32, #tpu.memory_space<hbm>> -> memref<20000x128xf32, #tpu.memory_space<hbm>>
        tpu.enqueue_indirect_dma source(%dma_start3A_203 : memref<20000x128xf32, #tpu.memory_space<hbm>>) target(%arg11 : memref<80x128xf32, #tpu.memory_space<vmem>>) offsets(%dma_start3A_200 : memref<80xi32, #tpu.memory_space<vmem>>) semaphore(%arg14 : memref<!tpu.dma_semaphore, #tpu.memory_space<semaphore_mem>>)
      } else {
      }
      %add3A_194 = arith.constant 1 : i32
      %add3A_195 = arith.addi %add3A_168, %add3A_194 : i32
      "tpu.region"() ({
        %run_scoped3A = tpu.sem_alloc : memref<!tpu.dma_semaphore, #tpu.memory_space<semaphore_mem>>
        %dma_start3A_196 = arith.constant 0 : i32
        %dma_start3A_197 = tpu.memref_slice %arg9[%add3A_195, %dma_start3A_196] : memref<128x80xi32, #tpu.memory_space<vmem>> -> memref<1x80xi32, #tpu.memory_space<vmem>>
        %dma_start3A_198 = tpu.memref_squeeze %dma_start3A_197 : memref<1x80xi32, #tpu.memory_space<vmem>> -> memref<80xi32, #tpu.memory_space<vmem>>
        %dma_start3A_199 = arith.constant 0 : i32
        %dma_start3A_200 = arith.constant 0 : i32
        %dma_start3A_201 = tpu.memref_slice %arg13[%dma_start3A_199, %dma_start3A_200] : memref<5120x128xf32, #tpu.memory_space<vmem_shared>> -> memref<5120x128xf32, #tpu.memory_space<vmem_shared>>
        tpu.enqueue_indirect_dma source(%arg12 : memref<80x128xf32, #tpu.memory_space<vmem>>) target(%dma_start3A_201 : memref<5120x128xf32, #tpu.memory_space<vmem_shared>>) offsets(%dma_start3A_198 : memref<80xi32, #tpu.memory_space<vmem>>) semaphore(%run_scoped3A : memref<!tpu.dma_semaphore, #tpu.memory_space<semaphore_mem>>) {add = true}
        %dma_wait3A_202 = arith.constant 0 : i32
        %dma_wait3A_203 = tpu.memref_slice %arg9[%add3A_195, %dma_wait3A_202] : memref<128x80xi32, #tpu.memory_space<vmem>> -> memref<1x80xi32, #tpu.memory_space<vmem>>
        %dma_wait3A_204 = tpu.memref_squeeze %dma_wait3A_203 : memref<1x80xi32, #tpu.memory_space<vmem>> -> memref<80xi32, #tpu.memory_space<vmem>>
        %dma_wait3A_205 = arith.constant 0 : i32
        %dma_wait3A_206 = arith.constant 0 : i32
        %dma_wait3A_207 = tpu.memref_slice %arg13[%dma_wait3A_205, %dma_wait3A_206] : memref<5120x128xf32, #tpu.memory_space<vmem_shared>> -> memref<5120x128xf32, #tpu.memory_space<vmem_shared>>
        tpu.wait_indirect_dma semaphore(%run_scoped3A : memref<!tpu.dma_semaphore, #tpu.memory_space<semaphore_mem>>) src(%arg12 : memref<80x128xf32, #tpu.memory_space<vmem>>) dst(%dma_wait3A_207 : memref<5120x128xf32, #tpu.memory_space<vmem_shared>>)
        tpu.yield
      }) : () -> ()
    }
    %while3A_66 = arith.constant 1 : i32
    scf.for %while3A_165 = %while3A_64 to %while3A_60 step %while3A_66  : i32 {
      %mul3A_166 = arith.constant 2 : i32
      %mul3A_167 = arith.muli %mul3A_166, %while3A_165 : i32
      %add3A_168 = arith.addi %squeeze3A_49, %mul3A_167 : i32
      %dma_wait3A = arith.constant 0 : i32
      %dma_wait3A_169 = tpu.memref_slice %arg8[%add3A_168, %dma_wait3A] : memref<128x80xi32, #tpu.memory_space<vmem>> -> memref<1x80xi32, #tpu.memory_space<vmem>>
      %dma_wait3A_170 = tpu.memref_squeeze %dma_wait3A_169 : memref<1x80xi32, #tpu.memory_space<vmem>> -> memref<80xi32, #tpu.memory_space<vmem>>
      %dma_wait3A_171 = arith.constant 0 : i32
      %dma_wait3A_172 = arith.constant 0 : i32
      %dma_wait3A_173 = tpu.memref_slice %arg2[%dma_wait3A_171, %dma_wait3A_172] : memref<20000x128xf32, #tpu.memory_space<hbm>> -> memref<20000x128xf32, #tpu.memory_space<hbm>>
      tpu.wait_indirect_dma semaphore(%arg14 : memref<!tpu.dma_semaphore, #tpu.memory_space<semaphore_mem>>) src(%dma_wait3A_173 : memref<20000x128xf32, #tpu.memory_space<hbm>>) dst(%arg11 : memref<80x128xf32, #tpu.memory_space<vmem>>)
      %add3A_174 = arith.constant 1 : i32
      %add3A_175 = arith.addi %add3A_168, %add3A_174 : i32
      %dma_start3A = arith.constant 0 : i32
      %dma_start3A_176 = tpu.memref_slice %arg8[%add3A_175, %dma_start3A] : memref<128x80xi32, #tpu.memory_space<vmem>> -> memref<1x80xi32, #tpu.memory_space<vmem>>
      %dma_start3A_177 = tpu.memref_squeeze %dma_start3A_176 : memref<1x80xi32, #tpu.memory_space<vmem>> -> memref<80xi32, #tpu.memory_space<vmem>>
      %dma_start3A_178 = arith.constant 0 : i32
      %dma_start3A_179 = arith.constant 0 : i32
      %dma_start3A_180 = tpu.memref_slice %arg2[%dma_start3A_178, %dma_start3A_179] : memref<20000x128xf32, #tpu.memory_space<hbm>> -> memref<20000x128xf32, #tpu.memory_space<hbm>>
      tpu.enqueue_indirect_dma source(%dma_start3A_180 : memref<20000x128xf32, #tpu.memory_space<hbm>>) target(%arg12 : memref<80x128xf32, #tpu.memory_space<vmem>>) offsets(%dma_start3A_177 : memref<80xi32, #tpu.memory_space<vmem>>) semaphore(%arg15 : memref<!tpu.dma_semaphore, #tpu.memory_space<semaphore_mem>>)
      "tpu.region"() ({
        %run_scoped3A = tpu.sem_alloc : memref<!tpu.dma_semaphore, #tpu.memory_space<semaphore_mem>>
        %dma_start3A_196 = arith.constant 0 : i32
        %dma_start3A_197 = tpu.memref_slice %arg9[%add3A_168, %dma_start3A_196] : memref<128x80xi32, #tpu.memory_space<vmem>> -> memref<1x80xi32, #tpu.memory_space<vmem>>
        %dma_start3A_198 = tpu.memref_squeeze %dma_start3A_197 : memref<1x80xi32, #tpu.memory_space<vmem>> -> memref<80xi32, #tpu.memory_space<vmem>>
        %dma_start3A_199 = arith.constant 0 : i32
        %dma_start3A_200 = arith.constant 0 : i32
        %dma_start3A_201 = tpu.memref_slice %arg13[%dma_start3A_199, %dma_start3A_200] : memref<5120x128xf32, #tpu.memory_space<vmem_shared>> -> memref<5120x128xf32, #tpu.memory_space<vmem_shared>>
        tpu.enqueue_indirect_dma source(%arg11 : memref<80x128xf32, #tpu.memory_space<vmem>>) target(%dma_start3A_201 : memref<5120x128xf32, #tpu.memory_space<vmem_shared>>) offsets(%dma_start3A_198 : memref<80xi32, #tpu.memory_space<vmem>>) semaphore(%run_scoped3A : memref<!tpu.dma_semaphore, #tpu.memory_space<semaphore_mem>>) {add = true}
        %dma_wait3A_202 = arith.constant 0 : i32
        %dma_wait3A_203 = tpu.memref_slice %arg9[%add3A_168, %dma_wait3A_202] : memref<128x80xi32, #tpu.memory_space<vmem>> -> memref<1x80xi32, #tpu.memory_space<vmem>>
        %dma_wait3A_204 = tpu.memref_squeeze %dma_wait3A_203 : memref<1x80xi32, #tpu.memory_space<vmem>> -> memref<80xi32, #tpu.memory_space<vmem>>
        %dma_wait3A_205 = arith.constant 0 : i32
        %dma_wait3A_206 = arith.constant 0 : i32
        %dma_wait3A_207 = tpu.memref_slice %arg13[%dma_wait3A_205, %dma_wait3A_206] : memref<5120x128xf32, #tpu.memory_space<vmem_shared>> -> memref<5120x128xf32, #tpu.memory_space<vmem_shared>>
        tpu.wait_indirect_dma semaphore(%run_scoped3A : memref<!tpu.dma_semaphore, #tpu.memory_space<semaphore_mem>>) src(%arg11 : memref<80x128xf32, #tpu.memory_space<vmem>>) dst(%dma_wait3A_207 : memref<5120x128xf32, #tpu.memory_space<vmem_shared>>)
        tpu.yield
      }) : () -> ()
      %add3A_181 = arith.constant 1 : i32
      %add3A_182 = arith.addi %add3A_168, %add3A_181 : i32
      %dma_wait3A_183 = arith.constant 0 : i32
      %dma_wait3A_184 = tpu.memref_slice %arg8[%add3A_182, %dma_wait3A_183] : memref<128x80xi32, #tpu.memory_space<vmem>> -> memref<1x80xi32, #tpu.memory_space<vmem>>
      %dma_wait3A_185 = tpu.memref_squeeze %dma_wait3A_184 : memref<1x80xi32, #tpu.memory_space<vmem>> -> memref<80xi32, #tpu.memory_space<vmem>>
      %dma_wait3A_186 = arith.constant 0 : i32
      %dma_wait3A_187 = arith.constant 0 : i32
      %dma_wait3A_188 = tpu.memref_slice %arg2[%dma_wait3A_186, %dma_wait3A_187] : memref<20000x128xf32, #tpu.memory_space<hbm>> -> memref<20000x128xf32, #tpu.memory_space<hbm>>
      tpu.wait_indirect_dma semaphore(%arg15 : memref<!tpu.dma_semaphore, #tpu.memory_space<semaphore_mem>>) src(%dma_wait3A_188 : memref<20000x128xf32, #tpu.memory_space<hbm>>) dst(%arg12 : memref<80x128xf32, #tpu.memory_space<vmem>>)
      %add3A_189 = arith.constant 1 : i32
      %add3A_190 = arith.addi %while3A_165, %add3A_189 : i32
      %lt3A = arith.cmpi slt, %add3A_190, %squeeze3A_51 : i32
      %convert_element_type3A_191 = arith.extui %lt3A : i1 to i32
      %cond3A_192 = arith.constant 0 : i32
      %cond3A_193 = arith.cmpi ne, %convert_element_type3A_191, %cond3A_192 : i32
      scf.if %cond3A_193 {
        %add3A_196 = arith.constant 2 : i32
        %add3A_197 = arith.addi %add3A_168, %add3A_196 : i32
        %dma_start3A_198 = arith.constant 0 : i32
        %dma_start3A_199 = tpu.memref_slice %arg8[%add3A_197, %dma_start3A_198] : memref<128x80xi32, #tpu.memory_space<vmem>> -> memref<1x80xi32, #tpu.memory_space<vmem>>
        %dma_start3A_200 = tpu.memref_squeeze %dma_start3A_199 : memref<1x80xi32, #tpu.memory_space<vmem>> -> memref<80xi32, #tpu.memory_space<vmem>>
        %dma_start3A_201 = arith.constant 0 : i32
        %dma_start3A_202 = arith.constant 0 : i32
        %dma_start3A_203 = tpu.memref_slice %arg2[%dma_start3A_201, %dma_start3A_202] : memref<20000x128xf32, #tpu.memory_space<hbm>> -> memref<20000x128xf32, #tpu.memory_space<hbm>>
        tpu.enqueue_indirect_dma source(%dma_start3A_203 : memref<20000x128xf32, #tpu.memory_space<hbm>>) target(%arg11 : memref<80x128xf32, #tpu.memory_space<vmem>>) offsets(%dma_start3A_200 : memref<80xi32, #tpu.memory_space<vmem>>) semaphore(%arg14 : memref<!tpu.dma_semaphore, #tpu.memory_space<semaphore_mem>>)
      } else {
      }
      %add3A_194 = arith.constant 1 : i32
      %add3A_195 = arith.addi %add3A_168, %add3A_194 : i32
      "tpu.region"() ({
        %run_scoped3A = tpu.sem_alloc : memref<!tpu.dma_semaphore, #tpu.memory_space<semaphore_mem>>
        %dma_start3A_196 = arith.constant 0 : i32
        %dma_start3A_197 = tpu.memref_slice %arg9[%add3A_195, %dma_start3A_196] : memref<128x80xi32, #tpu.memory_space<vmem>> -> memref<1x80xi32, #tpu.memory_space<vmem>>
        %dma_start3A_198 = tpu.memref_squeeze %dma_start3A_197 : memref<1x80xi32, #tpu.memory_space<vmem>> -> memref<80xi32, #tpu.memory_space<vmem>>
        %dma_start3A_199 = arith.constant 0 : i32
        %dma_start3A_200 = arith.constant 0 : i32
        %dma_start3A_201 = tpu.memref_slice %arg13[%dma_start3A_199, %dma_start3A_200] : memref<5120x128xf32, #tpu.memory_space<vmem_shared>> -> memref<5120x128xf32, #tpu.memory_space<vmem_shared>>
        tpu.enqueue_indirect_dma source(%arg12 : memref<80x128xf32, #tpu.memory_space<vmem>>) target(%dma_start3A_201 : memref<5120x128xf32, #tpu.memory_space<vmem_shared>>) offsets(%dma_start3A_198 : memref<80xi32, #tpu.memory_space<vmem>>) semaphore(%run_scoped3A : memref<!tpu.dma_semaphore, #tpu.memory_space<semaphore_mem>>) {add = true}
        %dma_wait3A_202 = arith.constant 0 : i32
        %dma_wait3A_203 = tpu.memref_slice %arg9[%add3A_195, %dma_wait3A_202] : memref<128x80xi32, #tpu.memory_space<vmem>> -> memref<1x80xi32, #tpu.memory_space<vmem>>
        %dma_wait3A_204 = tpu.memref_squeeze %dma_wait3A_203 : memref<1x80xi32, #tpu.memory_space<vmem>> -> memref<80xi32, #tpu.memory_space<vmem>>
        %dma_wait3A_205 = arith.constant 0 : i32
        %dma_wait3A_206 = arith.constant 0 : i32
        %dma_wait3A_207 = tpu.memref_slice %arg13[%dma_wait3A_205, %dma_wait3A_206] : memref<5120x128xf32, #tpu.memory_space<vmem_shared>> -> memref<5120x128xf32, #tpu.memory_space<vmem_shared>>
        tpu.wait_indirect_dma semaphore(%run_scoped3A : memref<!tpu.dma_semaphore, #tpu.memory_space<semaphore_mem>>) src(%arg12 : memref<80x128xf32, #tpu.memory_space<vmem>>) dst(%dma_wait3A_207 : memref<5120x128xf32, #tpu.memory_space<vmem_shared>>)
        tpu.yield
      }) : () -> ()
    }
    %barrier3A_67 = arith.constant 0 : index
    tpu.barrier barrier_id(%barrier3A_67)
    %mul3A_68 = arith.constant 320 : i32
    %mul3A_69 = arith.muli %arg1, %mul3A_68 : i32
    %mul3A_70 = arith.constant 4 : i32
    %mul3A_71 = arith.muli %arg0, %mul3A_70 : i32
    %add3A_72 = arith.constant 1 : i32
    %add3A_73 = arith.addi %mul3A_71, %add3A_72 : i32
    %mul3A_74 = arith.constant 5120 : i32
    %mul3A_75 = arith.muli %add3A_73, %mul3A_74 : i32
    %mul3A_76 = arith.constant 320 : i32
    %mul3A_77 = arith.muli %arg1, %mul3A_76 : i32
    %add3A_78 = arith.addi %mul3A_75, %mul3A_77 : i32
    "tpu.region"() ({
      %run_scoped3A = tpu.sem_alloc : memref<!tpu.dma_semaphore, #tpu.memory_space<semaphore_mem>>
      %dma_start3A = arith.constant 0 : i32
      %dma_start3A_165 = tpu.memref_slice %arg7[%add3A_78, %dma_start3A] : memref<40960x128xf32, #tpu.memory_space<hbm>> -> memref<320x128xf32, #tpu.memory_space<hbm>>
      %dma_start3A_166 = arith.constant 0 : i32
      %dma_start3A_167 = tpu.memref_slice %arg13[%mul3A_69, %dma_start3A_166] : memref<5120x128xf32, #tpu.memory_space<vmem_shared>> -> memref<320x128xf32, #tpu.memory_space<vmem_shared>>
      tpu.enqueue_dma source(%dma_start3A_167 : memref<320x128xf32, #tpu.memory_space<vmem_shared>>) target(%dma_start3A_165 : memref<320x128xf32, #tpu.memory_space<hbm>>) target_semaphore(%run_scoped3A : memref<!tpu.dma_semaphore, #tpu.memory_space<semaphore_mem>>)
      %dma_wait3A = arith.constant 0 : i32
      %dma_wait3A_168 = tpu.memref_slice %arg7[%add3A_78, %dma_wait3A] : memref<40960x128xf32, #tpu.memory_space<hbm>> -> memref<320x128xf32, #tpu.memory_space<hbm>>
      %dma_wait3A_169 = arith.constant 0 : i32
      %dma_wait3A_170 = tpu.memref_slice %arg13[%mul3A_69, %dma_wait3A_169] : memref<5120x128xf32, #tpu.memory_space<vmem_shared>> -> memref<320x128xf32, #tpu.memory_space<vmem_shared>>
      tpu.wait_dma2 semaphore(%run_scoped3A : memref<!tpu.dma_semaphore, #tpu.memory_space<semaphore_mem>>) src(%dma_wait3A_170 : memref<320x128xf32, #tpu.memory_space<vmem_shared>>) dst(%dma_wait3A_168 : memref<320x128xf32, #tpu.memory_space<hbm>>)
      tpu.yield
    }) : () -> ()
    %add3A_79 = arith.constant 0 : i32
    %add3A_80 = arith.addi %add3A_79, %add3A : i32
    "tpu.region"() ({
      %run_scoped3A = tpu.sem_alloc : memref<!tpu.dma_semaphore, #tpu.memory_space<semaphore_mem>>
      %dma_start3A = arith.constant 0 : i32
      %dma_start3A_165 = arith.constant 0 : i32
      %dma_start3A_166 = tpu.memref_slice %arg3[%add3A_80, %dma_start3A, %dma_start3A_165] : memref<64x128x80xi32, #tpu.memory_space<hbm>> -> memref<1x128x80xi32, #tpu.memory_space<hbm>>
      %dma_start3A_167 = tpu.memref_squeeze %dma_start3A_166 : memref<1x128x80xi32, #tpu.memory_space<hbm>> -> memref<128x80xi32, #tpu.memory_space<hbm>>
      %dma_start3A_168 = arith.constant 0 : i32
      %dma_start3A_169 = arith.constant 0 : i32
      %dma_start3A_170 = tpu.memref_slice %arg3[%add3A_80, %dma_start3A_168, %dma_start3A_169] : memref<64x128x80xi32, #tpu.memory_space<hbm>> -> memref<1x128x80xi32, #tpu.memory_space<hbm>>
      %dma_start3A_171 = tpu.memref_squeeze %dma_start3A_170 : memref<1x128x80xi32, #tpu.memory_space<hbm>> -> memref<128x80xi32, #tpu.memory_space<hbm>>
      tpu.enqueue_dma source(%dma_start3A_171 : memref<128x80xi32, #tpu.memory_space<hbm>>) target(%arg8 : memref<128x80xi32, #tpu.memory_space<vmem>>) target_semaphore(%run_scoped3A : memref<!tpu.dma_semaphore, #tpu.memory_space<semaphore_mem>>)
      %dma_wait3A = arith.constant 0 : i32
      %dma_wait3A_172 = arith.constant 0 : i32
      %dma_wait3A_173 = tpu.memref_slice %arg3[%add3A_80, %dma_wait3A, %dma_wait3A_172] : memref<64x128x80xi32, #tpu.memory_space<hbm>> -> memref<1x128x80xi32, #tpu.memory_space<hbm>>
      %dma_wait3A_174 = tpu.memref_squeeze %dma_wait3A_173 : memref<1x128x80xi32, #tpu.memory_space<hbm>> -> memref<128x80xi32, #tpu.memory_space<hbm>>
      %dma_wait3A_175 = arith.constant 0 : i32
      %dma_wait3A_176 = arith.constant 0 : i32
      %dma_wait3A_177 = tpu.memref_slice %arg3[%add3A_80, %dma_wait3A_175, %dma_wait3A_176] : memref<64x128x80xi32, #tpu.memory_space<hbm>> -> memref<1x128x80xi32, #tpu.memory_space<hbm>>
      %dma_wait3A_178 = tpu.memref_squeeze %dma_wait3A_177 : memref<1x128x80xi32, #tpu.memory_space<hbm>> -> memref<128x80xi32, #tpu.memory_space<hbm>>
      tpu.wait_dma2 semaphore(%run_scoped3A : memref<!tpu.dma_semaphore, #tpu.memory_space<semaphore_mem>>) src(%dma_wait3A_178 : memref<128x80xi32, #tpu.memory_space<hbm>>) dst(%arg8 : memref<128x80xi32, #tpu.memory_space<vmem>>)
      tpu.yield
    }) : () -> ()
    %add3A_81 = arith.constant 32 : i32
    %add3A_82 = arith.addi %add3A_81, %add3A : i32
    "tpu.region"() ({
      %run_scoped3A = tpu.sem_alloc : memref<!tpu.dma_semaphore, #tpu.memory_space<semaphore_mem>>
      %dma_start3A = arith.constant 0 : i32
      %dma_start3A_165 = arith.constant 0 : i32
      %dma_start3A_166 = tpu.memref_slice %arg4[%add3A_82, %dma_start3A, %dma_start3A_165] : memref<64x128x80xi32, #tpu.memory_space<hbm>> -> memref<1x128x80xi32, #tpu.memory_space<hbm>>
      %dma_start3A_167 = tpu.memref_squeeze %dma_start3A_166 : memref<1x128x80xi32, #tpu.memory_space<hbm>> -> memref<128x80xi32, #tpu.memory_space<hbm>>
      %dma_start3A_168 = arith.constant 0 : i32
      %dma_start3A_169 = arith.constant 0 : i32
      %dma_start3A_170 = tpu.memref_slice %arg4[%add3A_82, %dma_start3A_168, %dma_start3A_169] : memref<64x128x80xi32, #tpu.memory_space<hbm>> -> memref<1x128x80xi32, #tpu.memory_space<hbm>>
      %dma_start3A_171 = tpu.memref_squeeze %dma_start3A_170 : memref<1x128x80xi32, #tpu.memory_space<hbm>> -> memref<128x80xi32, #tpu.memory_space<hbm>>
      tpu.enqueue_dma source(%dma_start3A_171 : memref<128x80xi32, #tpu.memory_space<hbm>>) target(%arg9 : memref<128x80xi32, #tpu.memory_space<vmem>>) target_semaphore(%run_scoped3A : memref<!tpu.dma_semaphore, #tpu.memory_space<semaphore_mem>>)
      %dma_wait3A = arith.constant 0 : i32
      %dma_wait3A_172 = arith.constant 0 : i32
      %dma_wait3A_173 = tpu.memref_slice %arg4[%add3A_82, %dma_wait3A, %dma_wait3A_172] : memref<64x128x80xi32, #tpu.memory_space<hbm>> -> memref<1x128x80xi32, #tpu.memory_space<hbm>>
      %dma_wait3A_174 = tpu.memref_squeeze %dma_wait3A_173 : memref<1x128x80xi32, #tpu.memory_space<hbm>> -> memref<128x80xi32, #tpu.memory_space<hbm>>
      %dma_wait3A_175 = arith.constant 0 : i32
      %dma_wait3A_176 = arith.constant 0 : i32
      %dma_wait3A_177 = tpu.memref_slice %arg4[%add3A_82, %dma_wait3A_175, %dma_wait3A_176] : memref<64x128x80xi32, #tpu.memory_space<hbm>> -> memref<1x128x80xi32, #tpu.memory_space<hbm>>
      %dma_wait3A_178 = tpu.memref_squeeze %dma_wait3A_177 : memref<1x128x80xi32, #tpu.memory_space<hbm>> -> memref<128x80xi32, #tpu.memory_space<hbm>>
      tpu.wait_dma2 semaphore(%run_scoped3A : memref<!tpu.dma_semaphore, #tpu.memory_space<semaphore_mem>>) src(%dma_wait3A_178 : memref<128x80xi32, #tpu.memory_space<hbm>>) dst(%arg9 : memref<128x80xi32, #tpu.memory_space<vmem>>)
      tpu.yield
    }) : () -> ()
    %add3A_83 = arith.constant 32 : i32
    %add3A_84 = arith.addi %add3A_83, %add3A : i32
    "tpu.region"() ({
      %run_scoped3A = tpu.sem_alloc : memref<!tpu.dma_semaphore, #tpu.memory_space<semaphore_mem>>
      %dma_start3A = arith.constant 0 : i32
      %dma_start3A_165 = tpu.memref_slice %arg5[%add3A_84, %dma_start3A] : memref<64x16xi32, #tpu.memory_space<hbm>> -> memref<1x16xi32, #tpu.memory_space<hbm>>
      %dma_start3A_166 = tpu.memref_squeeze %dma_start3A_165 : memref<1x16xi32, #tpu.memory_space<hbm>> -> memref<16xi32, #tpu.memory_space<hbm>>
      %dma_start3A_167 = arith.constant 0 : i32
      %dma_start3A_168 = tpu.memref_slice %arg5[%add3A_84, %dma_start3A_167] : memref<64x16xi32, #tpu.memory_space<hbm>> -> memref<1x16xi32, #tpu.memory_space<hbm>>
      %dma_start3A_169 = tpu.memref_squeeze %dma_start3A_168 : memref<1x16xi32, #tpu.memory_space<hbm>> -> memref<16xi32, #tpu.memory_space<hbm>>
      tpu.enqueue_dma source(%dma_start3A_169 : memref<16xi32, #tpu.memory_space<hbm>>) target(%arg10 : memref<16xi32, #tpu.memory_space<vmem>>) target_semaphore(%run_scoped3A : memref<!tpu.dma_semaphore, #tpu.memory_space<semaphore_mem>>)
      %dma_wait3A = arith.constant 0 : i32
      %dma_wait3A_170 = tpu.memref_slice %arg5[%add3A_84, %dma_wait3A] : memref<64x16xi32, #tpu.memory_space<hbm>> -> memref<1x16xi32, #tpu.memory_space<hbm>>
      %dma_wait3A_171 = tpu.memref_squeeze %dma_wait3A_170 : memref<1x16xi32, #tpu.memory_space<hbm>> -> memref<16xi32, #tpu.memory_space<hbm>>
      %dma_wait3A_172 = arith.constant 0 : i32
      %dma_wait3A_173 = tpu.memref_slice %arg5[%add3A_84, %dma_wait3A_172] : memref<64x16xi32, #tpu.memory_space<hbm>> -> memref<1x16xi32, #tpu.memory_space<hbm>>
      %dma_wait3A_174 = tpu.memref_squeeze %dma_wait3A_173 : memref<1x16xi32, #tpu.memory_space<hbm>> -> memref<16xi32, #tpu.memory_space<hbm>>
      tpu.wait_dma2 semaphore(%run_scoped3A : memref<!tpu.dma_semaphore, #tpu.memory_space<semaphore_mem>>) src(%dma_wait3A_174 : memref<16xi32, #tpu.memory_space<hbm>>) dst(%arg10 : memref<16xi32, #tpu.memory_space<vmem>>)
      tpu.yield
    }) : () -> ()
    %mul3A_85 = arith.constant 320 : i32
    %mul3A_86 = arith.muli %arg1, %mul3A_85 : i32
    "tpu.region"() ({
      %run_scoped3A = tpu.sem_alloc : memref<!tpu.dma_semaphore, #tpu.memory_space<semaphore_mem>>
      %dma_start3A = arith.constant 0 : i32
      %dma_start3A_165 = tpu.memref_slice %arg13[%mul3A_86, %dma_start3A] : memref<5120x128xf32, #tpu.memory_space<vmem_shared>> -> memref<320x128xf32, #tpu.memory_space<vmem_shared>>
      tpu.enqueue_dma source(%arg6 : memref<320x128xf32, #tpu.memory_space<hbm>>) target(%dma_start3A_165 : memref<320x128xf32, #tpu.memory_space<vmem_shared>>) target_semaphore(%run_scoped3A : memref<!tpu.dma_semaphore, #tpu.memory_space<semaphore_mem>>)
      %dma_wait3A = arith.constant 0 : i32
      %dma_wait3A_166 = tpu.memref_slice %arg13[%mul3A_86, %dma_wait3A] : memref<5120x128xf32, #tpu.memory_space<vmem_shared>> -> memref<320x128xf32, #tpu.memory_space<vmem_shared>>
      tpu.wait_dma2 semaphore(%run_scoped3A : memref<!tpu.dma_semaphore, #tpu.memory_space<semaphore_mem>>) src(%arg6 : memref<320x128xf32, #tpu.memory_space<hbm>>) dst(%dma_wait3A_166 : memref<320x128xf32, #tpu.memory_space<vmem_shared>>)
      tpu.yield
    }) : () -> ()
    %barrier3A_87 = arith.constant 0 : index
    tpu.barrier barrier_id(%barrier3A_87)
    %get3A_88 = arith.constant 0 : index
    %get3A_89 = tpu.vector_load %arg10[%get3A_88] {strides = array<i32>} : memref<16xi32, #tpu.memory_space<vmem>>, vector<16xi32>,
    %get3A_90 = vector.shape_cast %get3A_89 : vector<16xi32> to vector<16xi32>
    %slice3A_91 = vector.extract_strided_slice %get3A_90 {offsets = [0], sizes = [1], strides = [1]} : vector<16xi32> to vector<1xi32>
    %squeeze3A_92 = vector.extract %slice3A_91[0] : i32 from vector<1xi32>
    %slice3A_93 = vector.extract_strided_slice %get3A_90 {offsets = [1], sizes = [1], strides = [1]} : vector<16xi32> to vector<1xi32>
    %squeeze3A_94 = vector.extract %slice3A_93[0] : i32 from vector<1xi32>
    %gt3A_95 = arith.constant 0 : i32
    %gt3A_96 = arith.cmpi sgt, %squeeze3A_94, %gt3A_95 : i32
    %convert_element_type3A_97 = arith.extui %gt3A_96 : i1 to i32
    %cond3A_98 = arith.constant 0 : i32
    %cond3A_99 = arith.cmpi ne, %convert_element_type3A_97, %cond3A_98 : i32
    scf.if %cond3A_99 {
      %dma_start3A = arith.constant 0 : i32
      %dma_start3A_165 = tpu.memref_slice %arg8[%squeeze3A_92, %dma_start3A] : memref<128x80xi32, #tpu.memory_space<vmem>> -> memref<1x80xi32, #tpu.memory_space<vmem>>
      %dma_start3A_166 = tpu.memref_squeeze %dma_start3A_165 : memref<1x80xi32, #tpu.memory_space<vmem>> -> memref<80xi32, #tpu.memory_space<vmem>>
      %dma_start3A_167 = arith.constant 0 : i32
      %dma_start3A_168 = arith.constant 0 : i32
      %dma_start3A_169 = tpu.memref_slice %arg2[%dma_start3A_167, %dma_start3A_168] : memref<20000x128xf32, #tpu.memory_space<hbm>> -> memref<20000x128xf32, #tpu.memory_space<hbm>>
      tpu.enqueue_indirect_dma source(%dma_start3A_169 : memref<20000x128xf32, #tpu.memory_space<hbm>>) target(%arg11 : memref<80x128xf32, #tpu.memory_space<vmem>>) offsets(%dma_start3A_166 : memref<80xi32, #tpu.memory_space<vmem>>) semaphore(%arg14 : memref<!tpu.dma_semaphore, #tpu.memory_space<semaphore_mem>>)
    } else {
    }
    %while3A_100 = arith.constant 0 : i32
    %while3A_101 = arith.constant 0 : i32
    %while3A_102 = arith.subi %squeeze3A_94, %while3A_101 : i32
    %while3A_103 = arith.addi %while3A_101, %while3A_102 : i32
    %while3A_104 = arith.constant 1 : i32
    %while3A_105 = arith.divsi %while3A_102, %while3A_104 : i32
    %while3A_106 = arith.muli %while3A_105, %while3A_104 : i32
    %while3A_107 = arith.addi %while3A_101, %while3A_106 : i32
    %while3A_108 = arith.constant 1 : i32
    scf.for %while3A_165 = %while3A_101 to %while3A_107 step %while3A_108  : i32 {
      %mul3A_166 = arith.constant 2 : i32
      %mul3A_167 = arith.muli %mul3A_166, %while3A_165 : i32
      %add3A_168 = arith.addi %squeeze3A_92, %mul3A_167 : i32
      %dma_wait3A = arith.constant 0 : i32
      %dma_wait3A_169 = tpu.memref_slice %arg8[%add3A_168, %dma_wait3A] : memref<128x80xi32, #tpu.memory_space<vmem>> -> memref<1x80xi32, #tpu.memory_space<vmem>>
      %dma_wait3A_170 = tpu.memref_squeeze %dma_wait3A_169 : memref<1x80xi32, #tpu.memory_space<vmem>> -> memref<80xi32, #tpu.memory_space<vmem>>
      %dma_wait3A_171 = arith.constant 0 : i32
      %dma_wait3A_172 = arith.constant 0 : i32
      %dma_wait3A_173 = tpu.memref_slice %arg2[%dma_wait3A_171, %dma_wait3A_172] : memref<20000x128xf32, #tpu.memory_space<hbm>> -> memref<20000x128xf32, #tpu.memory_space<hbm>>
      tpu.wait_indirect_dma semaphore(%arg14 : memref<!tpu.dma_semaphore, #tpu.memory_space<semaphore_mem>>) src(%dma_wait3A_173 : memref<20000x128xf32, #tpu.memory_space<hbm>>) dst(%arg11 : memref<80x128xf32, #tpu.memory_space<vmem>>)
      %add3A_174 = arith.constant 1 : i32
      %add3A_175 = arith.addi %add3A_168, %add3A_174 : i32
      %dma_start3A = arith.constant 0 : i32
      %dma_start3A_176 = tpu.memref_slice %arg8[%add3A_175, %dma_start3A] : memref<128x80xi32, #tpu.memory_space<vmem>> -> memref<1x80xi32, #tpu.memory_space<vmem>>
      %dma_start3A_177 = tpu.memref_squeeze %dma_start3A_176 : memref<1x80xi32, #tpu.memory_space<vmem>> -> memref<80xi32, #tpu.memory_space<vmem>>
      %dma_start3A_178 = arith.constant 0 : i32
      %dma_start3A_179 = arith.constant 0 : i32
      %dma_start3A_180 = tpu.memref_slice %arg2[%dma_start3A_178, %dma_start3A_179] : memref<20000x128xf32, #tpu.memory_space<hbm>> -> memref<20000x128xf32, #tpu.memory_space<hbm>>
      tpu.enqueue_indirect_dma source(%dma_start3A_180 : memref<20000x128xf32, #tpu.memory_space<hbm>>) target(%arg12 : memref<80x128xf32, #tpu.memory_space<vmem>>) offsets(%dma_start3A_177 : memref<80xi32, #tpu.memory_space<vmem>>) semaphore(%arg15 : memref<!tpu.dma_semaphore, #tpu.memory_space<semaphore_mem>>)
      "tpu.region"() ({
        %run_scoped3A = tpu.sem_alloc : memref<!tpu.dma_semaphore, #tpu.memory_space<semaphore_mem>>
        %dma_start3A_196 = arith.constant 0 : i32
        %dma_start3A_197 = tpu.memref_slice %arg9[%add3A_168, %dma_start3A_196] : memref<128x80xi32, #tpu.memory_space<vmem>> -> memref<1x80xi32, #tpu.memory_space<vmem>>
        %dma_start3A_198 = tpu.memref_squeeze %dma_start3A_197 : memref<1x80xi32, #tpu.memory_space<vmem>> -> memref<80xi32, #tpu.memory_space<vmem>>
        %dma_start3A_199 = arith.constant 0 : i32
        %dma_start3A_200 = arith.constant 0 : i32
        %dma_start3A_201 = tpu.memref_slice %arg13[%dma_start3A_199, %dma_start3A_200] : memref<5120x128xf32, #tpu.memory_space<vmem_shared>> -> memref<5120x128xf32, #tpu.memory_space<vmem_shared>>
        tpu.enqueue_indirect_dma source(%arg11 : memref<80x128xf32, #tpu.memory_space<vmem>>) target(%dma_start3A_201 : memref<5120x128xf32, #tpu.memory_space<vmem_shared>>) offsets(%dma_start3A_198 : memref<80xi32, #tpu.memory_space<vmem>>) semaphore(%run_scoped3A : memref<!tpu.dma_semaphore, #tpu.memory_space<semaphore_mem>>) {add = true}
        %dma_wait3A_202 = arith.constant 0 : i32
        %dma_wait3A_203 = tpu.memref_slice %arg9[%add3A_168, %dma_wait3A_202] : memref<128x80xi32, #tpu.memory_space<vmem>> -> memref<1x80xi32, #tpu.memory_space<vmem>>
        %dma_wait3A_204 = tpu.memref_squeeze %dma_wait3A_203 : memref<1x80xi32, #tpu.memory_space<vmem>> -> memref<80xi32, #tpu.memory_space<vmem>>
        %dma_wait3A_205 = arith.constant 0 : i32
        %dma_wait3A_206 = arith.constant 0 : i32
        %dma_wait3A_207 = tpu.memref_slice %arg13[%dma_wait3A_205, %dma_wait3A_206] : memref<5120x128xf32, #tpu.memory_space<vmem_shared>> -> memref<5120x128xf32, #tpu.memory_space<vmem_shared>>
        tpu.wait_indirect_dma semaphore(%run_scoped3A : memref<!tpu.dma_semaphore, #tpu.memory_space<semaphore_mem>>) src(%arg11 : memref<80x128xf32, #tpu.memory_space<vmem>>) dst(%dma_wait3A_207 : memref<5120x128xf32, #tpu.memory_space<vmem_shared>>)
        tpu.yield
      }) : () -> ()
      %add3A_181 = arith.constant 1 : i32
      %add3A_182 = arith.addi %add3A_168, %add3A_181 : i32
      %dma_wait3A_183 = arith.constant 0 : i32
      %dma_wait3A_184 = tpu.memref_slice %arg8[%add3A_182, %dma_wait3A_183] : memref<128x80xi32, #tpu.memory_space<vmem>> -> memref<1x80xi32, #tpu.memory_space<vmem>>
      %dma_wait3A_185 = tpu.memref_squeeze %dma_wait3A_184 : memref<1x80xi32, #tpu.memory_space<vmem>> -> memref<80xi32, #tpu.memory_space<vmem>>
      %dma_wait3A_186 = arith.constant 0 : i32
      %dma_wait3A_187 = arith.constant 0 : i32
      %dma_wait3A_188 = tpu.memref_slice %arg2[%dma_wait3A_186, %dma_wait3A_187] : memref<20000x128xf32, #tpu.memory_space<hbm>> -> memref<20000x128xf32, #tpu.memory_space<hbm>>
      tpu.wait_indirect_dma semaphore(%arg15 : memref<!tpu.dma_semaphore, #tpu.memory_space<semaphore_mem>>) src(%dma_wait3A_188 : memref<20000x128xf32, #tpu.memory_space<hbm>>) dst(%arg12 : memref<80x128xf32, #tpu.memory_space<vmem>>)
      %add3A_189 = arith.constant 1 : i32
      %add3A_190 = arith.addi %while3A_165, %add3A_189 : i32
      %lt3A = arith.cmpi slt, %add3A_190, %squeeze3A_94 : i32
      %convert_element_type3A_191 = arith.extui %lt3A : i1 to i32
      %cond3A_192 = arith.constant 0 : i32
      %cond3A_193 = arith.cmpi ne, %convert_element_type3A_191, %cond3A_192 : i32
      scf.if %cond3A_193 {
        %add3A_196 = arith.constant 2 : i32
        %add3A_197 = arith.addi %add3A_168, %add3A_196 : i32
        %dma_start3A_198 = arith.constant 0 : i32
        %dma_start3A_199 = tpu.memref_slice %arg8[%add3A_197, %dma_start3A_198] : memref<128x80xi32, #tpu.memory_space<vmem>> -> memref<1x80xi32, #tpu.memory_space<vmem>>
        %dma_start3A_200 = tpu.memref_squeeze %dma_start3A_199 : memref<1x80xi32, #tpu.memory_space<vmem>> -> memref<80xi32, #tpu.memory_space<vmem>>
        %dma_start3A_201 = arith.constant 0 : i32
        %dma_start3A_202 = arith.constant 0 : i32
        %dma_start3A_203 = tpu.memref_slice %arg2[%dma_start3A_201, %dma_start3A_202] : memref<20000x128xf32, #tpu.memory_space<hbm>> -> memref<20000x128xf32, #tpu.memory_space<hbm>>
        tpu.enqueue_indirect_dma source(%dma_start3A_203 : memref<20000x128xf32, #tpu.memory_space<hbm>>) target(%arg11 : memref<80x128xf32, #tpu.memory_space<vmem>>) offsets(%dma_start3A_200 : memref<80xi32, #tpu.memory_space<vmem>>) semaphore(%arg14 : memref<!tpu.dma_semaphore, #tpu.memory_space<semaphore_mem>>)
      } else {
      }
      %add3A_194 = arith.constant 1 : i32
      %add3A_195 = arith.addi %add3A_168, %add3A_194 : i32
      "tpu.region"() ({
        %run_scoped3A = tpu.sem_alloc : memref<!tpu.dma_semaphore, #tpu.memory_space<semaphore_mem>>
        %dma_start3A_196 = arith.constant 0 : i32
        %dma_start3A_197 = tpu.memref_slice %arg9[%add3A_195, %dma_start3A_196] : memref<128x80xi32, #tpu.memory_space<vmem>> -> memref<1x80xi32, #tpu.memory_space<vmem>>
        %dma_start3A_198 = tpu.memref_squeeze %dma_start3A_197 : memref<1x80xi32, #tpu.memory_space<vmem>> -> memref<80xi32, #tpu.memory_space<vmem>>
        %dma_start3A_199 = arith.constant 0 : i32
        %dma_start3A_200 = arith.constant 0 : i32
        %dma_start3A_201 = tpu.memref_slice %arg13[%dma_start3A_199, %dma_start3A_200] : memref<5120x128xf32, #tpu.memory_space<vmem_shared>> -> memref<5120x128xf32, #tpu.memory_space<vmem_shared>>
        tpu.enqueue_indirect_dma source(%arg12 : memref<80x128xf32, #tpu.memory_space<vmem>>) target(%dma_start3A_201 : memref<5120x128xf32, #tpu.memory_space<vmem_shared>>) offsets(%dma_start3A_198 : memref<80xi32, #tpu.memory_space<vmem>>) semaphore(%run_scoped3A : memref<!tpu.dma_semaphore, #tpu.memory_space<semaphore_mem>>) {add = true}
        %dma_wait3A_202 = arith.constant 0 : i32
        %dma_wait3A_203 = tpu.memref_slice %arg9[%add3A_195, %dma_wait3A_202] : memref<128x80xi32, #tpu.memory_space<vmem>> -> memref<1x80xi32, #tpu.memory_space<vmem>>
        %dma_wait3A_204 = tpu.memref_squeeze %dma_wait3A_203 : memref<1x80xi32, #tpu.memory_space<vmem>> -> memref<80xi32, #tpu.memory_space<vmem>>
        %dma_wait3A_205 = arith.constant 0 : i32
        %dma_wait3A_206 = arith.constant 0 : i32
        %dma_wait3A_207 = tpu.memref_slice %arg13[%dma_wait3A_205, %dma_wait3A_206] : memref<5120x128xf32, #tpu.memory_space<vmem_shared>> -> memref<5120x128xf32, #tpu.memory_space<vmem_shared>>
        tpu.wait_indirect_dma semaphore(%run_scoped3A : memref<!tpu.dma_semaphore, #tpu.memory_space<semaphore_mem>>) src(%arg12 : memref<80x128xf32, #tpu.memory_space<vmem>>) dst(%dma_wait3A_207 : memref<5120x128xf32, #tpu.memory_space<vmem_shared>>)
        tpu.yield
      }) : () -> ()
    }
    %while3A_109 = arith.constant 1 : i32
    scf.for %while3A_165 = %while3A_107 to %while3A_103 step %while3A_109  : i32 {
      %mul3A_166 = arith.constant 2 : i32
      %mul3A_167 = arith.muli %mul3A_166, %while3A_165 : i32
      %add3A_168 = arith.addi %squeeze3A_92, %mul3A_167 : i32
      %dma_wait3A = arith.constant 0 : i32
      %dma_wait3A_169 = tpu.memref_slice %arg8[%add3A_168, %dma_wait3A] : memref<128x80xi32, #tpu.memory_space<vmem>> -> memref<1x80xi32, #tpu.memory_space<vmem>>
      %dma_wait3A_170 = tpu.memref_squeeze %dma_wait3A_169 : memref<1x80xi32, #tpu.memory_space<vmem>> -> memref<80xi32, #tpu.memory_space<vmem>>
      %dma_wait3A_171 = arith.constant 0 : i32
      %dma_wait3A_172 = arith.constant 0 : i32
      %dma_wait3A_173 = tpu.memref_slice %arg2[%dma_wait3A_171, %dma_wait3A_172] : memref<20000x128xf32, #tpu.memory_space<hbm>> -> memref<20000x128xf32, #tpu.memory_space<hbm>>
      tpu.wait_indirect_dma semaphore(%arg14 : memref<!tpu.dma_semaphore, #tpu.memory_space<semaphore_mem>>) src(%dma_wait3A_173 : memref<20000x128xf32, #tpu.memory_space<hbm>>) dst(%arg11 : memref<80x128xf32, #tpu.memory_space<vmem>>)
      %add3A_174 = arith.constant 1 : i32
      %add3A_175 = arith.addi %add3A_168, %add3A_174 : i32
      %dma_start3A = arith.constant 0 : i32
      %dma_start3A_176 = tpu.memref_slice %arg8[%add3A_175, %dma_start3A] : memref<128x80xi32, #tpu.memory_space<vmem>> -> memref<1x80xi32, #tpu.memory_space<vmem>>
      %dma_start3A_177 = tpu.memref_squeeze %dma_start3A_176 : memref<1x80xi32, #tpu.memory_space<vmem>> -> memref<80xi32, #tpu.memory_space<vmem>>
      %dma_start3A_178 = arith.constant 0 : i32
      %dma_start3A_179 = arith.constant 0 : i32
      %dma_start3A_180 = tpu.memref_slice %arg2[%dma_start3A_178, %dma_start3A_179] : memref<20000x128xf32, #tpu.memory_space<hbm>> -> memref<20000x128xf32, #tpu.memory_space<hbm>>
      tpu.enqueue_indirect_dma source(%dma_start3A_180 : memref<20000x128xf32, #tpu.memory_space<hbm>>) target(%arg12 : memref<80x128xf32, #tpu.memory_space<vmem>>) offsets(%dma_start3A_177 : memref<80xi32, #tpu.memory_space<vmem>>) semaphore(%arg15 : memref<!tpu.dma_semaphore, #tpu.memory_space<semaphore_mem>>)
      "tpu.region"() ({
        %run_scoped3A = tpu.sem_alloc : memref<!tpu.dma_semaphore, #tpu.memory_space<semaphore_mem>>
        %dma_start3A_196 = arith.constant 0 : i32
        %dma_start3A_197 = tpu.memref_slice %arg9[%add3A_168, %dma_start3A_196] : memref<128x80xi32, #tpu.memory_space<vmem>> -> memref<1x80xi32, #tpu.memory_space<vmem>>
        %dma_start3A_198 = tpu.memref_squeeze %dma_start3A_197 : memref<1x80xi32, #tpu.memory_space<vmem>> -> memref<80xi32, #tpu.memory_space<vmem>>
        %dma_start3A_199 = arith.constant 0 : i32
        %dma_start3A_200 = arith.constant 0 : i32
        %dma_start3A_201 = tpu.memref_slice %arg13[%dma_start3A_199, %dma_start3A_200] : memref<5120x128xf32, #tpu.memory_space<vmem_shared>> -> memref<5120x128xf32, #tpu.memory_space<vmem_shared>>
        tpu.enqueue_indirect_dma source(%arg11 : memref<80x128xf32, #tpu.memory_space<vmem>>) target(%dma_start3A_201 : memref<5120x128xf32, #tpu.memory_space<vmem_shared>>) offsets(%dma_start3A_198 : memref<80xi32, #tpu.memory_space<vmem>>) semaphore(%run_scoped3A : memref<!tpu.dma_semaphore, #tpu.memory_space<semaphore_mem>>) {add = true}
        %dma_wait3A_202 = arith.constant 0 : i32
        %dma_wait3A_203 = tpu.memref_slice %arg9[%add3A_168, %dma_wait3A_202] : memref<128x80xi32, #tpu.memory_space<vmem>> -> memref<1x80xi32, #tpu.memory_space<vmem>>
        %dma_wait3A_204 = tpu.memref_squeeze %dma_wait3A_203 : memref<1x80xi32, #tpu.memory_space<vmem>> -> memref<80xi32, #tpu.memory_space<vmem>>
        %dma_wait3A_205 = arith.constant 0 : i32
        %dma_wait3A_206 = arith.constant 0 : i32
        %dma_wait3A_207 = tpu.memref_slice %arg13[%dma_wait3A_205, %dma_wait3A_206] : memref<5120x128xf32, #tpu.memory_space<vmem_shared>> -> memref<5120x128xf32, #tpu.memory_space<vmem_shared>>
        tpu.wait_indirect_dma semaphore(%run_scoped3A : memref<!tpu.dma_semaphore, #tpu.memory_space<semaphore_mem>>) src(%arg11 : memref<80x128xf32, #tpu.memory_space<vmem>>) dst(%dma_wait3A_207 : memref<5120x128xf32, #tpu.memory_space<vmem_shared>>)
        tpu.yield
      }) : () -> ()
      %add3A_181 = arith.constant 1 : i32
      %add3A_182 = arith.addi %add3A_168, %add3A_181 : i32
      %dma_wait3A_183 = arith.constant 0 : i32
      %dma_wait3A_184 = tpu.memref_slice %arg8[%add3A_182, %dma_wait3A_183] : memref<128x80xi32, #tpu.memory_space<vmem>> -> memref<1x80xi32, #tpu.memory_space<vmem>>
      %dma_wait3A_185 = tpu.memref_squeeze %dma_wait3A_184 : memref<1x80xi32, #tpu.memory_space<vmem>> -> memref<80xi32, #tpu.memory_space<vmem>>
      %dma_wait3A_186 = arith.constant 0 : i32
      %dma_wait3A_187 = arith.constant 0 : i32
      %dma_wait3A_188 = tpu.memref_slice %arg2[%dma_wait3A_186, %dma_wait3A_187] : memref<20000x128xf32, #tpu.memory_space<hbm>> -> memref<20000x128xf32, #tpu.memory_space<hbm>>
      tpu.wait_indirect_dma semaphore(%arg15 : memref<!tpu.dma_semaphore, #tpu.memory_space<semaphore_mem>>) src(%dma_wait3A_188 : memref<20000x128xf32, #tpu.memory_space<hbm>>) dst(%arg12 : memref<80x128xf32, #tpu.memory_space<vmem>>)
      %add3A_189 = arith.constant 1 : i32
      %add3A_190 = arith.addi %while3A_165, %add3A_189 : i32
      %lt3A = arith.cmpi slt, %add3A_190, %squeeze3A_94 : i32
      %convert_element_type3A_191 = arith.extui %lt3A : i1 to i32
      %cond3A_192 = arith.constant 0 : i32
      %cond3A_193 = arith.cmpi ne, %convert_element_type3A_191, %cond3A_192 : i32
      scf.if %cond3A_193 {
        %add3A_196 = arith.constant 2 : i32
        %add3A_197 = arith.addi %add3A_168, %add3A_196 : i32
        %dma_start3A_198 = arith.constant 0 : i32
        %dma_start3A_199 = tpu.memref_slice %arg8[%add3A_197, %dma_start3A_198] : memref<128x80xi32, #tpu.memory_space<vmem>> -> memref<1x80xi32, #tpu.memory_space<vmem>>
        %dma_start3A_200 = tpu.memref_squeeze %dma_start3A_199 : memref<1x80xi32, #tpu.memory_space<vmem>> -> memref<80xi32, #tpu.memory_space<vmem>>
        %dma_start3A_201 = arith.constant 0 : i32
        %dma_start3A_202 = arith.constant 0 : i32
        %dma_start3A_203 = tpu.memref_slice %arg2[%dma_start3A_201, %dma_start3A_202] : memref<20000x128xf32, #tpu.memory_space<hbm>> -> memref<20000x128xf32, #tpu.memory_space<hbm>>
        tpu.enqueue_indirect_dma source(%dma_start3A_203 : memref<20000x128xf32, #tpu.memory_space<hbm>>) target(%arg11 : memref<80x128xf32, #tpu.memory_space<vmem>>) offsets(%dma_start3A_200 : memref<80xi32, #tpu.memory_space<vmem>>) semaphore(%arg14 : memref<!tpu.dma_semaphore, #tpu.memory_space<semaphore_mem>>)
      } else {
      }
      %add3A_194 = arith.constant 1 : i32
      %add3A_195 = arith.addi %add3A_168, %add3A_194 : i32
      "tpu.region"() ({
        %run_scoped3A = tpu.sem_alloc : memref<!tpu.dma_semaphore, #tpu.memory_space<semaphore_mem>>
        %dma_start3A_196 = arith.constant 0 : i32
        %dma_start3A_197 = tpu.memref_slice %arg9[%add3A_195, %dma_start3A_196] : memref<128x80xi32, #tpu.memory_space<vmem>> -> memref<1x80xi32, #tpu.memory_space<vmem>>
        %dma_start3A_198 = tpu.memref_squeeze %dma_start3A_197 : memref<1x80xi32, #tpu.memory_space<vmem>> -> memref<80xi32, #tpu.memory_space<vmem>>
        %dma_start3A_199 = arith.constant 0 : i32
        %dma_start3A_200 = arith.constant 0 : i32
        %dma_start3A_201 = tpu.memref_slice %arg13[%dma_start3A_199, %dma_start3A_200] : memref<5120x128xf32, #tpu.memory_space<vmem_shared>> -> memref<5120x128xf32, #tpu.memory_space<vmem_shared>>
        tpu.enqueue_indirect_dma source(%arg12 : memref<80x128xf32, #tpu.memory_space<vmem>>) target(%dma_start3A_201 : memref<5120x128xf32, #tpu.memory_space<vmem_shared>>) offsets(%dma_start3A_198 : memref<80xi32, #tpu.memory_space<vmem>>) semaphore(%run_scoped3A : memref<!tpu.dma_semaphore, #tpu.memory_space<semaphore_mem>>) {add = true}
        %dma_wait3A_202 = arith.constant 0 : i32
        %dma_wait3A_203 = tpu.memref_slice %arg9[%add3A_195, %dma_wait3A_202] : memref<128x80xi32, #tpu.memory_space<vmem>> -> memref<1x80xi32, #tpu.memory_space<vmem>>
        %dma_wait3A_204 = tpu.memref_squeeze %dma_wait3A_203 : memref<1x80xi32, #tpu.memory_space<vmem>> -> memref<80xi32, #tpu.memory_space<vmem>>
        %dma_wait3A_205 = arith.constant 0 : i32
        %dma_wait3A_206 = arith.constant 0 : i32
        %dma_wait3A_207 = tpu.memref_slice %arg13[%dma_wait3A_205, %dma_wait3A_206] : memref<5120x128xf32, #tpu.memory_space<vmem_shared>> -> memref<5120x128xf32, #tpu.memory_space<vmem_shared>>
        tpu.wait_indirect_dma semaphore(%run_scoped3A : memref<!tpu.dma_semaphore, #tpu.memory_space<semaphore_mem>>) src(%arg12 : memref<80x128xf32, #tpu.memory_space<vmem>>) dst(%dma_wait3A_207 : memref<5120x128xf32, #tpu.memory_space<vmem_shared>>)
        tpu.yield
      }) : () -> ()
    }
    %barrier3A_110 = arith.constant 0 : index
    tpu.barrier barrier_id(%barrier3A_110)
    %mul3A_111 = arith.constant 320 : i32
    %mul3A_112 = arith.muli %arg1, %mul3A_111 : i32
    %mul3A_113 = arith.constant 4 : i32
    %mul3A_114 = arith.muli %arg0, %mul3A_113 : i32
    %add3A_115 = arith.constant 2 : i32
    %add3A_116 = arith.addi %mul3A_114, %add3A_115 : i32
    %mul3A_117 = arith.constant 5120 : i32
    %mul3A_118 = arith.muli %add3A_116, %mul3A_117 : i32
    %mul3A_119 = arith.constant 320 : i32
    %mul3A_120 = arith.muli %arg1, %mul3A_119 : i32
    %add3A_121 = arith.addi %mul3A_118, %mul3A_120 : i32
    "tpu.region"() ({
      %run_scoped3A = tpu.sem_alloc : memref<!tpu.dma_semaphore, #tpu.memory_space<semaphore_mem>>
      %dma_start3A = arith.constant 0 : i32
      %dma_start3A_165 = tpu.memref_slice %arg7[%add3A_121, %dma_start3A] : memref<40960x128xf32, #tpu.memory_space<hbm>> -> memref<320x128xf32, #tpu.memory_space<hbm>>
      %dma_start3A_166 = arith.constant 0 : i32
      %dma_start3A_167 = tpu.memref_slice %arg13[%mul3A_112, %dma_start3A_166] : memref<5120x128xf32, #tpu.memory_space<vmem_shared>> -> memref<320x128xf32, #tpu.memory_space<vmem_shared>>
      tpu.enqueue_dma source(%dma_start3A_167 : memref<320x128xf32, #tpu.memory_space<vmem_shared>>) target(%dma_start3A_165 : memref<320x128xf32, #tpu.memory_space<hbm>>) target_semaphore(%run_scoped3A : memref<!tpu.dma_semaphore, #tpu.memory_space<semaphore_mem>>)
      %dma_wait3A = arith.constant 0 : i32
      %dma_wait3A_168 = tpu.memref_slice %arg7[%add3A_121, %dma_wait3A] : memref<40960x128xf32, #tpu.memory_space<hbm>> -> memref<320x128xf32, #tpu.memory_space<hbm>>
      %dma_wait3A_169 = arith.constant 0 : i32
      %dma_wait3A_170 = tpu.memref_slice %arg13[%mul3A_112, %dma_wait3A_169] : memref<5120x128xf32, #tpu.memory_space<vmem_shared>> -> memref<320x128xf32, #tpu.memory_space<vmem_shared>>
      tpu.wait_dma2 semaphore(%run_scoped3A : memref<!tpu.dma_semaphore, #tpu.memory_space<semaphore_mem>>) src(%dma_wait3A_170 : memref<320x128xf32, #tpu.memory_space<vmem_shared>>) dst(%dma_wait3A_168 : memref<320x128xf32, #tpu.memory_space<hbm>>)
      tpu.yield
    }) : () -> ()
    %add3A_122 = arith.constant 32 : i32
    %add3A_123 = arith.addi %add3A_122, %add3A : i32
    "tpu.region"() ({
      %run_scoped3A = tpu.sem_alloc : memref<!tpu.dma_semaphore, #tpu.memory_space<semaphore_mem>>
      %dma_start3A = arith.constant 0 : i32
      %dma_start3A_165 = arith.constant 0 : i32
      %dma_start3A_166 = tpu.memref_slice %arg3[%add3A_123, %dma_start3A, %dma_start3A_165] : memref<64x128x80xi32, #tpu.memory_space<hbm>> -> memref<1x128x80xi32, #tpu.memory_space<hbm>>
      %dma_start3A_167 = tpu.memref_squeeze %dma_start3A_166 : memref<1x128x80xi32, #tpu.memory_space<hbm>> -> memref<128x80xi32, #tpu.memory_space<hbm>>
      %dma_start3A_168 = arith.constant 0 : i32
      %dma_start3A_169 = arith.constant 0 : i32
      %dma_start3A_170 = tpu.memref_slice %arg3[%add3A_123, %dma_start3A_168, %dma_start3A_169] : memref<64x128x80xi32, #tpu.memory_space<hbm>> -> memref<1x128x80xi32, #tpu.memory_space<hbm>>
      %dma_start3A_171 = tpu.memref_squeeze %dma_start3A_170 : memref<1x128x80xi32, #tpu.memory_space<hbm>> -> memref<128x80xi32, #tpu.memory_space<hbm>>
      tpu.enqueue_dma source(%dma_start3A_171 : memref<128x80xi32, #tpu.memory_space<hbm>>) target(%arg8 : memref<128x80xi32, #tpu.memory_space<vmem>>) target_semaphore(%run_scoped3A : memref<!tpu.dma_semaphore, #tpu.memory_space<semaphore_mem>>)
      %dma_wait3A = arith.constant 0 : i32
      %dma_wait3A_172 = arith.constant 0 : i32
      %dma_wait3A_173 = tpu.memref_slice %arg3[%add3A_123, %dma_wait3A, %dma_wait3A_172] : memref<64x128x80xi32, #tpu.memory_space<hbm>> -> memref<1x128x80xi32, #tpu.memory_space<hbm>>
      %dma_wait3A_174 = tpu.memref_squeeze %dma_wait3A_173 : memref<1x128x80xi32, #tpu.memory_space<hbm>> -> memref<128x80xi32, #tpu.memory_space<hbm>>
      %dma_wait3A_175 = arith.constant 0 : i32
      %dma_wait3A_176 = arith.constant 0 : i32
      %dma_wait3A_177 = tpu.memref_slice %arg3[%add3A_123, %dma_wait3A_175, %dma_wait3A_176] : memref<64x128x80xi32, #tpu.memory_space<hbm>> -> memref<1x128x80xi32, #tpu.memory_space<hbm>>
      %dma_wait3A_178 = tpu.memref_squeeze %dma_wait3A_177 : memref<1x128x80xi32, #tpu.memory_space<hbm>> -> memref<128x80xi32, #tpu.memory_space<hbm>>
      tpu.wait_dma2 semaphore(%run_scoped3A : memref<!tpu.dma_semaphore, #tpu.memory_space<semaphore_mem>>) src(%dma_wait3A_178 : memref<128x80xi32, #tpu.memory_space<hbm>>) dst(%arg8 : memref<128x80xi32, #tpu.memory_space<vmem>>)
      tpu.yield
    }) : () -> ()
    %add3A_124 = arith.constant 32 : i32
    %add3A_125 = arith.addi %add3A_124, %add3A : i32
    "tpu.region"() ({
      %run_scoped3A = tpu.sem_alloc : memref<!tpu.dma_semaphore, #tpu.memory_space<semaphore_mem>>
      %dma_start3A = arith.constant 0 : i32
      %dma_start3A_165 = arith.constant 0 : i32
      %dma_start3A_166 = tpu.memref_slice %arg4[%add3A_125, %dma_start3A, %dma_start3A_165] : memref<64x128x80xi32, #tpu.memory_space<hbm>> -> memref<1x128x80xi32, #tpu.memory_space<hbm>>
      %dma_start3A_167 = tpu.memref_squeeze %dma_start3A_166 : memref<1x128x80xi32, #tpu.memory_space<hbm>> -> memref<128x80xi32, #tpu.memory_space<hbm>>
      %dma_start3A_168 = arith.constant 0 : i32
      %dma_start3A_169 = arith.constant 0 : i32
      %dma_start3A_170 = tpu.memref_slice %arg4[%add3A_125, %dma_start3A_168, %dma_start3A_169] : memref<64x128x80xi32, #tpu.memory_space<hbm>> -> memref<1x128x80xi32, #tpu.memory_space<hbm>>
      %dma_start3A_171 = tpu.memref_squeeze %dma_start3A_170 : memref<1x128x80xi32, #tpu.memory_space<hbm>> -> memref<128x80xi32, #tpu.memory_space<hbm>>
      tpu.enqueue_dma source(%dma_start3A_171 : memref<128x80xi32, #tpu.memory_space<hbm>>) target(%arg9 : memref<128x80xi32, #tpu.memory_space<vmem>>) target_semaphore(%run_scoped3A : memref<!tpu.dma_semaphore, #tpu.memory_space<semaphore_mem>>)
      %dma_wait3A = arith.constant 0 : i32
      %dma_wait3A_172 = arith.constant 0 : i32
      %dma_wait3A_173 = tpu.memref_slice %arg4[%add3A_125, %dma_wait3A, %dma_wait3A_172] : memref<64x128x80xi32, #tpu.memory_space<hbm>> -> memref<1x128x80xi32, #tpu.memory_space<hbm>>
      %dma_wait3A_174 = tpu.memref_squeeze %dma_wait3A_173 : memref<1x128x80xi32, #tpu.memory_space<hbm>> -> memref<128x80xi32, #tpu.memory_space<hbm>>
      %dma_wait3A_175 = arith.constant 0 : i32
      %dma_wait3A_176 = arith.constant 0 : i32
      %dma_wait3A_177 = tpu.memref_slice %arg4[%add3A_125, %dma_wait3A_175, %dma_wait3A_176] : memref<64x128x80xi32, #tpu.memory_space<hbm>> -> memref<1x128x80xi32, #tpu.memory_space<hbm>>
      %dma_wait3A_178 = tpu.memref_squeeze %dma_wait3A_177 : memref<1x128x80xi32, #tpu.memory_space<hbm>> -> memref<128x80xi32, #tpu.memory_space<hbm>>
      tpu.wait_dma2 semaphore(%run_scoped3A : memref<!tpu.dma_semaphore, #tpu.memory_space<semaphore_mem>>) src(%dma_wait3A_178 : memref<128x80xi32, #tpu.memory_space<hbm>>) dst(%arg9 : memref<128x80xi32, #tpu.memory_space<vmem>>)
      tpu.yield
    }) : () -> ()
    %add3A_126 = arith.constant 32 : i32
    %add3A_127 = arith.addi %add3A_126, %add3A : i32
    "tpu.region"() ({
      %run_scoped3A = tpu.sem_alloc : memref<!tpu.dma_semaphore, #tpu.memory_space<semaphore_mem>>
      %dma_start3A = arith.constant 0 : i32
      %dma_start3A_165 = tpu.memref_slice %arg5[%add3A_127, %dma_start3A] : memref<64x16xi32, #tpu.memory_space<hbm>> -> memref<1x16xi32, #tpu.memory_space<hbm>>
      %dma_start3A_166 = tpu.memref_squeeze %dma_start3A_165 : memref<1x16xi32, #tpu.memory_space<hbm>> -> memref<16xi32, #tpu.memory_space<hbm>>
      %dma_start3A_167 = arith.constant 0 : i32
      %dma_start3A_168 = tpu.memref_slice %arg5[%add3A_127, %dma_start3A_167] : memref<64x16xi32, #tpu.memory_space<hbm>> -> memref<1x16xi32, #tpu.memory_space<hbm>>
      %dma_start3A_169 = tpu.memref_squeeze %dma_start3A_168 : memref<1x16xi32, #tpu.memory_space<hbm>> -> memref<16xi32, #tpu.memory_space<hbm>>
      tpu.enqueue_dma source(%dma_start3A_169 : memref<16xi32, #tpu.memory_space<hbm>>) target(%arg10 : memref<16xi32, #tpu.memory_space<vmem>>) target_semaphore(%run_scoped3A : memref<!tpu.dma_semaphore, #tpu.memory_space<semaphore_mem>>)
      %dma_wait3A = arith.constant 0 : i32
      %dma_wait3A_170 = tpu.memref_slice %arg5[%add3A_127, %dma_wait3A] : memref<64x16xi32, #tpu.memory_space<hbm>> -> memref<1x16xi32, #tpu.memory_space<hbm>>
      %dma_wait3A_171 = tpu.memref_squeeze %dma_wait3A_170 : memref<1x16xi32, #tpu.memory_space<hbm>> -> memref<16xi32, #tpu.memory_space<hbm>>
      %dma_wait3A_172 = arith.constant 0 : i32
      %dma_wait3A_173 = tpu.memref_slice %arg5[%add3A_127, %dma_wait3A_172] : memref<64x16xi32, #tpu.memory_space<hbm>> -> memref<1x16xi32, #tpu.memory_space<hbm>>
      %dma_wait3A_174 = tpu.memref_squeeze %dma_wait3A_173 : memref<1x16xi32, #tpu.memory_space<hbm>> -> memref<16xi32, #tpu.memory_space<hbm>>
      tpu.wait_dma2 semaphore(%run_scoped3A : memref<!tpu.dma_semaphore, #tpu.memory_space<semaphore_mem>>) src(%dma_wait3A_174 : memref<16xi32, #tpu.memory_space<hbm>>) dst(%arg10 : memref<16xi32, #tpu.memory_space<vmem>>)
      tpu.yield
    }) : () -> ()
    %mul3A_128 = arith.constant 320 : i32
    %mul3A_129 = arith.muli %arg1, %mul3A_128 : i32
    "tpu.region"() ({
      %run_scoped3A = tpu.sem_alloc : memref<!tpu.dma_semaphore, #tpu.memory_space<semaphore_mem>>
      %dma_start3A = arith.constant 0 : i32
      %dma_start3A_165 = tpu.memref_slice %arg13[%mul3A_129, %dma_start3A] : memref<5120x128xf32, #tpu.memory_space<vmem_shared>> -> memref<320x128xf32, #tpu.memory_space<vmem_shared>>
      tpu.enqueue_dma source(%arg6 : memref<320x128xf32, #tpu.memory_space<hbm>>) target(%dma_start3A_165 : memref<320x128xf32, #tpu.memory_space<vmem_shared>>) target_semaphore(%run_scoped3A : memref<!tpu.dma_semaphore, #tpu.memory_space<semaphore_mem>>)
      %dma_wait3A = arith.constant 0 : i32
      %dma_wait3A_166 = tpu.memref_slice %arg13[%mul3A_129, %dma_wait3A] : memref<5120x128xf32, #tpu.memory_space<vmem_shared>> -> memref<320x128xf32, #tpu.memory_space<vmem_shared>>
      tpu.wait_dma2 semaphore(%run_scoped3A : memref<!tpu.dma_semaphore, #tpu.memory_space<semaphore_mem>>) src(%arg6 : memref<320x128xf32, #tpu.memory_space<hbm>>) dst(%dma_wait3A_166 : memref<320x128xf32, #tpu.memory_space<vmem_shared>>)
      tpu.yield
    }) : () -> ()
    %barrier3A_130 = arith.constant 0 : index
    tpu.barrier barrier_id(%barrier3A_130)
    %get3A_131 = arith.constant 0 : index
    %get3A_132 = tpu.vector_load %arg10[%get3A_131] {strides = array<i32>} : memref<16xi32, #tpu.memory_space<vmem>>, vector<16xi32>,
    %get3A_133 = vector.shape_cast %get3A_132 : vector<16xi32> to vector<16xi32>
    %slice3A_134 = vector.extract_strided_slice %get3A_133 {offsets = [0], sizes = [1], strides = [1]} : vector<16xi32> to vector<1xi32>
    %squeeze3A_135 = vector.extract %slice3A_134[0] : i32 from vector<1xi32>
    %slice3A_136 = vector.extract_strided_slice %get3A_133 {offsets = [1], sizes = [1], strides = [1]} : vector<16xi32> to vector<1xi32>
    %squeeze3A_137 = vector.extract %slice3A_136[0] : i32 from vector<1xi32>
    %gt3A_138 = arith.constant 0 : i32
    %gt3A_139 = arith.cmpi sgt, %squeeze3A_137, %gt3A_138 : i32
    %convert_element_type3A_140 = arith.extui %gt3A_139 : i1 to i32
    %cond3A_141 = arith.constant 0 : i32
    %cond3A_142 = arith.cmpi ne, %convert_element_type3A_140, %cond3A_141 : i32
    scf.if %cond3A_142 {
      %dma_start3A = arith.constant 0 : i32
      %dma_start3A_165 = tpu.memref_slice %arg8[%squeeze3A_135, %dma_start3A] : memref<128x80xi32, #tpu.memory_space<vmem>> -> memref<1x80xi32, #tpu.memory_space<vmem>>
      %dma_start3A_166 = tpu.memref_squeeze %dma_start3A_165 : memref<1x80xi32, #tpu.memory_space<vmem>> -> memref<80xi32, #tpu.memory_space<vmem>>
      %dma_start3A_167 = arith.constant 0 : i32
      %dma_start3A_168 = arith.constant 0 : i32
      %dma_start3A_169 = tpu.memref_slice %arg2[%dma_start3A_167, %dma_start3A_168] : memref<20000x128xf32, #tpu.memory_space<hbm>> -> memref<20000x128xf32, #tpu.memory_space<hbm>>
      tpu.enqueue_indirect_dma source(%dma_start3A_169 : memref<20000x128xf32, #tpu.memory_space<hbm>>) target(%arg11 : memref<80x128xf32, #tpu.memory_space<vmem>>) offsets(%dma_start3A_166 : memref<80xi32, #tpu.memory_space<vmem>>) semaphore(%arg14 : memref<!tpu.dma_semaphore, #tpu.memory_space<semaphore_mem>>)
    } else {
    }
    %while3A_143 = arith.constant 0 : i32
    %while3A_144 = arith.constant 0 : i32
    %while3A_145 = arith.subi %squeeze3A_137, %while3A_144 : i32
    %while3A_146 = arith.addi %while3A_144, %while3A_145 : i32
    %while3A_147 = arith.constant 1 : i32
    %while3A_148 = arith.divsi %while3A_145, %while3A_147 : i32
    %while3A_149 = arith.muli %while3A_148, %while3A_147 : i32
    %while3A_150 = arith.addi %while3A_144, %while3A_149 : i32
    %while3A_151 = arith.constant 1 : i32
    scf.for %while3A_165 = %while3A_144 to %while3A_150 step %while3A_151  : i32 {
      %mul3A_166 = arith.constant 2 : i32
      %mul3A_167 = arith.muli %mul3A_166, %while3A_165 : i32
      %add3A_168 = arith.addi %squeeze3A_135, %mul3A_167 : i32
      %dma_wait3A = arith.constant 0 : i32
      %dma_wait3A_169 = tpu.memref_slice %arg8[%add3A_168, %dma_wait3A] : memref<128x80xi32, #tpu.memory_space<vmem>> -> memref<1x80xi32, #tpu.memory_space<vmem>>
      %dma_wait3A_170 = tpu.memref_squeeze %dma_wait3A_169 : memref<1x80xi32, #tpu.memory_space<vmem>> -> memref<80xi32, #tpu.memory_space<vmem>>
      %dma_wait3A_171 = arith.constant 0 : i32
      %dma_wait3A_172 = arith.constant 0 : i32
      %dma_wait3A_173 = tpu.memref_slice %arg2[%dma_wait3A_171, %dma_wait3A_172] : memref<20000x128xf32, #tpu.memory_space<hbm>> -> memref<20000x128xf32, #tpu.memory_space<hbm>>
      tpu.wait_indirect_dma semaphore(%arg14 : memref<!tpu.dma_semaphore, #tpu.memory_space<semaphore_mem>>) src(%dma_wait3A_173 : memref<20000x128xf32, #tpu.memory_space<hbm>>) dst(%arg11 : memref<80x128xf32, #tpu.memory_space<vmem>>)
      %add3A_174 = arith.constant 1 : i32
      %add3A_175 = arith.addi %add3A_168, %add3A_174 : i32
      %dma_start3A = arith.constant 0 : i32
      %dma_start3A_176 = tpu.memref_slice %arg8[%add3A_175, %dma_start3A] : memref<128x80xi32, #tpu.memory_space<vmem>> -> memref<1x80xi32, #tpu.memory_space<vmem>>
      %dma_start3A_177 = tpu.memref_squeeze %dma_start3A_176 : memref<1x80xi32, #tpu.memory_space<vmem>> -> memref<80xi32, #tpu.memory_space<vmem>>
      %dma_start3A_178 = arith.constant 0 : i32
      %dma_start3A_179 = arith.constant 0 : i32
      %dma_start3A_180 = tpu.memref_slice %arg2[%dma_start3A_178, %dma_start3A_179] : memref<20000x128xf32, #tpu.memory_space<hbm>> -> memref<20000x128xf32, #tpu.memory_space<hbm>>
      tpu.enqueue_indirect_dma source(%dma_start3A_180 : memref<20000x128xf32, #tpu.memory_space<hbm>>) target(%arg12 : memref<80x128xf32, #tpu.memory_space<vmem>>) offsets(%dma_start3A_177 : memref<80xi32, #tpu.memory_space<vmem>>) semaphore(%arg15 : memref<!tpu.dma_semaphore, #tpu.memory_space<semaphore_mem>>)
      "tpu.region"() ({
        %run_scoped3A = tpu.sem_alloc : memref<!tpu.dma_semaphore, #tpu.memory_space<semaphore_mem>>
        %dma_start3A_196 = arith.constant 0 : i32
        %dma_start3A_197 = tpu.memref_slice %arg9[%add3A_168, %dma_start3A_196] : memref<128x80xi32, #tpu.memory_space<vmem>> -> memref<1x80xi32, #tpu.memory_space<vmem>>
        %dma_start3A_198 = tpu.memref_squeeze %dma_start3A_197 : memref<1x80xi32, #tpu.memory_space<vmem>> -> memref<80xi32, #tpu.memory_space<vmem>>
        %dma_start3A_199 = arith.constant 0 : i32
        %dma_start3A_200 = arith.constant 0 : i32
        %dma_start3A_201 = tpu.memref_slice %arg13[%dma_start3A_199, %dma_start3A_200] : memref<5120x128xf32, #tpu.memory_space<vmem_shared>> -> memref<5120x128xf32, #tpu.memory_space<vmem_shared>>
        tpu.enqueue_indirect_dma source(%arg11 : memref<80x128xf32, #tpu.memory_space<vmem>>) target(%dma_start3A_201 : memref<5120x128xf32, #tpu.memory_space<vmem_shared>>) offsets(%dma_start3A_198 : memref<80xi32, #tpu.memory_space<vmem>>) semaphore(%run_scoped3A : memref<!tpu.dma_semaphore, #tpu.memory_space<semaphore_mem>>) {add = true}
        %dma_wait3A_202 = arith.constant 0 : i32
        %dma_wait3A_203 = tpu.memref_slice %arg9[%add3A_168, %dma_wait3A_202] : memref<128x80xi32, #tpu.memory_space<vmem>> -> memref<1x80xi32, #tpu.memory_space<vmem>>
        %dma_wait3A_204 = tpu.memref_squeeze %dma_wait3A_203 : memref<1x80xi32, #tpu.memory_space<vmem>> -> memref<80xi32, #tpu.memory_space<vmem>>
        %dma_wait3A_205 = arith.constant 0 : i32
        %dma_wait3A_206 = arith.constant 0 : i32
        %dma_wait3A_207 = tpu.memref_slice %arg13[%dma_wait3A_205, %dma_wait3A_206] : memref<5120x128xf32, #tpu.memory_space<vmem_shared>> -> memref<5120x128xf32, #tpu.memory_space<vmem_shared>>
        tpu.wait_indirect_dma semaphore(%run_scoped3A : memref<!tpu.dma_semaphore, #tpu.memory_space<semaphore_mem>>) src(%arg11 : memref<80x128xf32, #tpu.memory_space<vmem>>) dst(%dma_wait3A_207 : memref<5120x128xf32, #tpu.memory_space<vmem_shared>>)
        tpu.yield
      }) : () -> ()
      %add3A_181 = arith.constant 1 : i32
      %add3A_182 = arith.addi %add3A_168, %add3A_181 : i32
      %dma_wait3A_183 = arith.constant 0 : i32
      %dma_wait3A_184 = tpu.memref_slice %arg8[%add3A_182, %dma_wait3A_183] : memref<128x80xi32, #tpu.memory_space<vmem>> -> memref<1x80xi32, #tpu.memory_space<vmem>>
      %dma_wait3A_185 = tpu.memref_squeeze %dma_wait3A_184 : memref<1x80xi32, #tpu.memory_space<vmem>> -> memref<80xi32, #tpu.memory_space<vmem>>
      %dma_wait3A_186 = arith.constant 0 : i32
      %dma_wait3A_187 = arith.constant 0 : i32
      %dma_wait3A_188 = tpu.memref_slice %arg2[%dma_wait3A_186, %dma_wait3A_187] : memref<20000x128xf32, #tpu.memory_space<hbm>> -> memref<20000x128xf32, #tpu.memory_space<hbm>>
      tpu.wait_indirect_dma semaphore(%arg15 : memref<!tpu.dma_semaphore, #tpu.memory_space<semaphore_mem>>) src(%dma_wait3A_188 : memref<20000x128xf32, #tpu.memory_space<hbm>>) dst(%arg12 : memref<80x128xf32, #tpu.memory_space<vmem>>)
      %add3A_189 = arith.constant 1 : i32
      %add3A_190 = arith.addi %while3A_165, %add3A_189 : i32
      %lt3A = arith.cmpi slt, %add3A_190, %squeeze3A_137 : i32
      %convert_element_type3A_191 = arith.extui %lt3A : i1 to i32
      %cond3A_192 = arith.constant 0 : i32
      %cond3A_193 = arith.cmpi ne, %convert_element_type3A_191, %cond3A_192 : i32
      scf.if %cond3A_193 {
        %add3A_196 = arith.constant 2 : i32
        %add3A_197 = arith.addi %add3A_168, %add3A_196 : i32
        %dma_start3A_198 = arith.constant 0 : i32
        %dma_start3A_199 = tpu.memref_slice %arg8[%add3A_197, %dma_start3A_198] : memref<128x80xi32, #tpu.memory_space<vmem>> -> memref<1x80xi32, #tpu.memory_space<vmem>>
        %dma_start3A_200 = tpu.memref_squeeze %dma_start3A_199 : memref<1x80xi32, #tpu.memory_space<vmem>> -> memref<80xi32, #tpu.memory_space<vmem>>
        %dma_start3A_201 = arith.constant 0 : i32
        %dma_start3A_202 = arith.constant 0 : i32
        %dma_start3A_203 = tpu.memref_slice %arg2[%dma_start3A_201, %dma_start3A_202] : memref<20000x128xf32, #tpu.memory_space<hbm>> -> memref<20000x128xf32, #tpu.memory_space<hbm>>
        tpu.enqueue_indirect_dma source(%dma_start3A_203 : memref<20000x128xf32, #tpu.memory_space<hbm>>) target(%arg11 : memref<80x128xf32, #tpu.memory_space<vmem>>) offsets(%dma_start3A_200 : memref<80xi32, #tpu.memory_space<vmem>>) semaphore(%arg14 : memref<!tpu.dma_semaphore, #tpu.memory_space<semaphore_mem>>)
      } else {
      }
      %add3A_194 = arith.constant 1 : i32
      %add3A_195 = arith.addi %add3A_168, %add3A_194 : i32
      "tpu.region"() ({
        %run_scoped3A = tpu.sem_alloc : memref<!tpu.dma_semaphore, #tpu.memory_space<semaphore_mem>>
        %dma_start3A_196 = arith.constant 0 : i32
        %dma_start3A_197 = tpu.memref_slice %arg9[%add3A_195, %dma_start3A_196] : memref<128x80xi32, #tpu.memory_space<vmem>> -> memref<1x80xi32, #tpu.memory_space<vmem>>
        %dma_start3A_198 = tpu.memref_squeeze %dma_start3A_197 : memref<1x80xi32, #tpu.memory_space<vmem>> -> memref<80xi32, #tpu.memory_space<vmem>>
        %dma_start3A_199 = arith.constant 0 : i32
        %dma_start3A_200 = arith.constant 0 : i32
        %dma_start3A_201 = tpu.memref_slice %arg13[%dma_start3A_199, %dma_start3A_200] : memref<5120x128xf32, #tpu.memory_space<vmem_shared>> -> memref<5120x128xf32, #tpu.memory_space<vmem_shared>>
        tpu.enqueue_indirect_dma source(%arg12 : memref<80x128xf32, #tpu.memory_space<vmem>>) target(%dma_start3A_201 : memref<5120x128xf32, #tpu.memory_space<vmem_shared>>) offsets(%dma_start3A_198 : memref<80xi32, #tpu.memory_space<vmem>>) semaphore(%run_scoped3A : memref<!tpu.dma_semaphore, #tpu.memory_space<semaphore_mem>>) {add = true}
        %dma_wait3A_202 = arith.constant 0 : i32
        %dma_wait3A_203 = tpu.memref_slice %arg9[%add3A_195, %dma_wait3A_202] : memref<128x80xi32, #tpu.memory_space<vmem>> -> memref<1x80xi32, #tpu.memory_space<vmem>>
        %dma_wait3A_204 = tpu.memref_squeeze %dma_wait3A_203 : memref<1x80xi32, #tpu.memory_space<vmem>> -> memref<80xi32, #tpu.memory_space<vmem>>
        %dma_wait3A_205 = arith.constant 0 : i32
        %dma_wait3A_206 = arith.constant 0 : i32
        %dma_wait3A_207 = tpu.memref_slice %arg13[%dma_wait3A_205, %dma_wait3A_206] : memref<5120x128xf32, #tpu.memory_space<vmem_shared>> -> memref<5120x128xf32, #tpu.memory_space<vmem_shared>>
        tpu.wait_indirect_dma semaphore(%run_scoped3A : memref<!tpu.dma_semaphore, #tpu.memory_space<semaphore_mem>>) src(%arg12 : memref<80x128xf32, #tpu.memory_space<vmem>>) dst(%dma_wait3A_207 : memref<5120x128xf32, #tpu.memory_space<vmem_shared>>)
        tpu.yield
      }) : () -> ()
    }
    %while3A_152 = arith.constant 1 : i32
    scf.for %while3A_165 = %while3A_150 to %while3A_146 step %while3A_152  : i32 {
      %mul3A_166 = arith.constant 2 : i32
      %mul3A_167 = arith.muli %mul3A_166, %while3A_165 : i32
      %add3A_168 = arith.addi %squeeze3A_135, %mul3A_167 : i32
      %dma_wait3A = arith.constant 0 : i32
      %dma_wait3A_169 = tpu.memref_slice %arg8[%add3A_168, %dma_wait3A] : memref<128x80xi32, #tpu.memory_space<vmem>> -> memref<1x80xi32, #tpu.memory_space<vmem>>
      %dma_wait3A_170 = tpu.memref_squeeze %dma_wait3A_169 : memref<1x80xi32, #tpu.memory_space<vmem>> -> memref<80xi32, #tpu.memory_space<vmem>>
      %dma_wait3A_171 = arith.constant 0 : i32
      %dma_wait3A_172 = arith.constant 0 : i32
      %dma_wait3A_173 = tpu.memref_slice %arg2[%dma_wait3A_171, %dma_wait3A_172] : memref<20000x128xf32, #tpu.memory_space<hbm>> -> memref<20000x128xf32, #tpu.memory_space<hbm>>
      tpu.wait_indirect_dma semaphore(%arg14 : memref<!tpu.dma_semaphore, #tpu.memory_space<semaphore_mem>>) src(%dma_wait3A_173 : memref<20000x128xf32, #tpu.memory_space<hbm>>) dst(%arg11 : memref<80x128xf32, #tpu.memory_space<vmem>>)
      %add3A_174 = arith.constant 1 : i32
      %add3A_175 = arith.addi %add3A_168, %add3A_174 : i32
      %dma_start3A = arith.constant 0 : i32
      %dma_start3A_176 = tpu.memref_slice %arg8[%add3A_175, %dma_start3A] : memref<128x80xi32, #tpu.memory_space<vmem>> -> memref<1x80xi32, #tpu.memory_space<vmem>>
      %dma_start3A_177 = tpu.memref_squeeze %dma_start3A_176 : memref<1x80xi32, #tpu.memory_space<vmem>> -> memref<80xi32, #tpu.memory_space<vmem>>
      %dma_start3A_178 = arith.constant 0 : i32
      %dma_start3A_179 = arith.constant 0 : i32
      %dma_start3A_180 = tpu.memref_slice %arg2[%dma_start3A_178, %dma_start3A_179] : memref<20000x128xf32, #tpu.memory_space<hbm>> -> memref<20000x128xf32, #tpu.memory_space<hbm>>
      tpu.enqueue_indirect_dma source(%dma_start3A_180 : memref<20000x128xf32, #tpu.memory_space<hbm>>) target(%arg12 : memref<80x128xf32, #tpu.memory_space<vmem>>) offsets(%dma_start3A_177 : memref<80xi32, #tpu.memory_space<vmem>>) semaphore(%arg15 : memref<!tpu.dma_semaphore, #tpu.memory_space<semaphore_mem>>)
      "tpu.region"() ({
        %run_scoped3A = tpu.sem_alloc : memref<!tpu.dma_semaphore, #tpu.memory_space<semaphore_mem>>
        %dma_start3A_196 = arith.constant 0 : i32
        %dma_start3A_197 = tpu.memref_slice %arg9[%add3A_168, %dma_start3A_196] : memref<128x80xi32, #tpu.memory_space<vmem>> -> memref<1x80xi32, #tpu.memory_space<vmem>>
        %dma_start3A_198 = tpu.memref_squeeze %dma_start3A_197 : memref<1x80xi32, #tpu.memory_space<vmem>> -> memref<80xi32, #tpu.memory_space<vmem>>
        %dma_start3A_199 = arith.constant 0 : i32
        %dma_start3A_200 = arith.constant 0 : i32
        %dma_start3A_201 = tpu.memref_slice %arg13[%dma_start3A_199, %dma_start3A_200] : memref<5120x128xf32, #tpu.memory_space<vmem_shared>> -> memref<5120x128xf32, #tpu.memory_space<vmem_shared>>
        tpu.enqueue_indirect_dma source(%arg11 : memref<80x128xf32, #tpu.memory_space<vmem>>) target(%dma_start3A_201 : memref<5120x128xf32, #tpu.memory_space<vmem_shared>>) offsets(%dma_start3A_198 : memref<80xi32, #tpu.memory_space<vmem>>) semaphore(%run_scoped3A : memref<!tpu.dma_semaphore, #tpu.memory_space<semaphore_mem>>) {add = true}
        %dma_wait3A_202 = arith.constant 0 : i32
        %dma_wait3A_203 = tpu.memref_slice %arg9[%add3A_168, %dma_wait3A_202] : memref<128x80xi32, #tpu.memory_space<vmem>> -> memref<1x80xi32, #tpu.memory_space<vmem>>
        %dma_wait3A_204 = tpu.memref_squeeze %dma_wait3A_203 : memref<1x80xi32, #tpu.memory_space<vmem>> -> memref<80xi32, #tpu.memory_space<vmem>>
        %dma_wait3A_205 = arith.constant 0 : i32
        %dma_wait3A_206 = arith.constant 0 : i32
        %dma_wait3A_207 = tpu.memref_slice %arg13[%dma_wait3A_205, %dma_wait3A_206] : memref<5120x128xf32, #tpu.memory_space<vmem_shared>> -> memref<5120x128xf32, #tpu.memory_space<vmem_shared>>
        tpu.wait_indirect_dma semaphore(%run_scoped3A : memref<!tpu.dma_semaphore, #tpu.memory_space<semaphore_mem>>) src(%arg11 : memref<80x128xf32, #tpu.memory_space<vmem>>) dst(%dma_wait3A_207 : memref<5120x128xf32, #tpu.memory_space<vmem_shared>>)
        tpu.yield
      }) : () -> ()
      %add3A_181 = arith.constant 1 : i32
      %add3A_182 = arith.addi %add3A_168, %add3A_181 : i32
      %dma_wait3A_183 = arith.constant 0 : i32
      %dma_wait3A_184 = tpu.memref_slice %arg8[%add3A_182, %dma_wait3A_183] : memref<128x80xi32, #tpu.memory_space<vmem>> -> memref<1x80xi32, #tpu.memory_space<vmem>>
      %dma_wait3A_185 = tpu.memref_squeeze %dma_wait3A_184 : memref<1x80xi32, #tpu.memory_space<vmem>> -> memref<80xi32, #tpu.memory_space<vmem>>
      %dma_wait3A_186 = arith.constant 0 : i32
      %dma_wait3A_187 = arith.constant 0 : i32
      %dma_wait3A_188 = tpu.memref_slice %arg2[%dma_wait3A_186, %dma_wait3A_187] : memref<20000x128xf32, #tpu.memory_space<hbm>> -> memref<20000x128xf32, #tpu.memory_space<hbm>>
      tpu.wait_indirect_dma semaphore(%arg15 : memref<!tpu.dma_semaphore, #tpu.memory_space<semaphore_mem>>) src(%dma_wait3A_188 : memref<20000x128xf32, #tpu.memory_space<hbm>>) dst(%arg12 : memref<80x128xf32, #tpu.memory_space<vmem>>)
      %add3A_189 = arith.constant 1 : i32
      %add3A_190 = arith.addi %while3A_165, %add3A_189 : i32
      %lt3A = arith.cmpi slt, %add3A_190, %squeeze3A_137 : i32
      %convert_element_type3A_191 = arith.extui %lt3A : i1 to i32
      %cond3A_192 = arith.constant 0 : i32
      %cond3A_193 = arith.cmpi ne, %convert_element_type3A_191, %cond3A_192 : i32
      scf.if %cond3A_193 {
        %add3A_196 = arith.constant 2 : i32
        %add3A_197 = arith.addi %add3A_168, %add3A_196 : i32
        %dma_start3A_198 = arith.constant 0 : i32
        %dma_start3A_199 = tpu.memref_slice %arg8[%add3A_197, %dma_start3A_198] : memref<128x80xi32, #tpu.memory_space<vmem>> -> memref<1x80xi32, #tpu.memory_space<vmem>>
        %dma_start3A_200 = tpu.memref_squeeze %dma_start3A_199 : memref<1x80xi32, #tpu.memory_space<vmem>> -> memref<80xi32, #tpu.memory_space<vmem>>
        %dma_start3A_201 = arith.constant 0 : i32
        %dma_start3A_202 = arith.constant 0 : i32
        %dma_start3A_203 = tpu.memref_slice %arg2[%dma_start3A_201, %dma_start3A_202] : memref<20000x128xf32, #tpu.memory_space<hbm>> -> memref<20000x128xf32, #tpu.memory_space<hbm>>
        tpu.enqueue_indirect_dma source(%dma_start3A_203 : memref<20000x128xf32, #tpu.memory_space<hbm>>) target(%arg11 : memref<80x128xf32, #tpu.memory_space<vmem>>) offsets(%dma_start3A_200 : memref<80xi32, #tpu.memory_space<vmem>>) semaphore(%arg14 : memref<!tpu.dma_semaphore, #tpu.memory_space<semaphore_mem>>)
      } else {
      }
      %add3A_194 = arith.constant 1 : i32
      %add3A_195 = arith.addi %add3A_168, %add3A_194 : i32
      "tpu.region"() ({
        %run_scoped3A = tpu.sem_alloc : memref<!tpu.dma_semaphore, #tpu.memory_space<semaphore_mem>>
        %dma_start3A_196 = arith.constant 0 : i32
        %dma_start3A_197 = tpu.memref_slice %arg9[%add3A_195, %dma_start3A_196] : memref<128x80xi32, #tpu.memory_space<vmem>> -> memref<1x80xi32, #tpu.memory_space<vmem>>
        %dma_start3A_198 = tpu.memref_squeeze %dma_start3A_197 : memref<1x80xi32, #tpu.memory_space<vmem>> -> memref<80xi32, #tpu.memory_space<vmem>>
        %dma_start3A_199 = arith.constant 0 : i32
        %dma_start3A_200 = arith.constant 0 : i32
        %dma_start3A_201 = tpu.memref_slice %arg13[%dma_start3A_199, %dma_start3A_200] : memref<5120x128xf32, #tpu.memory_space<vmem_shared>> -> memref<5120x128xf32, #tpu.memory_space<vmem_shared>>
        tpu.enqueue_indirect_dma source(%arg12 : memref<80x128xf32, #tpu.memory_space<vmem>>) target(%dma_start3A_201 : memref<5120x128xf32, #tpu.memory_space<vmem_shared>>) offsets(%dma_start3A_198 : memref<80xi32, #tpu.memory_space<vmem>>) semaphore(%run_scoped3A : memref<!tpu.dma_semaphore, #tpu.memory_space<semaphore_mem>>) {add = true}
        %dma_wait3A_202 = arith.constant 0 : i32
        %dma_wait3A_203 = tpu.memref_slice %arg9[%add3A_195, %dma_wait3A_202] : memref<128x80xi32, #tpu.memory_space<vmem>> -> memref<1x80xi32, #tpu.memory_space<vmem>>
        %dma_wait3A_204 = tpu.memref_squeeze %dma_wait3A_203 : memref<1x80xi32, #tpu.memory_space<vmem>> -> memref<80xi32, #tpu.memory_space<vmem>>
        %dma_wait3A_205 = arith.constant 0 : i32
        %dma_wait3A_206 = arith.constant 0 : i32
        %dma_wait3A_207 = tpu.memref_slice %arg13[%dma_wait3A_205, %dma_wait3A_206] : memref<5120x128xf32, #tpu.memory_space<vmem_shared>> -> memref<5120x128xf32, #tpu.memory_space<vmem_shared>>
        tpu.wait_indirect_dma semaphore(%run_scoped3A : memref<!tpu.dma_semaphore, #tpu.memory_space<semaphore_mem>>) src(%arg12 : memref<80x128xf32, #tpu.memory_space<vmem>>) dst(%dma_wait3A_207 : memref<5120x128xf32, #tpu.memory_space<vmem_shared>>)
        tpu.yield
      }) : () -> ()
    }
    %barrier3A_153 = arith.constant 0 : index
    tpu.barrier barrier_id(%barrier3A_153)
    %mul3A_154 = arith.constant 320 : i32
    %mul3A_155 = arith.muli %arg1, %mul3A_154 : i32
    %mul3A_156 = arith.constant 4 : i32
    %mul3A_157 = arith.muli %arg0, %mul3A_156 : i32
    %add3A_158 = arith.constant 3 : i32
    %add3A_159 = arith.addi %mul3A_157, %add3A_158 : i32
    %mul3A_160 = arith.constant 5120 : i32
    %mul3A_161 = arith.muli %add3A_159, %mul3A_160 : i32
    %mul3A_162 = arith.constant 320 : i32
    %mul3A_163 = arith.muli %arg1, %mul3A_162 : i32
    %add3A_164 = arith.addi %mul3A_161, %mul3A_163 : i32
    "tpu.region"() ({
      %run_scoped3A = tpu.sem_alloc : memref<!tpu.dma_semaphore, #tpu.memory_space<semaphore_mem>>
      %dma_start3A = arith.constant 0 : i32
      %dma_start3A_165 = tpu.memref_slice %arg7[%add3A_164, %dma_start3A] : memref<40960x128xf32, #tpu.memory_space<hbm>> -> memref<320x128xf32, #tpu.memory_space<hbm>>
      %dma_start3A_166 = arith.constant 0 : i32
      %dma_start3A_167 = tpu.memref_slice %arg13[%mul3A_155, %dma_start3A_166] : memref<5120x128xf32, #tpu.memory_space<vmem_shared>> -> memref<320x128xf32, #tpu.memory_space<vmem_shared>>
      tpu.enqueue_dma source(%dma_start3A_167 : memref<320x128xf32, #tpu.memory_space<vmem_shared>>) target(%dma_start3A_165 : memref<320x128xf32, #tpu.memory_space<hbm>>) target_semaphore(%run_scoped3A : memref<!tpu.dma_semaphore, #tpu.memory_space<semaphore_mem>>)
      %dma_wait3A = arith.constant 0 : i32
      %dma_wait3A_168 = tpu.memref_slice %arg7[%add3A_164, %dma_wait3A] : memref<40960x128xf32, #tpu.memory_space<hbm>> -> memref<320x128xf32, #tpu.memory_space<hbm>>
      %dma_wait3A_169 = arith.constant 0 : i32
      %dma_wait3A_170 = tpu.memref_slice %arg13[%mul3A_155, %dma_wait3A_169] : memref<5120x128xf32, #tpu.memory_space<vmem_shared>> -> memref<320x128xf32, #tpu.memory_space<vmem_shared>>
      tpu.wait_dma2 semaphore(%run_scoped3A : memref<!tpu.dma_semaphore, #tpu.memory_space<semaphore_mem>>) src(%dma_wait3A_170 : memref<320x128xf32, #tpu.memory_space<vmem_shared>>) dst(%dma_wait3A_168 : memref<320x128xf32, #tpu.memory_space<hbm>>)
      tpu.yield
    }) : () -> ()
    return
  }
}

module attributes {stable_mosaic.version = 14 : i64} {
  func.func @body(%arg0: memref<10000x128xf32, #tpu.memory_space<vmem>>, %arg1: memref<20480x128xf32, #tpu.memory_space<vmem>>, %arg2: memref<128x256xf32, #tpu.memory_space<vmem>>, %arg3: memref<1x256xf32, #tpu.memory_space<vmem>>, %arg4: memref<256x256xf32, #tpu.memory_space<vmem>>, %arg5: memref<1x256xf32, #tpu.memory_space<vmem>>, %arg6: memref<1x256xf32, #tpu.memory_space<vmem>>, %arg7: memref<1x256xf32, #tpu.memory_space<vmem>>, %arg8: memref<10000x256xf32, #tpu.memory_space<vmem>>) attributes {dimension_semantics = [], scalar_prefetch = 0 : i64, scratch_operands = 0 : i64, tpu.core_type = #tpu.core_type<tc>} {
    %get3A = arith.constant 0 : index
    %get3A_0 = arith.constant 0 : index
    %get3A_1 = vector.load %arg1[%get3A, %get3A_0] : memref<20480x128xf32, #tpu.memory_space<vmem>>, vector<5000x128xf32>
    %get3A_2 = arith.constant 10240 : index
    %get3A_3 = arith.constant 0 : index
    %get3A_4 = vector.load %arg1[%get3A_2, %get3A_3] : memref<20480x128xf32, #tpu.memory_space<vmem>>, vector<5000x128xf32>
    %add3A = arith.addf %get3A_1, %get3A_4 : vector<5000x128xf32>
    %get3A_5 = arith.constant 0 : index
    %get3A_6 = arith.constant 0 : index
    %get3A_7 = vector.load %arg0[%get3A_5, %get3A_6] : memref<10000x128xf32, #tpu.memory_space<vmem>>, vector<5000x128xf32>
    %add3A_8 = arith.addf %get3A_7, %add3A : vector<5000x128xf32>
    %get3A_9 = arith.constant 5120 : index
    %get3A_10 = arith.constant 0 : index
    %get3A_11 = vector.load %arg1[%get3A_9, %get3A_10] : memref<20480x128xf32, #tpu.memory_space<vmem>>, vector<5000x128xf32>
    %get3A_12 = arith.constant 15360 : index
    %get3A_13 = arith.constant 0 : index
    %get3A_14 = vector.load %arg1[%get3A_12, %get3A_13] : memref<20480x128xf32, #tpu.memory_space<vmem>>, vector<5000x128xf32>
    %add3A_15 = arith.addf %get3A_11, %get3A_14 : vector<5000x128xf32>
    %get3A_16 = arith.constant 5000 : index
    %get3A_17 = arith.constant 0 : index
    %get3A_18 = vector.load %arg0[%get3A_16, %get3A_17] : memref<10000x128xf32, #tpu.memory_space<vmem>>, vector<5000x128xf32>
    %add3A_19 = arith.addf %get3A_18, %add3A_15 : vector<5000x128xf32>
    %concatenate3A = tpu.concatenate %add3A_8, %add3A_19 in 0 : vector<5000x128xf32>, vector<5000x128xf32> -> vector<10000x128xf32>
    %get3A_20 = arith.constant 0 : index
    %get3A_21 = arith.constant 0 : index
    %get3A_22 = vector.load %arg2[%get3A_20, %get3A_21] : memref<128x256xf32, #tpu.memory_space<vmem>>, vector<128x256xf32>
    %dot_general3A = arith.constant dense<0.000000e+00> : vector<10000x256xf32>
    %dot_general3A_23 = tpu.matmul %concatenate3A, %get3A_22, %dot_general3A {dimension_numbers = #tpu.dot_dimension_numbers<[1], [0], [0], [1], [0, 0, 1, 1], [], []>, transpose_lhs_hint = false} : vector<10000x128xf32>, vector<128x256xf32>, vector<10000x256xf32> -> vector<10000x256xf32>
    %get3A_24 = arith.constant 0 : index
    %get3A_25 = arith.constant 0 : index
    %get3A_26 = vector.load %arg3[%get3A_24, %get3A_25] : memref<1x256xf32, #tpu.memory_space<vmem>>, vector<1x256xf32>
    %add3A_27 = vector.broadcast %get3A_26 : vector<1x256xf32> to vector<10000x256xf32>
    %add3A_28 = arith.addf %dot_general3A_23, %add3A_27 : vector<10000x256xf32>
    %max3A = arith.constant 0.000000e+00 : f32
    %max3A_29 = vector.broadcast %max3A : f32 to vector<10000x256xf32>
    %max3A_30 = arith.maximumf %add3A_28, %max3A_29 : vector<10000x256xf32>
    %get3A_31 = arith.constant 0 : index
    %get3A_32 = arith.constant 0 : index
    %get3A_33 = vector.load %arg4[%get3A_31, %get3A_32] : memref<256x256xf32, #tpu.memory_space<vmem>>, vector<256x256xf32>
    %dot_general3A_34 = arith.constant dense<0.000000e+00> : vector<10000x256xf32>
    %dot_general3A_35 = tpu.matmul %max3A_30, %get3A_33, %dot_general3A_34 {dimension_numbers = #tpu.dot_dimension_numbers<[1], [0], [0], [1], [0, 0, 1, 1], [], []>, transpose_lhs_hint = false} : vector<10000x256xf32>, vector<256x256xf32>, vector<10000x256xf32> -> vector<10000x256xf32>
    %get3A_36 = arith.constant 0 : index
    %get3A_37 = arith.constant 0 : index
    %get3A_38 = vector.load %arg5[%get3A_36, %get3A_37] : memref<1x256xf32, #tpu.memory_space<vmem>>, vector<1x256xf32>
    %add3A_39 = vector.broadcast %get3A_38 : vector<1x256xf32> to vector<10000x256xf32>
    %add3A_40 = arith.addf %dot_general3A_35, %add3A_39 : vector<10000x256xf32>
    %max3A_41 = arith.constant 0.000000e+00 : f32
    %max3A_42 = vector.broadcast %max3A_41 : f32 to vector<10000x256xf32>
    %max3A_43 = arith.maximumf %add3A_40, %max3A_42 : vector<10000x256xf32>
    %reduce_sum3A = arith.constant dense<0.000000e+00> : vector<256xf32>
    %reduce_sum3A_44 = vector.multi_reduction <add>, %max3A_43, %reduce_sum3A [0] : vector<10000x256xf32> to vector<256xf32>
    %broadcast_in_dim3A = vector.shape_cast %reduce_sum3A_44 : vector<256xf32> to vector<1x256xf32>
    %div3A = arith.constant 1.000000e+04 : f32
    %div3A_45 = vector.broadcast %div3A : f32 to vector<1x256xf32>
    %div3A_46 = arith.divf %broadcast_in_dim3A, %div3A_45 : vector<1x256xf32>
    %mul3A = arith.mulf %max3A_43, %max3A_43 : vector<10000x256xf32>
    %reduce_sum3A_47 = arith.constant dense<0.000000e+00> : vector<256xf32>
    %reduce_sum3A_48 = vector.multi_reduction <add>, %mul3A, %reduce_sum3A_47 [0] : vector<10000x256xf32> to vector<256xf32>
    %broadcast_in_dim3A_49 = vector.shape_cast %reduce_sum3A_48 : vector<256xf32> to vector<1x256xf32>
    %div3A_50 = arith.constant 1.000000e+04 : f32
    %div3A_51 = vector.broadcast %div3A_50 : f32 to vector<1x256xf32>
    %div3A_52 = arith.divf %broadcast_in_dim3A_49, %div3A_51 : vector<1x256xf32>
    %mul3A_53 = arith.mulf %div3A_46, %div3A_46 : vector<1x256xf32>
    %sub3A = arith.subf %div3A_52, %mul3A_53 : vector<1x256xf32>
    %sub3A_54 = vector.broadcast %div3A_46 : vector<1x256xf32> to vector<10000x256xf32>
    %sub3A_55 = arith.subf %max3A_43, %sub3A_54 : vector<10000x256xf32>
    %add3A_56 = arith.constant 9.99999974E-6 : f32
    %add3A_57 = vector.broadcast %add3A_56 : f32 to vector<1x256xf32>
    %add3A_58 = arith.addf %sub3A, %add3A_57 : vector<1x256xf32>
    %rsqrt3A = math.rsqrt %add3A_58 : vector<1x256xf32>
    %mul3A_59 = vector.broadcast %rsqrt3A : vector<1x256xf32> to vector<10000x256xf32>
    %mul3A_60 = arith.mulf %sub3A_55, %mul3A_59 : vector<10000x256xf32>
    %get3A_61 = arith.constant 0 : index
    %get3A_62 = arith.constant 0 : index
    %get3A_63 = vector.load %arg6[%get3A_61, %get3A_62] : memref<1x256xf32, #tpu.memory_space<vmem>>, vector<1x256xf32>
    %mul3A_64 = vector.broadcast %get3A_63 : vector<1x256xf32> to vector<10000x256xf32>
    %mul3A_65 = arith.mulf %mul3A_60, %mul3A_64 : vector<10000x256xf32>
    %get3A_66 = arith.constant 0 : index
    %get3A_67 = arith.constant 0 : index
    %get3A_68 = vector.load %arg7[%get3A_66, %get3A_67] : memref<1x256xf32, #tpu.memory_space<vmem>>, vector<1x256xf32>
    %add3A_69 = vector.broadcast %get3A_68 : vector<1x256xf32> to vector<10000x256xf32>
    %add3A_70 = arith.addf %mul3A_65, %add3A_69 : vector<10000x256xf32>
    %swap3A = arith.constant 0 : index
    %swap3A_71 = arith.constant 0 : index
    %swap3A_72 = vector.load %arg8[%swap3A, %swap3A_71] : memref<10000x256xf32, #tpu.memory_space<vmem>>, vector<10000x256xf32>
    tpu.vector_store %arg8[%swap3A, %swap3A_71], %add3A_70 {strides = array<i32>} : memref<10000x256xf32, #tpu.memory_space<vmem>>, vector<10000x256xf32>,
    return
  }
}

module attributes {stable_mosaic.version = 14 : i64} {
  func.func @body(%arg0: memref<10000x256xf32, #tpu.memory_space<vmem>>, %arg1: memref<40960x128xf32, #tpu.memory_space<vmem>>, %arg2: memref<256x256xf32, #tpu.memory_space<vmem>>, %arg3: memref<1x256xf32, #tpu.memory_space<vmem>>, %arg4: memref<256x256xf32, #tpu.memory_space<vmem>>, %arg5: memref<1x256xf32, #tpu.memory_space<vmem>>, %arg6: memref<1x256xf32, #tpu.memory_space<vmem>>, %arg7: memref<1x256xf32, #tpu.memory_space<vmem>>, %arg8: memref<10000x256xf32, #tpu.memory_space<vmem>>) attributes {dimension_semantics = [], scalar_prefetch = 0 : i64, scratch_operands = 0 : i64, tpu.core_type = #tpu.core_type<tc>} {
    %get3A = arith.constant 0 : index
    %get3A_0 = arith.constant 0 : index
    %get3A_1 = vector.load %arg1[%get3A, %get3A_0] : memref<40960x128xf32, #tpu.memory_space<vmem>>, vector<5000x128xf32>
    %get3A_2 = arith.constant 20480 : index
    %get3A_3 = arith.constant 0 : index
    %get3A_4 = vector.load %arg1[%get3A_2, %get3A_3] : memref<40960x128xf32, #tpu.memory_space<vmem>>, vector<5000x128xf32>
    %add3A = arith.addf %get3A_1, %get3A_4 : vector<5000x128xf32>
    %get3A_5 = arith.constant 5120 : index
    %get3A_6 = arith.constant 0 : index
    %get3A_7 = vector.load %arg1[%get3A_5, %get3A_6] : memref<40960x128xf32, #tpu.memory_space<vmem>>, vector<5000x128xf32>
    %get3A_8 = arith.constant 25600 : index
    %get3A_9 = arith.constant 0 : index
    %get3A_10 = vector.load %arg1[%get3A_8, %get3A_9] : memref<40960x128xf32, #tpu.memory_space<vmem>>, vector<5000x128xf32>
    %add3A_11 = arith.addf %get3A_7, %get3A_10 : vector<5000x128xf32>
    %concatenate3A = tpu.concatenate %add3A, %add3A_11 in 1 : vector<5000x128xf32>, vector<5000x128xf32> -> vector<5000x256xf32>
    %get3A_12 = arith.constant 0 : index
    %get3A_13 = arith.constant 0 : index
    %get3A_14 = vector.load %arg0[%get3A_12, %get3A_13] : memref<10000x256xf32, #tpu.memory_space<vmem>>, vector<5000x256xf32>
    %add3A_15 = arith.addf %get3A_14, %concatenate3A : vector<5000x256xf32>
    %get3A_16 = arith.constant 10240 : index
    %get3A_17 = arith.constant 0 : index
    %get3A_18 = vector.load %arg1[%get3A_16, %get3A_17] : memref<40960x128xf32, #tpu.memory_space<vmem>>, vector<5000x128xf32>
    %get3A_19 = arith.constant 30720 : index
    %get3A_20 = arith.constant 0 : index
    %get3A_21 = vector.load %arg1[%get3A_19, %get3A_20] : memref<40960x128xf32, #tpu.memory_space<vmem>>, vector<5000x128xf32>
    %add3A_22 = arith.addf %get3A_18, %get3A_21 : vector<5000x128xf32>
    %get3A_23 = arith.constant 15360 : index
    %get3A_24 = arith.constant 0 : index
    %get3A_25 = vector.load %arg1[%get3A_23, %get3A_24] : memref<40960x128xf32, #tpu.memory_space<vmem>>, vector<5000x128xf32>
    %get3A_26 = arith.constant 35840 : index
    %get3A_27 = arith.constant 0 : index
    %get3A_28 = vector.load %arg1[%get3A_26, %get3A_27] : memref<40960x128xf32, #tpu.memory_space<vmem>>, vector<5000x128xf32>
    %add3A_29 = arith.addf %get3A_25, %get3A_28 : vector<5000x128xf32>
    %concatenate3A_30 = tpu.concatenate %add3A_22, %add3A_29 in 1 : vector<5000x128xf32>, vector<5000x128xf32> -> vector<5000x256xf32>
    %get3A_31 = arith.constant 5000 : index
    %get3A_32 = arith.constant 0 : index
    %get3A_33 = vector.load %arg0[%get3A_31, %get3A_32] : memref<10000x256xf32, #tpu.memory_space<vmem>>, vector<5000x256xf32>
    %add3A_34 = arith.addf %get3A_33, %concatenate3A_30 : vector<5000x256xf32>
    %concatenate3A_35 = tpu.concatenate %add3A_15, %add3A_34 in 0 : vector<5000x256xf32>, vector<5000x256xf32> -> vector<10000x256xf32>
    %get3A_36 = arith.constant 0 : index
    %get3A_37 = arith.constant 0 : index
    %get3A_38 = vector.load %arg2[%get3A_36, %get3A_37] : memref<256x256xf32, #tpu.memory_space<vmem>>, vector<256x256xf32>
    %dot_general3A = arith.constant dense<0.000000e+00> : vector<10000x256xf32>
    %dot_general3A_39 = tpu.matmul %concatenate3A_35, %get3A_38, %dot_general3A {dimension_numbers = #tpu.dot_dimension_numbers<[1], [0], [0], [1], [0, 0, 1, 1], [], []>, transpose_lhs_hint = false} : vector<10000x256xf32>, vector<256x256xf32>, vector<10000x256xf32> -> vector<10000x256xf32>
    %get3A_40 = arith.constant 0 : index
    %get3A_41 = arith.constant 0 : index
    %get3A_42 = vector.load %arg3[%get3A_40, %get3A_41] : memref<1x256xf32, #tpu.memory_space<vmem>>, vector<1x256xf32>
    %add3A_43 = vector.broadcast %get3A_42 : vector<1x256xf32> to vector<10000x256xf32>
    %add3A_44 = arith.addf %dot_general3A_39, %add3A_43 : vector<10000x256xf32>
    %max3A = arith.constant 0.000000e+00 : f32
    %max3A_45 = vector.broadcast %max3A : f32 to vector<10000x256xf32>
    %max3A_46 = arith.maximumf %add3A_44, %max3A_45 : vector<10000x256xf32>
    %get3A_47 = arith.constant 0 : index
    %get3A_48 = arith.constant 0 : index
    %get3A_49 = vector.load %arg4[%get3A_47, %get3A_48] : memref<256x256xf32, #tpu.memory_space<vmem>>, vector<256x256xf32>
    %dot_general3A_50 = arith.constant dense<0.000000e+00> : vector<10000x256xf32>
    %dot_general3A_51 = tpu.matmul %max3A_46, %get3A_49, %dot_general3A_50 {dimension_numbers = #tpu.dot_dimension_numbers<[1], [0], [0], [1], [0, 0, 1, 1], [], []>, transpose_lhs_hint = false} : vector<10000x256xf32>, vector<256x256xf32>, vector<10000x256xf32> -> vector<10000x256xf32>
    %get3A_52 = arith.constant 0 : index
    %get3A_53 = arith.constant 0 : index
    %get3A_54 = vector.load %arg5[%get3A_52, %get3A_53] : memref<1x256xf32, #tpu.memory_space<vmem>>, vector<1x256xf32>
    %add3A_55 = vector.broadcast %get3A_54 : vector<1x256xf32> to vector<10000x256xf32>
    %add3A_56 = arith.addf %dot_general3A_51, %add3A_55 : vector<10000x256xf32>
    %max3A_57 = arith.constant 0.000000e+00 : f32
    %max3A_58 = vector.broadcast %max3A_57 : f32 to vector<10000x256xf32>
    %max3A_59 = arith.maximumf %add3A_56, %max3A_58 : vector<10000x256xf32>
    %reduce_sum3A = arith.constant dense<0.000000e+00> : vector<256xf32>
    %reduce_sum3A_60 = vector.multi_reduction <add>, %max3A_59, %reduce_sum3A [0] : vector<10000x256xf32> to vector<256xf32>
    %broadcast_in_dim3A = vector.shape_cast %reduce_sum3A_60 : vector<256xf32> to vector<1x256xf32>
    %div3A = arith.constant 1.000000e+04 : f32
    %div3A_61 = vector.broadcast %div3A : f32 to vector<1x256xf32>
    %div3A_62 = arith.divf %broadcast_in_dim3A, %div3A_61 : vector<1x256xf32>
    %mul3A = arith.mulf %max3A_59, %max3A_59 : vector<10000x256xf32>
    %reduce_sum3A_63 = arith.constant dense<0.000000e+00> : vector<256xf32>
    %reduce_sum3A_64 = vector.multi_reduction <add>, %mul3A, %reduce_sum3A_63 [0] : vector<10000x256xf32> to vector<256xf32>
    %broadcast_in_dim3A_65 = vector.shape_cast %reduce_sum3A_64 : vector<256xf32> to vector<1x256xf32>
    %div3A_66 = arith.constant 1.000000e+04 : f32
    %div3A_67 = vector.broadcast %div3A_66 : f32 to vector<1x256xf32>
    %div3A_68 = arith.divf %broadcast_in_dim3A_65, %div3A_67 : vector<1x256xf32>
    %mul3A_69 = arith.mulf %div3A_62, %div3A_62 : vector<1x256xf32>
    %sub3A = arith.subf %div3A_68, %mul3A_69 : vector<1x256xf32>
    %sub3A_70 = vector.broadcast %div3A_62 : vector<1x256xf32> to vector<10000x256xf32>
    %sub3A_71 = arith.subf %max3A_59, %sub3A_70 : vector<10000x256xf32>
    %add3A_72 = arith.constant 9.99999974E-6 : f32
    %add3A_73 = vector.broadcast %add3A_72 : f32 to vector<1x256xf32>
    %add3A_74 = arith.addf %sub3A, %add3A_73 : vector<1x256xf32>
    %rsqrt3A = math.rsqrt %add3A_74 : vector<1x256xf32>
    %mul3A_75 = vector.broadcast %rsqrt3A : vector<1x256xf32> to vector<10000x256xf32>
    %mul3A_76 = arith.mulf %sub3A_71, %mul3A_75 : vector<10000x256xf32>
    %get3A_77 = arith.constant 0 : index
    %get3A_78 = arith.constant 0 : index
    %get3A_79 = vector.load %arg6[%get3A_77, %get3A_78] : memref<1x256xf32, #tpu.memory_space<vmem>>, vector<1x256xf32>
    %mul3A_80 = vector.broadcast %get3A_79 : vector<1x256xf32> to vector<10000x256xf32>
    %mul3A_81 = arith.mulf %mul3A_76, %mul3A_80 : vector<10000x256xf32>
    %get3A_82 = arith.constant 0 : index
    %get3A_83 = arith.constant 0 : index
    %get3A_84 = vector.load %arg7[%get3A_82, %get3A_83] : memref<1x256xf32, #tpu.memory_space<vmem>>, vector<1x256xf32>
    %add3A_85 = vector.broadcast %get3A_84 : vector<1x256xf32> to vector<10000x256xf32>
    %add3A_86 = arith.addf %mul3A_81, %add3A_85 : vector<10000x256xf32>
    %swap3A = arith.constant 0 : index
    %swap3A_87 = arith.constant 0 : index
    %swap3A_88 = vector.load %arg8[%swap3A, %swap3A_87] : memref<10000x256xf32, #tpu.memory_space<vmem>>, vector<10000x256xf32>
    tpu.vector_store %arg8[%swap3A, %swap3A_87], %add3A_86 {strides = array<i32>} : memref<10000x256xf32, #tpu.memory_space<vmem>>, vector<10000x256xf32>,
    return
  }
}

</mosaic_0001>

<sc_bundles>
// kernel: gather_offload_async_start.1
scs
__scs_entry_jumppad:
0x0: {  	(pc) =	sbr.rel $0x88, $3  }
0x1: {  	(tag) =	ssettag $0x0;
	lr =	simm.s32 $0x1  }
0x2: {  	[smem:$0x3F8D] =	sst lr;
	_ =	strace $0xD0000000  }
0x3: {  	_ = 	snop  }
0x4: {  	_ = 	snop  }
0x5: {  	_ = 	snop  }
0x6: {  	_ = 	snop  }
0x7: {  	_ = 	snop  }
__scs_overlays_trampoline_lowered:
0x8: {  	[smem:$0x3F9C] =	sst s0  }
0x9: {  	[smem:$0x3F9D] =	sst s1  }
0xa: {  	[smem:$0x3F9E] =	sst s2  }
0xb: {  	[smem:$0x3F9F] =	sst s3  }
0xc: {  	[smem:$0x3FA0] =	sst s4  }
0xd: {  	[smem:$0x3FA1] =	sst s5  }
0xe: {  	[smem:$0x3FA2] =	sst s6  }
0xf: {  	[smem:$0x3FA3] =	sst s7  }
0x10: {  	[smem:$0x3FA4] =	sst s8  }
0x11: {  	[smem:$0x3FA5] =	sst s9;
	s0 =	simm.s32 @!p0 $0x0  }
0x12: {  	s1 =	sld [smem:$0x3F8B];
	s0 =	simm.s32 @p0 $0x1  }
0x13: {  	[smem:$0x3FA6] =	sst s0;
	s0 =	simm.s32 @!p1 $0x0  }
0x14: {  	s2 =	sld [smem:$0x3F8A];
	s0 =	simm.s32 @p1 $0x1  }
0x15: {  	[smem:$0x3FA7] =	sst s0;
	s0 =	simm.s32 @!p2 $0x0  }
0x16: {  	s3 =	sld [smem:$0x3FDB];
	s0 =	simm.s32 @p2 $0x1  }
0x17: {  	s4 =	simm.s32 $0x1BF5;
	[smem:$0x3FA9] =	sst s0  }
0x18: {  	s0 =	sld [smem:$0x3F8C];
	_ =	swait.ge [sflag:s4], $0x0  }
0x19: {  	s7 =	sld [smem:$0x3F8D]  }
0x1a: {  	s8 =	sadd.s32 $0xFFFFE003, lr  }
0x1b: {  	s9 =	sadd.s32 $0xFFFFFEF7, lr;
	s5 =	simm.s32 $0xFFFFFFFF;
	p2 =	slt.u32 s8, $0xFFFFF086  }
0x1c: {  	p1 =	slt.u32 s9, $0xF7A;
	s5 =	simm.s32 @!p2 $0x0  }
0x1d: {  	s5 =	simm.s32 @p1 $0x1;
	p0 =	seq.s32 s7, s2  }
0x1e: {  	s7 =	smul.u32 @!p0 $0xF7A, s2;
	p2 =	seq.s32 @!p0 s5, $0x0  }
0x1f: {  	s9 =	smul.u32 $0xF7A, s1;
	s8 =	simm.s32 @!p0 $0x1BF5;
	p2 =	por !p2, p0  }
0x20: {  	[sflag:s8] =	ssyncset.s32 @!p0 $0xFFFFF086;
	s6 =	sadd.s32 @!p0 s3, s7;
	s7 =	simm.s32 @!p0 $0x108  }
0x21: {  	s3 =	sadd.s32 s3, s9;
	s6 =	sadd.s32 @!p0 $0x88, s6;
	s7 =	simm.s32 @p2 $0x1082  }
0x22: {  	[simem:s7], [sflag:s8] =	dma.local @!p0 [hbm:s6], $0xF7A  }
0x23: {  	s9 =	sor.u32 $0xD0000000, s2;
	s6 =	simm.s32 $0x108;
	_ =	swait.ge @!p0 [sflag:s8], $0x0  }
0x24: {  	s3 =	sadd.s32 $0x88, s3;
	s6 =	simm.s32 @!p1 $0x1082;
	[sflag:s4] =	ssyncset.s32 $0xFFFFF086  }
0x25: {  	[simem:s6], [sflag:s4] =	dma.local [hbm:s3], $0xF7A  }
0x26: {  	[smem:$0x3F8D] =	sst s1;
	(tag) =	ssettag s2;
	_ =	strace s9  }
0x27: {  	s1 =	sld [smem:$0x3F9D]  }
0x28: {  	s2 =	sld [smem:$0x3F9E]  }
0x29: {  	s4 =	sld [smem:$0x3FA0]  }
0x2a: {  	p0 =	seq.s32 s5, $0x0;
	s5 =	sld [smem:$0x3FA1]  }
0x2b: {  	s6 =	sld [smem:$0x3FA2]  }
0x2c: {  	s7 =	sld [smem:$0x3FA3]  }
0x2d: {  	s3 =	simm.s32 $0x108;
	s8 =	sld [smem:$0x3FA4]  }
0x2e: {  	s3 =	simm.s32 @!p0 $0x1082;
	s9 =	sld [smem:$0x3FA5]  }
0x2f: {  	lr =	sadd.s32 s0, s3;
	s0 =	sld [smem:$0x3F9C]  }
0x30: {  	s3 =	sld [smem:$0x3F9F]  }
0x31: {  	[smem:$0x3FA8] =	sst s10  }
0x32: {  	s10 =	sld [smem:$0x3FA6];
	_ =	sdelay $0x3  }
0x33: {  	p0 =	seq.s32 s10, $0x1;
	s10 =	sld [smem:$0x3FA8];
	_ =	sdelay $0x3  }
0x34: {  	[smem:$0x3FA8] =	sst s10  }
0x35: {  	s10 =	sld [smem:$0x3FA7];
	_ =	sdelay $0x3  }
0x36: {  	p1 =	seq.s32 s10, $0x1;
	s10 =	sld [smem:$0x3FA8];
	_ =	sdelay $0x3  }
0x37: {  	[smem:$0x3FA8] =	sst s10  }
0x38: {  	s10 =	sld [smem:$0x3FA9]  }
0x39: {  	_ = 	snop;
	(pc) =	sbr.ind lr, $3  }
0x3a: {  	_ = 	snop  }
0x3b: {  	_ = 	snop  }
0x3c: {  	p2 =	seq.s32 s10, $0x1;
	s10 =	sld [smem:$0x3FA8]  }
0x3d: {  	_ =	shalt  }
0x3e: {  	_ =	shalt  }
0x3f: {  	_ =	shalt  }
0x40: {  	_ =	shalt  }
0x41: {  	_ =	shalt  }
0x42: {  	_ =	shalt  }
0x43: {  	_ =	shalt  }
0x44: {  	_ =	shalt  }
0x45: {  	_ =	shalt  }
0x46: {  	_ =	shalt  }
0x47: {  	_ =	shalt  }
0x48: {  	_ =	shalt  }
0x49: {  	_ =	shalt  }
0x4a: {  	_ =	shalt  }
0x4b: {  	_ =	shalt  }
0x4c: {  	_ =	shalt  }
0x4d: {  	_ =	shalt  }
0x4e: {  	_ =	shalt  }
0x4f: {  	_ =	shalt  }
0x50: {  	_ =	shalt  }
0x51: {  	_ =	shalt  }
0x52: {  	_ =	shalt  }
0x53: {  	_ =	shalt  }
0x54: {  	_ =	shalt  }
0x55: {  	_ =	shalt  }
0x56: {  	_ =	shalt  }
0x57: {  	_ =	shalt  }
0x58: {  	_ =	shalt  }
0x59: {  	_ =	shalt  }
0x5a: {  	_ =	shalt  }
0x5b: {  	_ =	shalt  }
0x5c: {  	_ =	shalt  }
0x5d: {  	_ =	shalt  }
0x5e: {  	_ =	shalt  }
0x5f: {  	_ =	shalt  }
0x60: {  	_ =	shalt  }
0x61: {  	_ =	shalt  }
0x62: {  	_ =	shalt  }
0x63: {  	_ =	shalt  }
0x64: {  	_ =	shalt  }
0x65: {  	_ =	shalt  }
0x66: {  	_ =	shalt  }
0x67: {  	_ =	shalt  }
0x68: {  	_ =	shalt  }
0x69: {  	_ =	shalt  }
0x6a: {  	_ =	shalt  }
0x6b: {  	_ =	shalt  }
0x6c: {  	_ =	shalt  }
0x6d: {  	_ =	shalt  }
0x6e: {  	_ =	shalt  }
0x6f: {  	_ =	shalt  }
0x70: {  	_ =	shalt  }
0x71: {  	_ =	shalt  }
0x72: {  	_ =	shalt  }
0x73: {  	_ =	shalt  }
0x74: {  	_ =	shalt  }
0x75: {  	_ =	shalt  }
0x76: {  	_ =	shalt  }
0x77: {  	_ =	shalt  }
0x78: {  	_ =	shalt  }
0x79: {  	_ =	shalt  }
0x7a: {  	_ =	shalt  }
0x7b: {  	_ =	shalt  }
0x7c: {  	_ =	shalt  }
0x7d: {  	_ =	shalt  }
0x7e: {  	_ =	shalt  }
0x7f: {  	_ =	shalt  }
0x80: {  	_ =	shalt  }
0x81: {  	_ =	shalt  }
0x82: {  	_ =	shalt  }
0x83: {  	_ =	shalt  }
0x84: {  	_ =	shalt  }
0x85: {  	_ =	shalt  }
0x86: {  	_ =	shalt  }
0x87: {  	_ =	shalt  }
.Lfunc_end0:
.L_simem_size_0:
called_computation.1_lowered:
.L_overlay_start_0:
0x88: {  	s2 =	sld [smem:$0x3FD9]  }
0x89: {  	s3 =	sld [smem:$0x3FFE];
	_ =	sdelay $0x1  }
0x8a: {  	s1 =	srdreg.scid  }
0x8b: {  	s0 =	sand.u32 $0x1, s1  }
0x8c: {  	s16 =	sshll.u32 s0, $0xA;
	s2 =	sadd.s32 s3, s2  }
0x8d: {  	s2 =	sadd.s32 s2, s16  }
0x8e: {  	[smem:$0x3FB4] =	sst s2  }
0x8f: {  	_ = 	snop  }
0x90: {  	(tm) =	ssettm $0x1  }
0x91: {  	s17 =	sld [smem:$0x3FFB];
	_ =	sdelay $0x3  }
0x92: {  	_ =	strace s17  }
0x93: {  	s2 =	sld [smem:$0x3FFC];
	_ =	sdelay $0x3  }
0x94: {  	_ =	strace s2  }
0x95: {  	s2 =	sld [smem:$0x3FFD];
	_ =	sdelay $0x3  }
0x96: {  	_ =	strace s2  }
0x97: {  	_ =	strace $0x8FFFFFFF  }
0x98: {  	s18 =	sld [smem:$0x3FDB];
	_ =	sdelay $0x1  }
0x99: {  	s19 =	simm.s32 $_scs_section_size  }
0x9a: {  	s4 =	simm.s32 $_size__tile_overlayer_lowered;
	s5 =	simm.s32 $_tile_overlayer_lowered  }
0x9b: {  	s22 =	simm.s32 $0x1BFF;
	s21 =	sshll.u32 s5, $0x1;
	s2 =	sadd.s32 s19, s18  }
0x9c: {  	s6 =	simm.s32 $0x0;
	s20 =	sshll.u32 s4, $0x1;
	s4 =	sadd.s32 s21, s2  }
0x9d: {  	[timem:s6], [sflag:s22] =	dma.local [hbm:s4], s20  }
0x9e: {  	_ =	swait.ge [sflag:s22], s20  }
0x9f: {  	s3 =	ssub.s32 $0x0, s20;
	[sflag:s22] =	ssyncset.done $0x0  }
0xa0: {  	[sflag:s22] =	ssyncadd.s32 s3;
	_ =	sdelay $0x1  }
0xa1: {  	s23 =	simm.s32 $0x1B8B  }
0xa2: {  	_ =	swait.ge [sflag:s23], $0x1  }
0xa3: {  	[sflag:s23] =	ssyncset.done $0x0  }
0xa4: {  	s25 =	simm.s32 $0x1B8E;
	s24 =	sld [smem:$0x3FFE];
	[sflag:s23] =	ssyncadd.s32 $0xFFFFFFFF  }
0xa5: {  	s26 =	simm.s32 $execute0_lowered;
	[smem:$0x3FD2] =	sst s25  }
0xa6: {  	s4 =	sshll.u32 s26, $0x1;
	_ =	strace $0x80000049;
	[dreg:$0x1] =	wrdreg $0xFFFFFFFF  }
0xa7: {  	s28 =	simm.s32 $_size_execute0_lowered;
	s2 =	sadd.s32 s2, s4;
	[dreg:$0x0] =	wrdreg $0x0  }
0xa8: {  	s4 =	sshll.u32 s28, $0x1;
	[dreg:$0x2] =	wrdreg s2  }
0xa9: {  	[dreg:$0x3] =	wrdreg s4  }
0xaa: {  	[dreg:$0x4] =	wrdreg $0xC0  }
0xab: {  	_ =	task [dreg:s6], $0x5FFFF  }
0xac: {  	[dreg:$0x1] =	wrdreg $0xFFFFFFFF  }
0xad: {  	[dreg:$0x0] =	wrdreg $0x60  }
0xae: {  	[dreg:$0x2] =	wrdreg s24  }
0xaf: {  	[dreg:$0x3] =	wrdreg $0x9  }
0xb0: {  	_ =	task.clear_ibuf [dreg:s6], $0x4FFFF;
	_ =	strace $0x90000049  }
0xb1: {  	s29 =	simm.s32 $0x9;
	_ =	strace $0x8000004B  }
0xb2: {  	_ =	swait.ge [sflag:s29], $0x1  }
0xb3: {  	[sflag:s29] =	ssyncadd.s32 $0xFFFFFFFF  }
0xb4: {  	_ =	strace $0x9000004B  }
0xb5: {  	_ =	sfence  }
0xb6: {  	s30 =	sld [smem:$0x0];
	_ =	sdelay $0x2  }
0xb7: {  	s31 =	sshll.u32 s1, $0xD;
	s1 =	sshrl.u32 s1, $0x2  }
0xb8: {  	s3 =	sand.u32 $0x4000, s31;
	s1 =	sadd.s32 s1, s30  }
0xb9: {  	s0 =	sor.u32 s3, s0;
	s1 =	sshll.u32 s1, $0x11  }
0xba: {  	s0 =	sor.u32 s1, s0  }
0xbb: {  	s0 =	sadd.s32 $0x8F2B, s0  }
0xbc: {  	[sflag:s0] =	ssyncadd.remote.s32 $0x1  }
0xbd: {  	_ =	sfence.sel $0xFFFF  }
0xbe: {  	[dreg:$0x0] =	wrdreg $0xFFFFFFFF;
	(pc) =	sbr.abs _section_cstart, $3  }
0xbf: {  	[dreg:$0x1] =	wrdreg $0xFFFFFFFF  }
0xc0: {  	_ =	task.clear_ibuf [dreg:s6], $0x2FFFF;
	_ =	strace $0x9FFFFFFF  }
0xc1: {  	(tm) =	ssettm $0x7FFFFFFF  }
tec
execute0_lowered:
.L_overlay_start_1:
0x0: {  	(tag) =	ssettag $0x1  }
0x1: {  	s8 =	rddreg [dreg:$0x0]  }
0x2: {  	s0 =	rddreg [dreg:$0x1];
	_ =	strace $0x8000004A;
	s1 =	stileid.u32  }
0x3: {  	s3 =	srdreg.scid;
	s4 =	simm.s32 $0x1;
	s7 =	simm.s32 $0x1  }
0x4: {  	s9 =	simm.s32 $0x1;
	s10 =	simm.s32 $0x3;
	s13 =	simm.s32 $0x0  }
0x5: {  	s12 =	simm.s32 $0x0;
	s5 =	sand.u32 $0x1, s3;
	s6 =	sshll.u32 s1, $0x1  }
0x6: {  	s2 =	sadd.s32 $0x4600, s8;
	s3 =	sadd.s32 $0xEA00, s8;
	s5 =	sor.u32 s6, s5  }
.Ltmp0:
0x7: {  	[sflag:s4] =	ssyncpa.u1 $0x0;
	p0 =	slt.u32 s5, $0x9;
	(pc) =	sbr.rel .LBB2_1-.Ltmp0, $4  }
0x8: {  	s6 =	simm.s32 $0x2;
	s7 =	simm.s32 @!p0 $0x0;
	p0 =	sne.s32 s5, $0x8  }
0x9: {  	[sflag:s6] =	ssyncpa.u1 $0x0;
	s5 =	smul.u32 $0x1F40, s5;
	s9 =	simm.s32 @!p0 $0x0  }
0xa: {  	s8 =	sadd.s32 $0x18C00, s8;
	[sflag:s10] =	ssyncpa.u1 $0x0;
	s7 =	sadd.s32 s9, s7  }
0xb: {  	vm0 =	vmmov $0xffff;
	s10 =	simm.s32 $0x0;
	s11 =	smov.u32 s5;
	s9 =	sadd.s32 $0x1, s7  }
.LBB2_4:
0xc: {  	v2 =	vnsel vm1, $0x0, v2  }
0xd: {  	vm1 =	vgt.s32 v0, $0x0;
	v2 =	vmin.u32 v2, $0x4E1FF  }
0xe: {  	v0 =	vnsel vm1, $0x0, v0  }
0xf: {  	v0 =	vmin.u32 v0, $0x4E1FF  }
0x10: {  	[tilespmem:s18], [sflag:$0x1] =	stream.indirect_vreg.gather [hbm4b:s2+s10], $0x1, v1, vm0, $0x4038;
	[tilespmem:$0x7D00] =	vst v63  }
0x11: {  	(ifvalue) =	ssetifvalue $0x7FFFFFFF  }
0x12: {  	[tilespmem:s15], [sflag:$0x1] =	stream.indirect_vreg.gather [hbm4b:s2+s10], $0x1, v2, vm0, $0x4038;
	[tilespmem:$0x7D00] =	vst v63  }
0x13: {  	s29 =	sadd.s32 $0x10, s15;
	(ifvalue) =	ssetifvalue $0x7FFFFFFF  }
0x14: {  	[tilespmem:s29], [sflag:$0x1] =	stream.indirect_vreg.gather [hbm4b:s2+s10], $0x1, v0, vm0, $0x4038;
	[tilespmem:$0x7D00] =	vst v63  }
0x15: {  	_ =	swait.ge [sflag:s4], $0x1F40  }
0x16: {  	s30 =	sshrl.u32 s13, $0x3;
	[sflag:s4] =	ssyncset.done $0x0  }
0x17: {  	s31 =	sand.u32 $0x7, s13;
	s15 =	sadd.s32 s8, s30;
	[sflag:s4] =	ssyncadd.s32 $0xFFFFE0C0  }
0x18: {  	[hbm4b:s15+s31] =	stream.linear.scatter [tilespmem:s14], [sflag:$0x3], $0x1F40, $0x38;
	[tilespmem:$0x7D00] =	vst v63  }
.LBB2_5:
0x19: {  	s15 =	sadd.s32 $0x3E800, s11  }
0x1a: {  	p1 =	sgt.s32 s15, $0x4E1FF  }
0x1b: {  	s15 =	smov.u32 @p1 s5;
	p1 =	sne.s32 s12, s9  }
.Ltmp1:
0x1c: {  	p0 =	slt.u32 s12, $0x2;
	(pc) =	sbr.rel @!p1 .LBB2_6-.Ltmp1, $4  }
0x1d: {  	s14 =	simm.s32 @!p0 $0x3  }
0x1e: {  	_ =	swait.ge @!p0 [sflag:s14], $0x1F40  }
0x1f: {  	s16 =	sadd.s32 $0x1, s12;
	s13 =	smov.u32 s11;
	[sflag:s14] =	ssyncset.done @!p0 $0x0  }
0x20: {  	s12 =	smov.u32 s16;
	s11 =	smov.u32 s15;
	[sflag:s14] =	ssyncadd.s32 @!p0 $0xFFFFE0C0  }
.LBB2_1:
0x21: {  	p0 =	sge.u32 s12, s7  }
0x22: {  	s14 =	sxor.u32 @!p0 $0x1, s12  }
0x23: {  	s14 =	smul.u32 @!p0 $0x7D00, s14  }
0x24: {  	s31 =	sadd.s32 $0xFFFFFFFF, s12;
	s15 =	sshrl.u32 @!p0 s11, $0x3  }
0x25: {  	s16 =	sand.u32 @!p0 $0x7, s11;
	s15 =	sadd.s32 @!p0 s3, s15;
	s14 =	sshra.s32 @!p0 s14, $0x2  }
0x26: {  	[tilespmem:s14], [sflag:$0x2] =	stream.linear.gather @!p0 [hbm4b:s15+s16], $0x1F40, $0x38;
	[tilespmem:$0x7D00] =	vst v63  }
0x27: {  	p0 =	sge.u32 s31, s7  }
.Ltmp2:
0x28: {  	_ = 	snop;
	(pc) =	sbr.rel @p0 .LBB2_5-.Ltmp2, $1  }
0x29: {  	_ =	sdelay $0x3  }
0x2a: {  	s14 =	sand.u32 $0x1, s12  }
0x2b: {  	_ =	swait.ge [sflag:s6], $0x1F40;
	p0 =	seq.s32 s14, $0x1;
	s14 =	simm.s32 $0x1F40  }
0x2c: {  	[sflag:s6] =	ssyncset.done $0x0;
	s14 =	simm.s32 @!p0 $0x0  }
0x2d: {  	[sflag:s6] =	ssyncadd.s32 $0xFFFFE0C0;
	(ifvalue) =	ssetifvalue $0x7FFFFFFF;
	v0 =	vld.msk [tilespmem:s14+$0x0 ss:$0x1], $0xffff;
	_ =	sdelay $0x4  }
0x2e: {  	s15 =	sadd.s32 $0x10, s14;
	vm1 =	vgt.s32 v0, $0x0  }
0x2f: {  	v2 =	vld.msk [tilespmem:s15+$0x0 ss:$0x1], $0xffff;
	v1 =	vnsel vm1, $0x0, v0  }
0x30: {  	v1 =	vmin.u32 v1, $0x4E1FF;
	_ =	sdelay $0x2  }
0x31: {  	s17 =	simm.s32 $0x20;
	s14 =	sadd.s32 $0x3E80, s14;
	s16 =	sadd.s32 $0x10, s15  }
0x32: {  	s15 =	sadd.s32 $0x10, s14;
	s18 =	smov.u32 s14;
	v0 =	vld.msk [tilespmem:s16+$0x0 ss:$0x1], $0xffff;
	vm1 =	vgt.s32 v2, $0x0;
	(ifvalue) =	ssetifvalue $0x7FFFFFFF  }
.LBB2_3:
0x33: {  	[tilespmem:s18], [sflag:$0x1] =	stream.indirect_vreg.gather [hbm4b:s2+s10], $0x1, v1, vm0, $0x4038;
	[tilespmem:$0x7D00] =	vst v63  }
0x34: {  	s17 =	sadd.s32 $0x10, s17  }
0x35: {  	v2 =	vnsel vm1, $0x0, v2;
	p0 =	slt.u32 s17, $0x1F30  }
.Ltmp3:
0x36: {  	s18 =	smov.u32 s15;
	v1 =	vmin.u32 v2, $0x4E1FF;
	(pc) =	sbr.rel @p0 .LBB2_3-.Ltmp3, $3  }
0x37: {  	_ =	sdelay $0x1  }
0x38: {  	s16 =	sadd.s32 $0x10, s16  }
0x39: {  	vm1 =	vgt.s32 v0, $0x0;
	s15 =	sadd.s32 $0x10, s15;
	v2 =	vmov v0;
	(ifvalue) =	ssetifvalue $0x7FFFFFFF;
	v0 =	vld.msk [tilespmem:s16+$0x0 ss:$0x1], $0xffff  }
.Ltmp4:
0x3a: {  	_ = 	snop;
	(pc) =	sbr.rel .LBB2_4-.Ltmp4, $1  }
0x3b: {  	_ =	sdelay $0x3  }
.LBB2_6:
0x3c: {  	_ =	sfence.sel $0x180000  }
0x3d: {  	s2 =	simm.s32 $0x2;
	[bflag:$0x0] =	sbarrier.arrive $0xFFFF  }
0x3e: {  	s30 =	simm.s32 $0x3;
	[sflag:s2] =	ssyncpa.u1 $0x1  }
0x3f: {  	s31 =	simm.s32 $0x1;
	[sflag:s30] =	ssyncpa.u1 $0x1  }
0x40: {  	[sflag:s31] =	ssyncpa.u1 $0x1  }
0x41: {  	p0 =	sne.s32 s1, $0x0;
	_ =	strace $0x9000004A  }
0x42: {  	s0 =	sadd.s32 @!p0 $0x100000, s0;
	[bflag:$0x2] =	sbarrier.arrive $0xFFFF  }
0x43: {  	[sflag:s0] =	ssyncadd.tile.s32 @!p0 $0x1;
	_ =	shalt  }
.Lfunc_end2:
_tile_overlayer_lowered:
.L_overlay_start_2:
0x44: {  	(tag) =	ssettag $0x2  }
0x45: {  	s0 =	rddreg [dreg:$0x0];
	s2 =	stileid.u32  }
0x46: {  	s1 =	rddreg [dreg:$0x1];
	p0 =	sne.s32 s2, $0x0  }
0x47: {  	s3 =	rddreg [dreg:$0x2];
	[bflag:$0x3] =	sbarrier.arrive $0xFFFF;
	s2 =	simm.s32 @!p0 $0x1C01  }
0x48: {  	[timem:s3], [sflag:s2] =	dma.local @!p0 [hbm:s0], s1  }
0x49: {  	s0 =	simm.s32 @!p0 $0x1  }
0x4a: {  	_ =	swait.ge @!p0 [sflag:s0], s1  }
0x4b: {  	s1 =	ssub.s32 @!p0 $0x0, s1;
	[sflag:s0] =	ssyncset.done @!p0 $0x0  }
0x4c: {  	[sflag:s0] =	ssyncadd.s32 @!p0 s1  }
0x4d: {  	[bflag:$0x3] =	sbarrier.arrive $0xFFFF  }
0x4e: {  	_ =	shalt  }

// kernel: gather_offload_async_start
scs
__scs_entry_jumppad:
0x0: {  	(pc) =	sbr.rel $0x88, $3  }
0x1: {  	(tag) =	ssettag $0x0;
	lr =	simm.s32 $0x1  }
0x2: {  	[smem:$0x3F8D] =	sst lr;
	_ =	strace $0xD0000000  }
0x3: {  	_ = 	snop  }
0x4: {  	_ = 	snop  }
0x5: {  	_ = 	snop  }
0x6: {  	_ = 	snop  }
0x7: {  	_ = 	snop  }
__scs_overlays_trampoline_lowered:
0x8: {  	[smem:$0x3F9C] =	sst s0  }
0x9: {  	[smem:$0x3F9D] =	sst s1  }
0xa: {  	[smem:$0x3F9E] =	sst s2  }
0xb: {  	[smem:$0x3F9F] =	sst s3  }
0xc: {  	[smem:$0x3FA0] =	sst s4  }
0xd: {  	[smem:$0x3FA1] =	sst s5  }
0xe: {  	[smem:$0x3FA2] =	sst s6  }
0xf: {  	[smem:$0x3FA3] =	sst s7  }
0x10: {  	[smem:$0x3FA4] =	sst s8  }
0x11: {  	[smem:$0x3FA5] =	sst s9;
	s0 =	simm.s32 @!p0 $0x0  }
0x12: {  	s1 =	sld [smem:$0x3F8B];
	s0 =	simm.s32 @p0 $0x1  }
0x13: {  	[smem:$0x3FA6] =	sst s0;
	s0 =	simm.s32 @!p1 $0x0  }
0x14: {  	s2 =	sld [smem:$0x3F8A];
	s0 =	simm.s32 @p1 $0x1  }
0x15: {  	[smem:$0x3FA7] =	sst s0;
	s0 =	simm.s32 @!p2 $0x0  }
0x16: {  	s3 =	sld [smem:$0x3FDB];
	s0 =	simm.s32 @p2 $0x1  }
0x17: {  	s4 =	simm.s32 $0x1BF5;
	[smem:$0x3FA9] =	sst s0  }
0x18: {  	s0 =	sld [smem:$0x3F8C];
	_ =	swait.ge [sflag:s4], $0x0  }
0x19: {  	s7 =	sld [smem:$0x3F8D]  }
0x1a: {  	s8 =	sadd.s32 $0xFFFFE003, lr  }
0x1b: {  	s9 =	sadd.s32 $0xFFFFFEF7, lr;
	s5 =	simm.s32 $0xFFFFFFFF;
	p2 =	slt.u32 s8, $0xFFFFF086  }
0x1c: {  	p1 =	slt.u32 s9, $0xF7A;
	s5 =	simm.s32 @!p2 $0x0  }
0x1d: {  	s5 =	simm.s32 @p1 $0x1;
	p0 =	seq.s32 s7, s2  }
0x1e: {  	s7 =	smul.u32 @!p0 $0xF7A, s2;
	p2 =	seq.s32 @!p0 s5, $0x0  }
0x1f: {  	s9 =	smul.u32 $0xF7A, s1;
	s8 =	simm.s32 @!p0 $0x1BF5;
	p2 =	por !p2, p0  }
0x20: {  	[sflag:s8] =	ssyncset.s32 @!p0 $0xFFFFF086;
	s6 =	sadd.s32 @!p0 s3, s7;
	s7 =	simm.s32 @!p0 $0x108  }
0x21: {  	s3 =	sadd.s32 s3, s9;
	s6 =	sadd.s32 @!p0 $0x88, s6;
	s7 =	simm.s32 @p2 $0x1082  }
0x22: {  	[simem:s7], [sflag:s8] =	dma.local @!p0 [hbm:s6], $0xF7A  }
0x23: {  	s9 =	sor.u32 $0xD0000000, s2;
	s6 =	simm.s32 $0x108;
	_ =	swait.ge @!p0 [sflag:s8], $0x0  }
0x24: {  	s3 =	sadd.s32 $0x88, s3;
	s6 =	simm.s32 @!p1 $0x1082;
	[sflag:s4] =	ssyncset.s32 $0xFFFFF086  }
0x25: {  	[simem:s6], [sflag:s4] =	dma.local [hbm:s3], $0xF7A  }
0x26: {  	[smem:$0x3F8D] =	sst s1;
	(tag) =	ssettag s2;
	_ =	strace s9  }
0x27: {  	s1 =	sld [smem:$0x3F9D]  }
0x28: {  	s2 =	sld [smem:$0x3F9E]  }
0x29: {  	s4 =	sld [smem:$0x3FA0]  }
0x2a: {  	p0 =	seq.s32 s5, $0x0;
	s5 =	sld [smem:$0x3FA1]  }
0x2b: {  	s6 =	sld [smem:$0x3FA2]  }
0x2c: {  	s7 =	sld [smem:$0x3FA3]  }
0x2d: {  	s3 =	simm.s32 $0x108;
	s8 =	sld [smem:$0x3FA4]  }
0x2e: {  	s3 =	simm.s32 @!p0 $0x1082;
	s9 =	sld [smem:$0x3FA5]  }
0x2f: {  	lr =	sadd.s32 s0, s3;
	s0 =	sld [smem:$0x3F9C]  }
0x30: {  	s3 =	sld [smem:$0x3F9F]  }
0x31: {  	[smem:$0x3FA8] =	sst s10  }
0x32: {  	s10 =	sld [smem:$0x3FA6];
	_ =	sdelay $0x3  }
0x33: {  	p0 =	seq.s32 s10, $0x1;
	s10 =	sld [smem:$0x3FA8];
	_ =	sdelay $0x3  }
0x34: {  	[smem:$0x3FA8] =	sst s10  }
0x35: {  	s10 =	sld [smem:$0x3FA7];
	_ =	sdelay $0x3  }
0x36: {  	p1 =	seq.s32 s10, $0x1;
	s10 =	sld [smem:$0x3FA8];
	_ =	sdelay $0x3  }
0x37: {  	[smem:$0x3FA8] =	sst s10  }
0x38: {  	s10 =	sld [smem:$0x3FA9]  }
0x39: {  	_ = 	snop;
	(pc) =	sbr.ind lr, $3  }
0x3a: {  	_ = 	snop  }
0x3b: {  	_ = 	snop  }
0x3c: {  	p2 =	seq.s32 s10, $0x1;
	s10 =	sld [smem:$0x3FA8]  }
0x3d: {  	_ =	shalt  }
0x3e: {  	_ =	shalt  }
0x3f: {  	_ =	shalt  }
0x40: {  	_ =	shalt  }
0x41: {  	_ =	shalt  }
0x42: {  	_ =	shalt  }
0x43: {  	_ =	shalt  }
0x44: {  	_ =	shalt  }
0x45: {  	_ =	shalt  }
0x46: {  	_ =	shalt  }
0x47: {  	_ =	shalt  }
0x48: {  	_ =	shalt  }
0x49: {  	_ =	shalt  }
0x4a: {  	_ =	shalt  }
0x4b: {  	_ =	shalt  }
0x4c: {  	_ =	shalt  }
0x4d: {  	_ =	shalt  }
0x4e: {  	_ =	shalt  }
0x4f: {  	_ =	shalt  }
0x50: {  	_ =	shalt  }
0x51: {  	_ =	shalt  }
0x52: {  	_ =	shalt  }
0x53: {  	_ =	shalt  }
0x54: {  	_ =	shalt  }
0x55: {  	_ =	shalt  }
0x56: {  	_ =	shalt  }
0x57: {  	_ =	shalt  }
0x58: {  	_ =	shalt  }
0x59: {  	_ =	shalt  }
0x5a: {  	_ =	shalt  }
0x5b: {  	_ =	shalt  }
0x5c: {  	_ =	shalt  }
0x5d: {  	_ =	shalt  }
0x5e: {  	_ =	shalt  }
0x5f: {  	_ =	shalt  }
0x60: {  	_ =	shalt  }
0x61: {  	_ =	shalt  }
0x62: {  	_ =	shalt  }
0x63: {  	_ =	shalt  }
0x64: {  	_ =	shalt  }
0x65: {  	_ =	shalt  }
0x66: {  	_ =	shalt  }
0x67: {  	_ =	shalt  }
0x68: {  	_ =	shalt  }
0x69: {  	_ =	shalt  }
0x6a: {  	_ =	shalt  }
0x6b: {  	_ =	shalt  }
0x6c: {  	_ =	shalt  }
0x6d: {  	_ =	shalt  }
0x6e: {  	_ =	shalt  }
0x6f: {  	_ =	shalt  }
0x70: {  	_ =	shalt  }
0x71: {  	_ =	shalt  }
0x72: {  	_ =	shalt  }
0x73: {  	_ =	shalt  }
0x74: {  	_ =	shalt  }
0x75: {  	_ =	shalt  }
0x76: {  	_ =	shalt  }
0x77: {  	_ =	shalt  }
0x78: {  	_ =	shalt  }
0x79: {  	_ =	shalt  }
0x7a: {  	_ =	shalt  }
0x7b: {  	_ =	shalt  }
0x7c: {  	_ =	shalt  }
0x7d: {  	_ =	shalt  }
0x7e: {  	_ =	shalt  }
0x7f: {  	_ =	shalt  }
0x80: {  	_ =	shalt  }
0x81: {  	_ =	shalt  }
0x82: {  	_ =	shalt  }
0x83: {  	_ =	shalt  }
0x84: {  	_ =	shalt  }
0x85: {  	_ =	shalt  }
0x86: {  	_ =	shalt  }
0x87: {  	_ =	shalt  }
.Lfunc_end0:
.L_simem_size_0:
called_computation_lowered:
.L_overlay_start_0:
0x88: {  	s2 =	sld [smem:$0x3FD9]  }
0x89: {  	s3 =	sld [smem:$0x3FFE];
	_ =	sdelay $0x1  }
0x8a: {  	s1 =	srdreg.scid  }
0x8b: {  	s0 =	sand.u32 $0x1, s1  }
0x8c: {  	s17 =	sshll.u32 s0, $0xA;
	s2 =	sadd.s32 s3, s2  }
0x8d: {  	s2 =	sadd.s32 s2, s17  }
0x8e: {  	[smem:$0x3FB4] =	sst s2  }
0x8f: {  	_ = 	snop  }
0x90: {  	s2 =	sld [smem:$0x3FD0];
	(tm) =	ssettm $0x1  }
0x91: {  	s18 =	sld [smem:$0x3FFB];
	_ =	sdelay $0x3  }
0x92: {  	_ =	strace s18  }
0x93: {  	s3 =	sld [smem:$0x3FFC];
	_ =	sdelay $0x3  }
0x94: {  	_ =	strace s3  }
0x95: {  	s3 =	sld [smem:$0x3FFD];
	_ =	sdelay $0x3  }
0x96: {  	_ =	strace s3  }
0x97: {  	_ =	strace $0x8FFFFFFF  }
0x98: {  	s19 =	sld [smem:$0x3FDB];
	_ =	sdelay $0x1  }
0x99: {  	s4 =	simm.s32 $_scs_section_size  }
0x9a: {  	s5 =	simm.s32 $_size__tile_overlayer_lowered;
	s6 =	simm.s32 $_tile_overlayer_lowered  }
0x9b: {  	s22 =	simm.s32 $0x1BFF;
	s21 =	sshll.u32 s6, $0x1;
	s3 =	sadd.s32 s4, s19  }
0x9c: {  	s7 =	simm.s32 $0x0;
	s20 =	sshll.u32 s5, $0x1;
	s5 =	sadd.s32 s21, s3  }
0x9d: {  	[timem:s7], [sflag:s22] =	dma.local [hbm:s5], s20  }
0x9e: {  	_ =	swait.ge [sflag:s22], s20  }
0x9f: {  	s4 =	ssub.s32 $0x0, s20;
	[sflag:s22] =	ssyncset.done $0x0  }
0xa0: {  	[sflag:s22] =	ssyncadd.s32 s4;
	_ =	sdelay $0x1  }
0xa1: {  	s23 =	simm.s32 $0x1B8B  }
0xa2: {  	_ =	swait.ge [sflag:s23], $0x1  }
0xa3: {  	[sflag:s23] =	ssyncset.done $0x0  }
0xa4: {  	s25 =	simm.s32 $0x1B8E;
	s24 =	sld [smem:$0x3FFE];
	[sflag:s23] =	ssyncadd.s32 $0xFFFFFFFF  }
0xa5: {  	s26 =	simm.s32 $execute0_lowered;
	[smem:$0x3FD2] =	sst s25  }
0xa6: {  	s5 =	sshll.u32 s26, $0x1;
	_ =	strace $0x80000046;
	[dreg:$0x1] =	wrdreg $0xFFFFFFFF  }
0xa7: {  	s28 =	simm.s32 $_size_execute0_lowered;
	s3 =	sadd.s32 s3, s5;
	[dreg:$0x0] =	wrdreg $0x0  }
0xa8: {  	s5 =	sshll.u32 s28, $0x1;
	[dreg:$0x2] =	wrdreg s3  }
0xa9: {  	[dreg:$0x3] =	wrdreg s5  }
0xaa: {  	[dreg:$0x4] =	wrdreg $0xC0  }
0xab: {  	_ =	task [dreg:s7], $0x5FFFF  }
0xac: {  	[dreg:$0x1] =	wrdreg $0xFFFFFFFF  }
0xad: {  	[dreg:$0x0] =	wrdreg $0x60  }
0xae: {  	[dreg:$0x2] =	wrdreg s2  }
0xaf: {  	[dreg:$0x3] =	wrdreg s24  }
0xb0: {  	[dreg:$0x4] =	wrdreg $0x9  }
0xb1: {  	_ =	task.clear_ibuf [dreg:s7], $0x5FFFF;
	_ =	strace $0x90000046  }
0xb2: {  	s29 =	simm.s32 $0x9;
	_ =	strace $0x80000048  }
0xb3: {  	_ =	swait.ge [sflag:s29], $0x1  }
0xb4: {  	[sflag:s29] =	ssyncadd.s32 $0xFFFFFFFF  }
0xb5: {  	_ =	strace $0x90000048  }
0xb6: {  	_ =	sfence  }
0xb7: {  	s30 =	sld [smem:$0x0];
	_ =	sdelay $0x2  }
0xb8: {  	s31 =	sshll.u32 s1, $0xD;
	s1 =	sshrl.u32 s1, $0x2  }
0xb9: {  	s3 =	sand.u32 $0x4000, s31;
	s1 =	sadd.s32 s1, s30  }
0xba: {  	s0 =	sor.u32 s3, s0;
	s1 =	sshll.u32 s1, $0x11  }
0xbb: {  	s0 =	sor.u32 s1, s0  }
0xbc: {  	s0 =	sadd.s32 $0x8F2B, s0  }
0xbd: {  	[sflag:s0] =	ssyncadd.remote.s32 $0x1  }
0xbe: {  	_ =	sfence.sel $0xFFFF  }
0xbf: {  	[dreg:$0x0] =	wrdreg $0xFFFFFFFF;
	(pc) =	sbr.abs _section_cstart, $3  }
0xc0: {  	[dreg:$0x1] =	wrdreg $0xFFFFFFFF  }
0xc1: {  	_ =	task.clear_ibuf [dreg:s7], $0x2FFFF;
	_ =	strace $0x9FFFFFFF  }
0xc2: {  	(tm) =	ssettm $0x7FFFFFFF  }
0xc3: {  	_ =	shalt  }
tec
execute0_lowered:
.L_overlay_start_1:
0x0: {  	(tag) =	ssettag $0x1  }
0x1: {  	s2 =	rddreg [dreg:$0x0]  }
0x2: {  	s8 =	rddreg [dreg:$0x1]  }
0x3: {  	s0 =	rddreg [dreg:$0x2];
	s1 =	stileid.u32  }
0x4: {  	s3 =	srdreg.scid;
	_ =	strace $0x80000047;
	s4 =	simm.s32 $0x1  }
0x5: {  	s7 =	simm.s32 $0x1;
	s9 =	simm.s32 $0x1;
	s10 =	simm.s32 $0x3  }
0x6: {  	s13 =	simm.s32 $0x0;
	s5 =	sand.u32 $0x1, s3;
	s6 =	sshll.u32 s1, $0x1  }
0x7: {  	s12 =	simm.s32 $0x0;
	s3 =	sadd.s32 $0xEA00, s8;
	s5 =	sor.u32 s6, s5  }
.Ltmp0:
0x8: {  	[sflag:s4] =	ssyncpa.u1 $0x0;
	p0 =	slt.u32 s5, $0x9;
	(pc) =	sbr.rel .LBB2_1-.Ltmp0, $4  }
0x9: {  	s6 =	simm.s32 $0x2;
	s7 =	simm.s32 @!p0 $0x0;
	p0 =	sne.s32 s5, $0x8  }
0xa: {  	[sflag:s6] =	ssyncpa.u1 $0x0;
	s5 =	smul.u32 $0x1F40, s5;
	s9 =	simm.s32 @!p0 $0x0  }
0xb: {  	s8 =	sadd.s32 $0x18C00, s8;
	[sflag:s10] =	ssyncpa.u1 $0x0;
	s7 =	sadd.s32 s9, s7  }
0xc: {  	vm0 =	vmmov $0xffff;
	s10 =	simm.s32 $0x0;
	s11 =	smov.u32 s5;
	s9 =	sadd.s32 $0x1, s7  }
.LBB2_4:
0xd: {  	v2 =	vnsel vm1, $0x0, v2  }
0xe: {  	vm1 =	vgt.s32 v0, $0x0;
	v2 =	vmin.u32 v2, $0x4E1FF  }
0xf: {  	v0 =	vnsel vm1, $0x0, v0  }
0x10: {  	v0 =	vmin.u32 v0, $0x4E1FF  }
0x11: {  	[tilespmem:s18], [sflag:$0x1] =	stream.indirect_vreg.gather [hbm4b:s2+s10], $0x1, v1, vm0, $0x4038;
	[tilespmem:$0x7D00] =	vst v63  }
0x12: {  	(ifvalue) =	ssetifvalue $0x7FFFFFFF  }
0x13: {  	[tilespmem:s15], [sflag:$0x1] =	stream.indirect_vreg.gather [hbm4b:s2+s10], $0x1, v2, vm0, $0x4038;
	[tilespmem:$0x7D00] =	vst v63  }
0x14: {  	s29 =	sadd.s32 $0x10, s15;
	(ifvalue) =	ssetifvalue $0x7FFFFFFF  }
0x15: {  	[tilespmem:s29], [sflag:$0x1] =	stream.indirect_vreg.gather [hbm4b:s2+s10], $0x1, v0, vm0, $0x4038;
	[tilespmem:$0x7D00] =	vst v63  }
0x16: {  	_ =	swait.ge [sflag:s4], $0x1F40  }
0x17: {  	s30 =	sshrl.u32 s13, $0x3;
	[sflag:s4] =	ssyncset.done $0x0  }
0x18: {  	s31 =	sand.u32 $0x7, s13;
	s15 =	sadd.s32 s8, s30;
	[sflag:s4] =	ssyncadd.s32 $0xFFFFE0C0  }
0x19: {  	[hbm4b:s15+s31] =	stream.linear.scatter [tilespmem:s14], [sflag:$0x3], $0x1F40, $0x38;
	[tilespmem:$0x7D00] =	vst v63  }
.LBB2_5:
0x1a: {  	s15 =	sadd.s32 $0x3E800, s11  }
0x1b: {  	p1 =	sgt.s32 s15, $0x4E1FF  }
0x1c: {  	s15 =	smov.u32 @p1 s5;
	p1 =	sne.s32 s12, s9  }
.Ltmp1:
0x1d: {  	p0 =	slt.u32 s12, $0x2;
	(pc) =	sbr.rel @!p1 .LBB2_6-.Ltmp1, $4  }
0x1e: {  	s14 =	simm.s32 @!p0 $0x3  }
0x1f: {  	_ =	swait.ge @!p0 [sflag:s14], $0x1F40  }
0x20: {  	s16 =	sadd.s32 $0x1, s12;
	s13 =	smov.u32 s11;
	[sflag:s14] =	ssyncset.done @!p0 $0x0  }
0x21: {  	s12 =	smov.u32 s16;
	s11 =	smov.u32 s15;
	[sflag:s14] =	ssyncadd.s32 @!p0 $0xFFFFE0C0  }
.LBB2_1:
0x22: {  	p0 =	sge.u32 s12, s7  }
0x23: {  	s14 =	sxor.u32 @!p0 $0x1, s12  }
0x24: {  	s14 =	smul.u32 @!p0 $0x7D00, s14  }
0x25: {  	s31 =	sadd.s32 $0xFFFFFFFF, s12;
	s15 =	sshrl.u32 @!p0 s11, $0x3  }
0x26: {  	s16 =	sand.u32 @!p0 $0x7, s11;
	s15 =	sadd.s32 @!p0 s3, s15;
	s14 =	sshra.s32 @!p0 s14, $0x2  }
0x27: {  	[tilespmem:s14], [sflag:$0x2] =	stream.linear.gather @!p0 [hbm4b:s15+s16], $0x1F40, $0x38;
	[tilespmem:$0x7D00] =	vst v63  }
0x28: {  	p0 =	sge.u32 s31, s7  }
.Ltmp2:
0x29: {  	_ = 	snop;
	(pc) =	sbr.rel @p0 .LBB2_5-.Ltmp2, $1  }
0x2a: {  	_ =	sdelay $0x3  }
0x2b: {  	s14 =	sand.u32 $0x1, s12  }
0x2c: {  	_ =	swait.ge [sflag:s6], $0x1F40;
	p0 =	seq.s32 s14, $0x1;
	s14 =	simm.s32 $0x1F40  }
0x2d: {  	[sflag:s6] =	ssyncset.done $0x0;
	s14 =	simm.s32 @!p0 $0x0  }
0x2e: {  	[sflag:s6] =	ssyncadd.s32 $0xFFFFE0C0;
	(ifvalue) =	ssetifvalue $0x7FFFFFFF;
	v0 =	vld.msk [tilespmem:s14+$0x0 ss:$0x1], $0xffff;
	_ =	sdelay $0x4  }
0x2f: {  	s15 =	sadd.s32 $0x10, s14;
	vm1 =	vgt.s32 v0, $0x0  }
0x30: {  	v2 =	vld.msk [tilespmem:s15+$0x0 ss:$0x1], $0xffff;
	v1 =	vnsel vm1, $0x0, v0  }
0x31: {  	v1 =	vmin.u32 v1, $0x4E1FF;
	_ =	sdelay $0x2  }
0x32: {  	s17 =	simm.s32 $0x20;
	s14 =	sadd.s32 $0x3E80, s14;
	s16 =	sadd.s32 $0x10, s15  }
0x33: {  	s15 =	sadd.s32 $0x10, s14;
	s18 =	smov.u32 s14;
	v0 =	vld.msk [tilespmem:s16+$0x0 ss:$0x1], $0xffff;
	vm1 =	vgt.s32 v2, $0x0;
	(ifvalue) =	ssetifvalue $0x7FFFFFFF  }
.LBB2_3:
0x34: {  	[tilespmem:s18], [sflag:$0x1] =	stream.indirect_vreg.gather [hbm4b:s2+s10], $0x1, v1, vm0, $0x4038;
	[tilespmem:$0x7D00] =	vst v63  }
0x35: {  	s17 =	sadd.s32 $0x10, s17  }
0x36: {  	v2 =	vnsel vm1, $0x0, v2;
	p0 =	slt.u32 s17, $0x1F30  }
.Ltmp3:
0x37: {  	s18 =	smov.u32 s15;
	v1 =	vmin.u32 v2, $0x4E1FF;
	(pc) =	sbr.rel @p0 .LBB2_3-.Ltmp3, $3  }
0x38: {  	_ =	sdelay $0x1  }
0x39: {  	s16 =	sadd.s32 $0x10, s16  }
0x3a: {  	vm1 =	vgt.s32 v0, $0x0;
	s15 =	sadd.s32 $0x10, s15;
	v2 =	vmov v0;
	(ifvalue) =	ssetifvalue $0x7FFFFFFF;
	v0 =	vld.msk [tilespmem:s16+$0x0 ss:$0x1], $0xffff  }
.Ltmp4:
0x3b: {  	_ = 	snop;
	(pc) =	sbr.rel .LBB2_4-.Ltmp4, $1  }
0x3c: {  	_ =	sdelay $0x3  }
.LBB2_6:
0x3d: {  	_ =	sfence.sel $0x180000  }
0x3e: {  	s2 =	simm.s32 $0x2;
	[bflag:$0x0] =	sbarrier.arrive $0xFFFF  }
0x3f: {  	s30 =	simm.s32 $0x3;
	[sflag:s2] =	ssyncpa.u1 $0x1  }
0x40: {  	s31 =	simm.s32 $0x1;
	[sflag:s30] =	ssyncpa.u1 $0x1  }
0x41: {  	[sflag:s31] =	ssyncpa.u1 $0x1  }
0x42: {  	p0 =	sne.s32 s1, $0x0;
	_ =	strace $0x90000047  }
0x43: {  	s0 =	sadd.s32 @!p0 $0x100000, s0;
	[bflag:$0x2] =	sbarrier.arrive $0xFFFF  }
0x44: {  	[sflag:s0] =	ssyncadd.tile.s32 @!p0 $0x1;
	_ =	shalt  }
.Lfunc_end2:
_tile_overlayer_lowered:
.L_overlay_start_2:
0x45: {  	(tag) =	ssettag $0x2  }
0x46: {  	s0 =	rddreg [dreg:$0x0];
	s2 =	stileid.u32  }
0x47: {  	s1 =	rddreg [dreg:$0x1];
	p0 =	sne.s32 s2, $0x0  }
0x48: {  	s3 =	rddreg [dreg:$0x2];
	[bflag:$0x3] =	sbarrier.arrive $0xFFFF;
	s2 =	simm.s32 @!p0 $0x1C01  }
0x49: {  	[timem:s3], [sflag:s2] =	dma.local @!p0 [hbm:s0], s1  }
0x4a: {  	s0 =	simm.s32 @!p0 $0x1  }
0x4b: {  	_ =	swait.ge @!p0 [sflag:s0], s1  }
0x4c: {  	s1 =	ssub.s32 @!p0 $0x0, s1;
	[sflag:s0] =	ssyncset.done @!p0 $0x0  }
0x4d: {  	[sflag:s0] =	ssyncadd.s32 @!p0 s1  }
0x4e: {  	[bflag:$0x3] =	sbarrier.arrive $0xFFFF  }
0x4f: {  	_ =	shalt  }

// kernel: kernel.11.cloned.1.call-start
scs
__scs_entry_jumppad:
0x0: {  	(pc) =	sbr.rel $0x88, $3  }
0x1: {  	(tag) =	ssettag $0x0;
	lr =	simm.s32 $0x1  }
0x2: {  	[smem:$0x3F8D] =	sst lr;
	_ =	strace $0xD0000000  }
0x3: {  	_ = 	snop  }
0x4: {  	_ = 	snop  }
0x5: {  	_ = 	snop  }
0x6: {  	_ = 	snop  }
0x7: {  	_ = 	snop  }
__scs_overlays_trampoline_lowered:
0x8: {  	[smem:$0x3F9C] =	sst s0  }
0x9: {  	[smem:$0x3F9D] =	sst s1  }
0xa: {  	[smem:$0x3F9E] =	sst s2  }
0xb: {  	[smem:$0x3F9F] =	sst s3  }
0xc: {  	[smem:$0x3FA0] =	sst s4  }
0xd: {  	[smem:$0x3FA1] =	sst s5  }
0xe: {  	[smem:$0x3FA2] =	sst s6  }
0xf: {  	[smem:$0x3FA3] =	sst s7  }
0x10: {  	[smem:$0x3FA4] =	sst s8  }
0x11: {  	[smem:$0x3FA5] =	sst s9;
	s0 =	simm.s32 @!p0 $0x0  }
0x12: {  	s1 =	sld [smem:$0x3F8B];
	s0 =	simm.s32 @p0 $0x1  }
0x13: {  	[smem:$0x3FA6] =	sst s0;
	s0 =	simm.s32 @!p1 $0x0  }
0x14: {  	s2 =	sld [smem:$0x3F8A];
	s0 =	simm.s32 @p1 $0x1  }
0x15: {  	[smem:$0x3FA7] =	sst s0;
	s0 =	simm.s32 @!p2 $0x0  }
0x16: {  	s3 =	sld [smem:$0x3FDB];
	s0 =	simm.s32 @p2 $0x1  }
0x17: {  	s4 =	simm.s32 $0x1BF5;
	[smem:$0x3FA9] =	sst s0  }
0x18: {  	s0 =	sld [smem:$0x3F8C];
	_ =	swait.ge [sflag:s4], $0x0  }
0x19: {  	s7 =	sld [smem:$0x3F8D]  }
0x1a: {  	s8 =	sadd.s32 $0xFFFFE003, lr  }
0x1b: {  	s9 =	sadd.s32 $0xFFFFFEF7, lr;
	s5 =	simm.s32 $0xFFFFFFFF;
	p2 =	slt.u32 s8, $0xFFFFF086  }
0x1c: {  	p1 =	slt.u32 s9, $0xF7A;
	s5 =	simm.s32 @!p2 $0x0  }
0x1d: {  	s5 =	simm.s32 @p1 $0x1;
	p0 =	seq.s32 s7, s2  }
0x1e: {  	s7 =	smul.u32 @!p0 $0xF7A, s2;
	p2 =	seq.s32 @!p0 s5, $0x0  }
0x1f: {  	s9 =	smul.u32 $0xF7A, s1;
	s8 =	simm.s32 @!p0 $0x1BF5;
	p2 =	por !p2, p0  }
0x20: {  	[sflag:s8] =	ssyncset.s32 @!p0 $0xFFFFF086;
	s6 =	sadd.s32 @!p0 s3, s7;
	s7 =	simm.s32 @!p0 $0x108  }
0x21: {  	s3 =	sadd.s32 s3, s9;
	s6 =	sadd.s32 @!p0 $0x88, s6;
	s7 =	simm.s32 @p2 $0x1082  }
0x22: {  	[simem:s7], [sflag:s8] =	dma.local @!p0 [hbm:s6], $0xF7A  }
0x23: {  	s9 =	sor.u32 $0xD0000000, s2;
	s6 =	simm.s32 $0x108;
	_ =	swait.ge @!p0 [sflag:s8], $0x0  }
0x24: {  	s3 =	sadd.s32 $0x88, s3;
	s6 =	simm.s32 @!p1 $0x1082;
	[sflag:s4] =	ssyncset.s32 $0xFFFFF086  }
0x25: {  	[simem:s6], [sflag:s4] =	dma.local [hbm:s3], $0xF7A  }
0x26: {  	[smem:$0x3F8D] =	sst s1;
	(tag) =	ssettag s2;
	_ =	strace s9  }
0x27: {  	s1 =	sld [smem:$0x3F9D]  }
0x28: {  	s2 =	sld [smem:$0x3F9E]  }
0x29: {  	s4 =	sld [smem:$0x3FA0]  }
0x2a: {  	p0 =	seq.s32 s5, $0x0;
	s5 =	sld [smem:$0x3FA1]  }
0x2b: {  	s6 =	sld [smem:$0x3FA2]  }
0x2c: {  	s7 =	sld [smem:$0x3FA3]  }
0x2d: {  	s3 =	simm.s32 $0x108;
	s8 =	sld [smem:$0x3FA4]  }
0x2e: {  	s3 =	simm.s32 @!p0 $0x1082;
	s9 =	sld [smem:$0x3FA5]  }
0x2f: {  	lr =	sadd.s32 s0, s3;
	s0 =	sld [smem:$0x3F9C]  }
0x30: {  	s3 =	sld [smem:$0x3F9F]  }
0x31: {  	[smem:$0x3FA8] =	sst s10  }
0x32: {  	s10 =	sld [smem:$0x3FA6];
	_ =	sdelay $0x3  }
0x33: {  	p0 =	seq.s32 s10, $0x1;
	s10 =	sld [smem:$0x3FA8];
	_ =	sdelay $0x3  }
0x34: {  	[smem:$0x3FA8] =	sst s10  }
0x35: {  	s10 =	sld [smem:$0x3FA7];
	_ =	sdelay $0x3  }
0x36: {  	p1 =	seq.s32 s10, $0x1;
	s10 =	sld [smem:$0x3FA8];
	_ =	sdelay $0x3  }
0x37: {  	[smem:$0x3FA8] =	sst s10  }
0x38: {  	s10 =	sld [smem:$0x3FA9]  }
0x39: {  	_ = 	snop;
	(pc) =	sbr.ind lr, $3  }
0x3a: {  	_ = 	snop  }
0x3b: {  	_ = 	snop  }
0x3c: {  	p2 =	seq.s32 s10, $0x1;
	s10 =	sld [smem:$0x3FA8]  }
0x3d: {  	_ =	shalt  }
0x3e: {  	_ =	shalt  }
0x3f: {  	_ =	shalt  }
0x40: {  	_ =	shalt  }
0x41: {  	_ =	shalt  }
0x42: {  	_ =	shalt  }
0x43: {  	_ =	shalt  }
0x44: {  	_ =	shalt  }
0x45: {  	_ =	shalt  }
0x46: {  	_ =	shalt  }
0x47: {  	_ =	shalt  }
0x48: {  	_ =	shalt  }
0x49: {  	_ =	shalt  }
0x4a: {  	_ =	shalt  }
0x4b: {  	_ =	shalt  }
0x4c: {  	_ =	shalt  }
0x4d: {  	_ =	shalt  }
0x4e: {  	_ =	shalt  }
0x4f: {  	_ =	shalt  }
0x50: {  	_ =	shalt  }
0x51: {  	_ =	shalt  }
0x52: {  	_ =	shalt  }
0x53: {  	_ =	shalt  }
0x54: {  	_ =	shalt  }
0x55: {  	_ =	shalt  }
0x56: {  	_ =	shalt  }
0x57: {  	_ =	shalt  }
0x58: {  	_ =	shalt  }
0x59: {  	_ =	shalt  }
0x5a: {  	_ =	shalt  }
0x5b: {  	_ =	shalt  }
0x5c: {  	_ =	shalt  }
0x5d: {  	_ =	shalt  }
0x5e: {  	_ =	shalt  }
0x5f: {  	_ =	shalt  }
0x60: {  	_ =	shalt  }
0x61: {  	_ =	shalt  }
0x62: {  	_ =	shalt  }
0x63: {  	_ =	shalt  }
0x64: {  	_ =	shalt  }
0x65: {  	_ =	shalt  }
0x66: {  	_ =	shalt  }
0x67: {  	_ =	shalt  }
0x68: {  	_ =	shalt  }
0x69: {  	_ =	shalt  }
0x6a: {  	_ =	shalt  }
0x6b: {  	_ =	shalt  }
0x6c: {  	_ =	shalt  }
0x6d: {  	_ =	shalt  }
0x6e: {  	_ =	shalt  }
0x6f: {  	_ =	shalt  }
0x70: {  	_ =	shalt  }
0x71: {  	_ =	shalt  }
0x72: {  	_ =	shalt  }
0x73: {  	_ =	shalt  }
0x74: {  	_ =	shalt  }
0x75: {  	_ =	shalt  }
0x76: {  	_ =	shalt  }
0x77: {  	_ =	shalt  }
0x78: {  	_ =	shalt  }
0x79: {  	_ =	shalt  }
0x7a: {  	_ =	shalt  }
0x7b: {  	_ =	shalt  }
0x7c: {  	_ =	shalt  }
0x7d: {  	_ =	shalt  }
0x7e: {  	_ =	shalt  }
0x7f: {  	_ =	shalt  }
0x80: {  	_ =	shalt  }
0x81: {  	_ =	shalt  }
0x82: {  	_ =	shalt  }
0x83: {  	_ =	shalt  }
0x84: {  	_ =	shalt  }
0x85: {  	_ =	shalt  }
0x86: {  	_ =	shalt  }
0x87: {  	_ =	shalt  }
.Lfunc_end0:
.L_simem_size_0:
called_computation.3_lowered:
.L_overlay_start_0:
0x88: {  	s2 =	sld [smem:$0x3FD9]  }
0x89: {  	s3 =	sld [smem:$0x3FFE];
	_ =	sdelay $0x1  }
0x8a: {  	s1 =	srdreg.scid  }
0x8b: {  	s0 =	sand.u32 $0x1, s1  }
0x8c: {  	s17 =	sshll.u32 s0, $0xA;
	s2 =	sadd.s32 s3, s2  }
0x8d: {  	s2 =	sadd.s32 s2, s17  }
0x8e: {  	[smem:$0x3FB4] =	sst s2  }
0x8f: {  	_ = 	snop  }
0x90: {  	s2 =	sld [smem:$0x3FD0];
	(tm) =	ssettm $0x1  }
0x91: {  	s18 =	sld [smem:$0x3FFB];
	_ =	sdelay $0x3  }
0x92: {  	_ =	strace s18  }
0x93: {  	s3 =	sld [smem:$0x3FFC];
	_ =	sdelay $0x3  }
0x94: {  	_ =	strace s3  }
0x95: {  	s3 =	sld [smem:$0x3FFD];
	_ =	sdelay $0x3  }
0x96: {  	_ =	strace s3  }
0x97: {  	_ =	strace $0x8FFFFFFF  }
0x98: {  	s19 =	sld [smem:$0x3FDB];
	_ =	sdelay $0x1  }
0x99: {  	s4 =	simm.s32 $_scs_section_size  }
0x9a: {  	s5 =	simm.s32 $_size__tile_overlayer_lowered;
	s6 =	simm.s32 $_tile_overlayer_lowered  }
0x9b: {  	s22 =	simm.s32 $0x1BFF;
	s21 =	sshll.u32 s6, $0x1;
	s3 =	sadd.s32 s4, s19  }
0x9c: {  	s7 =	simm.s32 $0x0;
	s20 =	sshll.u32 s5, $0x1;
	s5 =	sadd.s32 s21, s3  }
0x9d: {  	[timem:s7], [sflag:s22] =	dma.local [hbm:s5], s20  }
0x9e: {  	_ =	swait.ge [sflag:s22], s20  }
0x9f: {  	s4 =	ssub.s32 $0x0, s20;
	[sflag:s22] =	ssyncset.done $0x0  }
0xa0: {  	[sflag:s22] =	ssyncadd.s32 s4;
	_ =	sdelay $0x1  }
0xa1: {  	s23 =	simm.s32 $0x1B8B  }
0xa2: {  	_ =	swait.ge [sflag:s23], $0x1  }
0xa3: {  	[sflag:s23] =	ssyncset.done $0x0  }
0xa4: {  	s25 =	simm.s32 $0x1B8E;
	s24 =	sld [smem:$0x3FFE];
	[sflag:s23] =	ssyncadd.s32 $0xFFFFFFFF  }
0xa5: {  	s26 =	simm.s32 $execute0_lowered;
	[smem:$0x3FD2] =	sst s25  }
0xa6: {  	s5 =	sshll.u32 s26, $0x1;
	_ =	strace $0x8000004F;
	[dreg:$0x1] =	wrdreg $0xFFFFFFFF  }
0xa7: {  	s28 =	simm.s32 $_size_execute0_lowered;
	s3 =	sadd.s32 s3, s5;
	[dreg:$0x0] =	wrdreg $0x0  }
0xa8: {  	s5 =	sshll.u32 s28, $0x1;
	[dreg:$0x2] =	wrdreg s3  }
0xa9: {  	[dreg:$0x3] =	wrdreg s5  }
0xaa: {  	[dreg:$0x4] =	wrdreg $0xC0  }
0xab: {  	_ =	task [dreg:s7], $0x5FFFF  }
0xac: {  	[dreg:$0x1] =	wrdreg $0xFFFFFFFF  }
0xad: {  	[dreg:$0x0] =	wrdreg $0x60  }
0xae: {  	[dreg:$0x2] =	wrdreg s24  }
0xaf: {  	[dreg:$0x3] =	wrdreg s2  }
0xb0: {  	[dreg:$0x4] =	wrdreg $0xD0800  }
0xb1: {  	[dreg:$0x5] =	wrdreg $0x9  }
0xb2: {  	_ =	task.clear_ibuf [dreg:s7], $0x6FFFF;
	_ =	strace $0x9000004F  }
0xb3: {  	s29 =	simm.s32 $0x9;
	_ =	strace $0x80000051  }
0xb4: {  	_ =	swait.ge [sflag:s29], $0x1  }
0xb5: {  	[sflag:s29] =	ssyncadd.s32 $0xFFFFFFFF  }
0xb6: {  	_ =	strace $0x90000051  }
0xb7: {  	_ =	sfence  }
0xb8: {  	s30 =	sld [smem:$0x0];
	_ =	sdelay $0x2  }
0xb9: {  	s31 =	sshll.u32 s1, $0xD;
	s1 =	sshrl.u32 s1, $0x2  }
0xba: {  	s3 =	sand.u32 $0x4000, s31;
	s1 =	sadd.s32 s1, s30  }
0xbb: {  	s0 =	sor.u32 s3, s0;
	s1 =	sshll.u32 s1, $0x11  }
0xbc: {  	s0 =	sor.u32 s1, s0  }
0xbd: {  	s0 =	sadd.s32 $0x8F2B, s0  }
0xbe: {  	[sflag:s0] =	ssyncadd.remote.s32 $0x1  }
0xbf: {  	_ =	sfence.sel $0xFFFF  }
0xc0: {  	[dreg:$0x0] =	wrdreg $0xFFFFFFFF;
	(pc) =	sbr.abs _section_cstart, $3  }
0xc1: {  	[dreg:$0x1] =	wrdreg $0xFFFFFFFF  }
0xc2: {  	_ =	task.clear_ibuf [dreg:s7], $0x2FFFF;
	_ =	strace $0x9FFFFFFF  }
0xc3: {  	(tm) =	ssettm $0x7FFFFFFF  }
tec
execute0_lowered:
.L_overlay_start_1:
0x0: {  	(tag) =	ssettag $0x1  }
0x1: {  	s0 =	rddreg [dreg:$0x0]  }
0x2: {  	s4 =	rddreg [dreg:$0x1]  }
0x3: {  	s1 =	rddreg [dreg:$0x2];
	s2 =	simm.s32 $0x0;
	s5 =	srdreg.scid  }
0x4: {  	s16 =	stileid.u32;
	s19 =	simm.s32 $0x4000;
	s20 =	simm.s32 $0x8000  }
0x5: {  	s21 =	simm.s32 $0x50;
	s22 =	simm.s32 $0x8080;
	s23 =	simm.s32 $0x1  }
0x6: {  	[smem:$0x7FF] =	sst s2;
	s3 =	sadd.s32 $0xA6E00, s0;
	s11 =	sadd.s32 $0x38C00, s0  }
0x7: {  	s13 =	sadd.s32 $0x18C00, s0;
	s8 =	sand.u32 $0x1, s5;
	s14 =	sadd.s32 $0x18800, s0  }
0x8: {  	s12 =	sshll.u32 s16, $0x7;
	s15 =	smul.u32 $0x140, s16;
	_ =	strace $0x80000050  }
0x9: {  	s6 =	ssub.s32 $0x2, s8;
	s5 =	sshll.u32 s8, $0x4;
	s12 =	sand.u32 $0x380, s12  }
0xa: {  	s17 =	smul.u32 $0x5000, s8;
	s7 =	sshrl.u32 s6, $0x1;
	s9 =	sor.u32 s16, s5  }
0xb: {  	s5 =	sadd.s32 $0x14600, s0;
	s16 =	smul.u32 $0x28000, s16;
	s24 =	ssub.s32 s6, s7  }
0xc: {  	s25 =	sshll.u32 s9, $0xB;
	s10 =	sshll.u32 s9, $0x7;
	s18 =	sor.u32 $0x20, s9  }
0xd: {  	s15 =	sadd.s32 s15, s17;
	s6 =	sadd.s32 s11, s25;
	s10 =	sand.u32 $0xC00, s10  }
0xe: {  	s7 =	sadd.s32 s13, s25;
	s26 =	sshrl.u32 s16, $0x2;
	s28 =	sshll.u32 s18, $0x7  }
0xf: {  	s15 =	sshll.u32 s15, $0x4;
	s29 =	sshll.u32 s18, $0xB;
	s17 =	smax.u32 s24, $0x1  }
0x10: {  	s18 =	simm.s32 $0x3;
	s24 =	simm.s32 $0xA880;
	s25 =	simm.s32 $0x2  }
0x11: {  	s10 =	sor.u32 s12, s10;
	s9 =	sadd.s32 s26, s1;
	s11 =	sadd.s32 s11, s29  }
.Ltmp0:
0x12: {  	s13 =	sadd.s32 s13, s29;
	s10 =	sshrl.u32 s10, $0x3;
	(pc) =	sbr.rel .LBB2_1-.Ltmp0, $4  }
0x13: {  	s26 =	simm.s32 $0x0;
	s8 =	sadd.s32 s14, s10;
	s10 =	sand.u32 $0x1C00, s28  }
0x14: {  	[dreg:$0x4] =	wrdreg s9;
	s12 =	sor.u32 s12, s10;
	s10 =	sadd.s32 s4, s15  }
0x15: {  	s30 =	sshrl.u32 s12, $0x3;
	s31 =	sadd.s32 $0x14000, s10;
	s15 =	sadd.s32 $0x28000, s10  }
0x16: {  	s16 =	sadd.s32 $0x3C000, s10;
	[dreg:$0x5] =	wrdreg s31;
	s14 =	sadd.s32 s14, s30  }
.LBB2_16:
0x17: {  	[sflag:s18] =	ssyncadd.s32 $0xFFFFD800  }
.LBB2_17:
0x18: {  	s26 =	sadd.s32 $0x1, s26  }
0x19: {  	p0 =	sne.s32 s26, s17  }
.Ltmp1:
0x1a: {  	[bflag:$0x0] =	sbarrier.arrive $0xFFFF;
	(pc) =	sbr.rel @!p0 .LBB2_18-.Ltmp1, $4  }
0x1b: {  	[hbm:s16], [sflag:s28] =	dma.local [spmem:s29], $0x1400  }
0x1c: {  	_ =	swait.ge [sflag:s18], $0x1400  }
0x1d: {  	[sflag:s18] =	ssyncset.done $0x0  }
0x1e: {  	[sflag:s18] =	ssyncadd.s32 $0xFFFFEC00  }
.LBB2_1:
0x1f: {  	[tilespmem:s2], [sflag:$0x3] =	stream.linear.gather [hbm4b:s6+s2], $0x4000, $0x38;
	[tilespmem:$0x17080] =	vst v63  }
0x20: {  	_ =	swait.ge [sflag:s18], $0x4000  }
0x21: {  	[sflag:s18] =	ssyncset.done $0x0  }
0x22: {  	[sflag:s18] =	ssyncadd.s32 $0xFFFFC000  }
0x23: {  	[tilespmem:s19], [sflag:$0x3] =	stream.linear.gather [hbm4b:s7+s2], $0x4000, $0x38;
	[tilespmem:$0x17080] =	vst v63  }
0x24: {  	_ =	swait.ge [sflag:s18], $0x4000  }
0x25: {  	[sflag:s18] =	ssyncset.done $0x0  }
0x26: {  	[sflag:s18] =	ssyncadd.s32 $0xFFFFC000  }
0x27: {  	[tilespmem:s20], [sflag:$0x3] =	stream.linear.gather [hbm4b:s8+s2], $0x80, $0x38;
	[tilespmem:$0x17080] =	vst v63  }
0x28: {  	s0 =	stileid.u32;
	_ =	swait.ge [sflag:s18], $0x80  }
0x29: {  	s0 =	sshll.u32 s0, $0x6;
	[sflag:s18] =	ssyncset.done $0x0;
	s31 =	rddreg [dreg:$0x4]  }
0x2a: {  	s28 =	sor.u32 $0x1C03, s0;
	[sflag:s18] =	ssyncadd.s32 $0xFFFFFF80;
	s29 =	sshrl.u32 s31, $0x3  }
0x2b: {  	[spmem:s29], [sflag:s28] =	dma.local [hbm:s5], $0x1400  }
0x2c: {  	_ =	swait.ge [sflag:s18], $0x1400  }
0x2d: {  	[sflag:s18] =	ssyncset.done $0x0  }
0x2e: {  	[sflag:s18] =	ssyncadd.s32 $0xFFFFEC00  }
0x2f: {  	[bflag:$0x0] =	sbarrier.arrive $0xFFFF  }
0x30: {  	v0 =	vld [tilespmem:$0x8000];
	_ =	sdelay $0x4  }
0x31: {  	(v2sf) =	vpush v0, $0x0  }
0x32: {  	(v2sf) =	vpush v0, $0x1;
	_ =	sdelay $0xd  }
0x33: {  	s0 =	spop (v2sf)  }
0x34: {  	s30 =	spop (v2sf)  }
0x35: {  	p0 =	slt.s32 s30, $0x1  }
.Ltmp2:
0x36: {  	_ = 	snop;
	(pc) =	sbr.rel @p0 .LBB2_5-.Ltmp2, $1  }
0x37: {  	_ =	sdelay $0x3  }
0x38: {  	s0 =	sshll.u32 s0, $0x9  }
0x39: {  	s0 =	sshra.s32 s0, $0x2  }
0x3a: {  	[tilespmem:s22], [sflag:$0x1] =	stream.indirect.gather [hbm4b:s3+s21], $0x80, s0, s21, $0xb8;
	[tilespmem:$0x17080] =	vst v63  }
0x3b: {  	_ =	swait.ge [sflag:s23], $0x2800  }
0x3c: {  	s31 =	sadd.s32 $0x100, s0;
	[sflag:s23] =	ssyncset.done $0x0  }
0x3d: {  	s4 =	sadd.s32 $0xFFFFFF80, s31;
	[sflag:s23] =	ssyncadd.s32 $0xFFFFD800  }
0x3e: {  	[tilespmem:s24], [sflag:$0x2] =	stream.indirect.gather [hbm4b:s3+s21], $0x80, s4, s21, $0xb8;
	[tilespmem:$0x17080] =	vst v63  }
0x3f: {  	s4 =	sadd.s32 $0x4000, s0  }
0x40: {  	[spmem:s1] =	stream.indirect.scatter.add.f32 [tilespmem:s22], [sflag:$0x3], $0x80, s4, s21, $0xb8;
	[tilespmem:$0x17080] =	vst v63  }
0x41: {  	_ =	swait.ge [sflag:s18], $0x2800  }
0x42: {  	[sflag:s18] =	ssyncset.done $0x0  }
0x43: {  	[sflag:s18] =	ssyncadd.s32 $0xFFFFD800  }
0x44: {  	_ =	swait.ge [sflag:s25], $0x2800  }
0x45: {  	p0 =	sle.s32 s30, $0x1;
	[sflag:s25] =	ssyncset.done $0x0  }
0x46: {  	s9 =	simm.s32 @!p0 $0x8080;
	s0 =	simm.s32 @!p0 $0x50;
	[sflag:s25] =	ssyncadd.s32 $0xFFFFD800  }
0x47: {  	[tilespmem:s9], [sflag:$0x1] =	stream.indirect.gather @!p0 [hbm4b:s3+s0], $0x80, s31, s0, $0xb8;
	[tilespmem:$0x17080] =	vst v63  }
0x48: {  	p0 =	sne.s32 s30, $0x1  }
.Ltmp3:
0x49: {  	_ = 	snop;
	(pc) =	sbr.rel @!p0 .LBB2_4-.Ltmp3, $4  }
0x4a: {  	s12 =	sadd.s32 $0x80, s4  }
0x4b: {  	[spmem:s1] =	stream.indirect.scatter.add.f32 [tilespmem:s24], [sflag:$0x3], $0x80, s12, s21, $0xb8;
	[tilespmem:$0x17080] =	vst v63  }
0x4c: {  	_ =	swait.ge [sflag:s18], $0x2800  }
0x4d: {  	s4 =	sadd.s32 $0x100, s4;
	s0 =	simm.s32 $0x1;
	[sflag:s18] =	ssyncset.done $0x0  }
.LBB2_3:
0x4e: {  	s0 =	sadd.s32 $0x1, s0;
	[sflag:s18] =	ssyncadd.s32 $0xFFFFD800;
	s31 =	sadd.s32 $0x100, s31  }
0x4f: {  	p0 =	sne.s32 s30, s0  }
0x50: {  	_ =	swait.ge [sflag:s23], $0x2800  }
0x51: {  	[sflag:s23] =	ssyncset.done $0x0  }
0x52: {  	s9 =	sadd.s32 $0xFFFFFF80, s31;
	[sflag:s23] =	ssyncadd.s32 $0xFFFFD800  }
0x53: {  	[tilespmem:s24], [sflag:$0x2] =	stream.indirect.gather [hbm4b:s3+s21], $0x80, s9, s21, $0xb8;
	[tilespmem:$0x17080] =	vst v63  }
0x54: {  	_ = 	snop  }
0x55: {  	[spmem:s1] =	stream.indirect.scatter.add.f32 [tilespmem:s22], [sflag:$0x3], $0x80, s4, s21, $0xb8;
	[tilespmem:$0x17080] =	vst v63  }
0x56: {  	_ =	swait.ge [sflag:s18], $0x2800  }
0x57: {  	[sflag:s18] =	ssyncset.done $0x0  }
0x58: {  	[sflag:s18] =	ssyncadd.s32 $0xFFFFD800  }
0x59: {  	_ =	swait.ge [sflag:s25], $0x2800  }
0x5a: {  	p1 =	sge.s32 s0, s30;
	[sflag:s25] =	ssyncset.done $0x0  }
0x5b: {  	s12 =	simm.s32 @!p1 $0x8080;
	s9 =	simm.s32 @!p1 $0x50;
	[sflag:s25] =	ssyncadd.s32 $0xFFFFD800  }
0x5c: {  	[tilespmem:s12], [sflag:$0x1] =	stream.indirect.gather @!p1 [hbm4b:s3+s9], $0x80, s31, s9, $0xb8;
	[tilespmem:$0x17080] =	vst v63  }
.Ltmp4:
0x5d: {  	_ = 	snop;
	(pc) =	sbr.rel @p0 .LBB2_3-.Ltmp4, $4  }
0x5e: {  	s9 =	sadd.s32 $0x80, s4  }
0x5f: {  	[spmem:s1] =	stream.indirect.scatter.add.f32 [tilespmem:s24], [sflag:$0x3], $0x80, s9, s21, $0xb8;
	[tilespmem:$0x17080] =	vst v63  }
0x60: {  	_ =	swait.ge [sflag:s18], $0x2800  }
0x61: {  	s4 =	sadd.s32 $0x100, s4;
	[sflag:s18] =	ssyncset.done $0x0  }
.LBB2_4:
0x62: {  	[sflag:s18] =	ssyncadd.s32 $0xFFFFD800  }
.LBB2_5:
0x63: {  	[bflag:$0x0] =	sbarrier.arrive $0xFFFF  }
0x64: {  	[hbm:s10], [sflag:s28] =	dma.local [spmem:s29], $0x1400  }
0x65: {  	_ =	swait.ge [sflag:s18], $0x1400  }
0x66: {  	[sflag:s18] =	ssyncset.done $0x0  }
0x67: {  	[sflag:s18] =	ssyncadd.s32 $0xFFFFEC00  }
0x68: {  	[tilespmem:s2], [sflag:$0x3] =	stream.linear.gather [hbm4b:s11+s2], $0x4000, $0x38;
	[tilespmem:$0x17080] =	vst v63  }
0x69: {  	_ =	swait.ge [sflag:s18], $0x4000  }
0x6a: {  	[sflag:s18] =	ssyncset.done $0x0  }
0x6b: {  	[sflag:s18] =	ssyncadd.s32 $0xFFFFC000  }
0x6c: {  	[tilespmem:s19], [sflag:$0x3] =	stream.linear.gather [hbm4b:s7+s2], $0x4000, $0x38;
	[tilespmem:$0x17080] =	vst v63  }
0x6d: {  	_ =	swait.ge [sflag:s18], $0x4000  }
0x6e: {  	[sflag:s18] =	ssyncset.done $0x0  }
0x6f: {  	[sflag:s18] =	ssyncadd.s32 $0xFFFFC000  }
0x70: {  	[tilespmem:s20], [sflag:$0x3] =	stream.linear.gather [hbm4b:s8+s2], $0x80, $0x38;
	[tilespmem:$0x17080] =	vst v63  }
0x71: {  	_ =	swait.ge [sflag:s18], $0x80  }
0x72: {  	[sflag:s18] =	ssyncset.done $0x0  }
0x73: {  	[sflag:s18] =	ssyncadd.s32 $0xFFFFFF80  }
0x74: {  	[spmem:s29], [sflag:s28] =	dma.local [hbm:s5], $0x1400  }
0x75: {  	_ =	swait.ge [sflag:s18], $0x1400  }
0x76: {  	[sflag:s18] =	ssyncset.done $0x0  }
0x77: {  	[sflag:s18] =	ssyncadd.s32 $0xFFFFEC00  }
0x78: {  	[bflag:$0x0] =	sbarrier.arrive $0xFFFF  }
0x79: {  	v0 =	vld [tilespmem:$0x8000];
	_ =	sdelay $0x4  }
0x7a: {  	(v2sf) =	vpush v0, $0x0  }
0x7b: {  	(v2sf) =	vpush v0, $0x1;
	_ =	sdelay $0xd  }
0x7c: {  	s0 =	spop (v2sf)  }
0x7d: {  	s30 =	spop (v2sf)  }
0x7e: {  	p0 =	slt.s32 s30, $0x1  }
.Ltmp5:
0x7f: {  	_ = 	snop;
	(pc) =	sbr.rel @p0 .LBB2_9-.Ltmp5, $1  }
0x80: {  	_ =	sdelay $0x3  }
0x81: {  	s0 =	sshll.u32 s0, $0x9  }
0x82: {  	s0 =	sshra.s32 s0, $0x2  }
0x83: {  	[tilespmem:s22], [sflag:$0x1] =	stream.indirect.gather [hbm4b:s3+s21], $0x80, s0, s21, $0xb8;
	[tilespmem:$0x17080] =	vst v63  }
0x84: {  	_ =	swait.ge [sflag:s23], $0x2800  }
0x85: {  	s31 =	sadd.s32 $0x100, s0;
	[sflag:s23] =	ssyncset.done $0x0  }
0x86: {  	s4 =	sadd.s32 $0xFFFFFF80, s31;
	[sflag:s23] =	ssyncadd.s32 $0xFFFFD800  }
0x87: {  	[tilespmem:s24], [sflag:$0x2] =	stream.indirect.gather [hbm4b:s3+s21], $0x80, s4, s21, $0xb8;
	[tilespmem:$0x17080] =	vst v63  }
0x88: {  	s4 =	sadd.s32 $0x4000, s0  }
0x89: {  	[spmem:s1] =	stream.indirect.scatter.add.f32 [tilespmem:s22], [sflag:$0x3], $0x80, s4, s21, $0xb8;
	[tilespmem:$0x17080] =	vst v63  }
0x8a: {  	_ =	swait.ge [sflag:s18], $0x2800  }
0x8b: {  	[sflag:s18] =	ssyncset.done $0x0  }
0x8c: {  	[sflag:s18] =	ssyncadd.s32 $0xFFFFD800  }
0x8d: {  	_ =	swait.ge [sflag:s25], $0x2800  }
0x8e: {  	p0 =	sle.s32 s30, $0x1;
	[sflag:s25] =	ssyncset.done $0x0  }
0x8f: {  	s9 =	simm.s32 @!p0 $0x8080;
	s0 =	simm.s32 @!p0 $0x50;
	[sflag:s25] =	ssyncadd.s32 $0xFFFFD800  }
0x90: {  	[tilespmem:s9], [sflag:$0x1] =	stream.indirect.gather @!p0 [hbm4b:s3+s0], $0x80, s31, s0, $0xb8;
	[tilespmem:$0x17080] =	vst v63  }
0x91: {  	p0 =	sne.s32 s30, $0x1  }
.Ltmp6:
0x92: {  	_ = 	snop;
	(pc) =	sbr.rel @!p0 .LBB2_8-.Ltmp6, $4  }
0x93: {  	s12 =	sadd.s32 $0x80, s4  }
0x94: {  	[spmem:s1] =	stream.indirect.scatter.add.f32 [tilespmem:s24], [sflag:$0x3], $0x80, s12, s21, $0xb8;
	[tilespmem:$0x17080] =	vst v63  }
0x95: {  	_ =	swait.ge [sflag:s18], $0x2800  }
0x96: {  	s4 =	sadd.s32 $0x100, s4;
	s0 =	simm.s32 $0x1;
	[sflag:s18] =	ssyncset.done $0x0  }
.LBB2_7:
0x97: {  	s0 =	sadd.s32 $0x1, s0;
	[sflag:s18] =	ssyncadd.s32 $0xFFFFD800;
	s31 =	sadd.s32 $0x100, s31  }
0x98: {  	p0 =	sne.s32 s30, s0  }
0x99: {  	_ =	swait.ge [sflag:s23], $0x2800  }
0x9a: {  	[sflag:s23] =	ssyncset.done $0x0  }
0x9b: {  	s9 =	sadd.s32 $0xFFFFFF80, s31;
	[sflag:s23] =	ssyncadd.s32 $0xFFFFD800  }
0x9c: {  	[tilespmem:s24], [sflag:$0x2] =	stream.indirect.gather [hbm4b:s3+s21], $0x80, s9, s21, $0xb8;
	[tilespmem:$0x17080] =	vst v63  }
0x9d: {  	_ = 	snop  }
0x9e: {  	[spmem:s1] =	stream.indirect.scatter.add.f32 [tilespmem:s22], [sflag:$0x3], $0x80, s4, s21, $0xb8;
	[tilespmem:$0x17080] =	vst v63  }
0x9f: {  	_ =	swait.ge [sflag:s18], $0x2800  }
0xa0: {  	[sflag:s18] =	ssyncset.done $0x0  }
0xa1: {  	[sflag:s18] =	ssyncadd.s32 $0xFFFFD800  }
0xa2: {  	_ =	swait.ge [sflag:s25], $0x2800  }
0xa3: {  	p1 =	sge.s32 s0, s30;
	[sflag:s25] =	ssyncset.done $0x0  }
0xa4: {  	s12 =	simm.s32 @!p1 $0x8080;
	s9 =	simm.s32 @!p1 $0x50;
	[sflag:s25] =	ssyncadd.s32 $0xFFFFD800  }
0xa5: {  	[tilespmem:s12], [sflag:$0x1] =	stream.indirect.gather @!p1 [hbm4b:s3+s9], $0x80, s31, s9, $0xb8;
	[tilespmem:$0x17080] =	vst v63  }
.Ltmp7:
0xa6: {  	_ = 	snop;
	(pc) =	sbr.rel @p0 .LBB2_7-.Ltmp7, $4  }
0xa7: {  	s9 =	sadd.s32 $0x80, s4  }
0xa8: {  	[spmem:s1] =	stream.indirect.scatter.add.f32 [tilespmem:s24], [sflag:$0x3], $0x80, s9, s21, $0xb8;
	[tilespmem:$0x17080] =	vst v63  }
0xa9: {  	_ =	swait.ge [sflag:s18], $0x2800  }
0xaa: {  	s4 =	sadd.s32 $0x100, s4;
	[sflag:s18] =	ssyncset.done $0x0  }
.LBB2_8:
0xab: {  	[sflag:s18] =	ssyncadd.s32 $0xFFFFD800  }
.LBB2_9:
0xac: {  	[bflag:$0x0] =	sbarrier.arrive $0xFFFF  }
0xad: {  	s0 =	rddreg [dreg:$0x5]  }
0xae: {  	[hbm:s0], [sflag:s28] =	dma.local [spmem:s29], $0x1400  }
0xaf: {  	_ =	swait.ge [sflag:s18], $0x1400  }
0xb0: {  	[sflag:s18] =	ssyncset.done $0x0  }
0xb1: {  	[sflag:s18] =	ssyncadd.s32 $0xFFFFEC00  }
0xb2: {  	[tilespmem:s2], [sflag:$0x3] =	stream.linear.gather [hbm4b:s6+s2], $0x4000, $0x38;
	[tilespmem:$0x17080] =	vst v63  }
0xb3: {  	_ =	swait.ge [sflag:s18], $0x4000  }
0xb4: {  	[sflag:s18] =	ssyncset.done $0x0  }
0xb5: {  	[sflag:s18] =	ssyncadd.s32 $0xFFFFC000  }
0xb6: {  	[tilespmem:s19], [sflag:$0x3] =	stream.linear.gather [hbm4b:s13+s2], $0x4000, $0x38;
	[tilespmem:$0x17080] =	vst v63  }
0xb7: {  	_ =	swait.ge [sflag:s18], $0x4000  }
0xb8: {  	[sflag:s18] =	ssyncset.done $0x0  }
0xb9: {  	[sflag:s18] =	ssyncadd.s32 $0xFFFFC000  }
0xba: {  	[tilespmem:s20], [sflag:$0x3] =	stream.linear.gather [hbm4b:s14+s2], $0x80, $0x38;
	[tilespmem:$0x17080] =	vst v63  }
0xbb: {  	_ =	swait.ge [sflag:s18], $0x80  }
0xbc: {  	[sflag:s18] =	ssyncset.done $0x0  }
0xbd: {  	[sflag:s18] =	ssyncadd.s32 $0xFFFFFF80  }
0xbe: {  	[spmem:s29], [sflag:s28] =	dma.local [hbm:s5], $0x1400  }
0xbf: {  	_ =	swait.ge [sflag:s18], $0x1400  }
0xc0: {  	[sflag:s18] =	ssyncset.done $0x0  }
0xc1: {  	[sflag:s18] =	ssyncadd.s32 $0xFFFFEC00  }
0xc2: {  	[bflag:$0x0] =	sbarrier.arrive $0xFFFF  }
0xc3: {  	v0 =	vld [tilespmem:$0x8000];
	_ =	sdelay $0x4  }
0xc4: {  	(v2sf) =	vpush v0, $0x0  }
0xc5: {  	(v2sf) =	vpush v0, $0x1;
	_ =	sdelay $0xd  }
0xc6: {  	s0 =	spop (v2sf)  }
0xc7: {  	s30 =	spop (v2sf)  }
0xc8: {  	p0 =	slt.s32 s30, $0x1  }
.Ltmp8:
0xc9: {  	_ = 	snop;
	(pc) =	sbr.rel @p0 .LBB2_13-.Ltmp8, $1  }
0xca: {  	_ =	sdelay $0x3  }
0xcb: {  	s0 =	sshll.u32 s0, $0x9  }
0xcc: {  	s0 =	sshra.s32 s0, $0x2  }
0xcd: {  	[tilespmem:s22], [sflag:$0x1] =	stream.indirect.gather [hbm4b:s3+s21], $0x80, s0, s21, $0xb8;
	[tilespmem:$0x17080] =	vst v63  }
0xce: {  	_ =	swait.ge [sflag:s23], $0x2800  }
0xcf: {  	s31 =	sadd.s32 $0x100, s0;
	[sflag:s23] =	ssyncset.done $0x0  }
0xd0: {  	s4 =	sadd.s32 $0xFFFFFF80, s31;
	[sflag:s23] =	ssyncadd.s32 $0xFFFFD800  }
0xd1: {  	[tilespmem:s24], [sflag:$0x2] =	stream.indirect.gather [hbm4b:s3+s21], $0x80, s4, s21, $0xb8;
	[tilespmem:$0x17080] =	vst v63  }
0xd2: {  	s4 =	sadd.s32 $0x4000, s0  }
0xd3: {  	[spmem:s1] =	stream.indirect.scatter.add.f32 [tilespmem:s22], [sflag:$0x3], $0x80, s4, s21, $0xb8;
	[tilespmem:$0x17080] =	vst v63  }
0xd4: {  	_ =	swait.ge [sflag:s18], $0x2800  }
0xd5: {  	[sflag:s18] =	ssyncset.done $0x0  }
0xd6: {  	[sflag:s18] =	ssyncadd.s32 $0xFFFFD800  }
0xd7: {  	_ =	swait.ge [sflag:s25], $0x2800  }
0xd8: {  	p0 =	sle.s32 s30, $0x1;
	[sflag:s25] =	ssyncset.done $0x0  }
0xd9: {  	s9 =	simm.s32 @!p0 $0x8080;
	s0 =	simm.s32 @!p0 $0x50;
	[sflag:s25] =	ssyncadd.s32 $0xFFFFD800  }
0xda: {  	[tilespmem:s9], [sflag:$0x1] =	stream.indirect.gather @!p0 [hbm4b:s3+s0], $0x80, s31, s0, $0xb8;
	[tilespmem:$0x17080] =	vst v63  }
0xdb: {  	p0 =	sne.s32 s30, $0x1  }
.Ltmp9:
0xdc: {  	_ = 	snop;
	(pc) =	sbr.rel @!p0 .LBB2_12-.Ltmp9, $4  }
0xdd: {  	s12 =	sadd.s32 $0x80, s4  }
0xde: {  	[spmem:s1] =	stream.indirect.scatter.add.f32 [tilespmem:s24], [sflag:$0x3], $0x80, s12, s21, $0xb8;
	[tilespmem:$0x17080] =	vst v63  }
0xdf: {  	_ =	swait.ge [sflag:s18], $0x2800  }
0xe0: {  	s4 =	sadd.s32 $0x100, s4;
	s0 =	simm.s32 $0x1;
	[sflag:s18] =	ssyncset.done $0x0  }
.LBB2_11:
0xe1: {  	s0 =	sadd.s32 $0x1, s0;
	[sflag:s18] =	ssyncadd.s32 $0xFFFFD800;
	s31 =	sadd.s32 $0x100, s31  }
0xe2: {  	p0 =	sne.s32 s30, s0  }
0xe3: {  	_ =	swait.ge [sflag:s23], $0x2800  }
0xe4: {  	[sflag:s23] =	ssyncset.done $0x0  }
0xe5: {  	s9 =	sadd.s32 $0xFFFFFF80, s31;
	[sflag:s23] =	ssyncadd.s32 $0xFFFFD800  }
0xe6: {  	[tilespmem:s24], [sflag:$0x2] =	stream.indirect.gather [hbm4b:s3+s21], $0x80, s9, s21, $0xb8;
	[tilespmem:$0x17080] =	vst v63  }
0xe7: {  	_ = 	snop  }
0xe8: {  	[spmem:s1] =	stream.indirect.scatter.add.f32 [tilespmem:s22], [sflag:$0x3], $0x80, s4, s21, $0xb8;
	[tilespmem:$0x17080] =	vst v63  }
0xe9: {  	_ =	swait.ge [sflag:s18], $0x2800  }
0xea: {  	[sflag:s18] =	ssyncset.done $0x0  }
0xeb: {  	[sflag:s18] =	ssyncadd.s32 $0xFFFFD800  }
0xec: {  	_ =	swait.ge [sflag:s25], $0x2800  }
0xed: {  	p1 =	sge.s32 s0, s30;
	[sflag:s25] =	ssyncset.done $0x0  }
0xee: {  	s12 =	simm.s32 @!p1 $0x8080;
	s9 =	simm.s32 @!p1 $0x50;
	[sflag:s25] =	ssyncadd.s32 $0xFFFFD800  }
0xef: {  	[tilespmem:s12], [sflag:$0x1] =	stream.indirect.gather @!p1 [hbm4b:s3+s9], $0x80, s31, s9, $0xb8;
	[tilespmem:$0x17080] =	vst v63  }
.Ltmp10:
0xf0: {  	_ = 	snop;
	(pc) =	sbr.rel @p0 .LBB2_11-.Ltmp10, $4  }
0xf1: {  	s9 =	sadd.s32 $0x80, s4  }
0xf2: {  	[spmem:s1] =	stream.indirect.scatter.add.f32 [tilespmem:s24], [sflag:$0x3], $0x80, s9, s21, $0xb8;
	[tilespmem:$0x17080] =	vst v63  }
0xf3: {  	_ =	swait.ge [sflag:s18], $0x2800  }
0xf4: {  	s4 =	sadd.s32 $0x100, s4;
	[sflag:s18] =	ssyncset.done $0x0  }
.LBB2_12:
0xf5: {  	[sflag:s18] =	ssyncadd.s32 $0xFFFFD800  }
.LBB2_13:
0xf6: {  	[bflag:$0x0] =	sbarrier.arrive $0xFFFF  }
0xf7: {  	[hbm:s15], [sflag:s28] =	dma.local [spmem:s29], $0x1400  }
0xf8: {  	_ =	swait.ge [sflag:s18], $0x1400  }
0xf9: {  	[sflag:s18] =	ssyncset.done $0x0  }
0xfa: {  	[sflag:s18] =	ssyncadd.s32 $0xFFFFEC00  }
0xfb: {  	[tilespmem:s2], [sflag:$0x3] =	stream.linear.gather [hbm4b:s11+s2], $0x4000, $0x38;
	[tilespmem:$0x17080] =	vst v63  }
0xfc: {  	_ =	swait.ge [sflag:s18], $0x4000  }
0xfd: {  	[sflag:s18] =	ssyncset.done $0x0  }
0xfe: {  	[sflag:s18] =	ssyncadd.s32 $0xFFFFC000  }
0xff: {  	[tilespmem:s19], [sflag:$0x3] =	stream.linear.gather [hbm4b:s13+s2], $0x4000, $0x38;
	[tilespmem:$0x17080] =	vst v63  }
0x100: {  	_ =	swait.ge [sflag:s18], $0x4000  }
0x101: {  	[sflag:s18] =	ssyncset.done $0x0  }
0x102: {  	[sflag:s18] =	ssyncadd.s32 $0xFFFFC000  }
0x103: {  	[tilespmem:s20], [sflag:$0x3] =	stream.linear.gather [hbm4b:s14+s2], $0x80, $0x38;
	[tilespmem:$0x17080] =	vst v63  }
0x104: {  	_ =	swait.ge [sflag:s18], $0x80  }
0x105: {  	[sflag:s18] =	ssyncset.done $0x0  }
0x106: {  	[sflag:s18] =	ssyncadd.s32 $0xFFFFFF80  }
0x107: {  	[spmem:s29], [sflag:s28] =	dma.local [hbm:s5], $0x1400  }
0x108: {  	_ =	swait.ge [sflag:s18], $0x1400  }
0x109: {  	[sflag:s18] =	ssyncset.done $0x0  }
0x10a: {  	[sflag:s18] =	ssyncadd.s32 $0xFFFFEC00  }
0x10b: {  	[bflag:$0x0] =	sbarrier.arrive $0xFFFF  }
0x10c: {  	v0 =	vld [tilespmem:$0x8000];
	_ =	sdelay $0x4  }
0x10d: {  	(v2sf) =	vpush v0, $0x0  }
0x10e: {  	(v2sf) =	vpush v0, $0x1;
	_ =	sdelay $0xd  }
0x10f: {  	s0 =	spop (v2sf)  }
0x110: {  	s30 =	spop (v2sf)  }
0x111: {  	p0 =	slt.s32 s30, $0x1  }
.Ltmp11:
0x112: {  	_ = 	snop;
	(pc) =	sbr.rel @p0 .LBB2_17-.Ltmp11, $1  }
0x113: {  	_ =	sdelay $0x3  }
0x114: {  	s0 =	sshll.u32 s0, $0x9  }
0x115: {  	s0 =	sshra.s32 s0, $0x2  }
0x116: {  	[tilespmem:s22], [sflag:$0x1] =	stream.indirect.gather [hbm4b:s3+s21], $0x80, s0, s21, $0xb8;
	[tilespmem:$0x17080] =	vst v63  }
0x117: {  	_ =	swait.ge [sflag:s23], $0x2800  }
0x118: {  	s31 =	sadd.s32 $0x100, s0;
	[sflag:s23] =	ssyncset.done $0x0  }
0x119: {  	s4 =	sadd.s32 $0xFFFFFF80, s31;
	[sflag:s23] =	ssyncadd.s32 $0xFFFFD800  }
0x11a: {  	[tilespmem:s24], [sflag:$0x2] =	stream.indirect.gather [hbm4b:s3+s21], $0x80, s4, s21, $0xb8;
	[tilespmem:$0x17080] =	vst v63  }
0x11b: {  	s4 =	sadd.s32 $0x4000, s0  }
0x11c: {  	[spmem:s1] =	stream.indirect.scatter.add.f32 [tilespmem:s22], [sflag:$0x3], $0x80, s4, s21, $0xb8;
	[tilespmem:$0x17080] =	vst v63  }
0x11d: {  	_ =	swait.ge [sflag:s18], $0x2800  }
0x11e: {  	[sflag:s18] =	ssyncset.done $0x0  }
0x11f: {  	[sflag:s18] =	ssyncadd.s32 $0xFFFFD800  }
0x120: {  	_ =	swait.ge [sflag:s25], $0x2800  }
0x121: {  	p0 =	sle.s32 s30, $0x1;
	[sflag:s25] =	ssyncset.done $0x0  }
0x122: {  	s9 =	simm.s32 @!p0 $0x8080;
	s0 =	simm.s32 @!p0 $0x50;
	[sflag:s25] =	ssyncadd.s32 $0xFFFFD800  }
0x123: {  	[tilespmem:s9], [sflag:$0x1] =	stream.indirect.gather @!p0 [hbm4b:s3+s0], $0x80, s31, s0, $0xb8;
	[tilespmem:$0x17080] =	vst v63  }
0x124: {  	p0 =	sne.s32 s30, $0x1  }
.Ltmp12:
0x125: {  	_ = 	snop;
	(pc) =	sbr.rel @!p0 .LBB2_16-.Ltmp12, $4  }
0x126: {  	s12 =	sadd.s32 $0x80, s4  }
0x127: {  	[spmem:s1] =	stream.indirect.scatter.add.f32 [tilespmem:s24], [sflag:$0x3], $0x80, s12, s21, $0xb8;
	[tilespmem:$0x17080] =	vst v63  }
0x128: {  	_ =	swait.ge [sflag:s18], $0x2800  }
0x129: {  	s4 =	sadd.s32 $0x100, s4;
	s0 =	simm.s32 $0x1;
	[sflag:s18] =	ssyncset.done $0x0  }
.LBB2_15:
0x12a: {  	s0 =	sadd.s32 $0x1, s0;
	[sflag:s18] =	ssyncadd.s32 $0xFFFFD800;
	s31 =	sadd.s32 $0x100, s31  }
0x12b: {  	p0 =	sne.s32 s30, s0  }
0x12c: {  	_ =	swait.ge [sflag:s23], $0x2800  }
0x12d: {  	[sflag:s23] =	ssyncset.done $0x0  }
0x12e: {  	s9 =	sadd.s32 $0xFFFFFF80, s31;
	[sflag:s23] =	ssyncadd.s32 $0xFFFFD800  }
0x12f: {  	[tilespmem:s24], [sflag:$0x2] =	stream.indirect.gather [hbm4b:s3+s21], $0x80, s9, s21, $0xb8;
	[tilespmem:$0x17080] =	vst v63  }
0x130: {  	_ = 	snop  }
0x131: {  	[spmem:s1] =	stream.indirect.scatter.add.f32 [tilespmem:s22], [sflag:$0x3], $0x80, s4, s21, $0xb8;
	[tilespmem:$0x17080] =	vst v63  }
0x132: {  	_ =	swait.ge [sflag:s18], $0x2800  }
0x133: {  	[sflag:s18] =	ssyncset.done $0x0  }
0x134: {  	[sflag:s18] =	ssyncadd.s32 $0xFFFFD800  }
0x135: {  	_ =	swait.ge [sflag:s25], $0x2800  }
0x136: {  	p1 =	sge.s32 s0, s30;
	[sflag:s25] =	ssyncset.done $0x0  }
0x137: {  	s12 =	simm.s32 @!p1 $0x8080;
	s9 =	simm.s32 @!p1 $0x50;
	[sflag:s25] =	ssyncadd.s32 $0xFFFFD800  }
0x138: {  	[tilespmem:s12], [sflag:$0x1] =	stream.indirect.gather @!p1 [hbm4b:s3+s9], $0x80, s31, s9, $0xb8;
	[tilespmem:$0x17080] =	vst v63  }
.Ltmp13:
0x139: {  	_ = 	snop;
	(pc) =	sbr.rel @p0 .LBB2_15-.Ltmp13, $4  }
0x13a: {  	s9 =	sadd.s32 $0x80, s4  }
0x13b: {  	[spmem:s1] =	stream.indirect.scatter.add.f32 [tilespmem:s24], [sflag:$0x3], $0x80, s9, s21, $0xb8;
	[tilespmem:$0x17080] =	vst v63  }
0x13c: {  	_ =	swait.ge [sflag:s18], $0x2800  }
0x13d: {  	s4 =	sadd.s32 $0x100, s4;
	[sflag:s18] =	ssyncset.done $0x0  }
.Ltmp14:
0x13e: {  	_ = 	snop;
	(pc) =	sbr.rel .LBB2_16-.Ltmp14, $1  }
0x13f: {  	_ =	sdelay $0x3  }
.LBB2_18:
0x140: {  	_ =	sfence.sel $0x180000  }
0x141: {  	[bflag:$0x0] =	sbarrier.arrive $0xFFFF  }
0x142: {  	_ =	strace $0x90000050  }
0x143: {  	s0 =	stileid.u32;
	[bflag:$0x2] =	sbarrier.arrive $0xFFFF  }
0x144: {  	p0 =	sne.s32 s0, $0x0;
	s0 =	rddreg [dreg:$0x3]  }
0x145: {  	s0 =	sadd.s32 @!p0 $0x100000, s0  }
0x146: {  	[sflag:s0] =	ssyncadd.tile.s32 @!p0 $0x1;
	_ =	shalt  }
.Lfunc_end2:
_tile_overlayer_lowered:
.L_overlay_start_2:
0x147: {  	(tag) =	ssettag $0x2  }
0x148: {  	s0 =	rddreg [dreg:$0x0];
	s2 =	stileid.u32  }
0x149: {  	s1 =	rddreg [dreg:$0x1];
	p0 =	sne.s32 s2, $0x0  }
0x14a: {  	s3 =	rddreg [dreg:$0x2];
	[bflag:$0x3] =	sbarrier.arrive $0xFFFF;
	s2 =	simm.s32 @!p0 $0x1C03  }
0x14b: {  	[timem:s3], [sflag:s2] =	dma.local @!p0 [hbm:s0], s1  }
0x14c: {  	s0 =	simm.s32 @!p0 $0x3  }
0x14d: {  	_ =	swait.ge @!p0 [sflag:s0], s1  }
0x14e: {  	s1 =	ssub.s32 @!p0 $0x0, s1;
	[sflag:s0] =	ssyncset.done @!p0 $0x0  }
0x14f: {  	[sflag:s0] =	ssyncadd.s32 @!p0 s1  }
0x150: {  	[bflag:$0x3] =	sbarrier.arrive $0xFFFF  }
0x151: {  	_ =	shalt  }

// kernel: kernel.14.cloned.1.call-start
scs
__scs_entry_jumppad:
0x0: {  	(pc) =	sbr.rel $0x88, $3  }
0x1: {  	(tag) =	ssettag $0x0;
	lr =	simm.s32 $0x1  }
0x2: {  	[smem:$0x3F8D] =	sst lr;
	_ =	strace $0xD0000000  }
0x3: {  	_ = 	snop  }
0x4: {  	_ = 	snop  }
0x5: {  	_ = 	snop  }
0x6: {  	_ = 	snop  }
0x7: {  	_ = 	snop  }
__scs_overlays_trampoline_lowered:
0x8: {  	[smem:$0x3F9C] =	sst s0  }
0x9: {  	[smem:$0x3F9D] =	sst s1  }
0xa: {  	[smem:$0x3F9E] =	sst s2  }
0xb: {  	[smem:$0x3F9F] =	sst s3  }
0xc: {  	[smem:$0x3FA0] =	sst s4  }
0xd: {  	[smem:$0x3FA1] =	sst s5  }
0xe: {  	[smem:$0x3FA2] =	sst s6  }
0xf: {  	[smem:$0x3FA3] =	sst s7  }
0x10: {  	[smem:$0x3FA4] =	sst s8  }
0x11: {  	[smem:$0x3FA5] =	sst s9;
	s0 =	simm.s32 @!p0 $0x0  }
0x12: {  	s1 =	sld [smem:$0x3F8B];
	s0 =	simm.s32 @p0 $0x1  }
0x13: {  	[smem:$0x3FA6] =	sst s0;
	s0 =	simm.s32 @!p1 $0x0  }
0x14: {  	s2 =	sld [smem:$0x3F8A];
	s0 =	simm.s32 @p1 $0x1  }
0x15: {  	[smem:$0x3FA7] =	sst s0;
	s0 =	simm.s32 @!p2 $0x0  }
0x16: {  	s3 =	sld [smem:$0x3FDB];
	s0 =	simm.s32 @p2 $0x1  }
0x17: {  	s4 =	simm.s32 $0x1BF5;
	[smem:$0x3FA9] =	sst s0  }
0x18: {  	s0 =	sld [smem:$0x3F8C];
	_ =	swait.ge [sflag:s4], $0x0  }
0x19: {  	s7 =	sld [smem:$0x3F8D]  }
0x1a: {  	s8 =	sadd.s32 $0xFFFFE003, lr  }
0x1b: {  	s9 =	sadd.s32 $0xFFFFFEF7, lr;
	s5 =	simm.s32 $0xFFFFFFFF;
	p2 =	slt.u32 s8, $0xFFFFF086  }
0x1c: {  	p1 =	slt.u32 s9, $0xF7A;
	s5 =	simm.s32 @!p2 $0x0  }
0x1d: {  	s5 =	simm.s32 @p1 $0x1;
	p0 =	seq.s32 s7, s2  }
0x1e: {  	s7 =	smul.u32 @!p0 $0xF7A, s2;
	p2 =	seq.s32 @!p0 s5, $0x0  }
0x1f: {  	s9 =	smul.u32 $0xF7A, s1;
	s8 =	simm.s32 @!p0 $0x1BF5;
	p2 =	por !p2, p0  }
0x20: {  	[sflag:s8] =	ssyncset.s32 @!p0 $0xFFFFF086;
	s6 =	sadd.s32 @!p0 s3, s7;
	s7 =	simm.s32 @!p0 $0x108  }
0x21: {  	s3 =	sadd.s32 s3, s9;
	s6 =	sadd.s32 @!p0 $0x88, s6;
	s7 =	simm.s32 @p2 $0x1082  }
0x22: {  	[simem:s7], [sflag:s8] =	dma.local @!p0 [hbm:s6], $0xF7A  }
0x23: {  	s9 =	sor.u32 $0xD0000000, s2;
	s6 =	simm.s32 $0x108;
	_ =	swait.ge @!p0 [sflag:s8], $0x0  }
0x24: {  	s3 =	sadd.s32 $0x88, s3;
	s6 =	simm.s32 @!p1 $0x1082;
	[sflag:s4] =	ssyncset.s32 $0xFFFFF086  }
0x25: {  	[simem:s6], [sflag:s4] =	dma.local [hbm:s3], $0xF7A  }
0x26: {  	[smem:$0x3F8D] =	sst s1;
	(tag) =	ssettag s2;
	_ =	strace s9  }
0x27: {  	s1 =	sld [smem:$0x3F9D]  }
0x28: {  	s2 =	sld [smem:$0x3F9E]  }
0x29: {  	s4 =	sld [smem:$0x3FA0]  }
0x2a: {  	p0 =	seq.s32 s5, $0x0;
	s5 =	sld [smem:$0x3FA1]  }
0x2b: {  	s6 =	sld [smem:$0x3FA2]  }
0x2c: {  	s7 =	sld [smem:$0x3FA3]  }
0x2d: {  	s3 =	simm.s32 $0x108;
	s8 =	sld [smem:$0x3FA4]  }
0x2e: {  	s3 =	simm.s32 @!p0 $0x1082;
	s9 =	sld [smem:$0x3FA5]  }
0x2f: {  	lr =	sadd.s32 s0, s3;
	s0 =	sld [smem:$0x3F9C]  }
0x30: {  	s3 =	sld [smem:$0x3F9F]  }
0x31: {  	[smem:$0x3FA8] =	sst s10  }
0x32: {  	s10 =	sld [smem:$0x3FA6];
	_ =	sdelay $0x3  }
0x33: {  	p0 =	seq.s32 s10, $0x1;
	s10 =	sld [smem:$0x3FA8];
	_ =	sdelay $0x3  }
0x34: {  	[smem:$0x3FA8] =	sst s10  }
0x35: {  	s10 =	sld [smem:$0x3FA7];
	_ =	sdelay $0x3  }
0x36: {  	p1 =	seq.s32 s10, $0x1;
	s10 =	sld [smem:$0x3FA8];
	_ =	sdelay $0x3  }
0x37: {  	[smem:$0x3FA8] =	sst s10  }
0x38: {  	s10 =	sld [smem:$0x3FA9]  }
0x39: {  	_ = 	snop;
	(pc) =	sbr.ind lr, $3  }
0x3a: {  	_ = 	snop  }
0x3b: {  	_ = 	snop  }
0x3c: {  	p2 =	seq.s32 s10, $0x1;
	s10 =	sld [smem:$0x3FA8]  }
0x3d: {  	_ =	shalt  }
0x3e: {  	_ =	shalt  }
0x3f: {  	_ =	shalt  }
0x40: {  	_ =	shalt  }
0x41: {  	_ =	shalt  }
0x42: {  	_ =	shalt  }
0x43: {  	_ =	shalt  }
0x44: {  	_ =	shalt  }
0x45: {  	_ =	shalt  }
0x46: {  	_ =	shalt  }
0x47: {  	_ =	shalt  }
0x48: {  	_ =	shalt  }
0x49: {  	_ =	shalt  }
0x4a: {  	_ =	shalt  }
0x4b: {  	_ =	shalt  }
0x4c: {  	_ =	shalt  }
0x4d: {  	_ =	shalt  }
0x4e: {  	_ =	shalt  }
0x4f: {  	_ =	shalt  }
0x50: {  	_ =	shalt  }
0x51: {  	_ =	shalt  }
0x52: {  	_ =	shalt  }
0x53: {  	_ =	shalt  }
0x54: {  	_ =	shalt  }
0x55: {  	_ =	shalt  }
0x56: {  	_ =	shalt  }
0x57: {  	_ =	shalt  }
0x58: {  	_ =	shalt  }
0x59: {  	_ =	shalt  }
0x5a: {  	_ =	shalt  }
0x5b: {  	_ =	shalt  }
0x5c: {  	_ =	shalt  }
0x5d: {  	_ =	shalt  }
0x5e: {  	_ =	shalt  }
0x5f: {  	_ =	shalt  }
0x60: {  	_ =	shalt  }
0x61: {  	_ =	shalt  }
0x62: {  	_ =	shalt  }
0x63: {  	_ =	shalt  }
0x64: {  	_ =	shalt  }
0x65: {  	_ =	shalt  }
0x66: {  	_ =	shalt  }
0x67: {  	_ =	shalt  }
0x68: {  	_ =	shalt  }
0x69: {  	_ =	shalt  }
0x6a: {  	_ =	shalt  }
0x6b: {  	_ =	shalt  }
0x6c: {  	_ =	shalt  }
0x6d: {  	_ =	shalt  }
0x6e: {  	_ =	shalt  }
0x6f: {  	_ =	shalt  }
0x70: {  	_ =	shalt  }
0x71: {  	_ =	shalt  }
0x72: {  	_ =	shalt  }
0x73: {  	_ =	shalt  }
0x74: {  	_ =	shalt  }
0x75: {  	_ =	shalt  }
0x76: {  	_ =	shalt  }
0x77: {  	_ =	shalt  }
0x78: {  	_ =	shalt  }
0x79: {  	_ =	shalt  }
0x7a: {  	_ =	shalt  }
0x7b: {  	_ =	shalt  }
0x7c: {  	_ =	shalt  }
0x7d: {  	_ =	shalt  }
0x7e: {  	_ =	shalt  }
0x7f: {  	_ =	shalt  }
0x80: {  	_ =	shalt  }
0x81: {  	_ =	shalt  }
0x82: {  	_ =	shalt  }
0x83: {  	_ =	shalt  }
0x84: {  	_ =	shalt  }
0x85: {  	_ =	shalt  }
0x86: {  	_ =	shalt  }
0x87: {  	_ =	shalt  }
.Lfunc_end0:
.L_simem_size_0:
called_computation.4_lowered:
.L_overlay_start_0:
0x88: {  	s2 =	sld [smem:$0x3FD9]  }
0x89: {  	s3 =	sld [smem:$0x3FFE];
	_ =	sdelay $0x1  }
0x8a: {  	s1 =	srdreg.scid  }
0x8b: {  	s0 =	sand.u32 $0x1, s1  }
0x8c: {  	s17 =	sshll.u32 s0, $0xA;
	s2 =	sadd.s32 s3, s2  }
0x8d: {  	s2 =	sadd.s32 s2, s17  }
0x8e: {  	[smem:$0x3FB4] =	sst s2  }
0x8f: {  	_ = 	snop  }
0x90: {  	s2 =	sld [smem:$0x3FD0];
	(tm) =	ssettm $0x1  }
0x91: {  	s18 =	sld [smem:$0x3FFB];
	_ =	sdelay $0x3  }
0x92: {  	_ =	strace s18  }
0x93: {  	s3 =	sld [smem:$0x3FFC];
	_ =	sdelay $0x3  }
0x94: {  	_ =	strace s3  }
0x95: {  	s3 =	sld [smem:$0x3FFD];
	_ =	sdelay $0x3  }
0x96: {  	_ =	strace s3  }
0x97: {  	_ =	strace $0x8FFFFFFF  }
0x98: {  	s19 =	sld [smem:$0x3FDB];
	_ =	sdelay $0x1  }
0x99: {  	s4 =	simm.s32 $_scs_section_size  }
0x9a: {  	s5 =	simm.s32 $_size__tile_overlayer_lowered;
	s6 =	simm.s32 $_tile_overlayer_lowered  }
0x9b: {  	s22 =	simm.s32 $0x1BFF;
	s21 =	sshll.u32 s6, $0x1;
	s3 =	sadd.s32 s4, s19  }
0x9c: {  	s7 =	simm.s32 $0x0;
	s20 =	sshll.u32 s5, $0x1;
	s5 =	sadd.s32 s21, s3  }
0x9d: {  	[timem:s7], [sflag:s22] =	dma.local [hbm:s5], s20  }
0x9e: {  	_ =	swait.ge [sflag:s22], s20  }
0x9f: {  	s4 =	ssub.s32 $0x0, s20;
	[sflag:s22] =	ssyncset.done $0x0  }
0xa0: {  	[sflag:s22] =	ssyncadd.s32 s4;
	_ =	sdelay $0x1  }
0xa1: {  	s23 =	simm.s32 $0x1B8B  }
0xa2: {  	_ =	swait.ge [sflag:s23], $0x1  }
0xa3: {  	[sflag:s23] =	ssyncset.done $0x0  }
0xa4: {  	s25 =	simm.s32 $0x1B8E;
	s24 =	sld [smem:$0x3FFE];
	[sflag:s23] =	ssyncadd.s32 $0xFFFFFFFF  }
0xa5: {  	s26 =	simm.s32 $execute0_lowered;
	[smem:$0x3FD2] =	sst s25  }
0xa6: {  	s5 =	sshll.u32 s26, $0x1;
	_ =	strace $0x80000052;
	[dreg:$0x1] =	wrdreg $0xFFFFFFFF  }
0xa7: {  	s28 =	simm.s32 $_size_execute0_lowered;
	s3 =	sadd.s32 s3, s5;
	[dreg:$0x0] =	wrdreg $0x0  }
0xa8: {  	s5 =	sshll.u32 s28, $0x1;
	[dreg:$0x2] =	wrdreg s3  }
0xa9: {  	[dreg:$0x3] =	wrdreg s5  }
0xaa: {  	[dreg:$0x4] =	wrdreg $0xC0  }
0xab: {  	_ =	task [dreg:s7], $0x5FFFF  }
0xac: {  	[dreg:$0x1] =	wrdreg $0xFFFFFFFF  }
0xad: {  	[dreg:$0x0] =	wrdreg $0x60  }
0xae: {  	[dreg:$0x2] =	wrdreg s24  }
0xaf: {  	[dreg:$0x3] =	wrdreg s2  }
0xb0: {  	[dreg:$0x4] =	wrdreg $0xD0800  }
0xb1: {  	[dreg:$0x5] =	wrdreg $0x9  }
0xb2: {  	_ =	task.clear_ibuf [dreg:s7], $0x6FFFF;
	_ =	strace $0x90000052  }
0xb3: {  	s29 =	simm.s32 $0x9;
	_ =	strace $0x80000054  }
0xb4: {  	_ =	swait.ge [sflag:s29], $0x1  }
0xb5: {  	[sflag:s29] =	ssyncadd.s32 $0xFFFFFFFF  }
0xb6: {  	_ =	strace $0x90000054  }
0xb7: {  	_ =	sfence  }
0xb8: {  	s30 =	sld [smem:$0x0];
	_ =	sdelay $0x2  }
0xb9: {  	s31 =	sshll.u32 s1, $0xD;
	s1 =	sshrl.u32 s1, $0x2  }
0xba: {  	s3 =	sand.u32 $0x4000, s31;
	s1 =	sadd.s32 s1, s30  }
0xbb: {  	s0 =	sor.u32 s3, s0;
	s1 =	sshll.u32 s1, $0x11  }
0xbc: {  	s0 =	sor.u32 s1, s0  }
0xbd: {  	s0 =	sadd.s32 $0x8F2B, s0  }
0xbe: {  	[sflag:s0] =	ssyncadd.remote.s32 $0x1  }
0xbf: {  	_ =	sfence.sel $0xFFFF  }
0xc0: {  	[dreg:$0x0] =	wrdreg $0xFFFFFFFF;
	(pc) =	sbr.abs _section_cstart, $3  }
0xc1: {  	[dreg:$0x1] =	wrdreg $0xFFFFFFFF  }
0xc2: {  	_ =	task.clear_ibuf [dreg:s7], $0x2FFFF;
	_ =	strace $0x9FFFFFFF  }
0xc3: {  	(tm) =	ssettm $0x7FFFFFFF  }
tec
execute0_lowered:
.L_overlay_start_1:
0x0: {  	(tag) =	ssettag $0x1  }
0x1: {  	s0 =	rddreg [dreg:$0x0]  }
0x2: {  	s4 =	rddreg [dreg:$0x1]  }
0x3: {  	s1 =	rddreg [dreg:$0x2];
	s2 =	simm.s32 $0x0;
	s5 =	srdreg.scid  }
0x4: {  	s16 =	stileid.u32;
	s19 =	simm.s32 $0x4000;
	s20 =	simm.s32 $0x8000  }
0x5: {  	s21 =	simm.s32 $0x50;
	s22 =	simm.s32 $0x8080;
	s23 =	simm.s32 $0x1  }
0x6: {  	[smem:$0x7FF] =	sst s2;
	s3 =	sadd.s32 $0xA6E00, s0;
	s11 =	sadd.s32 $0x38C00, s0  }
0x7: {  	s13 =	sadd.s32 $0x18C00, s0;
	s8 =	sand.u32 $0x1, s5;
	s14 =	sadd.s32 $0x18800, s0  }
0x8: {  	s12 =	sshll.u32 s16, $0x7;
	s15 =	smul.u32 $0x140, s16;
	_ =	strace $0x80000053  }
0x9: {  	s6 =	ssub.s32 $0x2, s8;
	s5 =	sshll.u32 s8, $0x4;
	s12 =	sand.u32 $0x380, s12  }
0xa: {  	s17 =	smul.u32 $0x5000, s8;
	s7 =	sshrl.u32 s6, $0x1;
	s9 =	sor.u32 s16, s5  }
0xb: {  	s5 =	sadd.s32 $0x14600, s0;
	s16 =	smul.u32 $0x28000, s16;
	s24 =	ssub.s32 s6, s7  }
0xc: {  	s25 =	sshll.u32 s9, $0xB;
	s10 =	sshll.u32 s9, $0x7;
	s18 =	sor.u32 $0x20, s9  }
0xd: {  	s15 =	sadd.s32 s15, s17;
	s6 =	sadd.s32 s11, s25;
	s10 =	sand.u32 $0xC00, s10  }
0xe: {  	s7 =	sadd.s32 s13, s25;
	s26 =	sshrl.u32 s16, $0x2;
	s28 =	sshll.u32 s18, $0x7  }
0xf: {  	s15 =	sshll.u32 s15, $0x4;
	s29 =	sshll.u32 s18, $0xB;
	s17 =	smax.u32 s24, $0x1  }
0x10: {  	s18 =	simm.s32 $0x3;
	s24 =	simm.s32 $0xA880;
	s25 =	simm.s32 $0x2  }
0x11: {  	s10 =	sor.u32 s12, s10;
	s9 =	sadd.s32 s26, s1;
	s11 =	sadd.s32 s11, s29  }
.Ltmp0:
0x12: {  	s13 =	sadd.s32 s13, s29;
	s10 =	sshrl.u32 s10, $0x3;
	(pc) =	sbr.rel .LBB2_1-.Ltmp0, $4  }
0x13: {  	s26 =	simm.s32 $0x0;
	s8 =	sadd.s32 s14, s10;
	s10 =	sand.u32 $0x1C00, s28  }
0x14: {  	[dreg:$0x4] =	wrdreg s9;
	s12 =	sor.u32 s12, s10;
	s10 =	sadd.s32 s4, s15  }
0x15: {  	s30 =	sshrl.u32 s12, $0x3;
	s31 =	sadd.s32 $0x14000, s10;
	s15 =	sadd.s32 $0x28000, s10  }
0x16: {  	s16 =	sadd.s32 $0x3C000, s10;
	[dreg:$0x5] =	wrdreg s31;
	s14 =	sadd.s32 s14, s30  }
.LBB2_16:
0x17: {  	[sflag:s18] =	ssyncadd.s32 $0xFFFFD800  }
.LBB2_17:
0x18: {  	s26 =	sadd.s32 $0x1, s26  }
0x19: {  	p0 =	sne.s32 s26, s17  }
.Ltmp1:
0x1a: {  	[bflag:$0x0] =	sbarrier.arrive $0xFFFF;
	(pc) =	sbr.rel @!p0 .LBB2_18-.Ltmp1, $4  }
0x1b: {  	[hbm:s16], [sflag:s28] =	dma.local [spmem:s29], $0x1400  }
0x1c: {  	_ =	swait.ge [sflag:s18], $0x1400  }
0x1d: {  	[sflag:s18] =	ssyncset.done $0x0  }
0x1e: {  	[sflag:s18] =	ssyncadd.s32 $0xFFFFEC00  }
.LBB2_1:
0x1f: {  	[tilespmem:s2], [sflag:$0x3] =	stream.linear.gather [hbm4b:s6+s2], $0x4000, $0x38;
	[tilespmem:$0x17080] =	vst v63  }
0x20: {  	_ =	swait.ge [sflag:s18], $0x4000  }
0x21: {  	[sflag:s18] =	ssyncset.done $0x0  }
0x22: {  	[sflag:s18] =	ssyncadd.s32 $0xFFFFC000  }
0x23: {  	[tilespmem:s19], [sflag:$0x3] =	stream.linear.gather [hbm4b:s7+s2], $0x4000, $0x38;
	[tilespmem:$0x17080] =	vst v63  }
0x24: {  	_ =	swait.ge [sflag:s18], $0x4000  }
0x25: {  	[sflag:s18] =	ssyncset.done $0x0  }
0x26: {  	[sflag:s18] =	ssyncadd.s32 $0xFFFFC000  }
0x27: {  	[tilespmem:s20], [sflag:$0x3] =	stream.linear.gather [hbm4b:s8+s2], $0x80, $0x38;
	[tilespmem:$0x17080] =	vst v63  }
0x28: {  	s0 =	stileid.u32;
	_ =	swait.ge [sflag:s18], $0x80  }
0x29: {  	s0 =	sshll.u32 s0, $0x6;
	[sflag:s18] =	ssyncset.done $0x0;
	s31 =	rddreg [dreg:$0x4]  }
0x2a: {  	s28 =	sor.u32 $0x1C03, s0;
	[sflag:s18] =	ssyncadd.s32 $0xFFFFFF80;
	s29 =	sshrl.u32 s31, $0x3  }
0x2b: {  	[spmem:s29], [sflag:s28] =	dma.local [hbm:s5], $0x1400  }
0x2c: {  	_ =	swait.ge [sflag:s18], $0x1400  }
0x2d: {  	[sflag:s18] =	ssyncset.done $0x0  }
0x2e: {  	[sflag:s18] =	ssyncadd.s32 $0xFFFFEC00  }
0x2f: {  	[bflag:$0x0] =	sbarrier.arrive $0xFFFF  }
0x30: {  	v0 =	vld [tilespmem:$0x8000];
	_ =	sdelay $0x4  }
0x31: {  	(v2sf) =	vpush v0, $0x0  }
0x32: {  	(v2sf) =	vpush v0, $0x1;
	_ =	sdelay $0xd  }
0x33: {  	s0 =	spop (v2sf)  }
0x34: {  	s30 =	spop (v2sf)  }
0x35: {  	p0 =	slt.s32 s30, $0x1  }
.Ltmp2:
0x36: {  	_ = 	snop;
	(pc) =	sbr.rel @p0 .LBB2_5-.Ltmp2, $1  }
0x37: {  	_ =	sdelay $0x3  }
0x38: {  	s0 =	sshll.u32 s0, $0x9  }
0x39: {  	s0 =	sshra.s32 s0, $0x2  }
0x3a: {  	[tilespmem:s22], [sflag:$0x1] =	stream.indirect.gather [hbm4b:s3+s21], $0x80, s0, s21, $0xb8;
	[tilespmem:$0x17080] =	vst v63  }
0x3b: {  	_ =	swait.ge [sflag:s23], $0x2800  }
0x3c: {  	s31 =	sadd.s32 $0x100, s0;
	[sflag:s23] =	ssyncset.done $0x0  }
0x3d: {  	s4 =	sadd.s32 $0xFFFFFF80, s31;
	[sflag:s23] =	ssyncadd.s32 $0xFFFFD800  }
0x3e: {  	[tilespmem:s24], [sflag:$0x2] =	stream.indirect.gather [hbm4b:s3+s21], $0x80, s4, s21, $0xb8;
	[tilespmem:$0x17080] =	vst v63  }
0x3f: {  	s4 =	sadd.s32 $0x4000, s0  }
0x40: {  	[spmem:s1] =	stream.indirect.scatter.add.f32 [tilespmem:s22], [sflag:$0x3], $0x80, s4, s21, $0xb8;
	[tilespmem:$0x17080] =	vst v63  }
0x41: {  	_ =	swait.ge [sflag:s18], $0x2800  }
0x42: {  	[sflag:s18] =	ssyncset.done $0x0  }
0x43: {  	[sflag:s18] =	ssyncadd.s32 $0xFFFFD800  }
0x44: {  	_ =	swait.ge [sflag:s25], $0x2800  }
0x45: {  	p0 =	sle.s32 s30, $0x1;
	[sflag:s25] =	ssyncset.done $0x0  }
0x46: {  	s9 =	simm.s32 @!p0 $0x8080;
	s0 =	simm.s32 @!p0 $0x50;
	[sflag:s25] =	ssyncadd.s32 $0xFFFFD800  }
0x47: {  	[tilespmem:s9], [sflag:$0x1] =	stream.indirect.gather @!p0 [hbm4b:s3+s0], $0x80, s31, s0, $0xb8;
	[tilespmem:$0x17080] =	vst v63  }
0x48: {  	p0 =	sne.s32 s30, $0x1  }
.Ltmp3:
0x49: {  	_ = 	snop;
	(pc) =	sbr.rel @!p0 .LBB2_4-.Ltmp3, $4  }
0x4a: {  	s12 =	sadd.s32 $0x80, s4  }
0x4b: {  	[spmem:s1] =	stream.indirect.scatter.add.f32 [tilespmem:s24], [sflag:$0x3], $0x80, s12, s21, $0xb8;
	[tilespmem:$0x17080] =	vst v63  }
0x4c: {  	_ =	swait.ge [sflag:s18], $0x2800  }
0x4d: {  	s4 =	sadd.s32 $0x100, s4;
	s0 =	simm.s32 $0x1;
	[sflag:s18] =	ssyncset.done $0x0  }
.LBB2_3:
0x4e: {  	s0 =	sadd.s32 $0x1, s0;
	[sflag:s18] =	ssyncadd.s32 $0xFFFFD800;
	s31 =	sadd.s32 $0x100, s31  }
0x4f: {  	p0 =	sne.s32 s30, s0  }
0x50: {  	_ =	swait.ge [sflag:s23], $0x2800  }
0x51: {  	[sflag:s23] =	ssyncset.done $0x0  }
0x52: {  	s9 =	sadd.s32 $0xFFFFFF80, s31;
	[sflag:s23] =	ssyncadd.s32 $0xFFFFD800  }
0x53: {  	[tilespmem:s24], [sflag:$0x2] =	stream.indirect.gather [hbm4b:s3+s21], $0x80, s9, s21, $0xb8;
	[tilespmem:$0x17080] =	vst v63  }
0x54: {  	_ = 	snop  }
0x55: {  	[spmem:s1] =	stream.indirect.scatter.add.f32 [tilespmem:s22], [sflag:$0x3], $0x80, s4, s21, $0xb8;
	[tilespmem:$0x17080] =	vst v63  }
0x56: {  	_ =	swait.ge [sflag:s18], $0x2800  }
0x57: {  	[sflag:s18] =	ssyncset.done $0x0  }
0x58: {  	[sflag:s18] =	ssyncadd.s32 $0xFFFFD800  }
0x59: {  	_ =	swait.ge [sflag:s25], $0x2800  }
0x5a: {  	p1 =	sge.s32 s0, s30;
	[sflag:s25] =	ssyncset.done $0x0  }
0x5b: {  	s12 =	simm.s32 @!p1 $0x8080;
	s9 =	simm.s32 @!p1 $0x50;
	[sflag:s25] =	ssyncadd.s32 $0xFFFFD800  }
0x5c: {  	[tilespmem:s12], [sflag:$0x1] =	stream.indirect.gather @!p1 [hbm4b:s3+s9], $0x80, s31, s9, $0xb8;
	[tilespmem:$0x17080] =	vst v63  }
.Ltmp4:
0x5d: {  	_ = 	snop;
	(pc) =	sbr.rel @p0 .LBB2_3-.Ltmp4, $4  }
0x5e: {  	s9 =	sadd.s32 $0x80, s4  }
0x5f: {  	[spmem:s1] =	stream.indirect.scatter.add.f32 [tilespmem:s24], [sflag:$0x3], $0x80, s9, s21, $0xb8;
	[tilespmem:$0x17080] =	vst v63  }
0x60: {  	_ =	swait.ge [sflag:s18], $0x2800  }
0x61: {  	s4 =	sadd.s32 $0x100, s4;
	[sflag:s18] =	ssyncset.done $0x0  }
.LBB2_4:
0x62: {  	[sflag:s18] =	ssyncadd.s32 $0xFFFFD800  }
.LBB2_5:
0x63: {  	[bflag:$0x0] =	sbarrier.arrive $0xFFFF  }
0x64: {  	[hbm:s10], [sflag:s28] =	dma.local [spmem:s29], $0x1400  }
0x65: {  	_ =	swait.ge [sflag:s18], $0x1400  }
0x66: {  	[sflag:s18] =	ssyncset.done $0x0  }
0x67: {  	[sflag:s18] =	ssyncadd.s32 $0xFFFFEC00  }
0x68: {  	[tilespmem:s2], [sflag:$0x3] =	stream.linear.gather [hbm4b:s11+s2], $0x4000, $0x38;
	[tilespmem:$0x17080] =	vst v63  }
0x69: {  	_ =	swait.ge [sflag:s18], $0x4000  }
0x6a: {  	[sflag:s18] =	ssyncset.done $0x0  }
0x6b: {  	[sflag:s18] =	ssyncadd.s32 $0xFFFFC000  }
0x6c: {  	[tilespmem:s19], [sflag:$0x3] =	stream.linear.gather [hbm4b:s7+s2], $0x4000, $0x38;
	[tilespmem:$0x17080] =	vst v63  }
0x6d: {  	_ =	swait.ge [sflag:s18], $0x4000  }
0x6e: {  	[sflag:s18] =	ssyncset.done $0x0  }
0x6f: {  	[sflag:s18] =	ssyncadd.s32 $0xFFFFC000  }
0x70: {  	[tilespmem:s20], [sflag:$0x3] =	stream.linear.gather [hbm4b:s8+s2], $0x80, $0x38;
	[tilespmem:$0x17080] =	vst v63  }
0x71: {  	_ =	swait.ge [sflag:s18], $0x80  }
0x72: {  	[sflag:s18] =	ssyncset.done $0x0  }
0x73: {  	[sflag:s18] =	ssyncadd.s32 $0xFFFFFF80  }
0x74: {  	[spmem:s29], [sflag:s28] =	dma.local [hbm:s5], $0x1400  }
0x75: {  	_ =	swait.ge [sflag:s18], $0x1400  }
0x76: {  	[sflag:s18] =	ssyncset.done $0x0  }
0x77: {  	[sflag:s18] =	ssyncadd.s32 $0xFFFFEC00  }
0x78: {  	[bflag:$0x0] =	sbarrier.arrive $0xFFFF  }
0x79: {  	v0 =	vld [tilespmem:$0x8000];
	_ =	sdelay $0x4  }
0x7a: {  	(v2sf) =	vpush v0, $0x0  }
0x7b: {  	(v2sf) =	vpush v0, $0x1;
	_ =	sdelay $0xd  }
0x7c: {  	s0 =	spop (v2sf)  }
0x7d: {  	s30 =	spop (v2sf)  }
0x7e: {  	p0 =	slt.s32 s30, $0x1  }
.Ltmp5:
0x7f: {  	_ = 	snop;
	(pc) =	sbr.rel @p0 .LBB2_9-.Ltmp5, $1  }
0x80: {  	_ =	sdelay $0x3  }
0x81: {  	s0 =	sshll.u32 s0, $0x9  }
0x82: {  	s0 =	sshra.s32 s0, $0x2  }
0x83: {  	[tilespmem:s22], [sflag:$0x1] =	stream.indirect.gather [hbm4b:s3+s21], $0x80, s0, s21, $0xb8;
	[tilespmem:$0x17080] =	vst v63  }
0x84: {  	_ =	swait.ge [sflag:s23], $0x2800  }
0x85: {  	s31 =	sadd.s32 $0x100, s0;
	[sflag:s23] =	ssyncset.done $0x0  }
0x86: {  	s4 =	sadd.s32 $0xFFFFFF80, s31;
	[sflag:s23] =	ssyncadd.s32 $0xFFFFD800  }
0x87: {  	[tilespmem:s24], [sflag:$0x2] =	stream.indirect.gather [hbm4b:s3+s21], $0x80, s4, s21, $0xb8;
	[tilespmem:$0x17080] =	vst v63  }
0x88: {  	s4 =	sadd.s32 $0x4000, s0  }
0x89: {  	[spmem:s1] =	stream.indirect.scatter.add.f32 [tilespmem:s22], [sflag:$0x3], $0x80, s4, s21, $0xb8;
	[tilespmem:$0x17080] =	vst v63  }
0x8a: {  	_ =	swait.ge [sflag:s18], $0x2800  }
0x8b: {  	[sflag:s18] =	ssyncset.done $0x0  }
0x8c: {  	[sflag:s18] =	ssyncadd.s32 $0xFFFFD800  }
0x8d: {  	_ =	swait.ge [sflag:s25], $0x2800  }
0x8e: {  	p0 =	sle.s32 s30, $0x1;
	[sflag:s25] =	ssyncset.done $0x0  }
0x8f: {  	s9 =	simm.s32 @!p0 $0x8080;
	s0 =	simm.s32 @!p0 $0x50;
	[sflag:s25] =	ssyncadd.s32 $0xFFFFD800  }
0x90: {  	[tilespmem:s9], [sflag:$0x1] =	stream.indirect.gather @!p0 [hbm4b:s3+s0], $0x80, s31, s0, $0xb8;
	[tilespmem:$0x17080] =	vst v63  }
0x91: {  	p0 =	sne.s32 s30, $0x1  }
.Ltmp6:
0x92: {  	_ = 	snop;
	(pc) =	sbr.rel @!p0 .LBB2_8-.Ltmp6, $4  }
0x93: {  	s12 =	sadd.s32 $0x80, s4  }
0x94: {  	[spmem:s1] =	stream.indirect.scatter.add.f32 [tilespmem:s24], [sflag:$0x3], $0x80, s12, s21, $0xb8;
	[tilespmem:$0x17080] =	vst v63  }
0x95: {  	_ =	swait.ge [sflag:s18], $0x2800  }
0x96: {  	s4 =	sadd.s32 $0x100, s4;
	s0 =	simm.s32 $0x1;
	[sflag:s18] =	ssyncset.done $0x0  }
.LBB2_7:
0x97: {  	s0 =	sadd.s32 $0x1, s0;
	[sflag:s18] =	ssyncadd.s32 $0xFFFFD800;
	s31 =	sadd.s32 $0x100, s31  }
0x98: {  	p0 =	sne.s32 s30, s0  }
0x99: {  	_ =	swait.ge [sflag:s23], $0x2800  }
0x9a: {  	[sflag:s23] =	ssyncset.done $0x0  }
0x9b: {  	s9 =	sadd.s32 $0xFFFFFF80, s31;
	[sflag:s23] =	ssyncadd.s32 $0xFFFFD800  }
0x9c: {  	[tilespmem:s24], [sflag:$0x2] =	stream.indirect.gather [hbm4b:s3+s21], $0x80, s9, s21, $0xb8;
	[tilespmem:$0x17080] =	vst v63  }
0x9d: {  	_ = 	snop  }
0x9e: {  	[spmem:s1] =	stream.indirect.scatter.add.f32 [tilespmem:s22], [sflag:$0x3], $0x80, s4, s21, $0xb8;
	[tilespmem:$0x17080] =	vst v63  }
0x9f: {  	_ =	swait.ge [sflag:s18], $0x2800  }
0xa0: {  	[sflag:s18] =	ssyncset.done $0x0  }
0xa1: {  	[sflag:s18] =	ssyncadd.s32 $0xFFFFD800  }
0xa2: {  	_ =	swait.ge [sflag:s25], $0x2800  }
0xa3: {  	p1 =	sge.s32 s0, s30;
	[sflag:s25] =	ssyncset.done $0x0  }
0xa4: {  	s12 =	simm.s32 @!p1 $0x8080;
	s9 =	simm.s32 @!p1 $0x50;
	[sflag:s25] =	ssyncadd.s32 $0xFFFFD800  }
0xa5: {  	[tilespmem:s12], [sflag:$0x1] =	stream.indirect.gather @!p1 [hbm4b:s3+s9], $0x80, s31, s9, $0xb8;
	[tilespmem:$0x17080] =	vst v63  }
.Ltmp7:
0xa6: {  	_ = 	snop;
	(pc) =	sbr.rel @p0 .LBB2_7-.Ltmp7, $4  }
0xa7: {  	s9 =	sadd.s32 $0x80, s4  }
0xa8: {  	[spmem:s1] =	stream.indirect.scatter.add.f32 [tilespmem:s24], [sflag:$0x3], $0x80, s9, s21, $0xb8;
	[tilespmem:$0x17080] =	vst v63  }
0xa9: {  	_ =	swait.ge [sflag:s18], $0x2800  }
0xaa: {  	s4 =	sadd.s32 $0x100, s4;
	[sflag:s18] =	ssyncset.done $0x0  }
.LBB2_8:
0xab: {  	[sflag:s18] =	ssyncadd.s32 $0xFFFFD800  }
.LBB2_9:
0xac: {  	[bflag:$0x0] =	sbarrier.arrive $0xFFFF  }
0xad: {  	s0 =	rddreg [dreg:$0x5]  }
0xae: {  	[hbm:s0], [sflag:s28] =	dma.local [spmem:s29], $0x1400  }
0xaf: {  	_ =	swait.ge [sflag:s18], $0x1400  }
0xb0: {  	[sflag:s18] =	ssyncset.done $0x0  }
0xb1: {  	[sflag:s18] =	ssyncadd.s32 $0xFFFFEC00  }
0xb2: {  	[tilespmem:s2], [sflag:$0x3] =	stream.linear.gather [hbm4b:s6+s2], $0x4000, $0x38;
	[tilespmem:$0x17080] =	vst v63  }
0xb3: {  	_ =	swait.ge [sflag:s18], $0x4000  }
0xb4: {  	[sflag:s18] =	ssyncset.done $0x0  }
0xb5: {  	[sflag:s18] =	ssyncadd.s32 $0xFFFFC000  }
0xb6: {  	[tilespmem:s19], [sflag:$0x3] =	stream.linear.gather [hbm4b:s13+s2], $0x4000, $0x38;
	[tilespmem:$0x17080] =	vst v63  }
0xb7: {  	_ =	swait.ge [sflag:s18], $0x4000  }
0xb8: {  	[sflag:s18] =	ssyncset.done $0x0  }
0xb9: {  	[sflag:s18] =	ssyncadd.s32 $0xFFFFC000  }
0xba: {  	[tilespmem:s20], [sflag:$0x3] =	stream.linear.gather [hbm4b:s14+s2], $0x80, $0x38;
	[tilespmem:$0x17080] =	vst v63  }
0xbb: {  	_ =	swait.ge [sflag:s18], $0x80  }
0xbc: {  	[sflag:s18] =	ssyncset.done $0x0  }
0xbd: {  	[sflag:s18] =	ssyncadd.s32 $0xFFFFFF80  }
0xbe: {  	[spmem:s29], [sflag:s28] =	dma.local [hbm:s5], $0x1400  }
0xbf: {  	_ =	swait.ge [sflag:s18], $0x1400  }
0xc0: {  	[sflag:s18] =	ssyncset.done $0x0  }
0xc1: {  	[sflag:s18] =	ssyncadd.s32 $0xFFFFEC00  }
0xc2: {  	[bflag:$0x0] =	sbarrier.arrive $0xFFFF  }
0xc3: {  	v0 =	vld [tilespmem:$0x8000];
	_ =	sdelay $0x4  }
0xc4: {  	(v2sf) =	vpush v0, $0x0  }
0xc5: {  	(v2sf) =	vpush v0, $0x1;
	_ =	sdelay $0xd  }
0xc6: {  	s0 =	spop (v2sf)  }
0xc7: {  	s30 =	spop (v2sf)  }
0xc8: {  	p0 =	slt.s32 s30, $0x1  }
.Ltmp8:
0xc9: {  	_ = 	snop;
	(pc) =	sbr.rel @p0 .LBB2_13-.Ltmp8, $1  }
0xca: {  	_ =	sdelay $0x3  }
0xcb: {  	s0 =	sshll.u32 s0, $0x9  }
0xcc: {  	s0 =	sshra.s32 s0, $0x2  }
0xcd: {  	[tilespmem:s22], [sflag:$0x1] =	stream.indirect.gather [hbm4b:s3+s21], $0x80, s0, s21, $0xb8;
	[tilespmem:$0x17080] =	vst v63  }
0xce: {  	_ =	swait.ge [sflag:s23], $0x2800  }
0xcf: {  	s31 =	sadd.s32 $0x100, s0;
	[sflag:s23] =	ssyncset.done $0x0  }
0xd0: {  	s4 =	sadd.s32 $0xFFFFFF80, s31;
	[sflag:s23] =	ssyncadd.s32 $0xFFFFD800  }
0xd1: {  	[tilespmem:s24], [sflag:$0x2] =	stream.indirect.gather [hbm4b:s3+s21], $0x80, s4, s21, $0xb8;
	[tilespmem:$0x17080] =	vst v63  }
0xd2: {  	s4 =	sadd.s32 $0x4000, s0  }
0xd3: {  	[spmem:s1] =	stream.indirect.scatter.add.f32 [tilespmem:s22], [sflag:$0x3], $0x80, s4, s21, $0xb8;
	[tilespmem:$0x17080] =	vst v63  }
0xd4: {  	_ =	swait.ge [sflag:s18], $0x2800  }
0xd5: {  	[sflag:s18] =	ssyncset.done $0x0  }
0xd6: {  	[sflag:s18] =	ssyncadd.s32 $0xFFFFD800  }
0xd7: {  	_ =	swait.ge [sflag:s25], $0x2800  }
0xd8: {  	p0 =	sle.s32 s30, $0x1;
	[sflag:s25] =	ssyncset.done $0x0  }
0xd9: {  	s9 =	simm.s32 @!p0 $0x8080;
	s0 =	simm.s32 @!p0 $0x50;
	[sflag:s25] =	ssyncadd.s32 $0xFFFFD800  }
0xda: {  	[tilespmem:s9], [sflag:$0x1] =	stream.indirect.gather @!p0 [hbm4b:s3+s0], $0x80, s31, s0, $0xb8;
	[tilespmem:$0x17080] =	vst v63  }
0xdb: {  	p0 =	sne.s32 s30, $0x1  }
.Ltmp9:
0xdc: {  	_ = 	snop;
	(pc) =	sbr.rel @!p0 .LBB2_12-.Ltmp9, $4  }
0xdd: {  	s12 =	sadd.s32 $0x80, s4  }
0xde: {  	[spmem:s1] =	stream.indirect.scatter.add.f32 [tilespmem:s24], [sflag:$0x3], $0x80, s12, s21, $0xb8;
	[tilespmem:$0x17080] =	vst v63  }
0xdf: {  	_ =	swait.ge [sflag:s18], $0x2800  }
0xe0: {  	s4 =	sadd.s32 $0x100, s4;
	s0 =	simm.s32 $0x1;
	[sflag:s18] =	ssyncset.done $0x0  }
.LBB2_11:
0xe1: {  	s0 =	sadd.s32 $0x1, s0;
	[sflag:s18] =	ssyncadd.s32 $0xFFFFD800;
	s31 =	sadd.s32 $0x100, s31  }
0xe2: {  	p0 =	sne.s32 s30, s0  }
0xe3: {  	_ =	swait.ge [sflag:s23], $0x2800  }
0xe4: {  	[sflag:s23] =	ssyncset.done $0x0  }
0xe5: {  	s9 =	sadd.s32 $0xFFFFFF80, s31;
	[sflag:s23] =	ssyncadd.s32 $0xFFFFD800  }
0xe6: {  	[tilespmem:s24], [sflag:$0x2] =	stream.indirect.gather [hbm4b:s3+s21], $0x80, s9, s21, $0xb8;
	[tilespmem:$0x17080] =	vst v63  }
0xe7: {  	_ = 	snop  }
0xe8: {  	[spmem:s1] =	stream.indirect.scatter.add.f32 [tilespmem:s22], [sflag:$0x3], $0x80, s4, s21, $0xb8;
	[tilespmem:$0x17080] =	vst v63  }
0xe9: {  	_ =	swait.ge [sflag:s18], $0x2800  }
0xea: {  	[sflag:s18] =	ssyncset.done $0x0  }
0xeb: {  	[sflag:s18] =	ssyncadd.s32 $0xFFFFD800  }
0xec: {  	_ =	swait.ge [sflag:s25], $0x2800  }
0xed: {  	p1 =	sge.s32 s0, s30;
	[sflag:s25] =	ssyncset.done $0x0  }
0xee: {  	s12 =	simm.s32 @!p1 $0x8080;
	s9 =	simm.s32 @!p1 $0x50;
	[sflag:s25] =	ssyncadd.s32 $0xFFFFD800  }
0xef: {  	[tilespmem:s12], [sflag:$0x1] =	stream.indirect.gather @!p1 [hbm4b:s3+s9], $0x80, s31, s9, $0xb8;
	[tilespmem:$0x17080] =	vst v63  }
.Ltmp10:
0xf0: {  	_ = 	snop;
	(pc) =	sbr.rel @p0 .LBB2_11-.Ltmp10, $4  }
0xf1: {  	s9 =	sadd.s32 $0x80, s4  }
0xf2: {  	[spmem:s1] =	stream.indirect.scatter.add.f32 [tilespmem:s24], [sflag:$0x3], $0x80, s9, s21, $0xb8;
	[tilespmem:$0x17080] =	vst v63  }
0xf3: {  	_ =	swait.ge [sflag:s18], $0x2800  }
0xf4: {  	s4 =	sadd.s32 $0x100, s4;
	[sflag:s18] =	ssyncset.done $0x0  }
.LBB2_12:
0xf5: {  	[sflag:s18] =	ssyncadd.s32 $0xFFFFD800  }
.LBB2_13:
0xf6: {  	[bflag:$0x0] =	sbarrier.arrive $0xFFFF  }
0xf7: {  	[hbm:s15], [sflag:s28] =	dma.local [spmem:s29], $0x1400  }
0xf8: {  	_ =	swait.ge [sflag:s18], $0x1400  }
0xf9: {  	[sflag:s18] =	ssyncset.done $0x0  }
0xfa: {  	[sflag:s18] =	ssyncadd.s32 $0xFFFFEC00  }
0xfb: {  	[tilespmem:s2], [sflag:$0x3] =	stream.linear.gather [hbm4b:s11+s2], $0x4000, $0x38;
	[tilespmem:$0x17080] =	vst v63  }
0xfc: {  	_ =	swait.ge [sflag:s18], $0x4000  }
0xfd: {  	[sflag:s18] =	ssyncset.done $0x0  }
0xfe: {  	[sflag:s18] =	ssyncadd.s32 $0xFFFFC000  }
0xff: {  	[tilespmem:s19], [sflag:$0x3] =	stream.linear.gather [hbm4b:s13+s2], $0x4000, $0x38;
	[tilespmem:$0x17080] =	vst v63  }
0x100: {  	_ =	swait.ge [sflag:s18], $0x4000  }
0x101: {  	[sflag:s18] =	ssyncset.done $0x0  }
0x102: {  	[sflag:s18] =	ssyncadd.s32 $0xFFFFC000  }
0x103: {  	[tilespmem:s20], [sflag:$0x3] =	stream.linear.gather [hbm4b:s14+s2], $0x80, $0x38;
	[tilespmem:$0x17080] =	vst v63  }
0x104: {  	_ =	swait.ge [sflag:s18], $0x80  }
0x105: {  	[sflag:s18] =	ssyncset.done $0x0  }
0x106: {  	[sflag:s18] =	ssyncadd.s32 $0xFFFFFF80  }
0x107: {  	[spmem:s29], [sflag:s28] =	dma.local [hbm:s5], $0x1400  }
0x108: {  	_ =	swait.ge [sflag:s18], $0x1400  }
0x109: {  	[sflag:s18] =	ssyncset.done $0x0  }
0x10a: {  	[sflag:s18] =	ssyncadd.s32 $0xFFFFEC00  }
0x10b: {  	[bflag:$0x0] =	sbarrier.arrive $0xFFFF  }
0x10c: {  	v0 =	vld [tilespmem:$0x8000];
	_ =	sdelay $0x4  }
0x10d: {  	(v2sf) =	vpush v0, $0x0  }
0x10e: {  	(v2sf) =	vpush v0, $0x1;
	_ =	sdelay $0xd  }
0x10f: {  	s0 =	spop (v2sf)  }
0x110: {  	s30 =	spop (v2sf)  }
0x111: {  	p0 =	slt.s32 s30, $0x1  }
.Ltmp11:
0x112: {  	_ = 	snop;
	(pc) =	sbr.rel @p0 .LBB2_17-.Ltmp11, $1  }
0x113: {  	_ =	sdelay $0x3  }
0x114: {  	s0 =	sshll.u32 s0, $0x9  }
0x115: {  	s0 =	sshra.s32 s0, $0x2  }
0x116: {  	[tilespmem:s22], [sflag:$0x1] =	stream.indirect.gather [hbm4b:s3+s21], $0x80, s0, s21, $0xb8;
	[tilespmem:$0x17080] =	vst v63  }
0x117: {  	_ =	swait.ge [sflag:s23], $0x2800  }
0x118: {  	s31 =	sadd.s32 $0x100, s0;
	[sflag:s23] =	ssyncset.done $0x0  }
0x119: {  	s4 =	sadd.s32 $0xFFFFFF80, s31;
	[sflag:s23] =	ssyncadd.s32 $0xFFFFD800  }
0x11a: {  	[tilespmem:s24], [sflag:$0x2] =	stream.indirect.gather [hbm4b:s3+s21], $0x80, s4, s21, $0xb8;
	[tilespmem:$0x17080] =	vst v63  }
0x11b: {  	s4 =	sadd.s32 $0x4000, s0  }
0x11c: {  	[spmem:s1] =	stream.indirect.scatter.add.f32 [tilespmem:s22], [sflag:$0x3], $0x80, s4, s21, $0xb8;
	[tilespmem:$0x17080] =	vst v63  }
0x11d: {  	_ =	swait.ge [sflag:s18], $0x2800  }
0x11e: {  	[sflag:s18] =	ssyncset.done $0x0  }
0x11f: {  	[sflag:s18] =	ssyncadd.s32 $0xFFFFD800  }
0x120: {  	_ =	swait.ge [sflag:s25], $0x2800  }
0x121: {  	p0 =	sle.s32 s30, $0x1;
	[sflag:s25] =	ssyncset.done $0x0  }
0x122: {  	s9 =	simm.s32 @!p0 $0x8080;
	s0 =	simm.s32 @!p0 $0x50;
	[sflag:s25] =	ssyncadd.s32 $0xFFFFD800  }
0x123: {  	[tilespmem:s9], [sflag:$0x1] =	stream.indirect.gather @!p0 [hbm4b:s3+s0], $0x80, s31, s0, $0xb8;
	[tilespmem:$0x17080] =	vst v63  }
0x124: {  	p0 =	sne.s32 s30, $0x1  }
.Ltmp12:
0x125: {  	_ = 	snop;
	(pc) =	sbr.rel @!p0 .LBB2_16-.Ltmp12, $4  }
0x126: {  	s12 =	sadd.s32 $0x80, s4  }
0x127: {  	[spmem:s1] =	stream.indirect.scatter.add.f32 [tilespmem:s24], [sflag:$0x3], $0x80, s12, s21, $0xb8;
	[tilespmem:$0x17080] =	vst v63  }
0x128: {  	_ =	swait.ge [sflag:s18], $0x2800  }
0x129: {  	s4 =	sadd.s32 $0x100, s4;
	s0 =	simm.s32 $0x1;
	[sflag:s18] =	ssyncset.done $0x0  }
.LBB2_15:
0x12a: {  	s0 =	sadd.s32 $0x1, s0;
	[sflag:s18] =	ssyncadd.s32 $0xFFFFD800;
	s31 =	sadd.s32 $0x100, s31  }
0x12b: {  	p0 =	sne.s32 s30, s0  }
0x12c: {  	_ =	swait.ge [sflag:s23], $0x2800  }
0x12d: {  	[sflag:s23] =	ssyncset.done $0x0  }
0x12e: {  	s9 =	sadd.s32 $0xFFFFFF80, s31;
	[sflag:s23] =	ssyncadd.s32 $0xFFFFD800  }
0x12f: {  	[tilespmem:s24], [sflag:$0x2] =	stream.indirect.gather [hbm4b:s3+s21], $0x80, s9, s21, $0xb8;
	[tilespmem:$0x17080] =	vst v63  }
0x130: {  	_ = 	snop  }
0x131: {  	[spmem:s1] =	stream.indirect.scatter.add.f32 [tilespmem:s22], [sflag:$0x3], $0x80, s4, s21, $0xb8;
	[tilespmem:$0x17080] =	vst v63  }
0x132: {  	_ =	swait.ge [sflag:s18], $0x2800  }
0x133: {  	[sflag:s18] =	ssyncset.done $0x0  }
0x134: {  	[sflag:s18] =	ssyncadd.s32 $0xFFFFD800  }
0x135: {  	_ =	swait.ge [sflag:s25], $0x2800  }
0x136: {  	p1 =	sge.s32 s0, s30;
	[sflag:s25] =	ssyncset.done $0x0  }
0x137: {  	s12 =	simm.s32 @!p1 $0x8080;
	s9 =	simm.s32 @!p1 $0x50;
	[sflag:s25] =	ssyncadd.s32 $0xFFFFD800  }
0x138: {  	[tilespmem:s12], [sflag:$0x1] =	stream.indirect.gather @!p1 [hbm4b:s3+s9], $0x80, s31, s9, $0xb8;
	[tilespmem:$0x17080] =	vst v63  }
.Ltmp13:
0x139: {  	_ = 	snop;
	(pc) =	sbr.rel @p0 .LBB2_15-.Ltmp13, $4  }
0x13a: {  	s9 =	sadd.s32 $0x80, s4  }
0x13b: {  	[spmem:s1] =	stream.indirect.scatter.add.f32 [tilespmem:s24], [sflag:$0x3], $0x80, s9, s21, $0xb8;
	[tilespmem:$0x17080] =	vst v63  }
0x13c: {  	_ =	swait.ge [sflag:s18], $0x2800  }
0x13d: {  	s4 =	sadd.s32 $0x100, s4;
	[sflag:s18] =	ssyncset.done $0x0  }
.Ltmp14:
0x13e: {  	_ = 	snop;
	(pc) =	sbr.rel .LBB2_16-.Ltmp14, $1  }
0x13f: {  	_ =	sdelay $0x3  }
.LBB2_18:
0x140: {  	_ =	sfence.sel $0x180000  }
0x141: {  	[bflag:$0x0] =	sbarrier.arrive $0xFFFF  }
0x142: {  	_ =	strace $0x90000053  }
0x143: {  	s0 =	stileid.u32;
	[bflag:$0x2] =	sbarrier.arrive $0xFFFF  }
0x144: {  	p0 =	sne.s32 s0, $0x0;
	s0 =	rddreg [dreg:$0x3]  }
0x145: {  	s0 =	sadd.s32 @!p0 $0x100000, s0  }
0x146: {  	[sflag:s0] =	ssyncadd.tile.s32 @!p0 $0x1;
	_ =	shalt  }
.Lfunc_end2:
_tile_overlayer_lowered:
.L_overlay_start_2:
0x147: {  	(tag) =	ssettag $0x2  }
0x148: {  	s0 =	rddreg [dreg:$0x0];
	s2 =	stileid.u32  }
0x149: {  	s1 =	rddreg [dreg:$0x1];
	p0 =	sne.s32 s2, $0x0  }
0x14a: {  	s3 =	rddreg [dreg:$0x2];
	[bflag:$0x3] =	sbarrier.arrive $0xFFFF;
	s2 =	simm.s32 @!p0 $0x1C03  }
0x14b: {  	[timem:s3], [sflag:s2] =	dma.local @!p0 [hbm:s0], s1  }
0x14c: {  	s0 =	simm.s32 @!p0 $0x3  }
0x14d: {  	_ =	swait.ge @!p0 [sflag:s0], s1  }
0x14e: {  	s1 =	ssub.s32 @!p0 $0x0, s1;
	[sflag:s0] =	ssyncset.done @!p0 $0x0  }
0x14f: {  	[sflag:s0] =	ssyncadd.s32 @!p0 s1  }
0x150: {  	[bflag:$0x3] =	sbarrier.arrive $0xFFFF  }
0x151: {  	_ =	shalt  }

// kernel: kernel.8.cloned.1.call-start
scs
__scs_entry_jumppad:
0x0: {  	(pc) =	sbr.rel $0x88, $3  }
0x1: {  	(tag) =	ssettag $0x0;
	lr =	simm.s32 $0x1  }
0x2: {  	[smem:$0x3F8D] =	sst lr;
	_ =	strace $0xD0000000  }
0x3: {  	_ = 	snop  }
0x4: {  	_ = 	snop  }
0x5: {  	_ = 	snop  }
0x6: {  	_ = 	snop  }
0x7: {  	_ = 	snop  }
__scs_overlays_trampoline_lowered:
0x8: {  	[smem:$0x3F9C] =	sst s0  }
0x9: {  	[smem:$0x3F9D] =	sst s1  }
0xa: {  	[smem:$0x3F9E] =	sst s2  }
0xb: {  	[smem:$0x3F9F] =	sst s3  }
0xc: {  	[smem:$0x3FA0] =	sst s4  }
0xd: {  	[smem:$0x3FA1] =	sst s5  }
0xe: {  	[smem:$0x3FA2] =	sst s6  }
0xf: {  	[smem:$0x3FA3] =	sst s7  }
0x10: {  	[smem:$0x3FA4] =	sst s8  }
0x11: {  	[smem:$0x3FA5] =	sst s9;
	s0 =	simm.s32 @!p0 $0x0  }
0x12: {  	s1 =	sld [smem:$0x3F8B];
	s0 =	simm.s32 @p0 $0x1  }
0x13: {  	[smem:$0x3FA6] =	sst s0;
	s0 =	simm.s32 @!p1 $0x0  }
0x14: {  	s2 =	sld [smem:$0x3F8A];
	s0 =	simm.s32 @p1 $0x1  }
0x15: {  	[smem:$0x3FA7] =	sst s0;
	s0 =	simm.s32 @!p2 $0x0  }
0x16: {  	s3 =	sld [smem:$0x3FDB];
	s0 =	simm.s32 @p2 $0x1  }
0x17: {  	s4 =	simm.s32 $0x1BF5;
	[smem:$0x3FA9] =	sst s0  }
0x18: {  	s0 =	sld [smem:$0x3F8C];
	_ =	swait.ge [sflag:s4], $0x0  }
0x19: {  	s7 =	sld [smem:$0x3F8D]  }
0x1a: {  	s8 =	sadd.s32 $0xFFFFE003, lr  }
0x1b: {  	s9 =	sadd.s32 $0xFFFFFEF7, lr;
	s5 =	simm.s32 $0xFFFFFFFF;
	p2 =	slt.u32 s8, $0xFFFFF086  }
0x1c: {  	p1 =	slt.u32 s9, $0xF7A;
	s5 =	simm.s32 @!p2 $0x0  }
0x1d: {  	s5 =	simm.s32 @p1 $0x1;
	p0 =	seq.s32 s7, s2  }
0x1e: {  	s7 =	smul.u32 @!p0 $0xF7A, s2;
	p2 =	seq.s32 @!p0 s5, $0x0  }
0x1f: {  	s9 =	smul.u32 $0xF7A, s1;
	s8 =	simm.s32 @!p0 $0x1BF5;
	p2 =	por !p2, p0  }
0x20: {  	[sflag:s8] =	ssyncset.s32 @!p0 $0xFFFFF086;
	s6 =	sadd.s32 @!p0 s3, s7;
	s7 =	simm.s32 @!p0 $0x108  }
0x21: {  	s3 =	sadd.s32 s3, s9;
	s6 =	sadd.s32 @!p0 $0x88, s6;
	s7 =	simm.s32 @p2 $0x1082  }
0x22: {  	[simem:s7], [sflag:s8] =	dma.local @!p0 [hbm:s6], $0xF7A  }
0x23: {  	s9 =	sor.u32 $0xD0000000, s2;
	s6 =	simm.s32 $0x108;
	_ =	swait.ge @!p0 [sflag:s8], $0x0  }
0x24: {  	s3 =	sadd.s32 $0x88, s3;
	s6 =	simm.s32 @!p1 $0x1082;
	[sflag:s4] =	ssyncset.s32 $0xFFFFF086  }
0x25: {  	[simem:s6], [sflag:s4] =	dma.local [hbm:s3], $0xF7A  }
0x26: {  	[smem:$0x3F8D] =	sst s1;
	(tag) =	ssettag s2;
	_ =	strace s9  }
0x27: {  	s1 =	sld [smem:$0x3F9D]  }
0x28: {  	s2 =	sld [smem:$0x3F9E]  }
0x29: {  	s4 =	sld [smem:$0x3FA0]  }
0x2a: {  	p0 =	seq.s32 s5, $0x0;
	s5 =	sld [smem:$0x3FA1]  }
0x2b: {  	s6 =	sld [smem:$0x3FA2]  }
0x2c: {  	s7 =	sld [smem:$0x3FA3]  }
0x2d: {  	s3 =	simm.s32 $0x108;
	s8 =	sld [smem:$0x3FA4]  }
0x2e: {  	s3 =	simm.s32 @!p0 $0x1082;
	s9 =	sld [smem:$0x3FA5]  }
0x2f: {  	lr =	sadd.s32 s0, s3;
	s0 =	sld [smem:$0x3F9C]  }
0x30: {  	s3 =	sld [smem:$0x3F9F]  }
0x31: {  	[smem:$0x3FA8] =	sst s10  }
0x32: {  	s10 =	sld [smem:$0x3FA6];
	_ =	sdelay $0x3  }
0x33: {  	p0 =	seq.s32 s10, $0x1;
	s10 =	sld [smem:$0x3FA8];
	_ =	sdelay $0x3  }
0x34: {  	[smem:$0x3FA8] =	sst s10  }
0x35: {  	s10 =	sld [smem:$0x3FA7];
	_ =	sdelay $0x3  }
0x36: {  	p1 =	seq.s32 s10, $0x1;
	s10 =	sld [smem:$0x3FA8];
	_ =	sdelay $0x3  }
0x37: {  	[smem:$0x3FA8] =	sst s10  }
0x38: {  	s10 =	sld [smem:$0x3FA9]  }
0x39: {  	_ = 	snop;
	(pc) =	sbr.ind lr, $3  }
0x3a: {  	_ = 	snop  }
0x3b: {  	_ = 	snop  }
0x3c: {  	p2 =	seq.s32 s10, $0x1;
	s10 =	sld [smem:$0x3FA8]  }
0x3d: {  	_ =	shalt  }
0x3e: {  	_ =	shalt  }
0x3f: {  	_ =	shalt  }
0x40: {  	_ =	shalt  }
0x41: {  	_ =	shalt  }
0x42: {  	_ =	shalt  }
0x43: {  	_ =	shalt  }
0x44: {  	_ =	shalt  }
0x45: {  	_ =	shalt  }
0x46: {  	_ =	shalt  }
0x47: {  	_ =	shalt  }
0x48: {  	_ =	shalt  }
0x49: {  	_ =	shalt  }
0x4a: {  	_ =	shalt  }
0x4b: {  	_ =	shalt  }
0x4c: {  	_ =	shalt  }
0x4d: {  	_ =	shalt  }
0x4e: {  	_ =	shalt  }
0x4f: {  	_ =	shalt  }
0x50: {  	_ =	shalt  }
0x51: {  	_ =	shalt  }
0x52: {  	_ =	shalt  }
0x53: {  	_ =	shalt  }
0x54: {  	_ =	shalt  }
0x55: {  	_ =	shalt  }
0x56: {  	_ =	shalt  }
0x57: {  	_ =	shalt  }
0x58: {  	_ =	shalt  }
0x59: {  	_ =	shalt  }
0x5a: {  	_ =	shalt  }
0x5b: {  	_ =	shalt  }
0x5c: {  	_ =	shalt  }
0x5d: {  	_ =	shalt  }
0x5e: {  	_ =	shalt  }
0x5f: {  	_ =	shalt  }
0x60: {  	_ =	shalt  }
0x61: {  	_ =	shalt  }
0x62: {  	_ =	shalt  }
0x63: {  	_ =	shalt  }
0x64: {  	_ =	shalt  }
0x65: {  	_ =	shalt  }
0x66: {  	_ =	shalt  }
0x67: {  	_ =	shalt  }
0x68: {  	_ =	shalt  }
0x69: {  	_ =	shalt  }
0x6a: {  	_ =	shalt  }
0x6b: {  	_ =	shalt  }
0x6c: {  	_ =	shalt  }
0x6d: {  	_ =	shalt  }
0x6e: {  	_ =	shalt  }
0x6f: {  	_ =	shalt  }
0x70: {  	_ =	shalt  }
0x71: {  	_ =	shalt  }
0x72: {  	_ =	shalt  }
0x73: {  	_ =	shalt  }
0x74: {  	_ =	shalt  }
0x75: {  	_ =	shalt  }
0x76: {  	_ =	shalt  }
0x77: {  	_ =	shalt  }
0x78: {  	_ =	shalt  }
0x79: {  	_ =	shalt  }
0x7a: {  	_ =	shalt  }
0x7b: {  	_ =	shalt  }
0x7c: {  	_ =	shalt  }
0x7d: {  	_ =	shalt  }
0x7e: {  	_ =	shalt  }
0x7f: {  	_ =	shalt  }
0x80: {  	_ =	shalt  }
0x81: {  	_ =	shalt  }
0x82: {  	_ =	shalt  }
0x83: {  	_ =	shalt  }
0x84: {  	_ =	shalt  }
0x85: {  	_ =	shalt  }
0x86: {  	_ =	shalt  }
0x87: {  	_ =	shalt  }
.Lfunc_end0:
.L_simem_size_0:
called_computation.2_lowered:
.L_overlay_start_0:
0x88: {  	s2 =	sld [smem:$0x3FD9]  }
0x89: {  	s3 =	sld [smem:$0x3FFE];
	_ =	sdelay $0x1  }
0x8a: {  	s1 =	srdreg.scid  }
0x8b: {  	s0 =	sand.u32 $0x1, s1  }
0x8c: {  	s17 =	sshll.u32 s0, $0xA;
	s2 =	sadd.s32 s3, s2  }
0x8d: {  	s2 =	sadd.s32 s2, s17  }
0x8e: {  	[smem:$0x3FB4] =	sst s2  }
0x8f: {  	_ = 	snop  }
0x90: {  	s2 =	sld [smem:$0x3FC9]  }
0x91: {  	s18 =	sld [smem:$0x3FD0];
	(tm) =	ssettm $0x1  }
0x92: {  	s4 =	sld [smem:$0x3FFB];
	_ =	sdelay $0x3  }
0x93: {  	_ =	strace s4  }
0x94: {  	s4 =	sld [smem:$0x3FFC];
	_ =	sdelay $0x3  }
0x95: {  	_ =	strace s4  }
0x96: {  	s4 =	sld [smem:$0x3FFD];
	_ =	sdelay $0x3  }
0x97: {  	_ =	strace s4  }
0x98: {  	_ =	strace $0x8FFFFFFF  }
0x99: {  	s19 =	sld [smem:$0x3FDB];
	_ =	sdelay $0x1  }
0x9a: {  	s5 =	simm.s32 $_scs_section_size  }
0x9b: {  	s6 =	simm.s32 $_size__tile_overlayer_lowered;
	s7 =	simm.s32 $_tile_overlayer_lowered  }
0x9c: {  	s22 =	simm.s32 $0x1BFF;
	s21 =	sshll.u32 s7, $0x1;
	s4 =	sadd.s32 s5, s19  }
0x9d: {  	s8 =	simm.s32 $0x0;
	s20 =	sshll.u32 s6, $0x1;
	s6 =	sadd.s32 s21, s4  }
0x9e: {  	[timem:s8], [sflag:s22] =	dma.local [hbm:s6], s20  }
0x9f: {  	_ =	swait.ge [sflag:s22], s20  }
0xa0: {  	s5 =	ssub.s32 $0x0, s20;
	[sflag:s22] =	ssyncset.done $0x0  }
0xa1: {  	[sflag:s22] =	ssyncadd.s32 s5;
	_ =	sdelay $0x1  }
0xa2: {  	s23 =	simm.s32 $0x1B8B  }
0xa3: {  	_ =	swait.ge [sflag:s23], $0x1  }
0xa4: {  	[sflag:s23] =	ssyncset.done $0x0  }
0xa5: {  	s25 =	simm.s32 $0x1B8E;
	s24 =	sld [smem:$0x3FFE];
	[sflag:s23] =	ssyncadd.s32 $0xFFFFFFFF  }
0xa6: {  	s26 =	simm.s32 $execute0_lowered;
	[smem:$0x3FD2] =	sst s25  }
0xa7: {  	s6 =	sshll.u32 s26, $0x1;
	_ =	strace $0x8000004C;
	[dreg:$0x1] =	wrdreg $0xFFFFFFFF  }
0xa8: {  	s28 =	simm.s32 $_size_execute0_lowered;
	s4 =	sadd.s32 s4, s6;
	[dreg:$0x0] =	wrdreg $0x0  }
0xa9: {  	s6 =	sshll.u32 s28, $0x1;
	[dreg:$0x2] =	wrdreg s4  }
0xaa: {  	[dreg:$0x3] =	wrdreg s6  }
0xab: {  	[dreg:$0x4] =	wrdreg $0xC0  }
0xac: {  	_ =	task [dreg:s8], $0x5FFFF  }
0xad: {  	[dreg:$0x1] =	wrdreg $0xFFFFFFFF  }
0xae: {  	[dreg:$0x0] =	wrdreg $0x60  }
0xaf: {  	[dreg:$0x2] =	wrdreg s2  }
0xb0: {  	[dreg:$0x3] =	wrdreg s24  }
0xb1: {  	[dreg:$0x4] =	wrdreg s18  }
0xb2: {  	[dreg:$0x5] =	wrdreg $0xD0800  }
0xb3: {  	[dreg:$0x6] =	wrdreg $0x9  }
0xb4: {  	_ =	task.clear_ibuf [dreg:s8], $0x7FFFF;
	_ =	strace $0x9000004C  }
0xb5: {  	s29 =	simm.s32 $0x9;
	_ =	strace $0x8000004E  }
0xb6: {  	_ =	swait.ge [sflag:s29], $0x1  }
0xb7: {  	[sflag:s29] =	ssyncadd.s32 $0xFFFFFFFF  }
0xb8: {  	_ =	strace $0x9000004E  }
0xb9: {  	_ =	sfence  }
0xba: {  	s30 =	sld [smem:$0x0];
	_ =	sdelay $0x2  }
0xbb: {  	s31 =	sshll.u32 s1, $0xD;
	s1 =	sshrl.u32 s1, $0x2  }
0xbc: {  	s3 =	sand.u32 $0x4000, s31;
	s1 =	sadd.s32 s1, s30  }
0xbd: {  	s0 =	sor.u32 s3, s0;
	s1 =	sshll.u32 s1, $0x11  }
0xbe: {  	s0 =	sor.u32 s1, s0  }
0xbf: {  	s0 =	sadd.s32 $0x8F2B, s0  }
0xc0: {  	[sflag:s0] =	ssyncadd.remote.s32 $0x1  }
0xc1: {  	_ =	sfence.sel $0xFFFF  }
0xc2: {  	[dreg:$0x0] =	wrdreg $0xFFFFFFFF;
	(pc) =	sbr.abs _section_cstart, $3  }
0xc3: {  	[dreg:$0x1] =	wrdreg $0xFFFFFFFF  }
0xc4: {  	_ =	task.clear_ibuf [dreg:s8], $0x2FFFF;
	_ =	strace $0x9FFFFFFF  }
0xc5: {  	(tm) =	ssettm $0x7FFFFFFF  }
tec
execute0_lowered:
.L_overlay_start_1:
0x0: {  	(tag) =	ssettag $0x1  }
0x1: {  	s1 =	rddreg [dreg:$0x0]  }
0x2: {  	s5 =	rddreg [dreg:$0x1]  }
0x3: {  	s9 =	rddreg [dreg:$0x2]  }
0x4: {  	s2 =	rddreg [dreg:$0x3]  }
0x5: {  	s3 =	srdreg.scid;
	s0 =	rddreg [dreg:$0x4];
	s4 =	simm.s32 $0x0  }
0x6: {  	s20 =	simm.s32 $0x8080;
	s21 =	simm.s32 $0x1;
	s22 =	simm.s32 $0xA880  }
0x7: {  	s8 =	sand.u32 $0x1, s3;
	s3 =	stileid.u32;
	[smem:$0x7FF] =	sst s4  }
0x8: {  	s12 =	sadd.s32 $0x18C00, s5;
	s14 =	sadd.s32 $0x18800, s5;
	s16 =	smul.u32 $0x140, s3  }
0x9: {  	s6 =	sshll.u32 s8, $0x4;
	_ =	strace $0x8000004D;
	s17 =	smul.u32 $0x28000, s3  }
0xa: {  	s23 =	ssub.s32 $0x2, s8;
	s15 =	sshll.u32 s3, $0x7;
	s18 =	smul.u32 $0x2800, s8  }
0xb: {  	s31 =	sshll.u32 s3, $0x6;
	s10 =	sor.u32 s3, s6;
	s13 =	sshrl.u32 s23, $0x1  }
0xc: {  	s15 =	sand.u32 $0x380, s15;
	s7 =	sshll.u32 s10, $0xB;
	s13 =	ssub.s32 s23, s13  }
0xd: {  	s24 =	sshll.u32 s10, $0x7;
	s10 =	sor.u32 $0x20, s10;
	s25 =	sshrl.u32 s17, $0x2  }
0xe: {  	s28 =	sadd.s32 s16, s18;
	s16 =	simm.s32 $0x8000;
	s17 =	sor.u32 $0x1C03, s31  }
0xf: {  	s23 =	simm.s32 $0x2;
	s11 =	sadd.s32 s7, s5;
	s5 =	sadd.s32 $0x14600, s5  }
0x10: {  	s7 =	sadd.s32 s12, s7;
	s26 =	sshll.u32 s10, $0x7;
	s19 =	sadd.s32 s25, s2  }
0x11: {  	s10 =	sshll.u32 s10, $0xB;
	s13 =	smax.u32 s13, $0x1;
	s6 =	sadd.s32 $0x4600, s11  }
0x12: {  	s11 =	sand.u32 $0xC00, s24;
	s29 =	sand.u32 $0x1C00, s26;
	s10 =	sadd.s32 s12, s10  }
.Ltmp0:
0x13: {  	s18 =	sshrl.u32 s19, $0x3;
	s11 =	sor.u32 s15, s11;
	(pc) =	sbr.rel .LBB2_1-.Ltmp0, $4  }
0x14: {  	s19 =	simm.s32 $0x50;
	s24 =	simm.s32 $0x0;
	s11 =	sshrl.u32 s11, $0x3  }
0x15: {  	s15 =	sor.u32 s15, s29;
	s8 =	sadd.s32 s14, s11;
	s11 =	sshll.u32 s28, $0x4  }
0x16: {  	s30 =	sshrl.u32 s15, $0x3;
	s15 =	simm.s32 $0x4000;
	s9 =	sadd.s32 s9, s11  }
0x17: {  	s11 =	sadd.s32 s14, s30;
	s14 =	simm.s32 $0x3;
	s12 =	sadd.s32 $0x14000, s9  }
.LBB2_8:
0x18: {  	[sflag:s14] =	ssyncadd.s32 $0xFFFFD800  }
.LBB2_9:
0x19: {  	s24 =	sadd.s32 $0x1, s24  }
0x1a: {  	p0 =	sne.s32 s24, s13  }
.Ltmp1:
0x1b: {  	[bflag:$0x0] =	sbarrier.arrive $0xFFFF;
	(pc) =	sbr.rel @!p0 .LBB2_10-.Ltmp1, $4  }
0x1c: {  	[hbm:s12], [sflag:s17] =	dma.local [spmem:s18], $0x1400  }
0x1d: {  	_ =	swait.ge [sflag:s14], $0x1400  }
0x1e: {  	[sflag:s14] =	ssyncset.done $0x0  }
0x1f: {  	[sflag:s14] =	ssyncadd.s32 $0xFFFFEC00  }
.LBB2_1:
0x20: {  	[tilespmem:s4], [sflag:$0x3] =	stream.linear.gather [hbm4b:s6+s4], $0x4000, $0x38;
	[tilespmem:$0x17080] =	vst v63  }
0x21: {  	_ =	swait.ge [sflag:s14], $0x4000  }
0x22: {  	[sflag:s14] =	ssyncset.done $0x0  }
0x23: {  	[sflag:s14] =	ssyncadd.s32 $0xFFFFC000  }
0x24: {  	[tilespmem:s15], [sflag:$0x3] =	stream.linear.gather [hbm4b:s7+s4], $0x4000, $0x38;
	[tilespmem:$0x17080] =	vst v63  }
0x25: {  	_ =	swait.ge [sflag:s14], $0x4000  }
0x26: {  	[sflag:s14] =	ssyncset.done $0x0  }
0x27: {  	[sflag:s14] =	ssyncadd.s32 $0xFFFFC000  }
0x28: {  	[tilespmem:s16], [sflag:$0x3] =	stream.linear.gather [hbm4b:s8+s4], $0x80, $0x38;
	[tilespmem:$0x17080] =	vst v63  }
0x29: {  	_ =	swait.ge [sflag:s14], $0x80  }
0x2a: {  	[sflag:s14] =	ssyncset.done $0x0  }
0x2b: {  	[sflag:s14] =	ssyncadd.s32 $0xFFFFFF80  }
0x2c: {  	[spmem:s18], [sflag:s17] =	dma.local [hbm:s5], $0x1400  }
0x2d: {  	_ =	swait.ge [sflag:s14], $0x1400  }
0x2e: {  	[sflag:s14] =	ssyncset.done $0x0  }
0x2f: {  	[sflag:s14] =	ssyncadd.s32 $0xFFFFEC00  }
0x30: {  	[bflag:$0x0] =	sbarrier.arrive $0xFFFF  }
0x31: {  	v0 =	vld [tilespmem:$0x8000];
	_ =	sdelay $0x4  }
0x32: {  	(v2sf) =	vpush v0, $0x0  }
0x33: {  	(v2sf) =	vpush v0, $0x1;
	_ =	sdelay $0xd  }
0x34: {  	s26 =	spop (v2sf)  }
0x35: {  	s25 =	spop (v2sf)  }
0x36: {  	p0 =	slt.s32 s25, $0x1  }
.Ltmp2:
0x37: {  	_ = 	snop;
	(pc) =	sbr.rel @p0 .LBB2_5-.Ltmp2, $1  }
0x38: {  	_ =	sdelay $0x3  }
0x39: {  	s26 =	sshll.u32 s26, $0x9  }
0x3a: {  	s28 =	sshra.s32 s26, $0x2  }
0x3b: {  	[tilespmem:s20], [sflag:$0x1] =	stream.indirect.gather [hbm4b:s1+s19], $0x80, s28, s19, $0xb8;
	[tilespmem:$0x17080] =	vst v63  }
0x3c: {  	_ =	swait.ge [sflag:s21], $0x2800  }
0x3d: {  	s26 =	sadd.s32 $0x100, s28;
	[sflag:s21] =	ssyncset.done $0x0  }
0x3e: {  	s29 =	sadd.s32 $0xFFFFFF80, s26;
	[sflag:s21] =	ssyncadd.s32 $0xFFFFD800  }
0x3f: {  	[tilespmem:s22], [sflag:$0x2] =	stream.indirect.gather [hbm4b:s1+s19], $0x80, s29, s19, $0xb8;
	[tilespmem:$0x17080] =	vst v63  }
0x40: {  	s29 =	sadd.s32 $0x4000, s28  }
0x41: {  	[spmem:s2] =	stream.indirect.scatter.add.f32 [tilespmem:s20], [sflag:$0x3], $0x80, s29, s19, $0xb8;
	[tilespmem:$0x17080] =	vst v63  }
0x42: {  	_ =	swait.ge [sflag:s14], $0x2800  }
0x43: {  	[sflag:s14] =	ssyncset.done $0x0  }
0x44: {  	[sflag:s14] =	ssyncadd.s32 $0xFFFFD800  }
0x45: {  	_ =	swait.ge [sflag:s23], $0x2800  }
0x46: {  	p0 =	sle.s32 s25, $0x1;
	[sflag:s23] =	ssyncset.done $0x0  }
0x47: {  	s30 =	simm.s32 @!p0 $0x8080;
	s28 =	simm.s32 @!p0 $0x50;
	[sflag:s23] =	ssyncadd.s32 $0xFFFFD800  }
0x48: {  	[tilespmem:s30], [sflag:$0x1] =	stream.indirect.gather @!p0 [hbm4b:s1+s28], $0x80, s26, s28, $0xb8;
	[tilespmem:$0x17080] =	vst v63  }
0x49: {  	p0 =	sne.s32 s25, $0x1  }
.Ltmp3:
0x4a: {  	_ = 	snop;
	(pc) =	sbr.rel @!p0 .LBB2_4-.Ltmp3, $4  }
0x4b: {  	s28 =	sadd.s32 $0x80, s29  }
0x4c: {  	[spmem:s2] =	stream.indirect.scatter.add.f32 [tilespmem:s22], [sflag:$0x3], $0x80, s28, s19, $0xb8;
	[tilespmem:$0x17080] =	vst v63  }
0x4d: {  	_ =	swait.ge [sflag:s14], $0x2800  }
0x4e: {  	s29 =	sadd.s32 $0x100, s29;
	s28 =	simm.s32 $0x1;
	[sflag:s14] =	ssyncset.done $0x0  }
.LBB2_3:
0x4f: {  	s28 =	sadd.s32 $0x1, s28;
	[sflag:s14] =	ssyncadd.s32 $0xFFFFD800;
	s26 =	sadd.s32 $0x100, s26  }
0x50: {  	p0 =	sne.s32 s25, s28  }
0x51: {  	_ =	swait.ge [sflag:s21], $0x2800  }
0x52: {  	[sflag:s21] =	ssyncset.done $0x0  }
0x53: {  	s30 =	sadd.s32 $0xFFFFFF80, s26;
	[sflag:s21] =	ssyncadd.s32 $0xFFFFD800  }
0x54: {  	[tilespmem:s22], [sflag:$0x2] =	stream.indirect.gather [hbm4b:s1+s19], $0x80, s30, s19, $0xb8;
	[tilespmem:$0x17080] =	vst v63  }
0x55: {  	_ = 	snop  }
0x56: {  	[spmem:s2] =	stream.indirect.scatter.add.f32 [tilespmem:s20], [sflag:$0x3], $0x80, s29, s19, $0xb8;
	[tilespmem:$0x17080] =	vst v63  }
0x57: {  	_ =	swait.ge [sflag:s14], $0x2800  }
0x58: {  	[sflag:s14] =	ssyncset.done $0x0  }
0x59: {  	[sflag:s14] =	ssyncadd.s32 $0xFFFFD800  }
0x5a: {  	_ =	swait.ge [sflag:s23], $0x2800  }
0x5b: {  	p1 =	sge.s32 s28, s25;
	[sflag:s23] =	ssyncset.done $0x0  }
0x5c: {  	s31 =	simm.s32 @!p1 $0x8080;
	s30 =	simm.s32 @!p1 $0x50;
	[sflag:s23] =	ssyncadd.s32 $0xFFFFD800  }
0x5d: {  	[tilespmem:s31], [sflag:$0x1] =	stream.indirect.gather @!p1 [hbm4b:s1+s30], $0x80, s26, s30, $0xb8;
	[tilespmem:$0x17080] =	vst v63  }
.Ltmp4:
0x5e: {  	_ = 	snop;
	(pc) =	sbr.rel @p0 .LBB2_3-.Ltmp4, $4  }
0x5f: {  	s30 =	sadd.s32 $0x80, s29  }
0x60: {  	[spmem:s2] =	stream.indirect.scatter.add.f32 [tilespmem:s22], [sflag:$0x3], $0x80, s30, s19, $0xb8;
	[tilespmem:$0x17080] =	vst v63  }
0x61: {  	_ =	swait.ge [sflag:s14], $0x2800  }
0x62: {  	s29 =	sadd.s32 $0x100, s29;
	[sflag:s14] =	ssyncset.done $0x0  }
.LBB2_4:
0x63: {  	[sflag:s14] =	ssyncadd.s32 $0xFFFFD800  }
.LBB2_5:
0x64: {  	[bflag:$0x0] =	sbarrier.arrive $0xFFFF  }
0x65: {  	[hbm:s9], [sflag:s17] =	dma.local [spmem:s18], $0x1400  }
0x66: {  	_ =	swait.ge [sflag:s14], $0x1400  }
0x67: {  	[sflag:s14] =	ssyncset.done $0x0  }
0x68: {  	[sflag:s14] =	ssyncadd.s32 $0xFFFFEC00  }
0x69: {  	[tilespmem:s4], [sflag:$0x3] =	stream.linear.gather [hbm4b:s6+s4], $0x4000, $0x38;
	[tilespmem:$0x17080] =	vst v63  }
0x6a: {  	_ =	swait.ge [sflag:s14], $0x4000  }
0x6b: {  	[sflag:s14] =	ssyncset.done $0x0  }
0x6c: {  	[sflag:s14] =	ssyncadd.s32 $0xFFFFC000  }
0x6d: {  	[tilespmem:s15], [sflag:$0x3] =	stream.linear.gather [hbm4b:s10+s4], $0x4000, $0x38;
	[tilespmem:$0x17080] =	vst v63  }
0x6e: {  	_ =	swait.ge [sflag:s14], $0x4000  }
0x6f: {  	[sflag:s14] =	ssyncset.done $0x0  }
0x70: {  	[sflag:s14] =	ssyncadd.s32 $0xFFFFC000  }
0x71: {  	[tilespmem:s16], [sflag:$0x3] =	stream.linear.gather [hbm4b:s11+s4], $0x80, $0x38;
	[tilespmem:$0x17080] =	vst v63  }
0x72: {  	_ =	swait.ge [sflag:s14], $0x80  }
0x73: {  	[sflag:s14] =	ssyncset.done $0x0  }
0x74: {  	[sflag:s14] =	ssyncadd.s32 $0xFFFFFF80  }
0x75: {  	[spmem:s18], [sflag:s17] =	dma.local [hbm:s5], $0x1400  }
0x76: {  	_ =	swait.ge [sflag:s14], $0x1400  }
0x77: {  	[sflag:s14] =	ssyncset.done $0x0  }
0x78: {  	[sflag:s14] =	ssyncadd.s32 $0xFFFFEC00  }
0x79: {  	[bflag:$0x0] =	sbarrier.arrive $0xFFFF  }
0x7a: {  	v0 =	vld [tilespmem:$0x8000];
	_ =	sdelay $0x4  }
0x7b: {  	(v2sf) =	vpush v0, $0x0  }
0x7c: {  	(v2sf) =	vpush v0, $0x1;
	_ =	sdelay $0xd  }
0x7d: {  	s26 =	spop (v2sf)  }
0x7e: {  	s25 =	spop (v2sf)  }
0x7f: {  	p0 =	slt.s32 s25, $0x1  }
.Ltmp5:
0x80: {  	_ = 	snop;
	(pc) =	sbr.rel @p0 .LBB2_9-.Ltmp5, $1  }
0x81: {  	_ =	sdelay $0x3  }
0x82: {  	s26 =	sshll.u32 s26, $0x9  }
0x83: {  	s28 =	sshra.s32 s26, $0x2  }
0x84: {  	[tilespmem:s20], [sflag:$0x1] =	stream.indirect.gather [hbm4b:s1+s19], $0x80, s28, s19, $0xb8;
	[tilespmem:$0x17080] =	vst v63  }
0x85: {  	_ =	swait.ge [sflag:s21], $0x2800  }
0x86: {  	s26 =	sadd.s32 $0x100, s28;
	[sflag:s21] =	ssyncset.done $0x0  }
0x87: {  	s29 =	sadd.s32 $0xFFFFFF80, s26;
	[sflag:s21] =	ssyncadd.s32 $0xFFFFD800  }
0x88: {  	[tilespmem:s22], [sflag:$0x2] =	stream.indirect.gather [hbm4b:s1+s19], $0x80, s29, s19, $0xb8;
	[tilespmem:$0x17080] =	vst v63  }
0x89: {  	s29 =	sadd.s32 $0x4000, s28  }
0x8a: {  	[spmem:s2] =	stream.indirect.scatter.add.f32 [tilespmem:s20], [sflag:$0x3], $0x80, s29, s19, $0xb8;
	[tilespmem:$0x17080] =	vst v63  }
0x8b: {  	_ =	swait.ge [sflag:s14], $0x2800  }
0x8c: {  	[sflag:s14] =	ssyncset.done $0x0  }
0x8d: {  	[sflag:s14] =	ssyncadd.s32 $0xFFFFD800  }
0x8e: {  	_ =	swait.ge [sflag:s23], $0x2800  }
0x8f: {  	p0 =	sle.s32 s25, $0x1;
	[sflag:s23] =	ssyncset.done $0x0  }
0x90: {  	s30 =	simm.s32 @!p0 $0x8080;
	s28 =	simm.s32 @!p0 $0x50;
	[sflag:s23] =	ssyncadd.s32 $0xFFFFD800  }
0x91: {  	[tilespmem:s30], [sflag:$0x1] =	stream.indirect.gather @!p0 [hbm4b:s1+s28], $0x80, s26, s28, $0xb8;
	[tilespmem:$0x17080] =	vst v63  }
0x92: {  	p0 =	sne.s32 s25, $0x1  }
.Ltmp6:
0x93: {  	_ = 	snop;
	(pc) =	sbr.rel @!p0 .LBB2_8-.Ltmp6, $4  }
0x94: {  	s28 =	sadd.s32 $0x80, s29  }
0x95: {  	[spmem:s2] =	stream.indirect.scatter.add.f32 [tilespmem:s22], [sflag:$0x3], $0x80, s28, s19, $0xb8;
	[tilespmem:$0x17080] =	vst v63  }
0x96: {  	_ =	swait.ge [sflag:s14], $0x2800  }
0x97: {  	s29 =	sadd.s32 $0x100, s29;
	s28 =	simm.s32 $0x1;
	[sflag:s14] =	ssyncset.done $0x0  }
.LBB2_7:
0x98: {  	s28 =	sadd.s32 $0x1, s28;
	[sflag:s14] =	ssyncadd.s32 $0xFFFFD800;
	s26 =	sadd.s32 $0x100, s26  }
0x99: {  	p0 =	sne.s32 s25, s28  }
0x9a: {  	_ =	swait.ge [sflag:s21], $0x2800  }
0x9b: {  	[sflag:s21] =	ssyncset.done $0x0  }
0x9c: {  	s30 =	sadd.s32 $0xFFFFFF80, s26;
	[sflag:s21] =	ssyncadd.s32 $0xFFFFD800  }
0x9d: {  	[tilespmem:s22], [sflag:$0x2] =	stream.indirect.gather [hbm4b:s1+s19], $0x80, s30, s19, $0xb8;
	[tilespmem:$0x17080] =	vst v63  }
0x9e: {  	_ = 	snop  }
0x9f: {  	[spmem:s2] =	stream.indirect.scatter.add.f32 [tilespmem:s20], [sflag:$0x3], $0x80, s29, s19, $0xb8;
	[tilespmem:$0x17080] =	vst v63  }
0xa0: {  	_ =	swait.ge [sflag:s14], $0x2800  }
0xa1: {  	[sflag:s14] =	ssyncset.done $0x0  }
0xa2: {  	[sflag:s14] =	ssyncadd.s32 $0xFFFFD800  }
0xa3: {  	_ =	swait.ge [sflag:s23], $0x2800  }
0xa4: {  	p1 =	sge.s32 s28, s25;
	[sflag:s23] =	ssyncset.done $0x0  }
0xa5: {  	s31 =	simm.s32 @!p1 $0x8080;
	s30 =	simm.s32 @!p1 $0x50;
	[sflag:s23] =	ssyncadd.s32 $0xFFFFD800  }
0xa6: {  	[tilespmem:s31], [sflag:$0x1] =	stream.indirect.gather @!p1 [hbm4b:s1+s30], $0x80, s26, s30, $0xb8;
	[tilespmem:$0x17080] =	vst v63  }
.Ltmp7:
0xa7: {  	_ = 	snop;
	(pc) =	sbr.rel @p0 .LBB2_7-.Ltmp7, $4  }
0xa8: {  	s30 =	sadd.s32 $0x80, s29  }
0xa9: {  	[spmem:s2] =	stream.indirect.scatter.add.f32 [tilespmem:s22], [sflag:$0x3], $0x80, s30, s19, $0xb8;
	[tilespmem:$0x17080] =	vst v63  }
0xaa: {  	_ =	swait.ge [sflag:s14], $0x2800  }
0xab: {  	s29 =	sadd.s32 $0x100, s29;
	[sflag:s14] =	ssyncset.done $0x0  }
.Ltmp8:
0xac: {  	_ = 	snop;
	(pc) =	sbr.rel .LBB2_8-.Ltmp8, $1  }
0xad: {  	_ =	sdelay $0x3  }
.LBB2_10:
0xae: {  	_ =	sfence.sel $0x180000  }
0xaf: {  	[bflag:$0x0] =	sbarrier.arrive $0xFFFF  }
0xb0: {  	p0 =	sne.s32 s3, $0x0;
	_ =	strace $0x9000004D  }
0xb1: {  	s0 =	sadd.s32 @!p0 $0x100000, s0;
	[bflag:$0x2] =	sbarrier.arrive $0xFFFF  }
0xb2: {  	[sflag:s0] =	ssyncadd.tile.s32 @!p0 $0x1;
	_ =	shalt  }
.Lfunc_end2:
_tile_overlayer_lowered:
.L_overlay_start_2:
0xb3: {  	(tag) =	ssettag $0x2  }
0xb4: {  	s0 =	rddreg [dreg:$0x0];
	s2 =	stileid.u32  }
0xb5: {  	s1 =	rddreg [dreg:$0x1];
	p0 =	sne.s32 s2, $0x0  }
0xb6: {  	s3 =	rddreg [dreg:$0x2];
	[bflag:$0x3] =	sbarrier.arrive $0xFFFF;
	s2 =	simm.s32 @!p0 $0x1C03  }
0xb7: {  	[timem:s3], [sflag:s2] =	dma.local @!p0 [hbm:s0], s1  }
0xb8: {  	s0 =	simm.s32 @!p0 $0x3  }
0xb9: {  	_ =	swait.ge @!p0 [sflag:s0], s1  }
0xba: {  	s1 =	ssub.s32 @!p0 $0x0, s1;
	[sflag:s0] =	ssyncset.done @!p0 $0x0  }
0xbb: {  	[sflag:s0] =	ssyncadd.s32 @!p0 s1  }
0xbc: {  	[bflag:$0x3] =	sbarrier.arrive $0xFFFF  }
0xbd: {  	_ =	shalt  }

</sc_bundles>
